<compile_context>
chip_gen: v7x
topology: tpu7x:2x2x1
jax: 0.10.2.dev20260603
libtpu: 0.0.44.dev20260713+nightly
codegen_flags: <defaults>
</compile_context>

<pallas_src>
import functools

import jax
import jax.numpy as jnp
from jax import lax
from jax.experimental import pallas as pl
from jax.experimental.pallas import tpu as pltpu
from jax.experimental.pallas import tpu_sc as plsc

N = 5850
E = 93600
NP = 5888
RPT = 368
NW = 32
CH = 128
NCH = 23
EW = NCH * CH
EP = NW * EW
D1 = 16
D2 = 24

_sc_params = pltpu.CompilerParams(use_tc_tiling_on_sc=False)
_sc_params_nl = pltpu.CompilerParams(use_tc_tiling_on_sc=False,
                                     needs_layout_passes=False)


@functools.cache
def _mesh():
    return plsc.VectorSubcoreMesh(
        core_axis_name="c", subcore_axis_name="s", num_cores=2, num_subcores=16
    )


def _leaky(v):
    return jnp.where(v >= 0, v, 0.01 * v)



def _sc_layer1(h1, srcp, dstp):
    @functools.partial(
        pl.kernel,
        out_type=(
            jax.ShapeDtypeStruct((2, NP, D1), jnp.float32),
            jax.ShapeDtypeStruct((NP, D1), jnp.float32),
            jax.ShapeDtypeStruct((NP, D1), jnp.float32),
        ),
        mesh=_mesh(),
        compiler_params=_sc_params_nl,
        scratch_types=[
            pltpu.VMEM((NCH, CH), jnp.int32),
            pltpu.VMEM((NCH, CH), jnp.int32),
            pltpu.VMEM((CH, D1), jnp.float32),
            pltpu.VMEM((RPT, D1), jnp.float32),
            pltpu.VMEM((RPT, D1), jnp.float32),
            pltpu.VMEM((RPT, D1), jnp.float32),
            pltpu.VMEM((EW, D1), jnp.float32),
            pltpu.VMEM_SHARED((NP, D1), jnp.float32),
            pltpu.VMEM_SHARED((NP, D1), jnp.float32),
            pltpu.VMEM_SHARED((NP, D1), jnp.float32),
            pltpu.SemaphoreType.DMA,
            pltpu.SemaphoreType.DMA,
        ],
    )
    def k(h1_hbm, srcp_hbm, dstp_hbm, z_hbm, ones_hbm,
          s1_hbm, g1_hbm, dinv_hbm,
          idx_a, idx_b, onesb, degb, gb, hb, rows,
          acc_deg, g_sh, acc1, sem, sem2):
        c = lax.axis_index("c")
        s = lax.axis_index("s")
        wid = c * 16 + s
        row = pl.ds(s * RPT, RPT)
        pltpu.sync_copy(z_hbm, acc_deg.at[row, :])
        pltpu.sync_copy(z_hbm, acc1.at[row, :])
        pltpu.sync_copy(ones_hbm, onesb)
        pltpu.sync_copy(dstp_hbm.at[2 * s], idx_a)
        pltpu.sync_copy(dstp_hbm.at[2 * s + 1], idx_b)
        pltpu.sync_copy(h1_hbm.at[row, :], hb)
        plsc.subcore_barrier()
        adds = [
            pltpu.async_copy(onesb, acc_deg.at[idx_a.at[j]], sem, add=True)
            for j in range(NCH)
        ] + [
            pltpu.async_copy(onesb, acc_deg.at[idx_b.at[j]], sem, add=True)
            for j in range(NCH)
        ]
        for cp in adds:
            cp.wait()
        plsc.subcore_barrier()
        pltpu.sync_copy(acc_deg.at[row, :], degb)

        def newton(r, _):
            deg = degb[r, :] + 1.0
            i = plsc.bitcast(deg, jnp.int32)
            i = jnp.int32(0x5F3759DF) - lax.shift_right_logical(i, 1)
            y = plsc.bitcast(i, jnp.float32)
            half = -0.5 * deg
            for _it in range(4):
                y = y * (1.5 + half * y * y)
            degb[r, :] = y
            gb[r, :] = y * hb[r, :]
            return 0

        lax.fori_loop(0, RPT, newton, 0)
        pltpu.sync_copy(gb, g_sh.at[row, :])
        pltpu.sync_copy(gb, g1_hbm.at[row, :])
        pltpu.sync_copy(degb, dinv_hbm.at[row, :])
        pltpu.sync_copy(srcp_hbm.at[wid], idx_a)
        pltpu.sync_copy(dstp_hbm.at[wid], idx_b)
        plsc.subcore_barrier()
        cps = [
            pltpu.async_copy(g_sh.at[idx_a.at[j]], rows.at[pl.ds(j * CH, CH), :], sem)
            for j in range(NCH)
        ]
        for cp in cps:
            cp.wait()
        adds2 = [
            pltpu.async_copy(rows.at[pl.ds(j * CH, CH), :], acc1.at[idx_b.at[j]],
                             sem2, add=True)
            for j in range(NCH)
        ]
        for cp in adds2:
            cp.wait()
        plsc.subcore_barrier()
        pltpu.sync_copy(acc1.at[row, :], s1_hbm.at[c].at[row, :])

    return k(h1, srcp, dstp, jnp.zeros((RPT, D1), jnp.float32),
             jnp.ones((CH, D1), jnp.float32))


def _sc_scatter(g, srcp, dstp, d):
    @functools.partial(
        pl.kernel,
        out_type=jax.ShapeDtypeStruct((2, NP, d), jnp.float32),
        mesh=_mesh(),
        compiler_params=_sc_params,
        scratch_types=[
            pltpu.VMEM((NCH, CH), jnp.int32),
            pltpu.VMEM((NCH, CH), jnp.int32),
            pltpu.VMEM((EW, d), jnp.float32),
            pltpu.VMEM_SHARED((NP, d), jnp.float32),
            pltpu.VMEM_SHARED((NP, d), jnp.float32),
            pltpu.SemaphoreType.DMA,
            pltpu.SemaphoreType.DMA,
        ],
    )
    def k(g_hbm, srcp_hbm, dstp_hbm, z_hbm, out_hbm, idx_s, idx_d, rows, g_sh, acc,
          sem, sem2):
        c = lax.axis_index("c")
        s = lax.axis_index("s")
        wid = c * 16 + s
        row = pl.ds(s * RPT, RPT)
        pltpu.sync_copy(z_hbm, acc.at[row, :])
        pltpu.sync_copy(g_hbm.at[row, :], g_sh.at[row, :])
        pltpu.sync_copy(srcp_hbm.at[wid], idx_s)
        pltpu.sync_copy(dstp_hbm.at[wid], idx_d)
        plsc.subcore_barrier()
        cps = [
            pltpu.async_copy(g_sh.at[idx_s.at[j]], rows.at[pl.ds(j * CH, CH), :], sem)
            for j in range(NCH)
        ]
        for cp in cps:
            cp.wait()
        adds = [
            pltpu.async_copy(rows.at[pl.ds(j * CH, CH), :], acc.at[idx_d.at[j]],
                             sem2, add=True)
            for j in range(NCH)
        ]
        for cp in adds:
            cp.wait()
        plsc.subcore_barrier()
        pltpu.sync_copy(acc.at[row, :], out_hbm.at[c].at[row, :])

    return k(g, srcp, dstp, jnp.zeros((RPT, d), jnp.float32))



def _tc_h1(posp, W1):
    def body(pos_ref, w_ref, h1_ref):
        w = jnp.pad(w_ref[...], ((0, 0), (0, D1 - 5)))
        h1_ref[...] = jnp.dot(pos_ref[...], w, preferred_element_type=jnp.float32)

    return pl.pallas_call(
        body,
        out_shape=jax.ShapeDtypeStruct((NP, D1), jnp.float32),
    )(posp, W1)


def _tc_mid(s1p, g1, dinv16, b1, W2):
    def body(s_ref, g1_ref, dinv_ref, b1_ref, w2_ref, g2_ref):
        dinv = dinv_ref[:, 0:1]
        b1p = jnp.pad(b1_ref[...], (0, D1 - 5))
        w2p = jnp.pad(w2_ref[...], ((0, D1 - 5), (0, D2 - 20)))
        x1 = _leaky(dinv * (s_ref[0] + s_ref[1] + g1_ref[...]) + b1p)
        h2 = jnp.dot(x1, w2p, preferred_element_type=jnp.float32)
        g2_ref[...] = dinv * h2

    return pl.pallas_call(
        body,
        out_shape=jax.ShapeDtypeStruct((NP, D2), jnp.float32),
    )(s1p, g1, dinv16, b1, W2)


def _tc_post(s2p, g2, dinv16, b2, fc1_W, fc1_b):
    def body(s_ref, g2_ref, dinv_ref, b2_ref, w_ref, b_ref, x3_ref):
        b2p = jnp.pad(b2_ref[...], (0, D2 - 20))
        wp = jnp.pad(w_ref[...], ((0, D2 - 20), (0, 0)))
        x2 = _leaky(dinv_ref[:, 0:1] * (s_ref[0] + s_ref[1] + g2_ref[...]) + b2p)
        x3 = jnp.dot(x2, wp, preferred_element_type=jnp.float32)
        x3_ref[...] = _leaky(x3 + b_ref[...])

    return pl.pallas_call(
        body,
        out_shape=jax.ShapeDtypeStruct((NP, 10), jnp.float32),
    )(s2p, g2, dinv16, b2, fc1_W, fc1_b)


def _tc_fc2(x2d, fc2_W, fc2_b2d):
    def body(x_ref, w_ref, b_ref, out_ref):
        part = jnp.dot(x_ref[...], w_ref[...], preferred_element_type=jnp.float32)
        out_ref[...] = _leaky(part + b_ref[...])

    return pl.pallas_call(
        body,
        out_shape=jax.ShapeDtypeStruct((1, 100), jnp.float32),
    )(x2d, fc2_W, fc2_b2d)



def kernel(pos, edge_index, W1, b1, W2, b2, fc1_W, fc1_b, fc2_W, fc2_b):
    pad = N + (jnp.arange(EP - E, dtype=jnp.int32) % 8)
    srcp = jnp.concatenate([edge_index[0], pad]).reshape(NW, NCH, CH)
    dstp = jnp.concatenate([edge_index[1], pad]).reshape(NW, NCH, CH)
    posp = jnp.pad(pos, ((0, NP - N), (0, 0)))

    h1 = _tc_h1(posp, W1)
    s1p, g1, dinv16 = _sc_layer1(h1, srcp, dstp)
    g2 = _tc_mid(s1p, g1, dinv16, b1, W2)
    s2p = _sc_scatter(g2, srcp, dstp, D2)
    x3 = _tc_post(s2p, g2, dinv16, b2, fc1_W, fc1_b)
    x2d = x3[:N].reshape(1, N * 10)
    out = _tc_fc2(x2d, fc2_W, fc2_b.reshape(1, 100))
    return out.reshape(100)

# --- scband reference (transcript-rebuilt; emitter-appended) ---
"""Pipeline reference for scband-prelim-net-24257975287986 (READ-ONLY COPY).

The authoritative reference and input builder live on the scoring server;
editing this copy changes nothing except your own understanding.
"""

import jax, jax.numpy as jnp
import numpy as np

N = 5850
E = 93600

def setup_inputs(seed: int = 0) -> dict:
    key = jax.random.key(seed)
    ks = jax.random.split(key, 12)
    pos = jax.random.normal(ks[0], (N, 3), dtype=jnp.float32)
    edge_index = jax.random.randint(ks[1], (2, E), 0, N, dtype=jnp.int32)
    W1 = jax.random.normal(ks[2], (3, 5), dtype=jnp.float32) * 0.5
    b1 = jnp.zeros((5,), dtype=jnp.float32)
    W2 = jax.random.normal(ks[3], (5, 20), dtype=jnp.float32) * 0.3
    b2 = jnp.zeros((20,), dtype=jnp.float32)
    fc1_W = jax.random.normal(ks[4], (20, 10), dtype=jnp.float32) * 0.2
    fc1_b = jnp.zeros((10,), dtype=jnp.float32)
    fc2_W = jax.random.normal(ks[5], (N * 10, 100), dtype=jnp.float32) * 0.01
    fc2_b = jnp.zeros((100,), dtype=jnp.float32)
    return {"pos": pos, "edge_index": edge_index, "W1": W1, "b1": b1, "W2": W2, "b2": b2, "fc1_W": fc1_W, "fc1_b": fc1_b, "fc2_W": fc2_W, "fc2_b": fc2_b}

def _gcn_conv(x, edge_index, W, b):
    # PyG GCNConv: x' = D^{-1/2} (A + I) D^{-1/2} (x W) + b
    n = x.shape[0]
    loop = jnp.arange(n, dtype=edge_index.dtype)
    src = jnp.concatenate([edge_index[0], loop])
    dst = jnp.concatenate([edge_index[1], loop])
    deg = jnp.zeros((n,), dtype=x.dtype).at[dst].add(1.0)
    dinv = jnp.where(deg > 0, deg ** -0.5, 0.0)
    norm = dinv[src] * dinv[dst]
    h = x @ W
    msg = h[src] * norm[:, None]
    out = jnp.zeros((n, h.shape[1]), dtype=x.dtype).at[dst].add(msg)
    return out + b

def reference(pos, edge_index, W1, b1, W2, b2, fc1_W, fc1_b, fc2_W, fc2_b):
    act = lambda v: jax.nn.leaky_relu(v, negative_slope=0.01)
    x = act(_gcn_conv(pos, edge_index, W1, b1))
    x = act(_gcn_conv(x, edge_index, W2, b2))
    x = act(x @ fc1_W + fc1_b)
    x = x.reshape(-1)
    x = act(x @ fc2_W + fc2_b)
    return x

if __name__ == "__main__":
    import jax
    _d = setup_inputs()
    print(jax.jit(kernel)(*tuple(_d.values())))

</pallas_src>

<mosaic_0001>
#map = affine_map<(d0, d1) -> (0, 0)>
#map1 = affine_map<(d0, d1) -> (0, 0, 0)>
module attributes {stable_mosaic.version = 14 : i64} {
  func.func @k(%arg0: i32, %arg1: i32, %arg2: memref<5888x16xf32, #tpu.memory_space<hbm>>, %arg3: memref<32x23x128xi32, #tpu.memory_space<hbm>>, %arg4: memref<32x23x128xi32, #tpu.memory_space<hbm>>, %arg5: memref<368x16xf32, #tpu.memory_space<hbm>>, %arg6: memref<128x16xf32, #tpu.memory_space<hbm>>, %arg7: memref<2x5888x16xf32, #tpu.memory_space<hbm>>, %arg8: memref<5888x16xf32, #tpu.memory_space<hbm>>, %arg9: memref<5888x16xf32, #tpu.memory_space<hbm>>, %arg10: memref<23x128xi32, #tpu.memory_space<vmem>>, %arg11: memref<23x128xi32, #tpu.memory_space<vmem>>, %arg12: memref<128x16xf32, #tpu.memory_space<vmem>>, %arg13: memref<368x16xf32, #tpu.memory_space<vmem>>, %arg14: memref<368x16xf32, #tpu.memory_space<vmem>>, %arg15: memref<368x16xf32, #tpu.memory_space<vmem>>, %arg16: memref<2944x16xf32, #tpu.memory_space<vmem>>, %arg17: memref<5888x16xf32, #tpu.memory_space<vmem_shared>>, %arg18: memref<5888x16xf32, #tpu.memory_space<vmem_shared>>, %arg19: memref<5888x16xf32, #tpu.memory_space<vmem_shared>>, %arg20: memref<!tpu.dma_semaphore, #tpu.memory_space<semaphore_mem>>, %arg21: memref<!tpu.dma_semaphore, #tpu.memory_space<semaphore_mem>>) attributes {dimension_semantics = [#tpu.dimension_semantics<core_parallel>, #tpu.dimension_semantics<subcore_parallel>], iteration_bounds = array<i64: 2, 16>, scalar_prefetch = 0 : i64, scratch_operands = 12 : i64, tpu.core_type = #tpu.core_type<sc_vector_subcore>, window_params = [{transform_indices = #map}, {transform_indices = #map1}, {transform_indices = #map1}, {transform_indices = #map}, {transform_indices = #map}, {transform_indices = #map1}, {transform_indices = #map}, {transform_indices = #map}]} {
    %mul3A = arith.constant 16 : i32
    %mul3A_0 = arith.muli %arg0, %mul3A : i32
    %add3A = arith.addi %mul3A_0, %arg1 : i32
    %mul3A_1 = arith.constant 368 : i32
    %mul3A_2 = arith.muli %arg1, %mul3A_1 : i32
    "tpu.region"() ({
      %run_scoped3A = tpu.sem_alloc : memref<!tpu.dma_semaphore, #tpu.memory_space<semaphore_mem>>
      %dma_start3A_1580 = arith.constant 0 : i32
      %dma_start3A_1581 = tpu.memref_slice %arg17[%mul3A_2, %dma_start3A_1580] : memref<5888x16xf32, #tpu.memory_space<vmem_shared>> -> memref<368x16xf32, #tpu.memory_space<vmem_shared>>
      tpu.enqueue_dma source(%arg5 : memref<368x16xf32, #tpu.memory_space<hbm>>) target(%dma_start3A_1581 : memref<368x16xf32, #tpu.memory_space<vmem_shared>>) target_semaphore(%run_scoped3A : memref<!tpu.dma_semaphore, #tpu.memory_space<semaphore_mem>>)
      %dma_wait3A_1582 = arith.constant 0 : i32
      %dma_wait3A_1583 = tpu.memref_slice %arg17[%mul3A_2, %dma_wait3A_1582] : memref<5888x16xf32, #tpu.memory_space<vmem_shared>> -> memref<368x16xf32, #tpu.memory_space<vmem_shared>>
      tpu.wait_dma2 semaphore(%run_scoped3A : memref<!tpu.dma_semaphore, #tpu.memory_space<semaphore_mem>>) src(%arg5 : memref<368x16xf32, #tpu.memory_space<hbm>>) dst(%dma_wait3A_1583 : memref<368x16xf32, #tpu.memory_space<vmem_shared>>)
      tpu.yield
    }) : () -> ()
    "tpu.region"() ({
      %run_scoped3A = tpu.sem_alloc : memref<!tpu.dma_semaphore, #tpu.memory_space<semaphore_mem>>
      %dma_start3A_1580 = arith.constant 0 : i32
      %dma_start3A_1581 = tpu.memref_slice %arg19[%mul3A_2, %dma_start3A_1580] : memref<5888x16xf32, #tpu.memory_space<vmem_shared>> -> memref<368x16xf32, #tpu.memory_space<vmem_shared>>
      tpu.enqueue_dma source(%arg5 : memref<368x16xf32, #tpu.memory_space<hbm>>) target(%dma_start3A_1581 : memref<368x16xf32, #tpu.memory_space<vmem_shared>>) target_semaphore(%run_scoped3A : memref<!tpu.dma_semaphore, #tpu.memory_space<semaphore_mem>>)
      %dma_wait3A_1582 = arith.constant 0 : i32
      %dma_wait3A_1583 = tpu.memref_slice %arg19[%mul3A_2, %dma_wait3A_1582] : memref<5888x16xf32, #tpu.memory_space<vmem_shared>> -> memref<368x16xf32, #tpu.memory_space<vmem_shared>>
      tpu.wait_dma2 semaphore(%run_scoped3A : memref<!tpu.dma_semaphore, #tpu.memory_space<semaphore_mem>>) src(%arg5 : memref<368x16xf32, #tpu.memory_space<hbm>>) dst(%dma_wait3A_1583 : memref<368x16xf32, #tpu.memory_space<vmem_shared>>)
      tpu.yield
    }) : () -> ()
    "tpu.region"() ({
      %run_scoped3A = tpu.sem_alloc : memref<!tpu.dma_semaphore, #tpu.memory_space<semaphore_mem>>
      tpu.enqueue_dma source(%arg6 : memref<128x16xf32, #tpu.memory_space<hbm>>) target(%arg12 : memref<128x16xf32, #tpu.memory_space<vmem>>) target_semaphore(%run_scoped3A : memref<!tpu.dma_semaphore, #tpu.memory_space<semaphore_mem>>)
      tpu.wait_dma2 semaphore(%run_scoped3A : memref<!tpu.dma_semaphore, #tpu.memory_space<semaphore_mem>>) src(%arg6 : memref<128x16xf32, #tpu.memory_space<hbm>>) dst(%arg12 : memref<128x16xf32, #tpu.memory_space<vmem>>)
      tpu.yield
    }) : () -> ()
    %mul3A_3 = arith.constant 2 : i32
    %mul3A_4 = arith.muli %mul3A_3, %arg1 : i32
    "tpu.region"() ({
      %run_scoped3A = tpu.sem_alloc : memref<!tpu.dma_semaphore, #tpu.memory_space<semaphore_mem>>
      %dma_start3A_1580 = arith.constant 0 : i32
      %dma_start3A_1581 = arith.constant 0 : i32
      %dma_start3A_1582 = tpu.memref_slice %arg4[%mul3A_4, %dma_start3A_1580, %dma_start3A_1581] : memref<32x23x128xi32, #tpu.memory_space<hbm>> -> memref<1x23x128xi32, #tpu.memory_space<hbm>>
      %dma_start3A_1583 = tpu.memref_squeeze %dma_start3A_1582 : memref<1x23x128xi32, #tpu.memory_space<hbm>> -> memref<23x128xi32, #tpu.memory_space<hbm>>
      %dma_start3A_1584 = arith.constant 0 : i32
      %dma_start3A_1585 = arith.constant 0 : i32
      %dma_start3A_1586 = tpu.memref_slice %arg4[%mul3A_4, %dma_start3A_1584, %dma_start3A_1585] : memref<32x23x128xi32, #tpu.memory_space<hbm>> -> memref<1x23x128xi32, #tpu.memory_space<hbm>>
      %dma_start3A_1587 = tpu.memref_squeeze %dma_start3A_1586 : memref<1x23x128xi32, #tpu.memory_space<hbm>> -> memref<23x128xi32, #tpu.memory_space<hbm>>
      tpu.enqueue_dma source(%dma_start3A_1587 : memref<23x128xi32, #tpu.memory_space<hbm>>) target(%arg10 : memref<23x128xi32, #tpu.memory_space<vmem>>) target_semaphore(%run_scoped3A : memref<!tpu.dma_semaphore, #tpu.memory_space<semaphore_mem>>)
      %dma_wait3A_1588 = arith.constant 0 : i32
      %dma_wait3A_1589 = arith.constant 0 : i32
      %dma_wait3A_1590 = tpu.memref_slice %arg4[%mul3A_4, %dma_wait3A_1588, %dma_wait3A_1589] : memref<32x23x128xi32, #tpu.memory_space<hbm>> -> memref<1x23x128xi32, #tpu.memory_space<hbm>>
      %dma_wait3A_1591 = tpu.memref_squeeze %dma_wait3A_1590 : memref<1x23x128xi32, #tpu.memory_space<hbm>> -> memref<23x128xi32, #tpu.memory_space<hbm>>
      %dma_wait3A_1592 = arith.constant 0 : i32
      %dma_wait3A_1593 = arith.constant 0 : i32
      %dma_wait3A_1594 = tpu.memref_slice %arg4[%mul3A_4, %dma_wait3A_1592, %dma_wait3A_1593] : memref<32x23x128xi32, #tpu.memory_space<hbm>> -> memref<1x23x128xi32, #tpu.memory_space<hbm>>
      %dma_wait3A_1595 = tpu.memref_squeeze %dma_wait3A_1594 : memref<1x23x128xi32, #tpu.memory_space<hbm>> -> memref<23x128xi32, #tpu.memory_space<hbm>>
      tpu.wait_dma2 semaphore(%run_scoped3A : memref<!tpu.dma_semaphore, #tpu.memory_space<semaphore_mem>>) src(%dma_wait3A_1595 : memref<23x128xi32, #tpu.memory_space<hbm>>) dst(%arg10 : memref<23x128xi32, #tpu.memory_space<vmem>>)
      tpu.yield
    }) : () -> ()
    %mul3A_5 = arith.constant 2 : i32
    %mul3A_6 = arith.muli %mul3A_5, %arg1 : i32
    %add3A_7 = arith.constant 1 : i32
    %add3A_8 = arith.addi %mul3A_6, %add3A_7 : i32
    "tpu.region"() ({
      %run_scoped3A = tpu.sem_alloc : memref<!tpu.dma_semaphore, #tpu.memory_space<semaphore_mem>>
      %dma_start3A_1580 = arith.constant 0 : i32
      %dma_start3A_1581 = arith.constant 0 : i32
      %dma_start3A_1582 = tpu.memref_slice %arg4[%add3A_8, %dma_start3A_1580, %dma_start3A_1581] : memref<32x23x128xi32, #tpu.memory_space<hbm>> -> memref<1x23x128xi32, #tpu.memory_space<hbm>>
      %dma_start3A_1583 = tpu.memref_squeeze %dma_start3A_1582 : memref<1x23x128xi32, #tpu.memory_space<hbm>> -> memref<23x128xi32, #tpu.memory_space<hbm>>
      %dma_start3A_1584 = arith.constant 0 : i32
      %dma_start3A_1585 = arith.constant 0 : i32
      %dma_start3A_1586 = tpu.memref_slice %arg4[%add3A_8, %dma_start3A_1584, %dma_start3A_1585] : memref<32x23x128xi32, #tpu.memory_space<hbm>> -> memref<1x23x128xi32, #tpu.memory_space<hbm>>
      %dma_start3A_1587 = tpu.memref_squeeze %dma_start3A_1586 : memref<1x23x128xi32, #tpu.memory_space<hbm>> -> memref<23x128xi32, #tpu.memory_space<hbm>>
      tpu.enqueue_dma source(%dma_start3A_1587 : memref<23x128xi32, #tpu.memory_space<hbm>>) target(%arg11 : memref<23x128xi32, #tpu.memory_space<vmem>>) target_semaphore(%run_scoped3A : memref<!tpu.dma_semaphore, #tpu.memory_space<semaphore_mem>>)
      %dma_wait3A_1588 = arith.constant 0 : i32
      %dma_wait3A_1589 = arith.constant 0 : i32
      %dma_wait3A_1590 = tpu.memref_slice %arg4[%add3A_8, %dma_wait3A_1588, %dma_wait3A_1589] : memref<32x23x128xi32, #tpu.memory_space<hbm>> -> memref<1x23x128xi32, #tpu.memory_space<hbm>>
      %dma_wait3A_1591 = tpu.memref_squeeze %dma_wait3A_1590 : memref<1x23x128xi32, #tpu.memory_space<hbm>> -> memref<23x128xi32, #tpu.memory_space<hbm>>
      %dma_wait3A_1592 = arith.constant 0 : i32
      %dma_wait3A_1593 = arith.constant 0 : i32
      %dma_wait3A_1594 = tpu.memref_slice %arg4[%add3A_8, %dma_wait3A_1592, %dma_wait3A_1593] : memref<32x23x128xi32, #tpu.memory_space<hbm>> -> memref<1x23x128xi32, #tpu.memory_space<hbm>>
      %dma_wait3A_1595 = tpu.memref_squeeze %dma_wait3A_1594 : memref<1x23x128xi32, #tpu.memory_space<hbm>> -> memref<23x128xi32, #tpu.memory_space<hbm>>
      tpu.wait_dma2 semaphore(%run_scoped3A : memref<!tpu.dma_semaphore, #tpu.memory_space<semaphore_mem>>) src(%dma_wait3A_1595 : memref<23x128xi32, #tpu.memory_space<hbm>>) dst(%arg11 : memref<23x128xi32, #tpu.memory_space<vmem>>)
      tpu.yield
    }) : () -> ()
    "tpu.region"() ({
      %run_scoped3A = tpu.sem_alloc : memref<!tpu.dma_semaphore, #tpu.memory_space<semaphore_mem>>
      %dma_start3A_1580 = arith.constant 0 : i32
      %dma_start3A_1581 = tpu.memref_slice %arg2[%mul3A_2, %dma_start3A_1580] : memref<5888x16xf32, #tpu.memory_space<hbm>> -> memref<368x16xf32, #tpu.memory_space<hbm>>
      %dma_start3A_1582 = arith.constant 0 : i32
      %dma_start3A_1583 = tpu.memref_slice %arg2[%mul3A_2, %dma_start3A_1582] : memref<5888x16xf32, #tpu.memory_space<hbm>> -> memref<368x16xf32, #tpu.memory_space<hbm>>
      tpu.enqueue_dma source(%dma_start3A_1583 : memref<368x16xf32, #tpu.memory_space<hbm>>) target(%arg15 : memref<368x16xf32, #tpu.memory_space<vmem>>) target_semaphore(%run_scoped3A : memref<!tpu.dma_semaphore, #tpu.memory_space<semaphore_mem>>)
      %dma_wait3A_1584 = arith.constant 0 : i32
      %dma_wait3A_1585 = tpu.memref_slice %arg2[%mul3A_2, %dma_wait3A_1584] : memref<5888x16xf32, #tpu.memory_space<hbm>> -> memref<368x16xf32, #tpu.memory_space<hbm>>
      %dma_wait3A_1586 = arith.constant 0 : i32
      %dma_wait3A_1587 = tpu.memref_slice %arg2[%mul3A_2, %dma_wait3A_1586] : memref<5888x16xf32, #tpu.memory_space<hbm>> -> memref<368x16xf32, #tpu.memory_space<hbm>>
      tpu.wait_dma2 semaphore(%run_scoped3A : memref<!tpu.dma_semaphore, #tpu.memory_space<semaphore_mem>>) src(%dma_wait3A_1587 : memref<368x16xf32, #tpu.memory_space<hbm>>) dst(%arg15 : memref<368x16xf32, #tpu.memory_space<vmem>>)
      tpu.yield
    }) : () -> ()
    %barrier3A = arith.constant 0 : index
    tpu.barrier barrier_id(%barrier3A)
    %dma_start3A = arith.constant 0 : i32
    %dma_start3A_9 = arith.constant 0 : i32
    %dma_start3A_10 = tpu.memref_slice %arg10[%dma_start3A, %dma_start3A_9] : memref<23x128xi32, #tpu.memory_space<vmem>> -> memref<1x128xi32, #tpu.memory_space<vmem>>
    %dma_start3A_11 = tpu.memref_squeeze %dma_start3A_10 : memref<1x128xi32, #tpu.memory_space<vmem>> -> memref<128xi32, #tpu.memory_space<vmem>>
    %dma_start3A_12 = arith.constant 0 : i32
    %dma_start3A_13 = arith.constant 0 : i32
    %dma_start3A_14 = tpu.memref_slice %arg17[%dma_start3A_12, %dma_start3A_13] : memref<5888x16xf32, #tpu.memory_space<vmem_shared>> -> memref<5888x16xf32, #tpu.memory_space<vmem_shared>>
    tpu.enqueue_indirect_dma source(%arg12 : memref<128x16xf32, #tpu.memory_space<vmem>>) target(%dma_start3A_14 : memref<5888x16xf32, #tpu.memory_space<vmem_shared>>) offsets(%dma_start3A_11 : memref<128xi32, #tpu.memory_space<vmem>>) semaphore(%arg20 : memref<!tpu.dma_semaphore, #tpu.memory_space<semaphore_mem>>) {add = true}
    %dma_start3A_15 = arith.constant 1 : i32
    %dma_start3A_16 = arith.constant 0 : i32
    %dma_start3A_17 = tpu.memref_slice %arg10[%dma_start3A_15, %dma_start3A_16] : memref<23x128xi32, #tpu.memory_space<vmem>> -> memref<1x128xi32, #tpu.memory_space<vmem>>
    %dma_start3A_18 = tpu.memref_squeeze %dma_start3A_17 : memref<1x128xi32, #tpu.memory_space<vmem>> -> memref<128xi32, #tpu.memory_space<vmem>>
    %dma_start3A_19 = arith.constant 0 : i32
    %dma_start3A_20 = arith.constant 0 : i32
    %dma_start3A_21 = tpu.memref_slice %arg17[%dma_start3A_19, %dma_start3A_20] : memref<5888x16xf32, #tpu.memory_space<vmem_shared>> -> memref<5888x16xf32, #tpu.memory_space<vmem_shared>>
    tpu.enqueue_indirect_dma source(%arg12 : memref<128x16xf32, #tpu.memory_space<vmem>>) target(%dma_start3A_21 : memref<5888x16xf32, #tpu.memory_space<vmem_shared>>) offsets(%dma_start3A_18 : memref<128xi32, #tpu.memory_space<vmem>>) semaphore(%arg20 : memref<!tpu.dma_semaphore, #tpu.memory_space<semaphore_mem>>) {add = true}
    %dma_start3A_22 = arith.constant 2 : i32
    %dma_start3A_23 = arith.constant 0 : i32
    %dma_start3A_24 = tpu.memref_slice %arg10[%dma_start3A_22, %dma_start3A_23] : memref<23x128xi32, #tpu.memory_space<vmem>> -> memref<1x128xi32, #tpu.memory_space<vmem>>
    %dma_start3A_25 = tpu.memref_squeeze %dma_start3A_24 : memref<1x128xi32, #tpu.memory_space<vmem>> -> memref<128xi32, #tpu.memory_space<vmem>>
    %dma_start3A_26 = arith.constant 0 : i32
    %dma_start3A_27 = arith.constant 0 : i32
    %dma_start3A_28 = tpu.memref_slice %arg17[%dma_start3A_26, %dma_start3A_27] : memref<5888x16xf32, #tpu.memory_space<vmem_shared>> -> memref<5888x16xf32, #tpu.memory_space<vmem_shared>>
    tpu.enqueue_indirect_dma source(%arg12 : memref<128x16xf32, #tpu.memory_space<vmem>>) target(%dma_start3A_28 : memref<5888x16xf32, #tpu.memory_space<vmem_shared>>) offsets(%dma_start3A_25 : memref<128xi32, #tpu.memory_space<vmem>>) semaphore(%arg20 : memref<!tpu.dma_semaphore, #tpu.memory_space<semaphore_mem>>) {add = true}
    %dma_start3A_29 = arith.constant 3 : i32
    %dma_start3A_30 = arith.constant 0 : i32
    %dma_start3A_31 = tpu.memref_slice %arg10[%dma_start3A_29, %dma_start3A_30] : memref<23x128xi32, #tpu.memory_space<vmem>> -> memref<1x128xi32, #tpu.memory_space<vmem>>
    %dma_start3A_32 = tpu.memref_squeeze %dma_start3A_31 : memref<1x128xi32, #tpu.memory_space<vmem>> -> memref<128xi32, #tpu.memory_space<vmem>>
    %dma_start3A_33 = arith.constant 0 : i32
    %dma_start3A_34 = arith.constant 0 : i32
    %dma_start3A_35 = tpu.memref_slice %arg17[%dma_start3A_33, %dma_start3A_34] : memref<5888x16xf32, #tpu.memory_space<vmem_shared>> -> memref<5888x16xf32, #tpu.memory_space<vmem_shared>>
    tpu.enqueue_indirect_dma source(%arg12 : memref<128x16xf32, #tpu.memory_space<vmem>>) target(%dma_start3A_35 : memref<5888x16xf32, #tpu.memory_space<vmem_shared>>) offsets(%dma_start3A_32 : memref<128xi32, #tpu.memory_space<vmem>>) semaphore(%arg20 : memref<!tpu.dma_semaphore, #tpu.memory_space<semaphore_mem>>) {add = true}
    %dma_start3A_36 = arith.constant 4 : i32
    %dma_start3A_37 = arith.constant 0 : i32
    %dma_start3A_38 = tpu.memref_slice %arg10[%dma_start3A_36, %dma_start3A_37] : memref<23x128xi32, #tpu.memory_space<vmem>> -> memref<1x128xi32, #tpu.memory_space<vmem>>
    %dma_start3A_39 = tpu.memref_squeeze %dma_start3A_38 : memref<1x128xi32, #tpu.memory_space<vmem>> -> memref<128xi32, #tpu.memory_space<vmem>>
    %dma_start3A_40 = arith.constant 0 : i32
    %dma_start3A_41 = arith.constant 0 : i32
    %dma_start3A_42 = tpu.memref_slice %arg17[%dma_start3A_40, %dma_start3A_41] : memref<5888x16xf32, #tpu.memory_space<vmem_shared>> -> memref<5888x16xf32, #tpu.memory_space<vmem_shared>>
    tpu.enqueue_indirect_dma source(%arg12 : memref<128x16xf32, #tpu.memory_space<vmem>>) target(%dma_start3A_42 : memref<5888x16xf32, #tpu.memory_space<vmem_shared>>) offsets(%dma_start3A_39 : memref<128xi32, #tpu.memory_space<vmem>>) semaphore(%arg20 : memref<!tpu.dma_semaphore, #tpu.memory_space<semaphore_mem>>) {add = true}
    %dma_start3A_43 = arith.constant 5 : i32
    %dma_start3A_44 = arith.constant 0 : i32
    %dma_start3A_45 = tpu.memref_slice %arg10[%dma_start3A_43, %dma_start3A_44] : memref<23x128xi32, #tpu.memory_space<vmem>> -> memref<1x128xi32, #tpu.memory_space<vmem>>
    %dma_start3A_46 = tpu.memref_squeeze %dma_start3A_45 : memref<1x128xi32, #tpu.memory_space<vmem>> -> memref<128xi32, #tpu.memory_space<vmem>>
    %dma_start3A_47 = arith.constant 0 : i32
    %dma_start3A_48 = arith.constant 0 : i32
    %dma_start3A_49 = tpu.memref_slice %arg17[%dma_start3A_47, %dma_start3A_48] : memref<5888x16xf32, #tpu.memory_space<vmem_shared>> -> memref<5888x16xf32, #tpu.memory_space<vmem_shared>>
    tpu.enqueue_indirect_dma source(%arg12 : memref<128x16xf32, #tpu.memory_space<vmem>>) target(%dma_start3A_49 : memref<5888x16xf32, #tpu.memory_space<vmem_shared>>) offsets(%dma_start3A_46 : memref<128xi32, #tpu.memory_space<vmem>>) semaphore(%arg20 : memref<!tpu.dma_semaphore, #tpu.memory_space<semaphore_mem>>) {add = true}
    %dma_start3A_50 = arith.constant 6 : i32
    %dma_start3A_51 = arith.constant 0 : i32
    %dma_start3A_52 = tpu.memref_slice %arg10[%dma_start3A_50, %dma_start3A_51] : memref<23x128xi32, #tpu.memory_space<vmem>> -> memref<1x128xi32, #tpu.memory_space<vmem>>
    %dma_start3A_53 = tpu.memref_squeeze %dma_start3A_52 : memref<1x128xi32, #tpu.memory_space<vmem>> -> memref<128xi32, #tpu.memory_space<vmem>>
    %dma_start3A_54 = arith.constant 0 : i32
    %dma_start3A_55 = arith.constant 0 : i32
    %dma_start3A_56 = tpu.memref_slice %arg17[%dma_start3A_54, %dma_start3A_55] : memref<5888x16xf32, #tpu.memory_space<vmem_shared>> -> memref<5888x16xf32, #tpu.memory_space<vmem_shared>>
    tpu.enqueue_indirect_dma source(%arg12 : memref<128x16xf32, #tpu.memory_space<vmem>>) target(%dma_start3A_56 : memref<5888x16xf32, #tpu.memory_space<vmem_shared>>) offsets(%dma_start3A_53 : memref<128xi32, #tpu.memory_space<vmem>>) semaphore(%arg20 : memref<!tpu.dma_semaphore, #tpu.memory_space<semaphore_mem>>) {add = true}
    %dma_start3A_57 = arith.constant 7 : i32
    %dma_start3A_58 = arith.constant 0 : i32
    %dma_start3A_59 = tpu.memref_slice %arg10[%dma_start3A_57, %dma_start3A_58] : memref<23x128xi32, #tpu.memory_space<vmem>> -> memref<1x128xi32, #tpu.memory_space<vmem>>
    %dma_start3A_60 = tpu.memref_squeeze %dma_start3A_59 : memref<1x128xi32, #tpu.memory_space<vmem>> -> memref<128xi32, #tpu.memory_space<vmem>>
    %dma_start3A_61 = arith.constant 0 : i32
    %dma_start3A_62 = arith.constant 0 : i32
    %dma_start3A_63 = tpu.memref_slice %arg17[%dma_start3A_61, %dma_start3A_62] : memref<5888x16xf32, #tpu.memory_space<vmem_shared>> -> memref<5888x16xf32, #tpu.memory_space<vmem_shared>>
    tpu.enqueue_indirect_dma source(%arg12 : memref<128x16xf32, #tpu.memory_space<vmem>>) target(%dma_start3A_63 : memref<5888x16xf32, #tpu.memory_space<vmem_shared>>) offsets(%dma_start3A_60 : memref<128xi32, #tpu.memory_space<vmem>>) semaphore(%arg20 : memref<!tpu.dma_semaphore, #tpu.memory_space<semaphore_mem>>) {add = true}
    %dma_start3A_64 = arith.constant 8 : i32
    %dma_start3A_65 = arith.constant 0 : i32
    %dma_start3A_66 = tpu.memref_slice %arg10[%dma_start3A_64, %dma_start3A_65] : memref<23x128xi32, #tpu.memory_space<vmem>> -> memref<1x128xi32, #tpu.memory_space<vmem>>
    %dma_start3A_67 = tpu.memref_squeeze %dma_start3A_66 : memref<1x128xi32, #tpu.memory_space<vmem>> -> memref<128xi32, #tpu.memory_space<vmem>>
    %dma_start3A_68 = arith.constant 0 : i32
    %dma_start3A_69 = arith.constant 0 : i32
    %dma_start3A_70 = tpu.memref_slice %arg17[%dma_start3A_68, %dma_start3A_69] : memref<5888x16xf32, #tpu.memory_space<vmem_shared>> -> memref<5888x16xf32, #tpu.memory_space<vmem_shared>>
    tpu.enqueue_indirect_dma source(%arg12 : memref<128x16xf32, #tpu.memory_space<vmem>>) target(%dma_start3A_70 : memref<5888x16xf32, #tpu.memory_space<vmem_shared>>) offsets(%dma_start3A_67 : memref<128xi32, #tpu.memory_space<vmem>>) semaphore(%arg20 : memref<!tpu.dma_semaphore, #tpu.memory_space<semaphore_mem>>) {add = true}
    %dma_start3A_71 = arith.constant 9 : i32
    %dma_start3A_72 = arith.constant 0 : i32
    %dma_start3A_73 = tpu.memref_slice %arg10[%dma_start3A_71, %dma_start3A_72] : memref<23x128xi32, #tpu.memory_space<vmem>> -> memref<1x128xi32, #tpu.memory_space<vmem>>
    %dma_start3A_74 = tpu.memref_squeeze %dma_start3A_73 : memref<1x128xi32, #tpu.memory_space<vmem>> -> memref<128xi32, #tpu.memory_space<vmem>>
    %dma_start3A_75 = arith.constant 0 : i32
    %dma_start3A_76 = arith.constant 0 : i32
    %dma_start3A_77 = tpu.memref_slice %arg17[%dma_start3A_75, %dma_start3A_76] : memref<5888x16xf32, #tpu.memory_space<vmem_shared>> -> memref<5888x16xf32, #tpu.memory_space<vmem_shared>>
    tpu.enqueue_indirect_dma source(%arg12 : memref<128x16xf32, #tpu.memory_space<vmem>>) target(%dma_start3A_77 : memref<5888x16xf32, #tpu.memory_space<vmem_shared>>) offsets(%dma_start3A_74 : memref<128xi32, #tpu.memory_space<vmem>>) semaphore(%arg20 : memref<!tpu.dma_semaphore, #tpu.memory_space<semaphore_mem>>) {add = true}
    %dma_start3A_78 = arith.constant 10 : i32
    %dma_start3A_79 = arith.constant 0 : i32
    %dma_start3A_80 = tpu.memref_slice %arg10[%dma_start3A_78, %dma_start3A_79] : memref<23x128xi32, #tpu.memory_space<vmem>> -> memref<1x128xi32, #tpu.memory_space<vmem>>
    %dma_start3A_81 = tpu.memref_squeeze %dma_start3A_80 : memref<1x128xi32, #tpu.memory_space<vmem>> -> memref<128xi32, #tpu.memory_space<vmem>>
    %dma_start3A_82 = arith.constant 0 : i32
    %dma_start3A_83 = arith.constant 0 : i32
    %dma_start3A_84 = tpu.memref_slice %arg17[%dma_start3A_82, %dma_start3A_83] : memref<5888x16xf32, #tpu.memory_space<vmem_shared>> -> memref<5888x16xf32, #tpu.memory_space<vmem_shared>>
    tpu.enqueue_indirect_dma source(%arg12 : memref<128x16xf32, #tpu.memory_space<vmem>>) target(%dma_start3A_84 : memref<5888x16xf32, #tpu.memory_space<vmem_shared>>) offsets(%dma_start3A_81 : memref<128xi32, #tpu.memory_space<vmem>>) semaphore(%arg20 : memref<!tpu.dma_semaphore, #tpu.memory_space<semaphore_mem>>) {add = true}
    %dma_start3A_85 = arith.constant 11 : i32
    %dma_start3A_86 = arith.constant 0 : i32
    %dma_start3A_87 = tpu.memref_slice %arg10[%dma_start3A_85, %dma_start3A_86] : memref<23x128xi32, #tpu.memory_space<vmem>> -> memref<1x128xi32, #tpu.memory_space<vmem>>
    %dma_start3A_88 = tpu.memref_squeeze %dma_start3A_87 : memref<1x128xi32, #tpu.memory_space<vmem>> -> memref<128xi32, #tpu.memory_space<vmem>>
    %dma_start3A_89 = arith.constant 0 : i32
    %dma_start3A_90 = arith.constant 0 : i32
    %dma_start3A_91 = tpu.memref_slice %arg17[%dma_start3A_89, %dma_start3A_90] : memref<5888x16xf32, #tpu.memory_space<vmem_shared>> -> memref<5888x16xf32, #tpu.memory_space<vmem_shared>>
    tpu.enqueue_indirect_dma source(%arg12 : memref<128x16xf32, #tpu.memory_space<vmem>>) target(%dma_start3A_91 : memref<5888x16xf32, #tpu.memory_space<vmem_shared>>) offsets(%dma_start3A_88 : memref<128xi32, #tpu.memory_space<vmem>>) semaphore(%arg20 : memref<!tpu.dma_semaphore, #tpu.memory_space<semaphore_mem>>) {add = true}
    %dma_start3A_92 = arith.constant 12 : i32
    %dma_start3A_93 = arith.constant 0 : i32
    %dma_start3A_94 = tpu.memref_slice %arg10[%dma_start3A_92, %dma_start3A_93] : memref<23x128xi32, #tpu.memory_space<vmem>> -> memref<1x128xi32, #tpu.memory_space<vmem>>
    %dma_start3A_95 = tpu.memref_squeeze %dma_start3A_94 : memref<1x128xi32, #tpu.memory_space<vmem>> -> memref<128xi32, #tpu.memory_space<vmem>>
    %dma_start3A_96 = arith.constant 0 : i32
    %dma_start3A_97 = arith.constant 0 : i32
    %dma_start3A_98 = tpu.memref_slice %arg17[%dma_start3A_96, %dma_start3A_97] : memref<5888x16xf32, #tpu.memory_space<vmem_shared>> -> memref<5888x16xf32, #tpu.memory_space<vmem_shared>>
    tpu.enqueue_indirect_dma source(%arg12 : memref<128x16xf32, #tpu.memory_space<vmem>>) target(%dma_start3A_98 : memref<5888x16xf32, #tpu.memory_space<vmem_shared>>) offsets(%dma_start3A_95 : memref<128xi32, #tpu.memory_space<vmem>>) semaphore(%arg20 : memref<!tpu.dma_semaphore, #tpu.memory_space<semaphore_mem>>) {add = true}
    %dma_start3A_99 = arith.constant 13 : i32
    %dma_start3A_100 = arith.constant 0 : i32
    %dma_start3A_101 = tpu.memref_slice %arg10[%dma_start3A_99, %dma_start3A_100] : memref<23x128xi32, #tpu.memory_space<vmem>> -> memref<1x128xi32, #tpu.memory_space<vmem>>
    %dma_start3A_102 = tpu.memref_squeeze %dma_start3A_101 : memref<1x128xi32, #tpu.memory_space<vmem>> -> memref<128xi32, #tpu.memory_space<vmem>>
    %dma_start3A_103 = arith.constant 0 : i32
    %dma_start3A_104 = arith.constant 0 : i32
    %dma_start3A_105 = tpu.memref_slice %arg17[%dma_start3A_103, %dma_start3A_104] : memref<5888x16xf32, #tpu.memory_space<vmem_shared>> -> memref<5888x16xf32, #tpu.memory_space<vmem_shared>>
    tpu.enqueue_indirect_dma source(%arg12 : memref<128x16xf32, #tpu.memory_space<vmem>>) target(%dma_start3A_105 : memref<5888x16xf32, #tpu.memory_space<vmem_shared>>) offsets(%dma_start3A_102 : memref<128xi32, #tpu.memory_space<vmem>>) semaphore(%arg20 : memref<!tpu.dma_semaphore, #tpu.memory_space<semaphore_mem>>) {add = true}
    %dma_start3A_106 = arith.constant 14 : i32
    %dma_start3A_107 = arith.constant 0 : i32
    %dma_start3A_108 = tpu.memref_slice %arg10[%dma_start3A_106, %dma_start3A_107] : memref<23x128xi32, #tpu.memory_space<vmem>> -> memref<1x128xi32, #tpu.memory_space<vmem>>
    %dma_start3A_109 = tpu.memref_squeeze %dma_start3A_108 : memref<1x128xi32, #tpu.memory_space<vmem>> -> memref<128xi32, #tpu.memory_space<vmem>>
    %dma_start3A_110 = arith.constant 0 : i32
    %dma_start3A_111 = arith.constant 0 : i32
    %dma_start3A_112 = tpu.memref_slice %arg17[%dma_start3A_110, %dma_start3A_111] : memref<5888x16xf32, #tpu.memory_space<vmem_shared>> -> memref<5888x16xf32, #tpu.memory_space<vmem_shared>>
    tpu.enqueue_indirect_dma source(%arg12 : memref<128x16xf32, #tpu.memory_space<vmem>>) target(%dma_start3A_112 : memref<5888x16xf32, #tpu.memory_space<vmem_shared>>) offsets(%dma_start3A_109 : memref<128xi32, #tpu.memory_space<vmem>>) semaphore(%arg20 : memref<!tpu.dma_semaphore, #tpu.memory_space<semaphore_mem>>) {add = true}
    %dma_start3A_113 = arith.constant 15 : i32
    %dma_start3A_114 = arith.constant 0 : i32
    %dma_start3A_115 = tpu.memref_slice %arg10[%dma_start3A_113, %dma_start3A_114] : memref<23x128xi32, #tpu.memory_space<vmem>> -> memref<1x128xi32, #tpu.memory_space<vmem>>
    %dma_start3A_116 = tpu.memref_squeeze %dma_start3A_115 : memref<1x128xi32, #tpu.memory_space<vmem>> -> memref<128xi32, #tpu.memory_space<vmem>>
    %dma_start3A_117 = arith.constant 0 : i32
    %dma_start3A_118 = arith.constant 0 : i32
    %dma_start3A_119 = tpu.memref_slice %arg17[%dma_start3A_117, %dma_start3A_118] : memref<5888x16xf32, #tpu.memory_space<vmem_shared>> -> memref<5888x16xf32, #tpu.memory_space<vmem_shared>>
    tpu.enqueue_indirect_dma source(%arg12 : memref<128x16xf32, #tpu.memory_space<vmem>>) target(%dma_start3A_119 : memref<5888x16xf32, #tpu.memory_space<vmem_shared>>) offsets(%dma_start3A_116 : memref<128xi32, #tpu.memory_space<vmem>>) semaphore(%arg20 : memref<!tpu.dma_semaphore, #tpu.memory_space<semaphore_mem>>) {add = true}
    %dma_start3A_120 = arith.constant 16 : i32
    %dma_start3A_121 = arith.constant 0 : i32
    %dma_start3A_122 = tpu.memref_slice %arg10[%dma_start3A_120, %dma_start3A_121] : memref<23x128xi32, #tpu.memory_space<vmem>> -> memref<1x128xi32, #tpu.memory_space<vmem>>
    %dma_start3A_123 = tpu.memref_squeeze %dma_start3A_122 : memref<1x128xi32, #tpu.memory_space<vmem>> -> memref<128xi32, #tpu.memory_space<vmem>>
    %dma_start3A_124 = arith.constant 0 : i32
    %dma_start3A_125 = arith.constant 0 : i32
    %dma_start3A_126 = tpu.memref_slice %arg17[%dma_start3A_124, %dma_start3A_125] : memref<5888x16xf32, #tpu.memory_space<vmem_shared>> -> memref<5888x16xf32, #tpu.memory_space<vmem_shared>>
    tpu.enqueue_indirect_dma source(%arg12 : memref<128x16xf32, #tpu.memory_space<vmem>>) target(%dma_start3A_126 : memref<5888x16xf32, #tpu.memory_space<vmem_shared>>) offsets(%dma_start3A_123 : memref<128xi32, #tpu.memory_space<vmem>>) semaphore(%arg20 : memref<!tpu.dma_semaphore, #tpu.memory_space<semaphore_mem>>) {add = true}
    %dma_start3A_127 = arith.constant 17 : i32
    %dma_start3A_128 = arith.constant 0 : i32
    %dma_start3A_129 = tpu.memref_slice %arg10[%dma_start3A_127, %dma_start3A_128] : memref<23x128xi32, #tpu.memory_space<vmem>> -> memref<1x128xi32, #tpu.memory_space<vmem>>
    %dma_start3A_130 = tpu.memref_squeeze %dma_start3A_129 : memref<1x128xi32, #tpu.memory_space<vmem>> -> memref<128xi32, #tpu.memory_space<vmem>>
    %dma_start3A_131 = arith.constant 0 : i32
    %dma_start3A_132 = arith.constant 0 : i32
    %dma_start3A_133 = tpu.memref_slice %arg17[%dma_start3A_131, %dma_start3A_132] : memref<5888x16xf32, #tpu.memory_space<vmem_shared>> -> memref<5888x16xf32, #tpu.memory_space<vmem_shared>>
    tpu.enqueue_indirect_dma source(%arg12 : memref<128x16xf32, #tpu.memory_space<vmem>>) target(%dma_start3A_133 : memref<5888x16xf32, #tpu.memory_space<vmem_shared>>) offsets(%dma_start3A_130 : memref<128xi32, #tpu.memory_space<vmem>>) semaphore(%arg20 : memref<!tpu.dma_semaphore, #tpu.memory_space<semaphore_mem>>) {add = true}
    %dma_start3A_134 = arith.constant 18 : i32
    %dma_start3A_135 = arith.constant 0 : i32
    %dma_start3A_136 = tpu.memref_slice %arg10[%dma_start3A_134, %dma_start3A_135] : memref<23x128xi32, #tpu.memory_space<vmem>> -> memref<1x128xi32, #tpu.memory_space<vmem>>
    %dma_start3A_137 = tpu.memref_squeeze %dma_start3A_136 : memref<1x128xi32, #tpu.memory_space<vmem>> -> memref<128xi32, #tpu.memory_space<vmem>>
    %dma_start3A_138 = arith.constant 0 : i32
    %dma_start3A_139 = arith.constant 0 : i32
    %dma_start3A_140 = tpu.memref_slice %arg17[%dma_start3A_138, %dma_start3A_139] : memref<5888x16xf32, #tpu.memory_space<vmem_shared>> -> memref<5888x16xf32, #tpu.memory_space<vmem_shared>>
    tpu.enqueue_indirect_dma source(%arg12 : memref<128x16xf32, #tpu.memory_space<vmem>>) target(%dma_start3A_140 : memref<5888x16xf32, #tpu.memory_space<vmem_shared>>) offsets(%dma_start3A_137 : memref<128xi32, #tpu.memory_space<vmem>>) semaphore(%arg20 : memref<!tpu.dma_semaphore, #tpu.memory_space<semaphore_mem>>) {add = true}
    %dma_start3A_141 = arith.constant 19 : i32
    %dma_start3A_142 = arith.constant 0 : i32
    %dma_start3A_143 = tpu.memref_slice %arg10[%dma_start3A_141, %dma_start3A_142] : memref<23x128xi32, #tpu.memory_space<vmem>> -> memref<1x128xi32, #tpu.memory_space<vmem>>
    %dma_start3A_144 = tpu.memref_squeeze %dma_start3A_143 : memref<1x128xi32, #tpu.memory_space<vmem>> -> memref<128xi32, #tpu.memory_space<vmem>>
    %dma_start3A_145 = arith.constant 0 : i32
    %dma_start3A_146 = arith.constant 0 : i32
    %dma_start3A_147 = tpu.memref_slice %arg17[%dma_start3A_145, %dma_start3A_146] : memref<5888x16xf32, #tpu.memory_space<vmem_shared>> -> memref<5888x16xf32, #tpu.memory_space<vmem_shared>>
    tpu.enqueue_indirect_dma source(%arg12 : memref<128x16xf32, #tpu.memory_space<vmem>>) target(%dma_start3A_147 : memref<5888x16xf32, #tpu.memory_space<vmem_shared>>) offsets(%dma_start3A_144 : memref<128xi32, #tpu.memory_space<vmem>>) semaphore(%arg20 : memref<!tpu.dma_semaphore, #tpu.memory_space<semaphore_mem>>) {add = true}
    %dma_start3A_148 = arith.constant 20 : i32
    %dma_start3A_149 = arith.constant 0 : i32
    %dma_start3A_150 = tpu.memref_slice %arg10[%dma_start3A_148, %dma_start3A_149] : memref<23x128xi32, #tpu.memory_space<vmem>> -> memref<1x128xi32, #tpu.memory_space<vmem>>
    %dma_start3A_151 = tpu.memref_squeeze %dma_start3A_150 : memref<1x128xi32, #tpu.memory_space<vmem>> -> memref<128xi32, #tpu.memory_space<vmem>>
    %dma_start3A_152 = arith.constant 0 : i32
    %dma_start3A_153 = arith.constant 0 : i32
    %dma_start3A_154 = tpu.memref_slice %arg17[%dma_start3A_152, %dma_start3A_153] : memref<5888x16xf32, #tpu.memory_space<vmem_shared>> -> memref<5888x16xf32, #tpu.memory_space<vmem_shared>>
    tpu.enqueue_indirect_dma source(%arg12 : memref<128x16xf32, #tpu.memory_space<vmem>>) target(%dma_start3A_154 : memref<5888x16xf32, #tpu.memory_space<vmem_shared>>) offsets(%dma_start3A_151 : memref<128xi32, #tpu.memory_space<vmem>>) semaphore(%arg20 : memref<!tpu.dma_semaphore, #tpu.memory_space<semaphore_mem>>) {add = true}
    %dma_start3A_155 = arith.constant 21 : i32
    %dma_start3A_156 = arith.constant 0 : i32
    %dma_start3A_157 = tpu.memref_slice %arg10[%dma_start3A_155, %dma_start3A_156] : memref<23x128xi32, #tpu.memory_space<vmem>> -> memref<1x128xi32, #tpu.memory_space<vmem>>
    %dma_start3A_158 = tpu.memref_squeeze %dma_start3A_157 : memref<1x128xi32, #tpu.memory_space<vmem>> -> memref<128xi32, #tpu.memory_space<vmem>>
    %dma_start3A_159 = arith.constant 0 : i32
    %dma_start3A_160 = arith.constant 0 : i32
    %dma_start3A_161 = tpu.memref_slice %arg17[%dma_start3A_159, %dma_start3A_160] : memref<5888x16xf32, #tpu.memory_space<vmem_shared>> -> memref<5888x16xf32, #tpu.memory_space<vmem_shared>>
    tpu.enqueue_indirect_dma source(%arg12 : memref<128x16xf32, #tpu.memory_space<vmem>>) target(%dma_start3A_161 : memref<5888x16xf32, #tpu.memory_space<vmem_shared>>) offsets(%dma_start3A_158 : memref<128xi32, #tpu.memory_space<vmem>>) semaphore(%arg20 : memref<!tpu.dma_semaphore, #tpu.memory_space<semaphore_mem>>) {add = true}
    %dma_start3A_162 = arith.constant 22 : i32
    %dma_start3A_163 = arith.constant 0 : i32
    %dma_start3A_164 = tpu.memref_slice %arg10[%dma_start3A_162, %dma_start3A_163] : memref<23x128xi32, #tpu.memory_space<vmem>> -> memref<1x128xi32, #tpu.memory_space<vmem>>
    %dma_start3A_165 = tpu.memref_squeeze %dma_start3A_164 : memref<1x128xi32, #tpu.memory_space<vmem>> -> memref<128xi32, #tpu.memory_space<vmem>>
    %dma_start3A_166 = arith.constant 0 : i32
    %dma_start3A_167 = arith.constant 0 : i32
    %dma_start3A_168 = tpu.memref_slice %arg17[%dma_start3A_166, %dma_start3A_167] : memref<5888x16xf32, #tpu.memory_space<vmem_shared>> -> memref<5888x16xf32, #tpu.memory_space<vmem_shared>>
    tpu.enqueue_indirect_dma source(%arg12 : memref<128x16xf32, #tpu.memory_space<vmem>>) target(%dma_start3A_168 : memref<5888x16xf32, #tpu.memory_space<vmem_shared>>) offsets(%dma_start3A_165 : memref<128xi32, #tpu.memory_space<vmem>>) semaphore(%arg20 : memref<!tpu.dma_semaphore, #tpu.memory_space<semaphore_mem>>) {add = true}
    %dma_start3A_169 = arith.constant 0 : i32
    %dma_start3A_170 = arith.constant 0 : i32
    %dma_start3A_171 = tpu.memref_slice %arg11[%dma_start3A_169, %dma_start3A_170] : memref<23x128xi32, #tpu.memory_space<vmem>> -> memref<1x128xi32, #tpu.memory_space<vmem>>
    %dma_start3A_172 = tpu.memref_squeeze %dma_start3A_171 : memref<1x128xi32, #tpu.memory_space<vmem>> -> memref<128xi32, #tpu.memory_space<vmem>>
    %dma_start3A_173 = arith.constant 0 : i32
    %dma_start3A_174 = arith.constant 0 : i32
    %dma_start3A_175 = tpu.memref_slice %arg17[%dma_start3A_173, %dma_start3A_174] : memref<5888x16xf32, #tpu.memory_space<vmem_shared>> -> memref<5888x16xf32, #tpu.memory_space<vmem_shared>>
    tpu.enqueue_indirect_dma source(%arg12 : memref<128x16xf32, #tpu.memory_space<vmem>>) target(%dma_start3A_175 : memref<5888x16xf32, #tpu.memory_space<vmem_shared>>) offsets(%dma_start3A_172 : memref<128xi32, #tpu.memory_space<vmem>>) semaphore(%arg20 : memref<!tpu.dma_semaphore, #tpu.memory_space<semaphore_mem>>) {add = true}
    %dma_start3A_176 = arith.constant 1 : i32
    %dma_start3A_177 = arith.constant 0 : i32
    %dma_start3A_178 = tpu.memref_slice %arg11[%dma_start3A_176, %dma_start3A_177] : memref<23x128xi32, #tpu.memory_space<vmem>> -> memref<1x128xi32, #tpu.memory_space<vmem>>
    %dma_start3A_179 = tpu.memref_squeeze %dma_start3A_178 : memref<1x128xi32, #tpu.memory_space<vmem>> -> memref<128xi32, #tpu.memory_space<vmem>>
    %dma_start3A_180 = arith.constant 0 : i32
    %dma_start3A_181 = arith.constant 0 : i32
    %dma_start3A_182 = tpu.memref_slice %arg17[%dma_start3A_180, %dma_start3A_181] : memref<5888x16xf32, #tpu.memory_space<vmem_shared>> -> memref<5888x16xf32, #tpu.memory_space<vmem_shared>>
    tpu.enqueue_indirect_dma source(%arg12 : memref<128x16xf32, #tpu.memory_space<vmem>>) target(%dma_start3A_182 : memref<5888x16xf32, #tpu.memory_space<vmem_shared>>) offsets(%dma_start3A_179 : memref<128xi32, #tpu.memory_space<vmem>>) semaphore(%arg20 : memref<!tpu.dma_semaphore, #tpu.memory_space<semaphore_mem>>) {add = true}
    %dma_start3A_183 = arith.constant 2 : i32
    %dma_start3A_184 = arith.constant 0 : i32
    %dma_start3A_185 = tpu.memref_slice %arg11[%dma_start3A_183, %dma_start3A_184] : memref<23x128xi32, #tpu.memory_space<vmem>> -> memref<1x128xi32, #tpu.memory_space<vmem>>
    %dma_start3A_186 = tpu.memref_squeeze %dma_start3A_185 : memref<1x128xi32, #tpu.memory_space<vmem>> -> memref<128xi32, #tpu.memory_space<vmem>>
    %dma_start3A_187 = arith.constant 0 : i32
    %dma_start3A_188 = arith.constant 0 : i32
    %dma_start3A_189 = tpu.memref_slice %arg17[%dma_start3A_187, %dma_start3A_188] : memref<5888x16xf32, #tpu.memory_space<vmem_shared>> -> memref<5888x16xf32, #tpu.memory_space<vmem_shared>>
    tpu.enqueue_indirect_dma source(%arg12 : memref<128x16xf32, #tpu.memory_space<vmem>>) target(%dma_start3A_189 : memref<5888x16xf32, #tpu.memory_space<vmem_shared>>) offsets(%dma_start3A_186 : memref<128xi32, #tpu.memory_space<vmem>>) semaphore(%arg20 : memref<!tpu.dma_semaphore, #tpu.memory_space<semaphore_mem>>) {add = true}
    %dma_start3A_190 = arith.constant 3 : i32
    %dma_start3A_191 = arith.constant 0 : i32
    %dma_start3A_192 = tpu.memref_slice %arg11[%dma_start3A_190, %dma_start3A_191] : memref<23x128xi32, #tpu.memory_space<vmem>> -> memref<1x128xi32, #tpu.memory_space<vmem>>
    %dma_start3A_193 = tpu.memref_squeeze %dma_start3A_192 : memref<1x128xi32, #tpu.memory_space<vmem>> -> memref<128xi32, #tpu.memory_space<vmem>>
    %dma_start3A_194 = arith.constant 0 : i32
    %dma_start3A_195 = arith.constant 0 : i32
    %dma_start3A_196 = tpu.memref_slice %arg17[%dma_start3A_194, %dma_start3A_195] : memref<5888x16xf32, #tpu.memory_space<vmem_shared>> -> memref<5888x16xf32, #tpu.memory_space<vmem_shared>>
    tpu.enqueue_indirect_dma source(%arg12 : memref<128x16xf32, #tpu.memory_space<vmem>>) target(%dma_start3A_196 : memref<5888x16xf32, #tpu.memory_space<vmem_shared>>) offsets(%dma_start3A_193 : memref<128xi32, #tpu.memory_space<vmem>>) semaphore(%arg20 : memref<!tpu.dma_semaphore, #tpu.memory_space<semaphore_mem>>) {add = true}
    %dma_start3A_197 = arith.constant 4 : i32
    %dma_start3A_198 = arith.constant 0 : i32
    %dma_start3A_199 = tpu.memref_slice %arg11[%dma_start3A_197, %dma_start3A_198] : memref<23x128xi32, #tpu.memory_space<vmem>> -> memref<1x128xi32, #tpu.memory_space<vmem>>
    %dma_start3A_200 = tpu.memref_squeeze %dma_start3A_199 : memref<1x128xi32, #tpu.memory_space<vmem>> -> memref<128xi32, #tpu.memory_space<vmem>>
    %dma_start3A_201 = arith.constant 0 : i32
    %dma_start3A_202 = arith.constant 0 : i32
    %dma_start3A_203 = tpu.memref_slice %arg17[%dma_start3A_201, %dma_start3A_202] : memref<5888x16xf32, #tpu.memory_space<vmem_shared>> -> memref<5888x16xf32, #tpu.memory_space<vmem_shared>>
    tpu.enqueue_indirect_dma source(%arg12 : memref<128x16xf32, #tpu.memory_space<vmem>>) target(%dma_start3A_203 : memref<5888x16xf32, #tpu.memory_space<vmem_shared>>) offsets(%dma_start3A_200 : memref<128xi32, #tpu.memory_space<vmem>>) semaphore(%arg20 : memref<!tpu.dma_semaphore, #tpu.memory_space<semaphore_mem>>) {add = true}
    %dma_start3A_204 = arith.constant 5 : i32
    %dma_start3A_205 = arith.constant 0 : i32
    %dma_start3A_206 = tpu.memref_slice %arg11[%dma_start3A_204, %dma_start3A_205] : memref<23x128xi32, #tpu.memory_space<vmem>> -> memref<1x128xi32, #tpu.memory_space<vmem>>
    %dma_start3A_207 = tpu.memref_squeeze %dma_start3A_206 : memref<1x128xi32, #tpu.memory_space<vmem>> -> memref<128xi32, #tpu.memory_space<vmem>>
    %dma_start3A_208 = arith.constant 0 : i32
    %dma_start3A_209 = arith.constant 0 : i32
    %dma_start3A_210 = tpu.memref_slice %arg17[%dma_start3A_208, %dma_start3A_209] : memref<5888x16xf32, #tpu.memory_space<vmem_shared>> -> memref<5888x16xf32, #tpu.memory_space<vmem_shared>>
    tpu.enqueue_indirect_dma source(%arg12 : memref<128x16xf32, #tpu.memory_space<vmem>>) target(%dma_start3A_210 : memref<5888x16xf32, #tpu.memory_space<vmem_shared>>) offsets(%dma_start3A_207 : memref<128xi32, #tpu.memory_space<vmem>>) semaphore(%arg20 : memref<!tpu.dma_semaphore, #tpu.memory_space<semaphore_mem>>) {add = true}
    %dma_start3A_211 = arith.constant 6 : i32
    %dma_start3A_212 = arith.constant 0 : i32
    %dma_start3A_213 = tpu.memref_slice %arg11[%dma_start3A_211, %dma_start3A_212] : memref<23x128xi32, #tpu.memory_space<vmem>> -> memref<1x128xi32, #tpu.memory_space<vmem>>
    %dma_start3A_214 = tpu.memref_squeeze %dma_start3A_213 : memref<1x128xi32, #tpu.memory_space<vmem>> -> memref<128xi32, #tpu.memory_space<vmem>>
    %dma_start3A_215 = arith.constant 0 : i32
    %dma_start3A_216 = arith.constant 0 : i32
    %dma_start3A_217 = tpu.memref_slice %arg17[%dma_start3A_215, %dma_start3A_216] : memref<5888x16xf32, #tpu.memory_space<vmem_shared>> -> memref<5888x16xf32, #tpu.memory_space<vmem_shared>>
    tpu.enqueue_indirect_dma source(%arg12 : memref<128x16xf32, #tpu.memory_space<vmem>>) target(%dma_start3A_217 : memref<5888x16xf32, #tpu.memory_space<vmem_shared>>) offsets(%dma_start3A_214 : memref<128xi32, #tpu.memory_space<vmem>>) semaphore(%arg20 : memref<!tpu.dma_semaphore, #tpu.memory_space<semaphore_mem>>) {add = true}
    %dma_start3A_218 = arith.constant 7 : i32
    %dma_start3A_219 = arith.constant 0 : i32
    %dma_start3A_220 = tpu.memref_slice %arg11[%dma_start3A_218, %dma_start3A_219] : memref<23x128xi32, #tpu.memory_space<vmem>> -> memref<1x128xi32, #tpu.memory_space<vmem>>
    %dma_start3A_221 = tpu.memref_squeeze %dma_start3A_220 : memref<1x128xi32, #tpu.memory_space<vmem>> -> memref<128xi32, #tpu.memory_space<vmem>>
    %dma_start3A_222 = arith.constant 0 : i32
    %dma_start3A_223 = arith.constant 0 : i32
    %dma_start3A_224 = tpu.memref_slice %arg17[%dma_start3A_222, %dma_start3A_223] : memref<5888x16xf32, #tpu.memory_space<vmem_shared>> -> memref<5888x16xf32, #tpu.memory_space<vmem_shared>>
    tpu.enqueue_indirect_dma source(%arg12 : memref<128x16xf32, #tpu.memory_space<vmem>>) target(%dma_start3A_224 : memref<5888x16xf32, #tpu.memory_space<vmem_shared>>) offsets(%dma_start3A_221 : memref<128xi32, #tpu.memory_space<vmem>>) semaphore(%arg20 : memref<!tpu.dma_semaphore, #tpu.memory_space<semaphore_mem>>) {add = true}
    %dma_start3A_225 = arith.constant 8 : i32
    %dma_start3A_226 = arith.constant 0 : i32
    %dma_start3A_227 = tpu.memref_slice %arg11[%dma_start3A_225, %dma_start3A_226] : memref<23x128xi32, #tpu.memory_space<vmem>> -> memref<1x128xi32, #tpu.memory_space<vmem>>
    %dma_start3A_228 = tpu.memref_squeeze %dma_start3A_227 : memref<1x128xi32, #tpu.memory_space<vmem>> -> memref<128xi32, #tpu.memory_space<vmem>>
    %dma_start3A_229 = arith.constant 0 : i32
    %dma_start3A_230 = arith.constant 0 : i32
    %dma_start3A_231 = tpu.memref_slice %arg17[%dma_start3A_229, %dma_start3A_230] : memref<5888x16xf32, #tpu.memory_space<vmem_shared>> -> memref<5888x16xf32, #tpu.memory_space<vmem_shared>>
    tpu.enqueue_indirect_dma source(%arg12 : memref<128x16xf32, #tpu.memory_space<vmem>>) target(%dma_start3A_231 : memref<5888x16xf32, #tpu.memory_space<vmem_shared>>) offsets(%dma_start3A_228 : memref<128xi32, #tpu.memory_space<vmem>>) semaphore(%arg20 : memref<!tpu.dma_semaphore, #tpu.memory_space<semaphore_mem>>) {add = true}
    %dma_start3A_232 = arith.constant 9 : i32
    %dma_start3A_233 = arith.constant 0 : i32
    %dma_start3A_234 = tpu.memref_slice %arg11[%dma_start3A_232, %dma_start3A_233] : memref<23x128xi32, #tpu.memory_space<vmem>> -> memref<1x128xi32, #tpu.memory_space<vmem>>
    %dma_start3A_235 = tpu.memref_squeeze %dma_start3A_234 : memref<1x128xi32, #tpu.memory_space<vmem>> -> memref<128xi32, #tpu.memory_space<vmem>>
    %dma_start3A_236 = arith.constant 0 : i32
    %dma_start3A_237 = arith.constant 0 : i32
    %dma_start3A_238 = tpu.memref_slice %arg17[%dma_start3A_236, %dma_start3A_237] : memref<5888x16xf32, #tpu.memory_space<vmem_shared>> -> memref<5888x16xf32, #tpu.memory_space<vmem_shared>>
    tpu.enqueue_indirect_dma source(%arg12 : memref<128x16xf32, #tpu.memory_space<vmem>>) target(%dma_start3A_238 : memref<5888x16xf32, #tpu.memory_space<vmem_shared>>) offsets(%dma_start3A_235 : memref<128xi32, #tpu.memory_space<vmem>>) semaphore(%arg20 : memref<!tpu.dma_semaphore, #tpu.memory_space<semaphore_mem>>) {add = true}
    %dma_start3A_239 = arith.constant 10 : i32
    %dma_start3A_240 = arith.constant 0 : i32
    %dma_start3A_241 = tpu.memref_slice %arg11[%dma_start3A_239, %dma_start3A_240] : memref<23x128xi32, #tpu.memory_space<vmem>> -> memref<1x128xi32, #tpu.memory_space<vmem>>
    %dma_start3A_242 = tpu.memref_squeeze %dma_start3A_241 : memref<1x128xi32, #tpu.memory_space<vmem>> -> memref<128xi32, #tpu.memory_space<vmem>>
    %dma_start3A_243 = arith.constant 0 : i32
    %dma_start3A_244 = arith.constant 0 : i32
    %dma_start3A_245 = tpu.memref_slice %arg17[%dma_start3A_243, %dma_start3A_244] : memref<5888x16xf32, #tpu.memory_space<vmem_shared>> -> memref<5888x16xf32, #tpu.memory_space<vmem_shared>>
    tpu.enqueue_indirect_dma source(%arg12 : memref<128x16xf32, #tpu.memory_space<vmem>>) target(%dma_start3A_245 : memref<5888x16xf32, #tpu.memory_space<vmem_shared>>) offsets(%dma_start3A_242 : memref<128xi32, #tpu.memory_space<vmem>>) semaphore(%arg20 : memref<!tpu.dma_semaphore, #tpu.memory_space<semaphore_mem>>) {add = true}
    %dma_start3A_246 = arith.constant 11 : i32
    %dma_start3A_247 = arith.constant 0 : i32
    %dma_start3A_248 = tpu.memref_slice %arg11[%dma_start3A_246, %dma_start3A_247] : memref<23x128xi32, #tpu.memory_space<vmem>> -> memref<1x128xi32, #tpu.memory_space<vmem>>
    %dma_start3A_249 = tpu.memref_squeeze %dma_start3A_248 : memref<1x128xi32, #tpu.memory_space<vmem>> -> memref<128xi32, #tpu.memory_space<vmem>>
    %dma_start3A_250 = arith.constant 0 : i32
    %dma_start3A_251 = arith.constant 0 : i32
    %dma_start3A_252 = tpu.memref_slice %arg17[%dma_start3A_250, %dma_start3A_251] : memref<5888x16xf32, #tpu.memory_space<vmem_shared>> -> memref<5888x16xf32, #tpu.memory_space<vmem_shared>>
    tpu.enqueue_indirect_dma source(%arg12 : memref<128x16xf32, #tpu.memory_space<vmem>>) target(%dma_start3A_252 : memref<5888x16xf32, #tpu.memory_space<vmem_shared>>) offsets(%dma_start3A_249 : memref<128xi32, #tpu.memory_space<vmem>>) semaphore(%arg20 : memref<!tpu.dma_semaphore, #tpu.memory_space<semaphore_mem>>) {add = true}
    %dma_start3A_253 = arith.constant 12 : i32
    %dma_start3A_254 = arith.constant 0 : i32
    %dma_start3A_255 = tpu.memref_slice %arg11[%dma_start3A_253, %dma_start3A_254] : memref<23x128xi32, #tpu.memory_space<vmem>> -> memref<1x128xi32, #tpu.memory_space<vmem>>
    %dma_start3A_256 = tpu.memref_squeeze %dma_start3A_255 : memref<1x128xi32, #tpu.memory_space<vmem>> -> memref<128xi32, #tpu.memory_space<vmem>>
    %dma_start3A_257 = arith.constant 0 : i32
    %dma_start3A_258 = arith.constant 0 : i32
    %dma_start3A_259 = tpu.memref_slice %arg17[%dma_start3A_257, %dma_start3A_258] : memref<5888x16xf32, #tpu.memory_space<vmem_shared>> -> memref<5888x16xf32, #tpu.memory_space<vmem_shared>>
    tpu.enqueue_indirect_dma source(%arg12 : memref<128x16xf32, #tpu.memory_space<vmem>>) target(%dma_start3A_259 : memref<5888x16xf32, #tpu.memory_space<vmem_shared>>) offsets(%dma_start3A_256 : memref<128xi32, #tpu.memory_space<vmem>>) semaphore(%arg20 : memref<!tpu.dma_semaphore, #tpu.memory_space<semaphore_mem>>) {add = true}
    %dma_start3A_260 = arith.constant 13 : i32
    %dma_start3A_261 = arith.constant 0 : i32
    %dma_start3A_262 = tpu.memref_slice %arg11[%dma_start3A_260, %dma_start3A_261] : memref<23x128xi32, #tpu.memory_space<vmem>> -> memref<1x128xi32, #tpu.memory_space<vmem>>
    %dma_start3A_263 = tpu.memref_squeeze %dma_start3A_262 : memref<1x128xi32, #tpu.memory_space<vmem>> -> memref<128xi32, #tpu.memory_space<vmem>>
    %dma_start3A_264 = arith.constant 0 : i32
    %dma_start3A_265 = arith.constant 0 : i32
    %dma_start3A_266 = tpu.memref_slice %arg17[%dma_start3A_264, %dma_start3A_265] : memref<5888x16xf32, #tpu.memory_space<vmem_shared>> -> memref<5888x16xf32, #tpu.memory_space<vmem_shared>>
    tpu.enqueue_indirect_dma source(%arg12 : memref<128x16xf32, #tpu.memory_space<vmem>>) target(%dma_start3A_266 : memref<5888x16xf32, #tpu.memory_space<vmem_shared>>) offsets(%dma_start3A_263 : memref<128xi32, #tpu.memory_space<vmem>>) semaphore(%arg20 : memref<!tpu.dma_semaphore, #tpu.memory_space<semaphore_mem>>) {add = true}
    %dma_start3A_267 = arith.constant 14 : i32
    %dma_start3A_268 = arith.constant 0 : i32
    %dma_start3A_269 = tpu.memref_slice %arg11[%dma_start3A_267, %dma_start3A_268] : memref<23x128xi32, #tpu.memory_space<vmem>> -> memref<1x128xi32, #tpu.memory_space<vmem>>
    %dma_start3A_270 = tpu.memref_squeeze %dma_start3A_269 : memref<1x128xi32, #tpu.memory_space<vmem>> -> memref<128xi32, #tpu.memory_space<vmem>>
    %dma_start3A_271 = arith.constant 0 : i32
    %dma_start3A_272 = arith.constant 0 : i32
    %dma_start3A_273 = tpu.memref_slice %arg17[%dma_start3A_271, %dma_start3A_272] : memref<5888x16xf32, #tpu.memory_space<vmem_shared>> -> memref<5888x16xf32, #tpu.memory_space<vmem_shared>>
    tpu.enqueue_indirect_dma source(%arg12 : memref<128x16xf32, #tpu.memory_space<vmem>>) target(%dma_start3A_273 : memref<5888x16xf32, #tpu.memory_space<vmem_shared>>) offsets(%dma_start3A_270 : memref<128xi32, #tpu.memory_space<vmem>>) semaphore(%arg20 : memref<!tpu.dma_semaphore, #tpu.memory_space<semaphore_mem>>) {add = true}
    %dma_start3A_274 = arith.constant 15 : i32
    %dma_start3A_275 = arith.constant 0 : i32
    %dma_start3A_276 = tpu.memref_slice %arg11[%dma_start3A_274, %dma_start3A_275] : memref<23x128xi32, #tpu.memory_space<vmem>> -> memref<1x128xi32, #tpu.memory_space<vmem>>
    %dma_start3A_277 = tpu.memref_squeeze %dma_start3A_276 : memref<1x128xi32, #tpu.memory_space<vmem>> -> memref<128xi32, #tpu.memory_space<vmem>>
    %dma_start3A_278 = arith.constant 0 : i32
    %dma_start3A_279 = arith.constant 0 : i32
    %dma_start3A_280 = tpu.memref_slice %arg17[%dma_start3A_278, %dma_start3A_279] : memref<5888x16xf32, #tpu.memory_space<vmem_shared>> -> memref<5888x16xf32, #tpu.memory_space<vmem_shared>>
    tpu.enqueue_indirect_dma source(%arg12 : memref<128x16xf32, #tpu.memory_space<vmem>>) target(%dma_start3A_280 : memref<5888x16xf32, #tpu.memory_space<vmem_shared>>) offsets(%dma_start3A_277 : memref<128xi32, #tpu.memory_space<vmem>>) semaphore(%arg20 : memref<!tpu.dma_semaphore, #tpu.memory_space<semaphore_mem>>) {add = true}
    %dma_start3A_281 = arith.constant 16 : i32
    %dma_start3A_282 = arith.constant 0 : i32
    %dma_start3A_283 = tpu.memref_slice %arg11[%dma_start3A_281, %dma_start3A_282] : memref<23x128xi32, #tpu.memory_space<vmem>> -> memref<1x128xi32, #tpu.memory_space<vmem>>
    %dma_start3A_284 = tpu.memref_squeeze %dma_start3A_283 : memref<1x128xi32, #tpu.memory_space<vmem>> -> memref<128xi32, #tpu.memory_space<vmem>>
    %dma_start3A_285 = arith.constant 0 : i32
    %dma_start3A_286 = arith.constant 0 : i32
    %dma_start3A_287 = tpu.memref_slice %arg17[%dma_start3A_285, %dma_start3A_286] : memref<5888x16xf32, #tpu.memory_space<vmem_shared>> -> memref<5888x16xf32, #tpu.memory_space<vmem_shared>>
    tpu.enqueue_indirect_dma source(%arg12 : memref<128x16xf32, #tpu.memory_space<vmem>>) target(%dma_start3A_287 : memref<5888x16xf32, #tpu.memory_space<vmem_shared>>) offsets(%dma_start3A_284 : memref<128xi32, #tpu.memory_space<vmem>>) semaphore(%arg20 : memref<!tpu.dma_semaphore, #tpu.memory_space<semaphore_mem>>) {add = true}
    %dma_start3A_288 = arith.constant 17 : i32
    %dma_start3A_289 = arith.constant 0 : i32
    %dma_start3A_290 = tpu.memref_slice %arg11[%dma_start3A_288, %dma_start3A_289] : memref<23x128xi32, #tpu.memory_space<vmem>> -> memref<1x128xi32, #tpu.memory_space<vmem>>
    %dma_start3A_291 = tpu.memref_squeeze %dma_start3A_290 : memref<1x128xi32, #tpu.memory_space<vmem>> -> memref<128xi32, #tpu.memory_space<vmem>>
    %dma_start3A_292 = arith.constant 0 : i32
    %dma_start3A_293 = arith.constant 0 : i32
    %dma_start3A_294 = tpu.memref_slice %arg17[%dma_start3A_292, %dma_start3A_293] : memref<5888x16xf32, #tpu.memory_space<vmem_shared>> -> memref<5888x16xf32, #tpu.memory_space<vmem_shared>>
    tpu.enqueue_indirect_dma source(%arg12 : memref<128x16xf32, #tpu.memory_space<vmem>>) target(%dma_start3A_294 : memref<5888x16xf32, #tpu.memory_space<vmem_shared>>) offsets(%dma_start3A_291 : memref<128xi32, #tpu.memory_space<vmem>>) semaphore(%arg20 : memref<!tpu.dma_semaphore, #tpu.memory_space<semaphore_mem>>) {add = true}
    %dma_start3A_295 = arith.constant 18 : i32
    %dma_start3A_296 = arith.constant 0 : i32
    %dma_start3A_297 = tpu.memref_slice %arg11[%dma_start3A_295, %dma_start3A_296] : memref<23x128xi32, #tpu.memory_space<vmem>> -> memref<1x128xi32, #tpu.memory_space<vmem>>
    %dma_start3A_298 = tpu.memref_squeeze %dma_start3A_297 : memref<1x128xi32, #tpu.memory_space<vmem>> -> memref<128xi32, #tpu.memory_space<vmem>>
    %dma_start3A_299 = arith.constant 0 : i32
    %dma_start3A_300 = arith.constant 0 : i32
    %dma_start3A_301 = tpu.memref_slice %arg17[%dma_start3A_299, %dma_start3A_300] : memref<5888x16xf32, #tpu.memory_space<vmem_shared>> -> memref<5888x16xf32, #tpu.memory_space<vmem_shared>>
    tpu.enqueue_indirect_dma source(%arg12 : memref<128x16xf32, #tpu.memory_space<vmem>>) target(%dma_start3A_301 : memref<5888x16xf32, #tpu.memory_space<vmem_shared>>) offsets(%dma_start3A_298 : memref<128xi32, #tpu.memory_space<vmem>>) semaphore(%arg20 : memref<!tpu.dma_semaphore, #tpu.memory_space<semaphore_mem>>) {add = true}
    %dma_start3A_302 = arith.constant 19 : i32
    %dma_start3A_303 = arith.constant 0 : i32
    %dma_start3A_304 = tpu.memref_slice %arg11[%dma_start3A_302, %dma_start3A_303] : memref<23x128xi32, #tpu.memory_space<vmem>> -> memref<1x128xi32, #tpu.memory_space<vmem>>
    %dma_start3A_305 = tpu.memref_squeeze %dma_start3A_304 : memref<1x128xi32, #tpu.memory_space<vmem>> -> memref<128xi32, #tpu.memory_space<vmem>>
    %dma_start3A_306 = arith.constant 0 : i32
    %dma_start3A_307 = arith.constant 0 : i32
    %dma_start3A_308 = tpu.memref_slice %arg17[%dma_start3A_306, %dma_start3A_307] : memref<5888x16xf32, #tpu.memory_space<vmem_shared>> -> memref<5888x16xf32, #tpu.memory_space<vmem_shared>>
    tpu.enqueue_indirect_dma source(%arg12 : memref<128x16xf32, #tpu.memory_space<vmem>>) target(%dma_start3A_308 : memref<5888x16xf32, #tpu.memory_space<vmem_shared>>) offsets(%dma_start3A_305 : memref<128xi32, #tpu.memory_space<vmem>>) semaphore(%arg20 : memref<!tpu.dma_semaphore, #tpu.memory_space<semaphore_mem>>) {add = true}
    %dma_start3A_309 = arith.constant 20 : i32
    %dma_start3A_310 = arith.constant 0 : i32
    %dma_start3A_311 = tpu.memref_slice %arg11[%dma_start3A_309, %dma_start3A_310] : memref<23x128xi32, #tpu.memory_space<vmem>> -> memref<1x128xi32, #tpu.memory_space<vmem>>
    %dma_start3A_312 = tpu.memref_squeeze %dma_start3A_311 : memref<1x128xi32, #tpu.memory_space<vmem>> -> memref<128xi32, #tpu.memory_space<vmem>>
    %dma_start3A_313 = arith.constant 0 : i32
    %dma_start3A_314 = arith.constant 0 : i32
    %dma_start3A_315 = tpu.memref_slice %arg17[%dma_start3A_313, %dma_start3A_314] : memref<5888x16xf32, #tpu.memory_space<vmem_shared>> -> memref<5888x16xf32, #tpu.memory_space<vmem_shared>>
    tpu.enqueue_indirect_dma source(%arg12 : memref<128x16xf32, #tpu.memory_space<vmem>>) target(%dma_start3A_315 : memref<5888x16xf32, #tpu.memory_space<vmem_shared>>) offsets(%dma_start3A_312 : memref<128xi32, #tpu.memory_space<vmem>>) semaphore(%arg20 : memref<!tpu.dma_semaphore, #tpu.memory_space<semaphore_mem>>) {add = true}
    %dma_start3A_316 = arith.constant 21 : i32
    %dma_start3A_317 = arith.constant 0 : i32
    %dma_start3A_318 = tpu.memref_slice %arg11[%dma_start3A_316, %dma_start3A_317] : memref<23x128xi32, #tpu.memory_space<vmem>> -> memref<1x128xi32, #tpu.memory_space<vmem>>
    %dma_start3A_319 = tpu.memref_squeeze %dma_start3A_318 : memref<1x128xi32, #tpu.memory_space<vmem>> -> memref<128xi32, #tpu.memory_space<vmem>>
    %dma_start3A_320 = arith.constant 0 : i32
    %dma_start3A_321 = arith.constant 0 : i32
    %dma_start3A_322 = tpu.memref_slice %arg17[%dma_start3A_320, %dma_start3A_321] : memref<5888x16xf32, #tpu.memory_space<vmem_shared>> -> memref<5888x16xf32, #tpu.memory_space<vmem_shared>>
    tpu.enqueue_indirect_dma source(%arg12 : memref<128x16xf32, #tpu.memory_space<vmem>>) target(%dma_start3A_322 : memref<5888x16xf32, #tpu.memory_space<vmem_shared>>) offsets(%dma_start3A_319 : memref<128xi32, #tpu.memory_space<vmem>>) semaphore(%arg20 : memref<!tpu.dma_semaphore, #tpu.memory_space<semaphore_mem>>) {add = true}
    %dma_start3A_323 = arith.constant 22 : i32
    %dma_start3A_324 = arith.constant 0 : i32
    %dma_start3A_325 = tpu.memref_slice %arg11[%dma_start3A_323, %dma_start3A_324] : memref<23x128xi32, #tpu.memory_space<vmem>> -> memref<1x128xi32, #tpu.memory_space<vmem>>
    %dma_start3A_326 = tpu.memref_squeeze %dma_start3A_325 : memref<1x128xi32, #tpu.memory_space<vmem>> -> memref<128xi32, #tpu.memory_space<vmem>>
    %dma_start3A_327 = arith.constant 0 : i32
    %dma_start3A_328 = arith.constant 0 : i32
    %dma_start3A_329 = tpu.memref_slice %arg17[%dma_start3A_327, %dma_start3A_328] : memref<5888x16xf32, #tpu.memory_space<vmem_shared>> -> memref<5888x16xf32, #tpu.memory_space<vmem_shared>>
    tpu.enqueue_indirect_dma source(%arg12 : memref<128x16xf32, #tpu.memory_space<vmem>>) target(%dma_start3A_329 : memref<5888x16xf32, #tpu.memory_space<vmem_shared>>) offsets(%dma_start3A_326 : memref<128xi32, #tpu.memory_space<vmem>>) semaphore(%arg20 : memref<!tpu.dma_semaphore, #tpu.memory_space<semaphore_mem>>) {add = true}
    %dma_wait3A = arith.constant 0 : i32
    %dma_wait3A_330 = arith.constant 0 : i32
    %dma_wait3A_331 = tpu.memref_slice %arg10[%dma_wait3A, %dma_wait3A_330] : memref<23x128xi32, #tpu.memory_space<vmem>> -> memref<1x128xi32, #tpu.memory_space<vmem>>
    %dma_wait3A_332 = tpu.memref_squeeze %dma_wait3A_331 : memref<1x128xi32, #tpu.memory_space<vmem>> -> memref<128xi32, #tpu.memory_space<vmem>>
    %dma_wait3A_333 = arith.constant 0 : i32
    %dma_wait3A_334 = arith.constant 0 : i32
    %dma_wait3A_335 = tpu.memref_slice %arg17[%dma_wait3A_333, %dma_wait3A_334] : memref<5888x16xf32, #tpu.memory_space<vmem_shared>> -> memref<5888x16xf32, #tpu.memory_space<vmem_shared>>
    tpu.wait_indirect_dma semaphore(%arg20 : memref<!tpu.dma_semaphore, #tpu.memory_space<semaphore_mem>>) src(%arg12 : memref<128x16xf32, #tpu.memory_space<vmem>>) dst(%dma_wait3A_335 : memref<5888x16xf32, #tpu.memory_space<vmem_shared>>)
    %dma_wait3A_336 = arith.constant 1 : i32
    %dma_wait3A_337 = arith.constant 0 : i32
    %dma_wait3A_338 = tpu.memref_slice %arg10[%dma_wait3A_336, %dma_wait3A_337] : memref<23x128xi32, #tpu.memory_space<vmem>> -> memref<1x128xi32, #tpu.memory_space<vmem>>
    %dma_wait3A_339 = tpu.memref_squeeze %dma_wait3A_338 : memref<1x128xi32, #tpu.memory_space<vmem>> -> memref<128xi32, #tpu.memory_space<vmem>>
    %dma_wait3A_340 = arith.constant 0 : i32
    %dma_wait3A_341 = arith.constant 0 : i32
    %dma_wait3A_342 = tpu.memref_slice %arg17[%dma_wait3A_340, %dma_wait3A_341] : memref<5888x16xf32, #tpu.memory_space<vmem_shared>> -> memref<5888x16xf32, #tpu.memory_space<vmem_shared>>
    tpu.wait_indirect_dma semaphore(%arg20 : memref<!tpu.dma_semaphore, #tpu.memory_space<semaphore_mem>>) src(%arg12 : memref<128x16xf32, #tpu.memory_space<vmem>>) dst(%dma_wait3A_342 : memref<5888x16xf32, #tpu.memory_space<vmem_shared>>)
    %dma_wait3A_343 = arith.constant 2 : i32
    %dma_wait3A_344 = arith.constant 0 : i32
    %dma_wait3A_345 = tpu.memref_slice %arg10[%dma_wait3A_343, %dma_wait3A_344] : memref<23x128xi32, #tpu.memory_space<vmem>> -> memref<1x128xi32, #tpu.memory_space<vmem>>
    %dma_wait3A_346 = tpu.memref_squeeze %dma_wait3A_345 : memref<1x128xi32, #tpu.memory_space<vmem>> -> memref<128xi32, #tpu.memory_space<vmem>>
    %dma_wait3A_347 = arith.constant 0 : i32
    %dma_wait3A_348 = arith.constant 0 : i32
    %dma_wait3A_349 = tpu.memref_slice %arg17[%dma_wait3A_347, %dma_wait3A_348] : memref<5888x16xf32, #tpu.memory_space<vmem_shared>> -> memref<5888x16xf32, #tpu.memory_space<vmem_shared>>
    tpu.wait_indirect_dma semaphore(%arg20 : memref<!tpu.dma_semaphore, #tpu.memory_space<semaphore_mem>>) src(%arg12 : memref<128x16xf32, #tpu.memory_space<vmem>>) dst(%dma_wait3A_349 : memref<5888x16xf32, #tpu.memory_space<vmem_shared>>)
    %dma_wait3A_350 = arith.constant 3 : i32
    %dma_wait3A_351 = arith.constant 0 : i32
    %dma_wait3A_352 = tpu.memref_slice %arg10[%dma_wait3A_350, %dma_wait3A_351] : memref<23x128xi32, #tpu.memory_space<vmem>> -> memref<1x128xi32, #tpu.memory_space<vmem>>
    %dma_wait3A_353 = tpu.memref_squeeze %dma_wait3A_352 : memref<1x128xi32, #tpu.memory_space<vmem>> -> memref<128xi32, #tpu.memory_space<vmem>>
    %dma_wait3A_354 = arith.constant 0 : i32
    %dma_wait3A_355 = arith.constant 0 : i32
    %dma_wait3A_356 = tpu.memref_slice %arg17[%dma_wait3A_354, %dma_wait3A_355] : memref<5888x16xf32, #tpu.memory_space<vmem_shared>> -> memref<5888x16xf32, #tpu.memory_space<vmem_shared>>
    tpu.wait_indirect_dma semaphore(%arg20 : memref<!tpu.dma_semaphore, #tpu.memory_space<semaphore_mem>>) src(%arg12 : memref<128x16xf32, #tpu.memory_space<vmem>>) dst(%dma_wait3A_356 : memref<5888x16xf32, #tpu.memory_space<vmem_shared>>)
    %dma_wait3A_357 = arith.constant 4 : i32
    %dma_wait3A_358 = arith.constant 0 : i32
    %dma_wait3A_359 = tpu.memref_slice %arg10[%dma_wait3A_357, %dma_wait3A_358] : memref<23x128xi32, #tpu.memory_space<vmem>> -> memref<1x128xi32, #tpu.memory_space<vmem>>
    %dma_wait3A_360 = tpu.memref_squeeze %dma_wait3A_359 : memref<1x128xi32, #tpu.memory_space<vmem>> -> memref<128xi32, #tpu.memory_space<vmem>>
    %dma_wait3A_361 = arith.constant 0 : i32
    %dma_wait3A_362 = arith.constant 0 : i32
    %dma_wait3A_363 = tpu.memref_slice %arg17[%dma_wait3A_361, %dma_wait3A_362] : memref<5888x16xf32, #tpu.memory_space<vmem_shared>> -> memref<5888x16xf32, #tpu.memory_space<vmem_shared>>
    tpu.wait_indirect_dma semaphore(%arg20 : memref<!tpu.dma_semaphore, #tpu.memory_space<semaphore_mem>>) src(%arg12 : memref<128x16xf32, #tpu.memory_space<vmem>>) dst(%dma_wait3A_363 : memref<5888x16xf32, #tpu.memory_space<vmem_shared>>)
    %dma_wait3A_364 = arith.constant 5 : i32
    %dma_wait3A_365 = arith.constant 0 : i32
    %dma_wait3A_366 = tpu.memref_slice %arg10[%dma_wait3A_364, %dma_wait3A_365] : memref<23x128xi32, #tpu.memory_space<vmem>> -> memref<1x128xi32, #tpu.memory_space<vmem>>
    %dma_wait3A_367 = tpu.memref_squeeze %dma_wait3A_366 : memref<1x128xi32, #tpu.memory_space<vmem>> -> memref<128xi32, #tpu.memory_space<vmem>>
    %dma_wait3A_368 = arith.constant 0 : i32
    %dma_wait3A_369 = arith.constant 0 : i32
    %dma_wait3A_370 = tpu.memref_slice %arg17[%dma_wait3A_368, %dma_wait3A_369] : memref<5888x16xf32, #tpu.memory_space<vmem_shared>> -> memref<5888x16xf32, #tpu.memory_space<vmem_shared>>
    tpu.wait_indirect_dma semaphore(%arg20 : memref<!tpu.dma_semaphore, #tpu.memory_space<semaphore_mem>>) src(%arg12 : memref<128x16xf32, #tpu.memory_space<vmem>>) dst(%dma_wait3A_370 : memref<5888x16xf32, #tpu.memory_space<vmem_shared>>)
    %dma_wait3A_371 = arith.constant 6 : i32
    %dma_wait3A_372 = arith.constant 0 : i32
    %dma_wait3A_373 = tpu.memref_slice %arg10[%dma_wait3A_371, %dma_wait3A_372] : memref<23x128xi32, #tpu.memory_space<vmem>> -> memref<1x128xi32, #tpu.memory_space<vmem>>
    %dma_wait3A_374 = tpu.memref_squeeze %dma_wait3A_373 : memref<1x128xi32, #tpu.memory_space<vmem>> -> memref<128xi32, #tpu.memory_space<vmem>>
    %dma_wait3A_375 = arith.constant 0 : i32
    %dma_wait3A_376 = arith.constant 0 : i32
    %dma_wait3A_377 = tpu.memref_slice %arg17[%dma_wait3A_375, %dma_wait3A_376] : memref<5888x16xf32, #tpu.memory_space<vmem_shared>> -> memref<5888x16xf32, #tpu.memory_space<vmem_shared>>
    tpu.wait_indirect_dma semaphore(%arg20 : memref<!tpu.dma_semaphore, #tpu.memory_space<semaphore_mem>>) src(%arg12 : memref<128x16xf32, #tpu.memory_space<vmem>>) dst(%dma_wait3A_377 : memref<5888x16xf32, #tpu.memory_space<vmem_shared>>)
    %dma_wait3A_378 = arith.constant 7 : i32
    %dma_wait3A_379 = arith.constant 0 : i32
    %dma_wait3A_380 = tpu.memref_slice %arg10[%dma_wait3A_378, %dma_wait3A_379] : memref<23x128xi32, #tpu.memory_space<vmem>> -> memref<1x128xi32, #tpu.memory_space<vmem>>
    %dma_wait3A_381 = tpu.memref_squeeze %dma_wait3A_380 : memref<1x128xi32, #tpu.memory_space<vmem>> -> memref<128xi32, #tpu.memory_space<vmem>>
    %dma_wait3A_382 = arith.constant 0 : i32
    %dma_wait3A_383 = arith.constant 0 : i32
    %dma_wait3A_384 = tpu.memref_slice %arg17[%dma_wait3A_382, %dma_wait3A_383] : memref<5888x16xf32, #tpu.memory_space<vmem_shared>> -> memref<5888x16xf32, #tpu.memory_space<vmem_shared>>
    tpu.wait_indirect_dma semaphore(%arg20 : memref<!tpu.dma_semaphore, #tpu.memory_space<semaphore_mem>>) src(%arg12 : memref<128x16xf32, #tpu.memory_space<vmem>>) dst(%dma_wait3A_384 : memref<5888x16xf32, #tpu.memory_space<vmem_shared>>)
    %dma_wait3A_385 = arith.constant 8 : i32
    %dma_wait3A_386 = arith.constant 0 : i32
    %dma_wait3A_387 = tpu.memref_slice %arg10[%dma_wait3A_385, %dma_wait3A_386] : memref<23x128xi32, #tpu.memory_space<vmem>> -> memref<1x128xi32, #tpu.memory_space<vmem>>
    %dma_wait3A_388 = tpu.memref_squeeze %dma_wait3A_387 : memref<1x128xi32, #tpu.memory_space<vmem>> -> memref<128xi32, #tpu.memory_space<vmem>>
    %dma_wait3A_389 = arith.constant 0 : i32
    %dma_wait3A_390 = arith.constant 0 : i32
    %dma_wait3A_391 = tpu.memref_slice %arg17[%dma_wait3A_389, %dma_wait3A_390] : memref<5888x16xf32, #tpu.memory_space<vmem_shared>> -> memref<5888x16xf32, #tpu.memory_space<vmem_shared>>
    tpu.wait_indirect_dma semaphore(%arg20 : memref<!tpu.dma_semaphore, #tpu.memory_space<semaphore_mem>>) src(%arg12 : memref<128x16xf32, #tpu.memory_space<vmem>>) dst(%dma_wait3A_391 : memref<5888x16xf32, #tpu.memory_space<vmem_shared>>)
    %dma_wait3A_392 = arith.constant 9 : i32
    %dma_wait3A_393 = arith.constant 0 : i32
    %dma_wait3A_394 = tpu.memref_slice %arg10[%dma_wait3A_392, %dma_wait3A_393] : memref<23x128xi32, #tpu.memory_space<vmem>> -> memref<1x128xi32, #tpu.memory_space<vmem>>
    %dma_wait3A_395 = tpu.memref_squeeze %dma_wait3A_394 : memref<1x128xi32, #tpu.memory_space<vmem>> -> memref<128xi32, #tpu.memory_space<vmem>>
    %dma_wait3A_396 = arith.constant 0 : i32
    %dma_wait3A_397 = arith.constant 0 : i32
    %dma_wait3A_398 = tpu.memref_slice %arg17[%dma_wait3A_396, %dma_wait3A_397] : memref<5888x16xf32, #tpu.memory_space<vmem_shared>> -> memref<5888x16xf32, #tpu.memory_space<vmem_shared>>
    tpu.wait_indirect_dma semaphore(%arg20 : memref<!tpu.dma_semaphore, #tpu.memory_space<semaphore_mem>>) src(%arg12 : memref<128x16xf32, #tpu.memory_space<vmem>>) dst(%dma_wait3A_398 : memref<5888x16xf32, #tpu.memory_space<vmem_shared>>)
    %dma_wait3A_399 = arith.constant 10 : i32
    %dma_wait3A_400 = arith.constant 0 : i32
    %dma_wait3A_401 = tpu.memref_slice %arg10[%dma_wait3A_399, %dma_wait3A_400] : memref<23x128xi32, #tpu.memory_space<vmem>> -> memref<1x128xi32, #tpu.memory_space<vmem>>
    %dma_wait3A_402 = tpu.memref_squeeze %dma_wait3A_401 : memref<1x128xi32, #tpu.memory_space<vmem>> -> memref<128xi32, #tpu.memory_space<vmem>>
    %dma_wait3A_403 = arith.constant 0 : i32
    %dma_wait3A_404 = arith.constant 0 : i32
    %dma_wait3A_405 = tpu.memref_slice %arg17[%dma_wait3A_403, %dma_wait3A_404] : memref<5888x16xf32, #tpu.memory_space<vmem_shared>> -> memref<5888x16xf32, #tpu.memory_space<vmem_shared>>
    tpu.wait_indirect_dma semaphore(%arg20 : memref<!tpu.dma_semaphore, #tpu.memory_space<semaphore_mem>>) src(%arg12 : memref<128x16xf32, #tpu.memory_space<vmem>>) dst(%dma_wait3A_405 : memref<5888x16xf32, #tpu.memory_space<vmem_shared>>)
    %dma_wait3A_406 = arith.constant 11 : i32
    %dma_wait3A_407 = arith.constant 0 : i32
    %dma_wait3A_408 = tpu.memref_slice %arg10[%dma_wait3A_406, %dma_wait3A_407] : memref<23x128xi32, #tpu.memory_space<vmem>> -> memref<1x128xi32, #tpu.memory_space<vmem>>
    %dma_wait3A_409 = tpu.memref_squeeze %dma_wait3A_408 : memref<1x128xi32, #tpu.memory_space<vmem>> -> memref<128xi32, #tpu.memory_space<vmem>>
    %dma_wait3A_410 = arith.constant 0 : i32
    %dma_wait3A_411 = arith.constant 0 : i32
    %dma_wait3A_412 = tpu.memref_slice %arg17[%dma_wait3A_410, %dma_wait3A_411] : memref<5888x16xf32, #tpu.memory_space<vmem_shared>> -> memref<5888x16xf32, #tpu.memory_space<vmem_shared>>
    tpu.wait_indirect_dma semaphore(%arg20 : memref<!tpu.dma_semaphore, #tpu.memory_space<semaphore_mem>>) src(%arg12 : memref<128x16xf32, #tpu.memory_space<vmem>>) dst(%dma_wait3A_412 : memref<5888x16xf32, #tpu.memory_space<vmem_shared>>)
    %dma_wait3A_413 = arith.constant 12 : i32
    %dma_wait3A_414 = arith.constant 0 : i32
    %dma_wait3A_415 = tpu.memref_slice %arg10[%dma_wait3A_413, %dma_wait3A_414] : memref<23x128xi32, #tpu.memory_space<vmem>> -> memref<1x128xi32, #tpu.memory_space<vmem>>
    %dma_wait3A_416 = tpu.memref_squeeze %dma_wait3A_415 : memref<1x128xi32, #tpu.memory_space<vmem>> -> memref<128xi32, #tpu.memory_space<vmem>>
    %dma_wait3A_417 = arith.constant 0 : i32
    %dma_wait3A_418 = arith.constant 0 : i32
    %dma_wait3A_419 = tpu.memref_slice %arg17[%dma_wait3A_417, %dma_wait3A_418] : memref<5888x16xf32, #tpu.memory_space<vmem_shared>> -> memref<5888x16xf32, #tpu.memory_space<vmem_shared>>
    tpu.wait_indirect_dma semaphore(%arg20 : memref<!tpu.dma_semaphore, #tpu.memory_space<semaphore_mem>>) src(%arg12 : memref<128x16xf32, #tpu.memory_space<vmem>>) dst(%dma_wait3A_419 : memref<5888x16xf32, #tpu.memory_space<vmem_shared>>)
    %dma_wait3A_420 = arith.constant 13 : i32
    %dma_wait3A_421 = arith.constant 0 : i32
    %dma_wait3A_422 = tpu.memref_slice %arg10[%dma_wait3A_420, %dma_wait3A_421] : memref<23x128xi32, #tpu.memory_space<vmem>> -> memref<1x128xi32, #tpu.memory_space<vmem>>
    %dma_wait3A_423 = tpu.memref_squeeze %dma_wait3A_422 : memref<1x128xi32, #tpu.memory_space<vmem>> -> memref<128xi32, #tpu.memory_space<vmem>>
    %dma_wait3A_424 = arith.constant 0 : i32
    %dma_wait3A_425 = arith.constant 0 : i32
    %dma_wait3A_426 = tpu.memref_slice %arg17[%dma_wait3A_424, %dma_wait3A_425] : memref<5888x16xf32, #tpu.memory_space<vmem_shared>> -> memref<5888x16xf32, #tpu.memory_space<vmem_shared>>
    tpu.wait_indirect_dma semaphore(%arg20 : memref<!tpu.dma_semaphore, #tpu.memory_space<semaphore_mem>>) src(%arg12 : memref<128x16xf32, #tpu.memory_space<vmem>>) dst(%dma_wait3A_426 : memref<5888x16xf32, #tpu.memory_space<vmem_shared>>)
    %dma_wait3A_427 = arith.constant 14 : i32
    %dma_wait3A_428 = arith.constant 0 : i32
    %dma_wait3A_429 = tpu.memref_slice %arg10[%dma_wait3A_427, %dma_wait3A_428] : memref<23x128xi32, #tpu.memory_space<vmem>> -> memref<1x128xi32, #tpu.memory_space<vmem>>
    %dma_wait3A_430 = tpu.memref_squeeze %dma_wait3A_429 : memref<1x128xi32, #tpu.memory_space<vmem>> -> memref<128xi32, #tpu.memory_space<vmem>>
    %dma_wait3A_431 = arith.constant 0 : i32
    %dma_wait3A_432 = arith.constant 0 : i32
    %dma_wait3A_433 = tpu.memref_slice %arg17[%dma_wait3A_431, %dma_wait3A_432] : memref<5888x16xf32, #tpu.memory_space<vmem_shared>> -> memref<5888x16xf32, #tpu.memory_space<vmem_shared>>
    tpu.wait_indirect_dma semaphore(%arg20 : memref<!tpu.dma_semaphore, #tpu.memory_space<semaphore_mem>>) src(%arg12 : memref<128x16xf32, #tpu.memory_space<vmem>>) dst(%dma_wait3A_433 : memref<5888x16xf32, #tpu.memory_space<vmem_shared>>)
    %dma_wait3A_434 = arith.constant 15 : i32
    %dma_wait3A_435 = arith.constant 0 : i32
    %dma_wait3A_436 = tpu.memref_slice %arg10[%dma_wait3A_434, %dma_wait3A_435] : memref<23x128xi32, #tpu.memory_space<vmem>> -> memref<1x128xi32, #tpu.memory_space<vmem>>
    %dma_wait3A_437 = tpu.memref_squeeze %dma_wait3A_436 : memref<1x128xi32, #tpu.memory_space<vmem>> -> memref<128xi32, #tpu.memory_space<vmem>>
    %dma_wait3A_438 = arith.constant 0 : i32
    %dma_wait3A_439 = arith.constant 0 : i32
    %dma_wait3A_440 = tpu.memref_slice %arg17[%dma_wait3A_438, %dma_wait3A_439] : memref<5888x16xf32, #tpu.memory_space<vmem_shared>> -> memref<5888x16xf32, #tpu.memory_space<vmem_shared>>
    tpu.wait_indirect_dma semaphore(%arg20 : memref<!tpu.dma_semaphore, #tpu.memory_space<semaphore_mem>>) src(%arg12 : memref<128x16xf32, #tpu.memory_space<vmem>>) dst(%dma_wait3A_440 : memref<5888x16xf32, #tpu.memory_space<vmem_shared>>)
    %dma_wait3A_441 = arith.constant 16 : i32
    %dma_wait3A_442 = arith.constant 0 : i32
    %dma_wait3A_443 = tpu.memref_slice %arg10[%dma_wait3A_441, %dma_wait3A_442] : memref<23x128xi32, #tpu.memory_space<vmem>> -> memref<1x128xi32, #tpu.memory_space<vmem>>
    %dma_wait3A_444 = tpu.memref_squeeze %dma_wait3A_443 : memref<1x128xi32, #tpu.memory_space<vmem>> -> memref<128xi32, #tpu.memory_space<vmem>>
    %dma_wait3A_445 = arith.constant 0 : i32
    %dma_wait3A_446 = arith.constant 0 : i32
    %dma_wait3A_447 = tpu.memref_slice %arg17[%dma_wait3A_445, %dma_wait3A_446] : memref<5888x16xf32, #tpu.memory_space<vmem_shared>> -> memref<5888x16xf32, #tpu.memory_space<vmem_shared>>
    tpu.wait_indirect_dma semaphore(%arg20 : memref<!tpu.dma_semaphore, #tpu.memory_space<semaphore_mem>>) src(%arg12 : memref<128x16xf32, #tpu.memory_space<vmem>>) dst(%dma_wait3A_447 : memref<5888x16xf32, #tpu.memory_space<vmem_shared>>)
    %dma_wait3A_448 = arith.constant 17 : i32
    %dma_wait3A_449 = arith.constant 0 : i32
    %dma_wait3A_450 = tpu.memref_slice %arg10[%dma_wait3A_448, %dma_wait3A_449] : memref<23x128xi32, #tpu.memory_space<vmem>> -> memref<1x128xi32, #tpu.memory_space<vmem>>
    %dma_wait3A_451 = tpu.memref_squeeze %dma_wait3A_450 : memref<1x128xi32, #tpu.memory_space<vmem>> -> memref<128xi32, #tpu.memory_space<vmem>>
    %dma_wait3A_452 = arith.constant 0 : i32
    %dma_wait3A_453 = arith.constant 0 : i32
    %dma_wait3A_454 = tpu.memref_slice %arg17[%dma_wait3A_452, %dma_wait3A_453] : memref<5888x16xf32, #tpu.memory_space<vmem_shared>> -> memref<5888x16xf32, #tpu.memory_space<vmem_shared>>
    tpu.wait_indirect_dma semaphore(%arg20 : memref<!tpu.dma_semaphore, #tpu.memory_space<semaphore_mem>>) src(%arg12 : memref<128x16xf32, #tpu.memory_space<vmem>>) dst(%dma_wait3A_454 : memref<5888x16xf32, #tpu.memory_space<vmem_shared>>)
    %dma_wait3A_455 = arith.constant 18 : i32
    %dma_wait3A_456 = arith.constant 0 : i32
    %dma_wait3A_457 = tpu.memref_slice %arg10[%dma_wait3A_455, %dma_wait3A_456] : memref<23x128xi32, #tpu.memory_space<vmem>> -> memref<1x128xi32, #tpu.memory_space<vmem>>
    %dma_wait3A_458 = tpu.memref_squeeze %dma_wait3A_457 : memref<1x128xi32, #tpu.memory_space<vmem>> -> memref<128xi32, #tpu.memory_space<vmem>>
    %dma_wait3A_459 = arith.constant 0 : i32
    %dma_wait3A_460 = arith.constant 0 : i32
    %dma_wait3A_461 = tpu.memref_slice %arg17[%dma_wait3A_459, %dma_wait3A_460] : memref<5888x16xf32, #tpu.memory_space<vmem_shared>> -> memref<5888x16xf32, #tpu.memory_space<vmem_shared>>
    tpu.wait_indirect_dma semaphore(%arg20 : memref<!tpu.dma_semaphore, #tpu.memory_space<semaphore_mem>>) src(%arg12 : memref<128x16xf32, #tpu.memory_space<vmem>>) dst(%dma_wait3A_461 : memref<5888x16xf32, #tpu.memory_space<vmem_shared>>)
    %dma_wait3A_462 = arith.constant 19 : i32
    %dma_wait3A_463 = arith.constant 0 : i32
    %dma_wait3A_464 = tpu.memref_slice %arg10[%dma_wait3A_462, %dma_wait3A_463] : memref<23x128xi32, #tpu.memory_space<vmem>> -> memref<1x128xi32, #tpu.memory_space<vmem>>
    %dma_wait3A_465 = tpu.memref_squeeze %dma_wait3A_464 : memref<1x128xi32, #tpu.memory_space<vmem>> -> memref<128xi32, #tpu.memory_space<vmem>>
    %dma_wait3A_466 = arith.constant 0 : i32
    %dma_wait3A_467 = arith.constant 0 : i32
    %dma_wait3A_468 = tpu.memref_slice %arg17[%dma_wait3A_466, %dma_wait3A_467] : memref<5888x16xf32, #tpu.memory_space<vmem_shared>> -> memref<5888x16xf32, #tpu.memory_space<vmem_shared>>
    tpu.wait_indirect_dma semaphore(%arg20 : memref<!tpu.dma_semaphore, #tpu.memory_space<semaphore_mem>>) src(%arg12 : memref<128x16xf32, #tpu.memory_space<vmem>>) dst(%dma_wait3A_468 : memref<5888x16xf32, #tpu.memory_space<vmem_shared>>)
    %dma_wait3A_469 = arith.constant 20 : i32
    %dma_wait3A_470 = arith.constant 0 : i32
    %dma_wait3A_471 = tpu.memref_slice %arg10[%dma_wait3A_469, %dma_wait3A_470] : memref<23x128xi32, #tpu.memory_space<vmem>> -> memref<1x128xi32, #tpu.memory_space<vmem>>
    %dma_wait3A_472 = tpu.memref_squeeze %dma_wait3A_471 : memref<1x128xi32, #tpu.memory_space<vmem>> -> memref<128xi32, #tpu.memory_space<vmem>>
    %dma_wait3A_473 = arith.constant 0 : i32
    %dma_wait3A_474 = arith.constant 0 : i32
    %dma_wait3A_475 = tpu.memref_slice %arg17[%dma_wait3A_473, %dma_wait3A_474] : memref<5888x16xf32, #tpu.memory_space<vmem_shared>> -> memref<5888x16xf32, #tpu.memory_space<vmem_shared>>
    tpu.wait_indirect_dma semaphore(%arg20 : memref<!tpu.dma_semaphore, #tpu.memory_space<semaphore_mem>>) src(%arg12 : memref<128x16xf32, #tpu.memory_space<vmem>>) dst(%dma_wait3A_475 : memref<5888x16xf32, #tpu.memory_space<vmem_shared>>)
    %dma_wait3A_476 = arith.constant 21 : i32
    %dma_wait3A_477 = arith.constant 0 : i32
    %dma_wait3A_478 = tpu.memref_slice %arg10[%dma_wait3A_476, %dma_wait3A_477] : memref<23x128xi32, #tpu.memory_space<vmem>> -> memref<1x128xi32, #tpu.memory_space<vmem>>
    %dma_wait3A_479 = tpu.memref_squeeze %dma_wait3A_478 : memref<1x128xi32, #tpu.memory_space<vmem>> -> memref<128xi32, #tpu.memory_space<vmem>>
    %dma_wait3A_480 = arith.constant 0 : i32
    %dma_wait3A_481 = arith.constant 0 : i32
    %dma_wait3A_482 = tpu.memref_slice %arg17[%dma_wait3A_480, %dma_wait3A_481] : memref<5888x16xf32, #tpu.memory_space<vmem_shared>> -> memref<5888x16xf32, #tpu.memory_space<vmem_shared>>
    tpu.wait_indirect_dma semaphore(%arg20 : memref<!tpu.dma_semaphore, #tpu.memory_space<semaphore_mem>>) src(%arg12 : memref<128x16xf32, #tpu.memory_space<vmem>>) dst(%dma_wait3A_482 : memref<5888x16xf32, #tpu.memory_space<vmem_shared>>)
    %dma_wait3A_483 = arith.constant 22 : i32
    %dma_wait3A_484 = arith.constant 0 : i32
    %dma_wait3A_485 = tpu.memref_slice %arg10[%dma_wait3A_483, %dma_wait3A_484] : memref<23x128xi32, #tpu.memory_space<vmem>> -> memref<1x128xi32, #tpu.memory_space<vmem>>
    %dma_wait3A_486 = tpu.memref_squeeze %dma_wait3A_485 : memref<1x128xi32, #tpu.memory_space<vmem>> -> memref<128xi32, #tpu.memory_space<vmem>>
    %dma_wait3A_487 = arith.constant 0 : i32
    %dma_wait3A_488 = arith.constant 0 : i32
    %dma_wait3A_489 = tpu.memref_slice %arg17[%dma_wait3A_487, %dma_wait3A_488] : memref<5888x16xf32, #tpu.memory_space<vmem_shared>> -> memref<5888x16xf32, #tpu.memory_space<vmem_shared>>
    tpu.wait_indirect_dma semaphore(%arg20 : memref<!tpu.dma_semaphore, #tpu.memory_space<semaphore_mem>>) src(%arg12 : memref<128x16xf32, #tpu.memory_space<vmem>>) dst(%dma_wait3A_489 : memref<5888x16xf32, #tpu.memory_space<vmem_shared>>)
    %dma_wait3A_490 = arith.constant 0 : i32
    %dma_wait3A_491 = arith.constant 0 : i32
    %dma_wait3A_492 = tpu.memref_slice %arg11[%dma_wait3A_490, %dma_wait3A_491] : memref<23x128xi32, #tpu.memory_space<vmem>> -> memref<1x128xi32, #tpu.memory_space<vmem>>
    %dma_wait3A_493 = tpu.memref_squeeze %dma_wait3A_492 : memref<1x128xi32, #tpu.memory_space<vmem>> -> memref<128xi32, #tpu.memory_space<vmem>>
    %dma_wait3A_494 = arith.constant 0 : i32
    %dma_wait3A_495 = arith.constant 0 : i32
    %dma_wait3A_496 = tpu.memref_slice %arg17[%dma_wait3A_494, %dma_wait3A_495] : memref<5888x16xf32, #tpu.memory_space<vmem_shared>> -> memref<5888x16xf32, #tpu.memory_space<vmem_shared>>
    tpu.wait_indirect_dma semaphore(%arg20 : memref<!tpu.dma_semaphore, #tpu.memory_space<semaphore_mem>>) src(%arg12 : memref<128x16xf32, #tpu.memory_space<vmem>>) dst(%dma_wait3A_496 : memref<5888x16xf32, #tpu.memory_space<vmem_shared>>)
    %dma_wait3A_497 = arith.constant 1 : i32
    %dma_wait3A_498 = arith.constant 0 : i32
    %dma_wait3A_499 = tpu.memref_slice %arg11[%dma_wait3A_497, %dma_wait3A_498] : memref<23x128xi32, #tpu.memory_space<vmem>> -> memref<1x128xi32, #tpu.memory_space<vmem>>
    %dma_wait3A_500 = tpu.memref_squeeze %dma_wait3A_499 : memref<1x128xi32, #tpu.memory_space<vmem>> -> memref<128xi32, #tpu.memory_space<vmem>>
    %dma_wait3A_501 = arith.constant 0 : i32
    %dma_wait3A_502 = arith.constant 0 : i32
    %dma_wait3A_503 = tpu.memref_slice %arg17[%dma_wait3A_501, %dma_wait3A_502] : memref<5888x16xf32, #tpu.memory_space<vmem_shared>> -> memref<5888x16xf32, #tpu.memory_space<vmem_shared>>
    tpu.wait_indirect_dma semaphore(%arg20 : memref<!tpu.dma_semaphore, #tpu.memory_space<semaphore_mem>>) src(%arg12 : memref<128x16xf32, #tpu.memory_space<vmem>>) dst(%dma_wait3A_503 : memref<5888x16xf32, #tpu.memory_space<vmem_shared>>)
    %dma_wait3A_504 = arith.constant 2 : i32
    %dma_wait3A_505 = arith.constant 0 : i32
    %dma_wait3A_506 = tpu.memref_slice %arg11[%dma_wait3A_504, %dma_wait3A_505] : memref<23x128xi32, #tpu.memory_space<vmem>> -> memref<1x128xi32, #tpu.memory_space<vmem>>
    %dma_wait3A_507 = tpu.memref_squeeze %dma_wait3A_506 : memref<1x128xi32, #tpu.memory_space<vmem>> -> memref<128xi32, #tpu.memory_space<vmem>>
    %dma_wait3A_508 = arith.constant 0 : i32
    %dma_wait3A_509 = arith.constant 0 : i32
    %dma_wait3A_510 = tpu.memref_slice %arg17[%dma_wait3A_508, %dma_wait3A_509] : memref<5888x16xf32, #tpu.memory_space<vmem_shared>> -> memref<5888x16xf32, #tpu.memory_space<vmem_shared>>
    tpu.wait_indirect_dma semaphore(%arg20 : memref<!tpu.dma_semaphore, #tpu.memory_space<semaphore_mem>>) src(%arg12 : memref<128x16xf32, #tpu.memory_space<vmem>>) dst(%dma_wait3A_510 : memref<5888x16xf32, #tpu.memory_space<vmem_shared>>)
    %dma_wait3A_511 = arith.constant 3 : i32
    %dma_wait3A_512 = arith.constant 0 : i32
    %dma_wait3A_513 = tpu.memref_slice %arg11[%dma_wait3A_511, %dma_wait3A_512] : memref<23x128xi32, #tpu.memory_space<vmem>> -> memref<1x128xi32, #tpu.memory_space<vmem>>
    %dma_wait3A_514 = tpu.memref_squeeze %dma_wait3A_513 : memref<1x128xi32, #tpu.memory_space<vmem>> -> memref<128xi32, #tpu.memory_space<vmem>>
    %dma_wait3A_515 = arith.constant 0 : i32
    %dma_wait3A_516 = arith.constant 0 : i32
    %dma_wait3A_517 = tpu.memref_slice %arg17[%dma_wait3A_515, %dma_wait3A_516] : memref<5888x16xf32, #tpu.memory_space<vmem_shared>> -> memref<5888x16xf32, #tpu.memory_space<vmem_shared>>
    tpu.wait_indirect_dma semaphore(%arg20 : memref<!tpu.dma_semaphore, #tpu.memory_space<semaphore_mem>>) src(%arg12 : memref<128x16xf32, #tpu.memory_space<vmem>>) dst(%dma_wait3A_517 : memref<5888x16xf32, #tpu.memory_space<vmem_shared>>)
    %dma_wait3A_518 = arith.constant 4 : i32
    %dma_wait3A_519 = arith.constant 0 : i32
    %dma_wait3A_520 = tpu.memref_slice %arg11[%dma_wait3A_518, %dma_wait3A_519] : memref<23x128xi32, #tpu.memory_space<vmem>> -> memref<1x128xi32, #tpu.memory_space<vmem>>
    %dma_wait3A_521 = tpu.memref_squeeze %dma_wait3A_520 : memref<1x128xi32, #tpu.memory_space<vmem>> -> memref<128xi32, #tpu.memory_space<vmem>>
    %dma_wait3A_522 = arith.constant 0 : i32
    %dma_wait3A_523 = arith.constant 0 : i32
    %dma_wait3A_524 = tpu.memref_slice %arg17[%dma_wait3A_522, %dma_wait3A_523] : memref<5888x16xf32, #tpu.memory_space<vmem_shared>> -> memref<5888x16xf32, #tpu.memory_space<vmem_shared>>
    tpu.wait_indirect_dma semaphore(%arg20 : memref<!tpu.dma_semaphore, #tpu.memory_space<semaphore_mem>>) src(%arg12 : memref<128x16xf32, #tpu.memory_space<vmem>>) dst(%dma_wait3A_524 : memref<5888x16xf32, #tpu.memory_space<vmem_shared>>)
    %dma_wait3A_525 = arith.constant 5 : i32
    %dma_wait3A_526 = arith.constant 0 : i32
    %dma_wait3A_527 = tpu.memref_slice %arg11[%dma_wait3A_525, %dma_wait3A_526] : memref<23x128xi32, #tpu.memory_space<vmem>> -> memref<1x128xi32, #tpu.memory_space<vmem>>
    %dma_wait3A_528 = tpu.memref_squeeze %dma_wait3A_527 : memref<1x128xi32, #tpu.memory_space<vmem>> -> memref<128xi32, #tpu.memory_space<vmem>>
    %dma_wait3A_529 = arith.constant 0 : i32
    %dma_wait3A_530 = arith.constant 0 : i32
    %dma_wait3A_531 = tpu.memref_slice %arg17[%dma_wait3A_529, %dma_wait3A_530] : memref<5888x16xf32, #tpu.memory_space<vmem_shared>> -> memref<5888x16xf32, #tpu.memory_space<vmem_shared>>
    tpu.wait_indirect_dma semaphore(%arg20 : memref<!tpu.dma_semaphore, #tpu.memory_space<semaphore_mem>>) src(%arg12 : memref<128x16xf32, #tpu.memory_space<vmem>>) dst(%dma_wait3A_531 : memref<5888x16xf32, #tpu.memory_space<vmem_shared>>)
    %dma_wait3A_532 = arith.constant 6 : i32
    %dma_wait3A_533 = arith.constant 0 : i32
    %dma_wait3A_534 = tpu.memref_slice %arg11[%dma_wait3A_532, %dma_wait3A_533] : memref<23x128xi32, #tpu.memory_space<vmem>> -> memref<1x128xi32, #tpu.memory_space<vmem>>
    %dma_wait3A_535 = tpu.memref_squeeze %dma_wait3A_534 : memref<1x128xi32, #tpu.memory_space<vmem>> -> memref<128xi32, #tpu.memory_space<vmem>>
    %dma_wait3A_536 = arith.constant 0 : i32
    %dma_wait3A_537 = arith.constant 0 : i32
    %dma_wait3A_538 = tpu.memref_slice %arg17[%dma_wait3A_536, %dma_wait3A_537] : memref<5888x16xf32, #tpu.memory_space<vmem_shared>> -> memref<5888x16xf32, #tpu.memory_space<vmem_shared>>
    tpu.wait_indirect_dma semaphore(%arg20 : memref<!tpu.dma_semaphore, #tpu.memory_space<semaphore_mem>>) src(%arg12 : memref<128x16xf32, #tpu.memory_space<vmem>>) dst(%dma_wait3A_538 : memref<5888x16xf32, #tpu.memory_space<vmem_shared>>)
    %dma_wait3A_539 = arith.constant 7 : i32
    %dma_wait3A_540 = arith.constant 0 : i32
    %dma_wait3A_541 = tpu.memref_slice %arg11[%dma_wait3A_539, %dma_wait3A_540] : memref<23x128xi32, #tpu.memory_space<vmem>> -> memref<1x128xi32, #tpu.memory_space<vmem>>
    %dma_wait3A_542 = tpu.memref_squeeze %dma_wait3A_541 : memref<1x128xi32, #tpu.memory_space<vmem>> -> memref<128xi32, #tpu.memory_space<vmem>>
    %dma_wait3A_543 = arith.constant 0 : i32
    %dma_wait3A_544 = arith.constant 0 : i32
    %dma_wait3A_545 = tpu.memref_slice %arg17[%dma_wait3A_543, %dma_wait3A_544] : memref<5888x16xf32, #tpu.memory_space<vmem_shared>> -> memref<5888x16xf32, #tpu.memory_space<vmem_shared>>
    tpu.wait_indirect_dma semaphore(%arg20 : memref<!tpu.dma_semaphore, #tpu.memory_space<semaphore_mem>>) src(%arg12 : memref<128x16xf32, #tpu.memory_space<vmem>>) dst(%dma_wait3A_545 : memref<5888x16xf32, #tpu.memory_space<vmem_shared>>)
    %dma_wait3A_546 = arith.constant 8 : i32
    %dma_wait3A_547 = arith.constant 0 : i32
    %dma_wait3A_548 = tpu.memref_slice %arg11[%dma_wait3A_546, %dma_wait3A_547] : memref<23x128xi32, #tpu.memory_space<vmem>> -> memref<1x128xi32, #tpu.memory_space<vmem>>
    %dma_wait3A_549 = tpu.memref_squeeze %dma_wait3A_548 : memref<1x128xi32, #tpu.memory_space<vmem>> -> memref<128xi32, #tpu.memory_space<vmem>>
    %dma_wait3A_550 = arith.constant 0 : i32
    %dma_wait3A_551 = arith.constant 0 : i32
    %dma_wait3A_552 = tpu.memref_slice %arg17[%dma_wait3A_550, %dma_wait3A_551] : memref<5888x16xf32, #tpu.memory_space<vmem_shared>> -> memref<5888x16xf32, #tpu.memory_space<vmem_shared>>
    tpu.wait_indirect_dma semaphore(%arg20 : memref<!tpu.dma_semaphore, #tpu.memory_space<semaphore_mem>>) src(%arg12 : memref<128x16xf32, #tpu.memory_space<vmem>>) dst(%dma_wait3A_552 : memref<5888x16xf32, #tpu.memory_space<vmem_shared>>)
    %dma_wait3A_553 = arith.constant 9 : i32
    %dma_wait3A_554 = arith.constant 0 : i32
    %dma_wait3A_555 = tpu.memref_slice %arg11[%dma_wait3A_553, %dma_wait3A_554] : memref<23x128xi32, #tpu.memory_space<vmem>> -> memref<1x128xi32, #tpu.memory_space<vmem>>
    %dma_wait3A_556 = tpu.memref_squeeze %dma_wait3A_555 : memref<1x128xi32, #tpu.memory_space<vmem>> -> memref<128xi32, #tpu.memory_space<vmem>>
    %dma_wait3A_557 = arith.constant 0 : i32
    %dma_wait3A_558 = arith.constant 0 : i32
    %dma_wait3A_559 = tpu.memref_slice %arg17[%dma_wait3A_557, %dma_wait3A_558] : memref<5888x16xf32, #tpu.memory_space<vmem_shared>> -> memref<5888x16xf32, #tpu.memory_space<vmem_shared>>
    tpu.wait_indirect_dma semaphore(%arg20 : memref<!tpu.dma_semaphore, #tpu.memory_space<semaphore_mem>>) src(%arg12 : memref<128x16xf32, #tpu.memory_space<vmem>>) dst(%dma_wait3A_559 : memref<5888x16xf32, #tpu.memory_space<vmem_shared>>)
    %dma_wait3A_560 = arith.constant 10 : i32
    %dma_wait3A_561 = arith.constant 0 : i32
    %dma_wait3A_562 = tpu.memref_slice %arg11[%dma_wait3A_560, %dma_wait3A_561] : memref<23x128xi32, #tpu.memory_space<vmem>> -> memref<1x128xi32, #tpu.memory_space<vmem>>
    %dma_wait3A_563 = tpu.memref_squeeze %dma_wait3A_562 : memref<1x128xi32, #tpu.memory_space<vmem>> -> memref<128xi32, #tpu.memory_space<vmem>>
    %dma_wait3A_564 = arith.constant 0 : i32
    %dma_wait3A_565 = arith.constant 0 : i32
    %dma_wait3A_566 = tpu.memref_slice %arg17[%dma_wait3A_564, %dma_wait3A_565] : memref<5888x16xf32, #tpu.memory_space<vmem_shared>> -> memref<5888x16xf32, #tpu.memory_space<vmem_shared>>
    tpu.wait_indirect_dma semaphore(%arg20 : memref<!tpu.dma_semaphore, #tpu.memory_space<semaphore_mem>>) src(%arg12 : memref<128x16xf32, #tpu.memory_space<vmem>>) dst(%dma_wait3A_566 : memref<5888x16xf32, #tpu.memory_space<vmem_shared>>)
    %dma_wait3A_567 = arith.constant 11 : i32
    %dma_wait3A_568 = arith.constant 0 : i32
    %dma_wait3A_569 = tpu.memref_slice %arg11[%dma_wait3A_567, %dma_wait3A_568] : memref<23x128xi32, #tpu.memory_space<vmem>> -> memref<1x128xi32, #tpu.memory_space<vmem>>
    %dma_wait3A_570 = tpu.memref_squeeze %dma_wait3A_569 : memref<1x128xi32, #tpu.memory_space<vmem>> -> memref<128xi32, #tpu.memory_space<vmem>>
    %dma_wait3A_571 = arith.constant 0 : i32
    %dma_wait3A_572 = arith.constant 0 : i32
    %dma_wait3A_573 = tpu.memref_slice %arg17[%dma_wait3A_571, %dma_wait3A_572] : memref<5888x16xf32, #tpu.memory_space<vmem_shared>> -> memref<5888x16xf32, #tpu.memory_space<vmem_shared>>
    tpu.wait_indirect_dma semaphore(%arg20 : memref<!tpu.dma_semaphore, #tpu.memory_space<semaphore_mem>>) src(%arg12 : memref<128x16xf32, #tpu.memory_space<vmem>>) dst(%dma_wait3A_573 : memref<5888x16xf32, #tpu.memory_space<vmem_shared>>)
    %dma_wait3A_574 = arith.constant 12 : i32
    %dma_wait3A_575 = arith.constant 0 : i32
    %dma_wait3A_576 = tpu.memref_slice %arg11[%dma_wait3A_574, %dma_wait3A_575] : memref<23x128xi32, #tpu.memory_space<vmem>> -> memref<1x128xi32, #tpu.memory_space<vmem>>
    %dma_wait3A_577 = tpu.memref_squeeze %dma_wait3A_576 : memref<1x128xi32, #tpu.memory_space<vmem>> -> memref<128xi32, #tpu.memory_space<vmem>>
    %dma_wait3A_578 = arith.constant 0 : i32
    %dma_wait3A_579 = arith.constant 0 : i32
    %dma_wait3A_580 = tpu.memref_slice %arg17[%dma_wait3A_578, %dma_wait3A_579] : memref<5888x16xf32, #tpu.memory_space<vmem_shared>> -> memref<5888x16xf32, #tpu.memory_space<vmem_shared>>
    tpu.wait_indirect_dma semaphore(%arg20 : memref<!tpu.dma_semaphore, #tpu.memory_space<semaphore_mem>>) src(%arg12 : memref<128x16xf32, #tpu.memory_space<vmem>>) dst(%dma_wait3A_580 : memref<5888x16xf32, #tpu.memory_space<vmem_shared>>)
    %dma_wait3A_581 = arith.constant 13 : i32
    %dma_wait3A_582 = arith.constant 0 : i32
    %dma_wait3A_583 = tpu.memref_slice %arg11[%dma_wait3A_581, %dma_wait3A_582] : memref<23x128xi32, #tpu.memory_space<vmem>> -> memref<1x128xi32, #tpu.memory_space<vmem>>
    %dma_wait3A_584 = tpu.memref_squeeze %dma_wait3A_583 : memref<1x128xi32, #tpu.memory_space<vmem>> -> memref<128xi32, #tpu.memory_space<vmem>>
    %dma_wait3A_585 = arith.constant 0 : i32
    %dma_wait3A_586 = arith.constant 0 : i32
    %dma_wait3A_587 = tpu.memref_slice %arg17[%dma_wait3A_585, %dma_wait3A_586] : memref<5888x16xf32, #tpu.memory_space<vmem_shared>> -> memref<5888x16xf32, #tpu.memory_space<vmem_shared>>
    tpu.wait_indirect_dma semaphore(%arg20 : memref<!tpu.dma_semaphore, #tpu.memory_space<semaphore_mem>>) src(%arg12 : memref<128x16xf32, #tpu.memory_space<vmem>>) dst(%dma_wait3A_587 : memref<5888x16xf32, #tpu.memory_space<vmem_shared>>)
    %dma_wait3A_588 = arith.constant 14 : i32
    %dma_wait3A_589 = arith.constant 0 : i32
    %dma_wait3A_590 = tpu.memref_slice %arg11[%dma_wait3A_588, %dma_wait3A_589] : memref<23x128xi32, #tpu.memory_space<vmem>> -> memref<1x128xi32, #tpu.memory_space<vmem>>
    %dma_wait3A_591 = tpu.memref_squeeze %dma_wait3A_590 : memref<1x128xi32, #tpu.memory_space<vmem>> -> memref<128xi32, #tpu.memory_space<vmem>>
    %dma_wait3A_592 = arith.constant 0 : i32
    %dma_wait3A_593 = arith.constant 0 : i32
    %dma_wait3A_594 = tpu.memref_slice %arg17[%dma_wait3A_592, %dma_wait3A_593] : memref<5888x16xf32, #tpu.memory_space<vmem_shared>> -> memref<5888x16xf32, #tpu.memory_space<vmem_shared>>
    tpu.wait_indirect_dma semaphore(%arg20 : memref<!tpu.dma_semaphore, #tpu.memory_space<semaphore_mem>>) src(%arg12 : memref<128x16xf32, #tpu.memory_space<vmem>>) dst(%dma_wait3A_594 : memref<5888x16xf32, #tpu.memory_space<vmem_shared>>)
    %dma_wait3A_595 = arith.constant 15 : i32
    %dma_wait3A_596 = arith.constant 0 : i32
    %dma_wait3A_597 = tpu.memref_slice %arg11[%dma_wait3A_595, %dma_wait3A_596] : memref<23x128xi32, #tpu.memory_space<vmem>> -> memref<1x128xi32, #tpu.memory_space<vmem>>
    %dma_wait3A_598 = tpu.memref_squeeze %dma_wait3A_597 : memref<1x128xi32, #tpu.memory_space<vmem>> -> memref<128xi32, #tpu.memory_space<vmem>>
    %dma_wait3A_599 = arith.constant 0 : i32
    %dma_wait3A_600 = arith.constant 0 : i32
    %dma_wait3A_601 = tpu.memref_slice %arg17[%dma_wait3A_599, %dma_wait3A_600] : memref<5888x16xf32, #tpu.memory_space<vmem_shared>> -> memref<5888x16xf32, #tpu.memory_space<vmem_shared>>
    tpu.wait_indirect_dma semaphore(%arg20 : memref<!tpu.dma_semaphore, #tpu.memory_space<semaphore_mem>>) src(%arg12 : memref<128x16xf32, #tpu.memory_space<vmem>>) dst(%dma_wait3A_601 : memref<5888x16xf32, #tpu.memory_space<vmem_shared>>)
    %dma_wait3A_602 = arith.constant 16 : i32
    %dma_wait3A_603 = arith.constant 0 : i32
    %dma_wait3A_604 = tpu.memref_slice %arg11[%dma_wait3A_602, %dma_wait3A_603] : memref<23x128xi32, #tpu.memory_space<vmem>> -> memref<1x128xi32, #tpu.memory_space<vmem>>
    %dma_wait3A_605 = tpu.memref_squeeze %dma_wait3A_604 : memref<1x128xi32, #tpu.memory_space<vmem>> -> memref<128xi32, #tpu.memory_space<vmem>>
    %dma_wait3A_606 = arith.constant 0 : i32
    %dma_wait3A_607 = arith.constant 0 : i32
    %dma_wait3A_608 = tpu.memref_slice %arg17[%dma_wait3A_606, %dma_wait3A_607] : memref<5888x16xf32, #tpu.memory_space<vmem_shared>> -> memref<5888x16xf32, #tpu.memory_space<vmem_shared>>
    tpu.wait_indirect_dma semaphore(%arg20 : memref<!tpu.dma_semaphore, #tpu.memory_space<semaphore_mem>>) src(%arg12 : memref<128x16xf32, #tpu.memory_space<vmem>>) dst(%dma_wait3A_608 : memref<5888x16xf32, #tpu.memory_space<vmem_shared>>)
    %dma_wait3A_609 = arith.constant 17 : i32
    %dma_wait3A_610 = arith.constant 0 : i32
    %dma_wait3A_611 = tpu.memref_slice %arg11[%dma_wait3A_609, %dma_wait3A_610] : memref<23x128xi32, #tpu.memory_space<vmem>> -> memref<1x128xi32, #tpu.memory_space<vmem>>
    %dma_wait3A_612 = tpu.memref_squeeze %dma_wait3A_611 : memref<1x128xi32, #tpu.memory_space<vmem>> -> memref<128xi32, #tpu.memory_space<vmem>>
    %dma_wait3A_613 = arith.constant 0 : i32
    %dma_wait3A_614 = arith.constant 0 : i32
    %dma_wait3A_615 = tpu.memref_slice %arg17[%dma_wait3A_613, %dma_wait3A_614] : memref<5888x16xf32, #tpu.memory_space<vmem_shared>> -> memref<5888x16xf32, #tpu.memory_space<vmem_shared>>
    tpu.wait_indirect_dma semaphore(%arg20 : memref<!tpu.dma_semaphore, #tpu.memory_space<semaphore_mem>>) src(%arg12 : memref<128x16xf32, #tpu.memory_space<vmem>>) dst(%dma_wait3A_615 : memref<5888x16xf32, #tpu.memory_space<vmem_shared>>)
    %dma_wait3A_616 = arith.constant 18 : i32
    %dma_wait3A_617 = arith.constant 0 : i32
    %dma_wait3A_618 = tpu.memref_slice %arg11[%dma_wait3A_616, %dma_wait3A_617] : memref<23x128xi32, #tpu.memory_space<vmem>> -> memref<1x128xi32, #tpu.memory_space<vmem>>
    %dma_wait3A_619 = tpu.memref_squeeze %dma_wait3A_618 : memref<1x128xi32, #tpu.memory_space<vmem>> -> memref<128xi32, #tpu.memory_space<vmem>>
    %dma_wait3A_620 = arith.constant 0 : i32
    %dma_wait3A_621 = arith.constant 0 : i32
    %dma_wait3A_622 = tpu.memref_slice %arg17[%dma_wait3A_620, %dma_wait3A_621] : memref<5888x16xf32, #tpu.memory_space<vmem_shared>> -> memref<5888x16xf32, #tpu.memory_space<vmem_shared>>
    tpu.wait_indirect_dma semaphore(%arg20 : memref<!tpu.dma_semaphore, #tpu.memory_space<semaphore_mem>>) src(%arg12 : memref<128x16xf32, #tpu.memory_space<vmem>>) dst(%dma_wait3A_622 : memref<5888x16xf32, #tpu.memory_space<vmem_shared>>)
    %dma_wait3A_623 = arith.constant 19 : i32
    %dma_wait3A_624 = arith.constant 0 : i32
    %dma_wait3A_625 = tpu.memref_slice %arg11[%dma_wait3A_623, %dma_wait3A_624] : memref<23x128xi32, #tpu.memory_space<vmem>> -> memref<1x128xi32, #tpu.memory_space<vmem>>
    %dma_wait3A_626 = tpu.memref_squeeze %dma_wait3A_625 : memref<1x128xi32, #tpu.memory_space<vmem>> -> memref<128xi32, #tpu.memory_space<vmem>>
    %dma_wait3A_627 = arith.constant 0 : i32
    %dma_wait3A_628 = arith.constant 0 : i32
    %dma_wait3A_629 = tpu.memref_slice %arg17[%dma_wait3A_627, %dma_wait3A_628] : memref<5888x16xf32, #tpu.memory_space<vmem_shared>> -> memref<5888x16xf32, #tpu.memory_space<vmem_shared>>
    tpu.wait_indirect_dma semaphore(%arg20 : memref<!tpu.dma_semaphore, #tpu.memory_space<semaphore_mem>>) src(%arg12 : memref<128x16xf32, #tpu.memory_space<vmem>>) dst(%dma_wait3A_629 : memref<5888x16xf32, #tpu.memory_space<vmem_shared>>)
    %dma_wait3A_630 = arith.constant 20 : i32
    %dma_wait3A_631 = arith.constant 0 : i32
    %dma_wait3A_632 = tpu.memref_slice %arg11[%dma_wait3A_630, %dma_wait3A_631] : memref<23x128xi32, #tpu.memory_space<vmem>> -> memref<1x128xi32, #tpu.memory_space<vmem>>
    %dma_wait3A_633 = tpu.memref_squeeze %dma_wait3A_632 : memref<1x128xi32, #tpu.memory_space<vmem>> -> memref<128xi32, #tpu.memory_space<vmem>>
    %dma_wait3A_634 = arith.constant 0 : i32
    %dma_wait3A_635 = arith.constant 0 : i32
    %dma_wait3A_636 = tpu.memref_slice %arg17[%dma_wait3A_634, %dma_wait3A_635] : memref<5888x16xf32, #tpu.memory_space<vmem_shared>> -> memref<5888x16xf32, #tpu.memory_space<vmem_shared>>
    tpu.wait_indirect_dma semaphore(%arg20 : memref<!tpu.dma_semaphore, #tpu.memory_space<semaphore_mem>>) src(%arg12 : memref<128x16xf32, #tpu.memory_space<vmem>>) dst(%dma_wait3A_636 : memref<5888x16xf32, #tpu.memory_space<vmem_shared>>)
    %dma_wait3A_637 = arith.constant 21 : i32
    %dma_wait3A_638 = arith.constant 0 : i32
    %dma_wait3A_639 = tpu.memref_slice %arg11[%dma_wait3A_637, %dma_wait3A_638] : memref<23x128xi32, #tpu.memory_space<vmem>> -> memref<1x128xi32, #tpu.memory_space<vmem>>
    %dma_wait3A_640 = tpu.memref_squeeze %dma_wait3A_639 : memref<1x128xi32, #tpu.memory_space<vmem>> -> memref<128xi32, #tpu.memory_space<vmem>>
    %dma_wait3A_641 = arith.constant 0 : i32
    %dma_wait3A_642 = arith.constant 0 : i32
    %dma_wait3A_643 = tpu.memref_slice %arg17[%dma_wait3A_641, %dma_wait3A_642] : memref<5888x16xf32, #tpu.memory_space<vmem_shared>> -> memref<5888x16xf32, #tpu.memory_space<vmem_shared>>
    tpu.wait_indirect_dma semaphore(%arg20 : memref<!tpu.dma_semaphore, #tpu.memory_space<semaphore_mem>>) src(%arg12 : memref<128x16xf32, #tpu.memory_space<vmem>>) dst(%dma_wait3A_643 : memref<5888x16xf32, #tpu.memory_space<vmem_shared>>)
    %dma_wait3A_644 = arith.constant 22 : i32
    %dma_wait3A_645 = arith.constant 0 : i32
    %dma_wait3A_646 = tpu.memref_slice %arg11[%dma_wait3A_644, %dma_wait3A_645] : memref<23x128xi32, #tpu.memory_space<vmem>> -> memref<1x128xi32, #tpu.memory_space<vmem>>
    %dma_wait3A_647 = tpu.memref_squeeze %dma_wait3A_646 : memref<1x128xi32, #tpu.memory_space<vmem>> -> memref<128xi32, #tpu.memory_space<vmem>>
    %dma_wait3A_648 = arith.constant 0 : i32
    %dma_wait3A_649 = arith.constant 0 : i32
    %dma_wait3A_650 = tpu.memref_slice %arg17[%dma_wait3A_648, %dma_wait3A_649] : memref<5888x16xf32, #tpu.memory_space<vmem_shared>> -> memref<5888x16xf32, #tpu.memory_space<vmem_shared>>
    tpu.wait_indirect_dma semaphore(%arg20 : memref<!tpu.dma_semaphore, #tpu.memory_space<semaphore_mem>>) src(%arg12 : memref<128x16xf32, #tpu.memory_space<vmem>>) dst(%dma_wait3A_650 : memref<5888x16xf32, #tpu.memory_space<vmem_shared>>)
    %barrier3A_651 = arith.constant 0 : index
    tpu.barrier barrier_id(%barrier3A_651)
    "tpu.region"() ({
      %run_scoped3A = tpu.sem_alloc : memref<!tpu.dma_semaphore, #tpu.memory_space<semaphore_mem>>
      %dma_start3A_1580 = arith.constant 0 : i32
      %dma_start3A_1581 = tpu.memref_slice %arg17[%mul3A_2, %dma_start3A_1580] : memref<5888x16xf32, #tpu.memory_space<vmem_shared>> -> memref<368x16xf32, #tpu.memory_space<vmem_shared>>
      %dma_start3A_1582 = arith.constant 0 : i32
      %dma_start3A_1583 = tpu.memref_slice %arg17[%mul3A_2, %dma_start3A_1582] : memref<5888x16xf32, #tpu.memory_space<vmem_shared>> -> memref<368x16xf32, #tpu.memory_space<vmem_shared>>
      tpu.enqueue_dma source(%dma_start3A_1583 : memref<368x16xf32, #tpu.memory_space<vmem_shared>>) target(%arg13 : memref<368x16xf32, #tpu.memory_space<vmem>>) target_semaphore(%run_scoped3A : memref<!tpu.dma_semaphore, #tpu.memory_space<semaphore_mem>>)
      %dma_wait3A_1584 = arith.constant 0 : i32
      %dma_wait3A_1585 = tpu.memref_slice %arg17[%mul3A_2, %dma_wait3A_1584] : memref<5888x16xf32, #tpu.memory_space<vmem_shared>> -> memref<368x16xf32, #tpu.memory_space<vmem_shared>>
      %dma_wait3A_1586 = arith.constant 0 : i32
      %dma_wait3A_1587 = tpu.memref_slice %arg17[%mul3A_2, %dma_wait3A_1586] : memref<5888x16xf32, #tpu.memory_space<vmem_shared>> -> memref<368x16xf32, #tpu.memory_space<vmem_shared>>
      tpu.wait_dma2 semaphore(%run_scoped3A : memref<!tpu.dma_semaphore, #tpu.memory_space<semaphore_mem>>) src(%dma_wait3A_1587 : memref<368x16xf32, #tpu.memory_space<vmem_shared>>) dst(%arg13 : memref<368x16xf32, #tpu.memory_space<vmem>>)
      tpu.yield
    }) : () -> ()
    %scan3A = arith.constant 0 : i32
    %scan3A_652 = arith.constant 0 : i32
    %scan3A_653 = arith.constant 368 : i32
    %scan3A_654 = arith.addi %scan3A_652, %scan3A_653 : i32
    %scan3A_655 = arith.constant 1 : i32
    %scan3A_656 = scf.for %scan3A_1580 = %scan3A_652 to %scan3A_654 step %scan3A_655 iter_args(%scan3A_1581 = %scan3A) -> (i32)  : i32 {
      %get3A = arith.index_cast %scan3A_1580 : i32 to index
      %get3A_1582 = arith.constant 0 : index
      %get3A_1583 = tpu.vector_load %arg13[%get3A, %get3A_1582] {strides = array<i32>} : memref<368x16xf32, #tpu.memory_space<vmem>>, vector<16xf32>,
      %add3A_1584 = arith.constant 1.000000e+00 : f32
      %add3A_1585 = vector.broadcast %add3A_1584 : f32 to vector<16xf32>
      %add3A_1586 = arith.addf %get3A_1583, %add3A_1585 : vector<16xf32>
      %bitcast3A = vector.bitcast %add3A_1586 : vector<16xf32> to vector<16xi32>
      %shift_right_logical3A = arith.constant 1 : i32
      %shift_right_logical3A_1587 = vector.broadcast %shift_right_logical3A : i32 to vector<16xi32>
      %shift_right_logical3A_1588 = arith.shrui %bitcast3A, %shift_right_logical3A_1587 : vector<16xi32>
      %sub3A = arith.constant 1597463007 : i32
      %sub3A_1589 = vector.broadcast %sub3A : i32 to vector<16xi32>
      %sub3A_1590 = arith.subi %sub3A_1589, %shift_right_logical3A_1588 : vector<16xi32>
      %bitcast3A_1591 = vector.bitcast %sub3A_1590 : vector<16xi32> to vector<16xf32>
      %mul3A_1592 = arith.constant -5.000000e-01 : f32
      %mul3A_1593 = vector.broadcast %mul3A_1592 : f32 to vector<16xf32>
      %mul3A_1594 = arith.mulf %mul3A_1593, %add3A_1586 : vector<16xf32>
      %mul3A_1595 = arith.mulf %mul3A_1594, %bitcast3A_1591 : vector<16xf32>
      %mul3A_1596 = arith.mulf %mul3A_1595, %bitcast3A_1591 : vector<16xf32>
      %add3A_1597 = arith.constant 1.500000e+00 : f32
      %add3A_1598 = vector.broadcast %add3A_1597 : f32 to vector<16xf32>
      %add3A_1599 = arith.addf %add3A_1598, %mul3A_1596 : vector<16xf32>
      %mul3A_1600 = arith.mulf %bitcast3A_1591, %add3A_1599 : vector<16xf32>
      %mul3A_1601 = arith.mulf %mul3A_1594, %mul3A_1600 : vector<16xf32>
      %mul3A_1602 = arith.mulf %mul3A_1601, %mul3A_1600 : vector<16xf32>
      %add3A_1603 = arith.constant 1.500000e+00 : f32
      %add3A_1604 = vector.broadcast %add3A_1603 : f32 to vector<16xf32>
      %add3A_1605 = arith.addf %add3A_1604, %mul3A_1602 : vector<16xf32>
      %mul3A_1606 = arith.mulf %mul3A_1600, %add3A_1605 : vector<16xf32>
      %mul3A_1607 = arith.mulf %mul3A_1594, %mul3A_1606 : vector<16xf32>
      %mul3A_1608 = arith.mulf %mul3A_1607, %mul3A_1606 : vector<16xf32>
      %add3A_1609 = arith.constant 1.500000e+00 : f32
      %add3A_1610 = vector.broadcast %add3A_1609 : f32 to vector<16xf32>
      %add3A_1611 = arith.addf %add3A_1610, %mul3A_1608 : vector<16xf32>
      %mul3A_1612 = arith.mulf %mul3A_1606, %add3A_1611 : vector<16xf32>
      %mul3A_1613 = arith.mulf %mul3A_1594, %mul3A_1612 : vector<16xf32>
      %mul3A_1614 = arith.mulf %mul3A_1613, %mul3A_1612 : vector<16xf32>
      %add3A_1615 = arith.constant 1.500000e+00 : f32
      %add3A_1616 = vector.broadcast %add3A_1615 : f32 to vector<16xf32>
      %add3A_1617 = arith.addf %add3A_1616, %mul3A_1614 : vector<16xf32>
      %mul3A_1618 = arith.mulf %mul3A_1612, %add3A_1617 : vector<16xf32>
      %swap3A = arith.index_cast %scan3A_1580 : i32 to index
      %swap3A_1619 = arith.constant 0 : index
      %swap3A_1620 = tpu.vector_load %arg13[%swap3A, %swap3A_1619] {strides = array<i32>} : memref<368x16xf32, #tpu.memory_space<vmem>>, vector<16xf32>,
      tpu.vector_store %arg13[%swap3A, %swap3A_1619], %mul3A_1618 {strides = array<i32>} : memref<368x16xf32, #tpu.memory_space<vmem>>, vector<16xf32>,
      %get3A_1621 = arith.index_cast %scan3A_1580 : i32 to index
      %get3A_1622 = arith.constant 0 : index
      %get3A_1623 = tpu.vector_load %arg15[%get3A_1621, %get3A_1622] {strides = array<i32>} : memref<368x16xf32, #tpu.memory_space<vmem>>, vector<16xf32>,
      %mul3A_1624 = arith.mulf %mul3A_1618, %get3A_1623 : vector<16xf32>
      %swap3A_1625 = arith.index_cast %scan3A_1580 : i32 to index
      %swap3A_1626 = arith.constant 0 : index
      %swap3A_1627 = tpu.vector_load %arg14[%swap3A_1625, %swap3A_1626] {strides = array<i32>} : memref<368x16xf32, #tpu.memory_space<vmem>>, vector<16xf32>,
      tpu.vector_store %arg14[%swap3A_1625, %swap3A_1626], %mul3A_1624 {strides = array<i32>} : memref<368x16xf32, #tpu.memory_space<vmem>>, vector<16xf32>,
      %scan3A_1628 = arith.constant 0 : i32
      scf.yield %scan3A_1628 : i32
    }
    %scan3A_657 = arith.constant 368 : i32
    "tpu.region"() ({
      %run_scoped3A = tpu.sem_alloc : memref<!tpu.dma_semaphore, #tpu.memory_space<semaphore_mem>>
      %dma_start3A_1580 = arith.constant 0 : i32
      %dma_start3A_1581 = tpu.memref_slice %arg18[%mul3A_2, %dma_start3A_1580] : memref<5888x16xf32, #tpu.memory_space<vmem_shared>> -> memref<368x16xf32, #tpu.memory_space<vmem_shared>>
      %dma_start3A_1582 = arith.constant 0 : i32
      %dma_start3A_1583 = tpu.memref_slice %arg18[%mul3A_2, %dma_start3A_1582] : memref<5888x16xf32, #tpu.memory_space<vmem_shared>> -> memref<368x16xf32, #tpu.memory_space<vmem_shared>>
      tpu.enqueue_dma source(%arg14 : memref<368x16xf32, #tpu.memory_space<vmem>>) target(%dma_start3A_1583 : memref<368x16xf32, #tpu.memory_space<vmem_shared>>) target_semaphore(%run_scoped3A : memref<!tpu.dma_semaphore, #tpu.memory_space<semaphore_mem>>)
      %dma_wait3A_1584 = arith.constant 0 : i32
      %dma_wait3A_1585 = tpu.memref_slice %arg18[%mul3A_2, %dma_wait3A_1584] : memref<5888x16xf32, #tpu.memory_space<vmem_shared>> -> memref<368x16xf32, #tpu.memory_space<vmem_shared>>
      %dma_wait3A_1586 = arith.constant 0 : i32
      %dma_wait3A_1587 = tpu.memref_slice %arg18[%mul3A_2, %dma_wait3A_1586] : memref<5888x16xf32, #tpu.memory_space<vmem_shared>> -> memref<368x16xf32, #tpu.memory_space<vmem_shared>>
      tpu.wait_dma2 semaphore(%run_scoped3A : memref<!tpu.dma_semaphore, #tpu.memory_space<semaphore_mem>>) src(%arg14 : memref<368x16xf32, #tpu.memory_space<vmem>>) dst(%dma_wait3A_1587 : memref<368x16xf32, #tpu.memory_space<vmem_shared>>)
      tpu.yield
    }) : () -> ()
    "tpu.region"() ({
      %run_scoped3A = tpu.sem_alloc : memref<!tpu.dma_semaphore, #tpu.memory_space<semaphore_mem>>
      %dma_start3A_1580 = arith.constant 0 : i32
      %dma_start3A_1581 = tpu.memref_slice %arg8[%mul3A_2, %dma_start3A_1580] : memref<5888x16xf32, #tpu.memory_space<hbm>> -> memref<368x16xf32, #tpu.memory_space<hbm>>
      %dma_start3A_1582 = arith.constant 0 : i32
      %dma_start3A_1583 = tpu.memref_slice %arg8[%mul3A_2, %dma_start3A_1582] : memref<5888x16xf32, #tpu.memory_space<hbm>> -> memref<368x16xf32, #tpu.memory_space<hbm>>
      tpu.enqueue_dma source(%arg14 : memref<368x16xf32, #tpu.memory_space<vmem>>) target(%dma_start3A_1583 : memref<368x16xf32, #tpu.memory_space<hbm>>) target_semaphore(%run_scoped3A : memref<!tpu.dma_semaphore, #tpu.memory_space<semaphore_mem>>)
      %dma_wait3A_1584 = arith.constant 0 : i32
      %dma_wait3A_1585 = tpu.memref_slice %arg8[%mul3A_2, %dma_wait3A_1584] : memref<5888x16xf32, #tpu.memory_space<hbm>> -> memref<368x16xf32, #tpu.memory_space<hbm>>
      %dma_wait3A_1586 = arith.constant 0 : i32
      %dma_wait3A_1587 = tpu.memref_slice %arg8[%mul3A_2, %dma_wait3A_1586] : memref<5888x16xf32, #tpu.memory_space<hbm>> -> memref<368x16xf32, #tpu.memory_space<hbm>>
      tpu.wait_dma2 semaphore(%run_scoped3A : memref<!tpu.dma_semaphore, #tpu.memory_space<semaphore_mem>>) src(%arg14 : memref<368x16xf32, #tpu.memory_space<vmem>>) dst(%dma_wait3A_1587 : memref<368x16xf32, #tpu.memory_space<hbm>>)
      tpu.yield
    }) : () -> ()
    "tpu.region"() ({
      %run_scoped3A = tpu.sem_alloc : memref<!tpu.dma_semaphore, #tpu.memory_space<semaphore_mem>>
      %dma_start3A_1580 = arith.constant 0 : i32
      %dma_start3A_1581 = tpu.memref_slice %arg9[%mul3A_2, %dma_start3A_1580] : memref<5888x16xf32, #tpu.memory_space<hbm>> -> memref<368x16xf32, #tpu.memory_space<hbm>>
      %dma_start3A_1582 = arith.constant 0 : i32
      %dma_start3A_1583 = tpu.memref_slice %arg9[%mul3A_2, %dma_start3A_1582] : memref<5888x16xf32, #tpu.memory_space<hbm>> -> memref<368x16xf32, #tpu.memory_space<hbm>>
      tpu.enqueue_dma source(%arg13 : memref<368x16xf32, #tpu.memory_space<vmem>>) target(%dma_start3A_1583 : memref<368x16xf32, #tpu.memory_space<hbm>>) target_semaphore(%run_scoped3A : memref<!tpu.dma_semaphore, #tpu.memory_space<semaphore_mem>>)
      %dma_wait3A_1584 = arith.constant 0 : i32
      %dma_wait3A_1585 = tpu.memref_slice %arg9[%mul3A_2, %dma_wait3A_1584] : memref<5888x16xf32, #tpu.memory_space<hbm>> -> memref<368x16xf32, #tpu.memory_space<hbm>>
      %dma_wait3A_1586 = arith.constant 0 : i32
      %dma_wait3A_1587 = tpu.memref_slice %arg9[%mul3A_2, %dma_wait3A_1586] : memref<5888x16xf32, #tpu.memory_space<hbm>> -> memref<368x16xf32, #tpu.memory_space<hbm>>
      tpu.wait_dma2 semaphore(%run_scoped3A : memref<!tpu.dma_semaphore, #tpu.memory_space<semaphore_mem>>) src(%arg13 : memref<368x16xf32, #tpu.memory_space<vmem>>) dst(%dma_wait3A_1587 : memref<368x16xf32, #tpu.memory_space<hbm>>)
      tpu.yield
    }) : () -> ()
    "tpu.region"() ({
      %run_scoped3A = tpu.sem_alloc : memref<!tpu.dma_semaphore, #tpu.memory_space<semaphore_mem>>
      %dma_start3A_1580 = arith.constant 0 : i32
      %dma_start3A_1581 = arith.constant 0 : i32
      %dma_start3A_1582 = tpu.memref_slice %arg3[%add3A, %dma_start3A_1580, %dma_start3A_1581] : memref<32x23x128xi32, #tpu.memory_space<hbm>> -> memref<1x23x128xi32, #tpu.memory_space<hbm>>
      %dma_start3A_1583 = tpu.memref_squeeze %dma_start3A_1582 : memref<1x23x128xi32, #tpu.memory_space<hbm>> -> memref<23x128xi32, #tpu.memory_space<hbm>>
      %dma_start3A_1584 = arith.constant 0 : i32
      %dma_start3A_1585 = arith.constant 0 : i32
      %dma_start3A_1586 = tpu.memref_slice %arg3[%add3A, %dma_start3A_1584, %dma_start3A_1585] : memref<32x23x128xi32, #tpu.memory_space<hbm>> -> memref<1x23x128xi32, #tpu.memory_space<hbm>>
      %dma_start3A_1587 = tpu.memref_squeeze %dma_start3A_1586 : memref<1x23x128xi32, #tpu.memory_space<hbm>> -> memref<23x128xi32, #tpu.memory_space<hbm>>
      tpu.enqueue_dma source(%dma_start3A_1587 : memref<23x128xi32, #tpu.memory_space<hbm>>) target(%arg10 : memref<23x128xi32, #tpu.memory_space<vmem>>) target_semaphore(%run_scoped3A : memref<!tpu.dma_semaphore, #tpu.memory_space<semaphore_mem>>)
      %dma_wait3A_1588 = arith.constant 0 : i32
      %dma_wait3A_1589 = arith.constant 0 : i32
      %dma_wait3A_1590 = tpu.memref_slice %arg3[%add3A, %dma_wait3A_1588, %dma_wait3A_1589] : memref<32x23x128xi32, #tpu.memory_space<hbm>> -> memref<1x23x128xi32, #tpu.memory_space<hbm>>
      %dma_wait3A_1591 = tpu.memref_squeeze %dma_wait3A_1590 : memref<1x23x128xi32, #tpu.memory_space<hbm>> -> memref<23x128xi32, #tpu.memory_space<hbm>>
      %dma_wait3A_1592 = arith.constant 0 : i32
      %dma_wait3A_1593 = arith.constant 0 : i32
      %dma_wait3A_1594 = tpu.memref_slice %arg3[%add3A, %dma_wait3A_1592, %dma_wait3A_1593] : memref<32x23x128xi32, #tpu.memory_space<hbm>> -> memref<1x23x128xi32, #tpu.memory_space<hbm>>
      %dma_wait3A_1595 = tpu.memref_squeeze %dma_wait3A_1594 : memref<1x23x128xi32, #tpu.memory_space<hbm>> -> memref<23x128xi32, #tpu.memory_space<hbm>>
      tpu.wait_dma2 semaphore(%run_scoped3A : memref<!tpu.dma_semaphore, #tpu.memory_space<semaphore_mem>>) src(%dma_wait3A_1595 : memref<23x128xi32, #tpu.memory_space<hbm>>) dst(%arg10 : memref<23x128xi32, #tpu.memory_space<vmem>>)
      tpu.yield
    }) : () -> ()
    "tpu.region"() ({
      %run_scoped3A = tpu.sem_alloc : memref<!tpu.dma_semaphore, #tpu.memory_space<semaphore_mem>>
      %dma_start3A_1580 = arith.constant 0 : i32
      %dma_start3A_1581 = arith.constant 0 : i32
      %dma_start3A_1582 = tpu.memref_slice %arg4[%add3A, %dma_start3A_1580, %dma_start3A_1581] : memref<32x23x128xi32, #tpu.memory_space<hbm>> -> memref<1x23x128xi32, #tpu.memory_space<hbm>>
      %dma_start3A_1583 = tpu.memref_squeeze %dma_start3A_1582 : memref<1x23x128xi32, #tpu.memory_space<hbm>> -> memref<23x128xi32, #tpu.memory_space<hbm>>
      %dma_start3A_1584 = arith.constant 0 : i32
      %dma_start3A_1585 = arith.constant 0 : i32
      %dma_start3A_1586 = tpu.memref_slice %arg4[%add3A, %dma_start3A_1584, %dma_start3A_1585] : memref<32x23x128xi32, #tpu.memory_space<hbm>> -> memref<1x23x128xi32, #tpu.memory_space<hbm>>
      %dma_start3A_1587 = tpu.memref_squeeze %dma_start3A_1586 : memref<1x23x128xi32, #tpu.memory_space<hbm>> -> memref<23x128xi32, #tpu.memory_space<hbm>>
      tpu.enqueue_dma source(%dma_start3A_1587 : memref<23x128xi32, #tpu.memory_space<hbm>>) target(%arg11 : memref<23x128xi32, #tpu.memory_space<vmem>>) target_semaphore(%run_scoped3A : memref<!tpu.dma_semaphore, #tpu.memory_space<semaphore_mem>>)
      %dma_wait3A_1588 = arith.constant 0 : i32
      %dma_wait3A_1589 = arith.constant 0 : i32
      %dma_wait3A_1590 = tpu.memref_slice %arg4[%add3A, %dma_wait3A_1588, %dma_wait3A_1589] : memref<32x23x128xi32, #tpu.memory_space<hbm>> -> memref<1x23x128xi32, #tpu.memory_space<hbm>>
      %dma_wait3A_1591 = tpu.memref_squeeze %dma_wait3A_1590 : memref<1x23x128xi32, #tpu.memory_space<hbm>> -> memref<23x128xi32, #tpu.memory_space<hbm>>
      %dma_wait3A_1592 = arith.constant 0 : i32
      %dma_wait3A_1593 = arith.constant 0 : i32
      %dma_wait3A_1594 = tpu.memref_slice %arg4[%add3A, %dma_wait3A_1592, %dma_wait3A_1593] : memref<32x23x128xi32, #tpu.memory_space<hbm>> -> memref<1x23x128xi32, #tpu.memory_space<hbm>>
      %dma_wait3A_1595 = tpu.memref_squeeze %dma_wait3A_1594 : memref<1x23x128xi32, #tpu.memory_space<hbm>> -> memref<23x128xi32, #tpu.memory_space<hbm>>
      tpu.wait_dma2 semaphore(%run_scoped3A : memref<!tpu.dma_semaphore, #tpu.memory_space<semaphore_mem>>) src(%dma_wait3A_1595 : memref<23x128xi32, #tpu.memory_space<hbm>>) dst(%arg11 : memref<23x128xi32, #tpu.memory_space<vmem>>)
      tpu.yield
    }) : () -> ()
    %barrier3A_658 = arith.constant 0 : index
    tpu.barrier barrier_id(%barrier3A_658)
    %dma_start3A_659 = arith.constant 0 : i32
    %dma_start3A_660 = arith.constant 0 : i32
    %dma_start3A_661 = arith.constant 0 : i32
    %dma_start3A_662 = tpu.memref_slice %arg16[%dma_start3A_660, %dma_start3A_661] : memref<2944x16xf32, #tpu.memory_space<vmem>> -> memref<128x16xf32, #tpu.memory_space<vmem>>
    %dma_start3A_663 = arith.constant 0 : i32
    %dma_start3A_664 = tpu.memref_slice %arg10[%dma_start3A_659, %dma_start3A_663] : memref<23x128xi32, #tpu.memory_space<vmem>> -> memref<1x128xi32, #tpu.memory_space<vmem>>
    %dma_start3A_665 = tpu.memref_squeeze %dma_start3A_664 : memref<1x128xi32, #tpu.memory_space<vmem>> -> memref<128xi32, #tpu.memory_space<vmem>>
    %dma_start3A_666 = arith.constant 0 : i32
    %dma_start3A_667 = arith.constant 0 : i32
    %dma_start3A_668 = tpu.memref_slice %arg18[%dma_start3A_666, %dma_start3A_667] : memref<5888x16xf32, #tpu.memory_space<vmem_shared>> -> memref<5888x16xf32, #tpu.memory_space<vmem_shared>>
    tpu.enqueue_indirect_dma source(%dma_start3A_668 : memref<5888x16xf32, #tpu.memory_space<vmem_shared>>) target(%dma_start3A_662 : memref<128x16xf32, #tpu.memory_space<vmem>>) offsets(%dma_start3A_665 : memref<128xi32, #tpu.memory_space<vmem>>) semaphore(%arg20 : memref<!tpu.dma_semaphore, #tpu.memory_space<semaphore_mem>>)
    %dma_start3A_669 = arith.constant 1 : i32
    %dma_start3A_670 = arith.constant 128 : i32
    %dma_start3A_671 = arith.constant 0 : i32
    %dma_start3A_672 = tpu.memref_slice %arg16[%dma_start3A_670, %dma_start3A_671] : memref<2944x16xf32, #tpu.memory_space<vmem>> -> memref<128x16xf32, #tpu.memory_space<vmem>>
    %dma_start3A_673 = arith.constant 0 : i32
    %dma_start3A_674 = tpu.memref_slice %arg10[%dma_start3A_669, %dma_start3A_673] : memref<23x128xi32, #tpu.memory_space<vmem>> -> memref<1x128xi32, #tpu.memory_space<vmem>>
    %dma_start3A_675 = tpu.memref_squeeze %dma_start3A_674 : memref<1x128xi32, #tpu.memory_space<vmem>> -> memref<128xi32, #tpu.memory_space<vmem>>
    %dma_start3A_676 = arith.constant 0 : i32
    %dma_start3A_677 = arith.constant 0 : i32
    %dma_start3A_678 = tpu.memref_slice %arg18[%dma_start3A_676, %dma_start3A_677] : memref<5888x16xf32, #tpu.memory_space<vmem_shared>> -> memref<5888x16xf32, #tpu.memory_space<vmem_shared>>
    tpu.enqueue_indirect_dma source(%dma_start3A_678 : memref<5888x16xf32, #tpu.memory_space<vmem_shared>>) target(%dma_start3A_672 : memref<128x16xf32, #tpu.memory_space<vmem>>) offsets(%dma_start3A_675 : memref<128xi32, #tpu.memory_space<vmem>>) semaphore(%arg20 : memref<!tpu.dma_semaphore, #tpu.memory_space<semaphore_mem>>)
    %dma_start3A_679 = arith.constant 2 : i32
    %dma_start3A_680 = arith.constant 256 : i32
    %dma_start3A_681 = arith.constant 0 : i32
    %dma_start3A_682 = tpu.memref_slice %arg16[%dma_start3A_680, %dma_start3A_681] : memref<2944x16xf32, #tpu.memory_space<vmem>> -> memref<128x16xf32, #tpu.memory_space<vmem>>
    %dma_start3A_683 = arith.constant 0 : i32
    %dma_start3A_684 = tpu.memref_slice %arg10[%dma_start3A_679, %dma_start3A_683] : memref<23x128xi32, #tpu.memory_space<vmem>> -> memref<1x128xi32, #tpu.memory_space<vmem>>
    %dma_start3A_685 = tpu.memref_squeeze %dma_start3A_684 : memref<1x128xi32, #tpu.memory_space<vmem>> -> memref<128xi32, #tpu.memory_space<vmem>>
    %dma_start3A_686 = arith.constant 0 : i32
    %dma_start3A_687 = arith.constant 0 : i32
    %dma_start3A_688 = tpu.memref_slice %arg18[%dma_start3A_686, %dma_start3A_687] : memref<5888x16xf32, #tpu.memory_space<vmem_shared>> -> memref<5888x16xf32, #tpu.memory_space<vmem_shared>>
    tpu.enqueue_indirect_dma source(%dma_start3A_688 : memref<5888x16xf32, #tpu.memory_space<vmem_shared>>) target(%dma_start3A_682 : memref<128x16xf32, #tpu.memory_space<vmem>>) offsets(%dma_start3A_685 : memref<128xi32, #tpu.memory_space<vmem>>) semaphore(%arg20 : memref<!tpu.dma_semaphore, #tpu.memory_space<semaphore_mem>>)
    %dma_start3A_689 = arith.constant 3 : i32
    %dma_start3A_690 = arith.constant 384 : i32
    %dma_start3A_691 = arith.constant 0 : i32
    %dma_start3A_692 = tpu.memref_slice %arg16[%dma_start3A_690, %dma_start3A_691] : memref<2944x16xf32, #tpu.memory_space<vmem>> -> memref<128x16xf32, #tpu.memory_space<vmem>>
    %dma_start3A_693 = arith.constant 0 : i32
    %dma_start3A_694 = tpu.memref_slice %arg10[%dma_start3A_689, %dma_start3A_693] : memref<23x128xi32, #tpu.memory_space<vmem>> -> memref<1x128xi32, #tpu.memory_space<vmem>>
    %dma_start3A_695 = tpu.memref_squeeze %dma_start3A_694 : memref<1x128xi32, #tpu.memory_space<vmem>> -> memref<128xi32, #tpu.memory_space<vmem>>
    %dma_start3A_696 = arith.constant 0 : i32
    %dma_start3A_697 = arith.constant 0 : i32
    %dma_start3A_698 = tpu.memref_slice %arg18[%dma_start3A_696, %dma_start3A_697] : memref<5888x16xf32, #tpu.memory_space<vmem_shared>> -> memref<5888x16xf32, #tpu.memory_space<vmem_shared>>
    tpu.enqueue_indirect_dma source(%dma_start3A_698 : memref<5888x16xf32, #tpu.memory_space<vmem_shared>>) target(%dma_start3A_692 : memref<128x16xf32, #tpu.memory_space<vmem>>) offsets(%dma_start3A_695 : memref<128xi32, #tpu.memory_space<vmem>>) semaphore(%arg20 : memref<!tpu.dma_semaphore, #tpu.memory_space<semaphore_mem>>)
    %dma_start3A_699 = arith.constant 4 : i32
    %dma_start3A_700 = arith.constant 512 : i32
    %dma_start3A_701 = arith.constant 0 : i32
    %dma_start3A_702 = tpu.memref_slice %arg16[%dma_start3A_700, %dma_start3A_701] : memref<2944x16xf32, #tpu.memory_space<vmem>> -> memref<128x16xf32, #tpu.memory_space<vmem>>
    %dma_start3A_703 = arith.constant 0 : i32
    %dma_start3A_704 = tpu.memref_slice %arg10[%dma_start3A_699, %dma_start3A_703] : memref<23x128xi32, #tpu.memory_space<vmem>> -> memref<1x128xi32, #tpu.memory_space<vmem>>
    %dma_start3A_705 = tpu.memref_squeeze %dma_start3A_704 : memref<1x128xi32, #tpu.memory_space<vmem>> -> memref<128xi32, #tpu.memory_space<vmem>>
    %dma_start3A_706 = arith.constant 0 : i32
    %dma_start3A_707 = arith.constant 0 : i32
    %dma_start3A_708 = tpu.memref_slice %arg18[%dma_start3A_706, %dma_start3A_707] : memref<5888x16xf32, #tpu.memory_space<vmem_shared>> -> memref<5888x16xf32, #tpu.memory_space<vmem_shared>>
    tpu.enqueue_indirect_dma source(%dma_start3A_708 : memref<5888x16xf32, #tpu.memory_space<vmem_shared>>) target(%dma_start3A_702 : memref<128x16xf32, #tpu.memory_space<vmem>>) offsets(%dma_start3A_705 : memref<128xi32, #tpu.memory_space<vmem>>) semaphore(%arg20 : memref<!tpu.dma_semaphore, #tpu.memory_space<semaphore_mem>>)
    %dma_start3A_709 = arith.constant 5 : i32
    %dma_start3A_710 = arith.constant 640 : i32
    %dma_start3A_711 = arith.constant 0 : i32
    %dma_start3A_712 = tpu.memref_slice %arg16[%dma_start3A_710, %dma_start3A_711] : memref<2944x16xf32, #tpu.memory_space<vmem>> -> memref<128x16xf32, #tpu.memory_space<vmem>>
    %dma_start3A_713 = arith.constant 0 : i32
    %dma_start3A_714 = tpu.memref_slice %arg10[%dma_start3A_709, %dma_start3A_713] : memref<23x128xi32, #tpu.memory_space<vmem>> -> memref<1x128xi32, #tpu.memory_space<vmem>>
    %dma_start3A_715 = tpu.memref_squeeze %dma_start3A_714 : memref<1x128xi32, #tpu.memory_space<vmem>> -> memref<128xi32, #tpu.memory_space<vmem>>
    %dma_start3A_716 = arith.constant 0 : i32
    %dma_start3A_717 = arith.constant 0 : i32
    %dma_start3A_718 = tpu.memref_slice %arg18[%dma_start3A_716, %dma_start3A_717] : memref<5888x16xf32, #tpu.memory_space<vmem_shared>> -> memref<5888x16xf32, #tpu.memory_space<vmem_shared>>
    tpu.enqueue_indirect_dma source(%dma_start3A_718 : memref<5888x16xf32, #tpu.memory_space<vmem_shared>>) target(%dma_start3A_712 : memref<128x16xf32, #tpu.memory_space<vmem>>) offsets(%dma_start3A_715 : memref<128xi32, #tpu.memory_space<vmem>>) semaphore(%arg20 : memref<!tpu.dma_semaphore, #tpu.memory_space<semaphore_mem>>)
    %dma_start3A_719 = arith.constant 6 : i32
    %dma_start3A_720 = arith.constant 768 : i32
    %dma_start3A_721 = arith.constant 0 : i32
    %dma_start3A_722 = tpu.memref_slice %arg16[%dma_start3A_720, %dma_start3A_721] : memref<2944x16xf32, #tpu.memory_space<vmem>> -> memref<128x16xf32, #tpu.memory_space<vmem>>
    %dma_start3A_723 = arith.constant 0 : i32
    %dma_start3A_724 = tpu.memref_slice %arg10[%dma_start3A_719, %dma_start3A_723] : memref<23x128xi32, #tpu.memory_space<vmem>> -> memref<1x128xi32, #tpu.memory_space<vmem>>
    %dma_start3A_725 = tpu.memref_squeeze %dma_start3A_724 : memref<1x128xi32, #tpu.memory_space<vmem>> -> memref<128xi32, #tpu.memory_space<vmem>>
    %dma_start3A_726 = arith.constant 0 : i32
    %dma_start3A_727 = arith.constant 0 : i32
    %dma_start3A_728 = tpu.memref_slice %arg18[%dma_start3A_726, %dma_start3A_727] : memref<5888x16xf32, #tpu.memory_space<vmem_shared>> -> memref<5888x16xf32, #tpu.memory_space<vmem_shared>>
    tpu.enqueue_indirect_dma source(%dma_start3A_728 : memref<5888x16xf32, #tpu.memory_space<vmem_shared>>) target(%dma_start3A_722 : memref<128x16xf32, #tpu.memory_space<vmem>>) offsets(%dma_start3A_725 : memref<128xi32, #tpu.memory_space<vmem>>) semaphore(%arg20 : memref<!tpu.dma_semaphore, #tpu.memory_space<semaphore_mem>>)
    %dma_start3A_729 = arith.constant 7 : i32
    %dma_start3A_730 = arith.constant 896 : i32
    %dma_start3A_731 = arith.constant 0 : i32
    %dma_start3A_732 = tpu.memref_slice %arg16[%dma_start3A_730, %dma_start3A_731] : memref<2944x16xf32, #tpu.memory_space<vmem>> -> memref<128x16xf32, #tpu.memory_space<vmem>>
    %dma_start3A_733 = arith.constant 0 : i32
    %dma_start3A_734 = tpu.memref_slice %arg10[%dma_start3A_729, %dma_start3A_733] : memref<23x128xi32, #tpu.memory_space<vmem>> -> memref<1x128xi32, #tpu.memory_space<vmem>>
    %dma_start3A_735 = tpu.memref_squeeze %dma_start3A_734 : memref<1x128xi32, #tpu.memory_space<vmem>> -> memref<128xi32, #tpu.memory_space<vmem>>
    %dma_start3A_736 = arith.constant 0 : i32
    %dma_start3A_737 = arith.constant 0 : i32
    %dma_start3A_738 = tpu.memref_slice %arg18[%dma_start3A_736, %dma_start3A_737] : memref<5888x16xf32, #tpu.memory_space<vmem_shared>> -> memref<5888x16xf32, #tpu.memory_space<vmem_shared>>
    tpu.enqueue_indirect_dma source(%dma_start3A_738 : memref<5888x16xf32, #tpu.memory_space<vmem_shared>>) target(%dma_start3A_732 : memref<128x16xf32, #tpu.memory_space<vmem>>) offsets(%dma_start3A_735 : memref<128xi32, #tpu.memory_space<vmem>>) semaphore(%arg20 : memref<!tpu.dma_semaphore, #tpu.memory_space<semaphore_mem>>)
    %dma_start3A_739 = arith.constant 8 : i32
    %dma_start3A_740 = arith.constant 1024 : i32
    %dma_start3A_741 = arith.constant 0 : i32
    %dma_start3A_742 = tpu.memref_slice %arg16[%dma_start3A_740, %dma_start3A_741] : memref<2944x16xf32, #tpu.memory_space<vmem>> -> memref<128x16xf32, #tpu.memory_space<vmem>>
    %dma_start3A_743 = arith.constant 0 : i32
    %dma_start3A_744 = tpu.memref_slice %arg10[%dma_start3A_739, %dma_start3A_743] : memref<23x128xi32, #tpu.memory_space<vmem>> -> memref<1x128xi32, #tpu.memory_space<vmem>>
    %dma_start3A_745 = tpu.memref_squeeze %dma_start3A_744 : memref<1x128xi32, #tpu.memory_space<vmem>> -> memref<128xi32, #tpu.memory_space<vmem>>
    %dma_start3A_746 = arith.constant 0 : i32
    %dma_start3A_747 = arith.constant 0 : i32
    %dma_start3A_748 = tpu.memref_slice %arg18[%dma_start3A_746, %dma_start3A_747] : memref<5888x16xf32, #tpu.memory_space<vmem_shared>> -> memref<5888x16xf32, #tpu.memory_space<vmem_shared>>
    tpu.enqueue_indirect_dma source(%dma_start3A_748 : memref<5888x16xf32, #tpu.memory_space<vmem_shared>>) target(%dma_start3A_742 : memref<128x16xf32, #tpu.memory_space<vmem>>) offsets(%dma_start3A_745 : memref<128xi32, #tpu.memory_space<vmem>>) semaphore(%arg20 : memref<!tpu.dma_semaphore, #tpu.memory_space<semaphore_mem>>)
    %dma_start3A_749 = arith.constant 9 : i32
    %dma_start3A_750 = arith.constant 1152 : i32
    %dma_start3A_751 = arith.constant 0 : i32
    %dma_start3A_752 = tpu.memref_slice %arg16[%dma_start3A_750, %dma_start3A_751] : memref<2944x16xf32, #tpu.memory_space<vmem>> -> memref<128x16xf32, #tpu.memory_space<vmem>>
    %dma_start3A_753 = arith.constant 0 : i32
    %dma_start3A_754 = tpu.memref_slice %arg10[%dma_start3A_749, %dma_start3A_753] : memref<23x128xi32, #tpu.memory_space<vmem>> -> memref<1x128xi32, #tpu.memory_space<vmem>>
    %dma_start3A_755 = tpu.memref_squeeze %dma_start3A_754 : memref<1x128xi32, #tpu.memory_space<vmem>> -> memref<128xi32, #tpu.memory_space<vmem>>
    %dma_start3A_756 = arith.constant 0 : i32
    %dma_start3A_757 = arith.constant 0 : i32
    %dma_start3A_758 = tpu.memref_slice %arg18[%dma_start3A_756, %dma_start3A_757] : memref<5888x16xf32, #tpu.memory_space<vmem_shared>> -> memref<5888x16xf32, #tpu.memory_space<vmem_shared>>
    tpu.enqueue_indirect_dma source(%dma_start3A_758 : memref<5888x16xf32, #tpu.memory_space<vmem_shared>>) target(%dma_start3A_752 : memref<128x16xf32, #tpu.memory_space<vmem>>) offsets(%dma_start3A_755 : memref<128xi32, #tpu.memory_space<vmem>>) semaphore(%arg20 : memref<!tpu.dma_semaphore, #tpu.memory_space<semaphore_mem>>)
    %dma_start3A_759 = arith.constant 10 : i32
    %dma_start3A_760 = arith.constant 1280 : i32
    %dma_start3A_761 = arith.constant 0 : i32
    %dma_start3A_762 = tpu.memref_slice %arg16[%dma_start3A_760, %dma_start3A_761] : memref<2944x16xf32, #tpu.memory_space<vmem>> -> memref<128x16xf32, #tpu.memory_space<vmem>>
    %dma_start3A_763 = arith.constant 0 : i32
    %dma_start3A_764 = tpu.memref_slice %arg10[%dma_start3A_759, %dma_start3A_763] : memref<23x128xi32, #tpu.memory_space<vmem>> -> memref<1x128xi32, #tpu.memory_space<vmem>>
    %dma_start3A_765 = tpu.memref_squeeze %dma_start3A_764 : memref<1x128xi32, #tpu.memory_space<vmem>> -> memref<128xi32, #tpu.memory_space<vmem>>
    %dma_start3A_766 = arith.constant 0 : i32
    %dma_start3A_767 = arith.constant 0 : i32
    %dma_start3A_768 = tpu.memref_slice %arg18[%dma_start3A_766, %dma_start3A_767] : memref<5888x16xf32, #tpu.memory_space<vmem_shared>> -> memref<5888x16xf32, #tpu.memory_space<vmem_shared>>
    tpu.enqueue_indirect_dma source(%dma_start3A_768 : memref<5888x16xf32, #tpu.memory_space<vmem_shared>>) target(%dma_start3A_762 : memref<128x16xf32, #tpu.memory_space<vmem>>) offsets(%dma_start3A_765 : memref<128xi32, #tpu.memory_space<vmem>>) semaphore(%arg20 : memref<!tpu.dma_semaphore, #tpu.memory_space<semaphore_mem>>)
    %dma_start3A_769 = arith.constant 11 : i32
    %dma_start3A_770 = arith.constant 1408 : i32
    %dma_start3A_771 = arith.constant 0 : i32
    %dma_start3A_772 = tpu.memref_slice %arg16[%dma_start3A_770, %dma_start3A_771] : memref<2944x16xf32, #tpu.memory_space<vmem>> -> memref<128x16xf32, #tpu.memory_space<vmem>>
    %dma_start3A_773 = arith.constant 0 : i32
    %dma_start3A_774 = tpu.memref_slice %arg10[%dma_start3A_769, %dma_start3A_773] : memref<23x128xi32, #tpu.memory_space<vmem>> -> memref<1x128xi32, #tpu.memory_space<vmem>>
    %dma_start3A_775 = tpu.memref_squeeze %dma_start3A_774 : memref<1x128xi32, #tpu.memory_space<vmem>> -> memref<128xi32, #tpu.memory_space<vmem>>
    %dma_start3A_776 = arith.constant 0 : i32
    %dma_start3A_777 = arith.constant 0 : i32
    %dma_start3A_778 = tpu.memref_slice %arg18[%dma_start3A_776, %dma_start3A_777] : memref<5888x16xf32, #tpu.memory_space<vmem_shared>> -> memref<5888x16xf32, #tpu.memory_space<vmem_shared>>
    tpu.enqueue_indirect_dma source(%dma_start3A_778 : memref<5888x16xf32, #tpu.memory_space<vmem_shared>>) target(%dma_start3A_772 : memref<128x16xf32, #tpu.memory_space<vmem>>) offsets(%dma_start3A_775 : memref<128xi32, #tpu.memory_space<vmem>>) semaphore(%arg20 : memref<!tpu.dma_semaphore, #tpu.memory_space<semaphore_mem>>)
    %dma_start3A_779 = arith.constant 12 : i32
    %dma_start3A_780 = arith.constant 1536 : i32
    %dma_start3A_781 = arith.constant 0 : i32
    %dma_start3A_782 = tpu.memref_slice %arg16[%dma_start3A_780, %dma_start3A_781] : memref<2944x16xf32, #tpu.memory_space<vmem>> -> memref<128x16xf32, #tpu.memory_space<vmem>>
    %dma_start3A_783 = arith.constant 0 : i32
    %dma_start3A_784 = tpu.memref_slice %arg10[%dma_start3A_779, %dma_start3A_783] : memref<23x128xi32, #tpu.memory_space<vmem>> -> memref<1x128xi32, #tpu.memory_space<vmem>>
    %dma_start3A_785 = tpu.memref_squeeze %dma_start3A_784 : memref<1x128xi32, #tpu.memory_space<vmem>> -> memref<128xi32, #tpu.memory_space<vmem>>
    %dma_start3A_786 = arith.constant 0 : i32
    %dma_start3A_787 = arith.constant 0 : i32
    %dma_start3A_788 = tpu.memref_slice %arg18[%dma_start3A_786, %dma_start3A_787] : memref<5888x16xf32, #tpu.memory_space<vmem_shared>> -> memref<5888x16xf32, #tpu.memory_space<vmem_shared>>
    tpu.enqueue_indirect_dma source(%dma_start3A_788 : memref<5888x16xf32, #tpu.memory_space<vmem_shared>>) target(%dma_start3A_782 : memref<128x16xf32, #tpu.memory_space<vmem>>) offsets(%dma_start3A_785 : memref<128xi32, #tpu.memory_space<vmem>>) semaphore(%arg20 : memref<!tpu.dma_semaphore, #tpu.memory_space<semaphore_mem>>)
    %dma_start3A_789 = arith.constant 13 : i32
    %dma_start3A_790 = arith.constant 1664 : i32
    %dma_start3A_791 = arith.constant 0 : i32
    %dma_start3A_792 = tpu.memref_slice %arg16[%dma_start3A_790, %dma_start3A_791] : memref<2944x16xf32, #tpu.memory_space<vmem>> -> memref<128x16xf32, #tpu.memory_space<vmem>>
    %dma_start3A_793 = arith.constant 0 : i32
    %dma_start3A_794 = tpu.memref_slice %arg10[%dma_start3A_789, %dma_start3A_793] : memref<23x128xi32, #tpu.memory_space<vmem>> -> memref<1x128xi32, #tpu.memory_space<vmem>>
    %dma_start3A_795 = tpu.memref_squeeze %dma_start3A_794 : memref<1x128xi32, #tpu.memory_space<vmem>> -> memref<128xi32, #tpu.memory_space<vmem>>
    %dma_start3A_796 = arith.constant 0 : i32
    %dma_start3A_797 = arith.constant 0 : i32
    %dma_start3A_798 = tpu.memref_slice %arg18[%dma_start3A_796, %dma_start3A_797] : memref<5888x16xf32, #tpu.memory_space<vmem_shared>> -> memref<5888x16xf32, #tpu.memory_space<vmem_shared>>
    tpu.enqueue_indirect_dma source(%dma_start3A_798 : memref<5888x16xf32, #tpu.memory_space<vmem_shared>>) target(%dma_start3A_792 : memref<128x16xf32, #tpu.memory_space<vmem>>) offsets(%dma_start3A_795 : memref<128xi32, #tpu.memory_space<vmem>>) semaphore(%arg20 : memref<!tpu.dma_semaphore, #tpu.memory_space<semaphore_mem>>)
    %dma_start3A_799 = arith.constant 14 : i32
    %dma_start3A_800 = arith.constant 1792 : i32
    %dma_start3A_801 = arith.constant 0 : i32
    %dma_start3A_802 = tpu.memref_slice %arg16[%dma_start3A_800, %dma_start3A_801] : memref<2944x16xf32, #tpu.memory_space<vmem>> -> memref<128x16xf32, #tpu.memory_space<vmem>>
    %dma_start3A_803 = arith.constant 0 : i32
    %dma_start3A_804 = tpu.memref_slice %arg10[%dma_start3A_799, %dma_start3A_803] : memref<23x128xi32, #tpu.memory_space<vmem>> -> memref<1x128xi32, #tpu.memory_space<vmem>>
    %dma_start3A_805 = tpu.memref_squeeze %dma_start3A_804 : memref<1x128xi32, #tpu.memory_space<vmem>> -> memref<128xi32, #tpu.memory_space<vmem>>
    %dma_start3A_806 = arith.constant 0 : i32
    %dma_start3A_807 = arith.constant 0 : i32
    %dma_start3A_808 = tpu.memref_slice %arg18[%dma_start3A_806, %dma_start3A_807] : memref<5888x16xf32, #tpu.memory_space<vmem_shared>> -> memref<5888x16xf32, #tpu.memory_space<vmem_shared>>
    tpu.enqueue_indirect_dma source(%dma_start3A_808 : memref<5888x16xf32, #tpu.memory_space<vmem_shared>>) target(%dma_start3A_802 : memref<128x16xf32, #tpu.memory_space<vmem>>) offsets(%dma_start3A_805 : memref<128xi32, #tpu.memory_space<vmem>>) semaphore(%arg20 : memref<!tpu.dma_semaphore, #tpu.memory_space<semaphore_mem>>)
    %dma_start3A_809 = arith.constant 15 : i32
    %dma_start3A_810 = arith.constant 1920 : i32
    %dma_start3A_811 = arith.constant 0 : i32
    %dma_start3A_812 = tpu.memref_slice %arg16[%dma_start3A_810, %dma_start3A_811] : memref<2944x16xf32, #tpu.memory_space<vmem>> -> memref<128x16xf32, #tpu.memory_space<vmem>>
    %dma_start3A_813 = arith.constant 0 : i32
    %dma_start3A_814 = tpu.memref_slice %arg10[%dma_start3A_809, %dma_start3A_813] : memref<23x128xi32, #tpu.memory_space<vmem>> -> memref<1x128xi32, #tpu.memory_space<vmem>>
    %dma_start3A_815 = tpu.memref_squeeze %dma_start3A_814 : memref<1x128xi32, #tpu.memory_space<vmem>> -> memref<128xi32, #tpu.memory_space<vmem>>
    %dma_start3A_816 = arith.constant 0 : i32
    %dma_start3A_817 = arith.constant 0 : i32
    %dma_start3A_818 = tpu.memref_slice %arg18[%dma_start3A_816, %dma_start3A_817] : memref<5888x16xf32, #tpu.memory_space<vmem_shared>> -> memref<5888x16xf32, #tpu.memory_space<vmem_shared>>
    tpu.enqueue_indirect_dma source(%dma_start3A_818 : memref<5888x16xf32, #tpu.memory_space<vmem_shared>>) target(%dma_start3A_812 : memref<128x16xf32, #tpu.memory_space<vmem>>) offsets(%dma_start3A_815 : memref<128xi32, #tpu.memory_space<vmem>>) semaphore(%arg20 : memref<!tpu.dma_semaphore, #tpu.memory_space<semaphore_mem>>)
    %dma_start3A_819 = arith.constant 16 : i32
    %dma_start3A_820 = arith.constant 2048 : i32
    %dma_start3A_821 = arith.constant 0 : i32
    %dma_start3A_822 = tpu.memref_slice %arg16[%dma_start3A_820, %dma_start3A_821] : memref<2944x16xf32, #tpu.memory_space<vmem>> -> memref<128x16xf32, #tpu.memory_space<vmem>>
    %dma_start3A_823 = arith.constant 0 : i32
    %dma_start3A_824 = tpu.memref_slice %arg10[%dma_start3A_819, %dma_start3A_823] : memref<23x128xi32, #tpu.memory_space<vmem>> -> memref<1x128xi32, #tpu.memory_space<vmem>>
    %dma_start3A_825 = tpu.memref_squeeze %dma_start3A_824 : memref<1x128xi32, #tpu.memory_space<vmem>> -> memref<128xi32, #tpu.memory_space<vmem>>
    %dma_start3A_826 = arith.constant 0 : i32
    %dma_start3A_827 = arith.constant 0 : i32
    %dma_start3A_828 = tpu.memref_slice %arg18[%dma_start3A_826, %dma_start3A_827] : memref<5888x16xf32, #tpu.memory_space<vmem_shared>> -> memref<5888x16xf32, #tpu.memory_space<vmem_shared>>
    tpu.enqueue_indirect_dma source(%dma_start3A_828 : memref<5888x16xf32, #tpu.memory_space<vmem_shared>>) target(%dma_start3A_822 : memref<128x16xf32, #tpu.memory_space<vmem>>) offsets(%dma_start3A_825 : memref<128xi32, #tpu.memory_space<vmem>>) semaphore(%arg20 : memref<!tpu.dma_semaphore, #tpu.memory_space<semaphore_mem>>)
    %dma_start3A_829 = arith.constant 17 : i32
    %dma_start3A_830 = arith.constant 2176 : i32
    %dma_start3A_831 = arith.constant 0 : i32
    %dma_start3A_832 = tpu.memref_slice %arg16[%dma_start3A_830, %dma_start3A_831] : memref<2944x16xf32, #tpu.memory_space<vmem>> -> memref<128x16xf32, #tpu.memory_space<vmem>>
    %dma_start3A_833 = arith.constant 0 : i32
    %dma_start3A_834 = tpu.memref_slice %arg10[%dma_start3A_829, %dma_start3A_833] : memref<23x128xi32, #tpu.memory_space<vmem>> -> memref<1x128xi32, #tpu.memory_space<vmem>>
    %dma_start3A_835 = tpu.memref_squeeze %dma_start3A_834 : memref<1x128xi32, #tpu.memory_space<vmem>> -> memref<128xi32, #tpu.memory_space<vmem>>
    %dma_start3A_836 = arith.constant 0 : i32
    %dma_start3A_837 = arith.constant 0 : i32
    %dma_start3A_838 = tpu.memref_slice %arg18[%dma_start3A_836, %dma_start3A_837] : memref<5888x16xf32, #tpu.memory_space<vmem_shared>> -> memref<5888x16xf32, #tpu.memory_space<vmem_shared>>
    tpu.enqueue_indirect_dma source(%dma_start3A_838 : memref<5888x16xf32, #tpu.memory_space<vmem_shared>>) target(%dma_start3A_832 : memref<128x16xf32, #tpu.memory_space<vmem>>) offsets(%dma_start3A_835 : memref<128xi32, #tpu.memory_space<vmem>>) semaphore(%arg20 : memref<!tpu.dma_semaphore, #tpu.memory_space<semaphore_mem>>)
    %dma_start3A_839 = arith.constant 18 : i32
    %dma_start3A_840 = arith.constant 2304 : i32
    %dma_start3A_841 = arith.constant 0 : i32
    %dma_start3A_842 = tpu.memref_slice %arg16[%dma_start3A_840, %dma_start3A_841] : memref<2944x16xf32, #tpu.memory_space<vmem>> -> memref<128x16xf32, #tpu.memory_space<vmem>>
    %dma_start3A_843 = arith.constant 0 : i32
    %dma_start3A_844 = tpu.memref_slice %arg10[%dma_start3A_839, %dma_start3A_843] : memref<23x128xi32, #tpu.memory_space<vmem>> -> memref<1x128xi32, #tpu.memory_space<vmem>>
    %dma_start3A_845 = tpu.memref_squeeze %dma_start3A_844 : memref<1x128xi32, #tpu.memory_space<vmem>> -> memref<128xi32, #tpu.memory_space<vmem>>
    %dma_start3A_846 = arith.constant 0 : i32
    %dma_start3A_847 = arith.constant 0 : i32
    %dma_start3A_848 = tpu.memref_slice %arg18[%dma_start3A_846, %dma_start3A_847] : memref<5888x16xf32, #tpu.memory_space<vmem_shared>> -> memref<5888x16xf32, #tpu.memory_space<vmem_shared>>
    tpu.enqueue_indirect_dma source(%dma_start3A_848 : memref<5888x16xf32, #tpu.memory_space<vmem_shared>>) target(%dma_start3A_842 : memref<128x16xf32, #tpu.memory_space<vmem>>) offsets(%dma_start3A_845 : memref<128xi32, #tpu.memory_space<vmem>>) semaphore(%arg20 : memref<!tpu.dma_semaphore, #tpu.memory_space<semaphore_mem>>)
    %dma_start3A_849 = arith.constant 19 : i32
    %dma_start3A_850 = arith.constant 2432 : i32
    %dma_start3A_851 = arith.constant 0 : i32
    %dma_start3A_852 = tpu.memref_slice %arg16[%dma_start3A_850, %dma_start3A_851] : memref<2944x16xf32, #tpu.memory_space<vmem>> -> memref<128x16xf32, #tpu.memory_space<vmem>>
    %dma_start3A_853 = arith.constant 0 : i32
    %dma_start3A_854 = tpu.memref_slice %arg10[%dma_start3A_849, %dma_start3A_853] : memref<23x128xi32, #tpu.memory_space<vmem>> -> memref<1x128xi32, #tpu.memory_space<vmem>>
    %dma_start3A_855 = tpu.memref_squeeze %dma_start3A_854 : memref<1x128xi32, #tpu.memory_space<vmem>> -> memref<128xi32, #tpu.memory_space<vmem>>
    %dma_start3A_856 = arith.constant 0 : i32
    %dma_start3A_857 = arith.constant 0 : i32
    %dma_start3A_858 = tpu.memref_slice %arg18[%dma_start3A_856, %dma_start3A_857] : memref<5888x16xf32, #tpu.memory_space<vmem_shared>> -> memref<5888x16xf32, #tpu.memory_space<vmem_shared>>
    tpu.enqueue_indirect_dma source(%dma_start3A_858 : memref<5888x16xf32, #tpu.memory_space<vmem_shared>>) target(%dma_start3A_852 : memref<128x16xf32, #tpu.memory_space<vmem>>) offsets(%dma_start3A_855 : memref<128xi32, #tpu.memory_space<vmem>>) semaphore(%arg20 : memref<!tpu.dma_semaphore, #tpu.memory_space<semaphore_mem>>)
    %dma_start3A_859 = arith.constant 20 : i32
    %dma_start3A_860 = arith.constant 2560 : i32
    %dma_start3A_861 = arith.constant 0 : i32
    %dma_start3A_862 = tpu.memref_slice %arg16[%dma_start3A_860, %dma_start3A_861] : memref<2944x16xf32, #tpu.memory_space<vmem>> -> memref<128x16xf32, #tpu.memory_space<vmem>>
    %dma_start3A_863 = arith.constant 0 : i32
    %dma_start3A_864 = tpu.memref_slice %arg10[%dma_start3A_859, %dma_start3A_863] : memref<23x128xi32, #tpu.memory_space<vmem>> -> memref<1x128xi32, #tpu.memory_space<vmem>>
    %dma_start3A_865 = tpu.memref_squeeze %dma_start3A_864 : memref<1x128xi32, #tpu.memory_space<vmem>> -> memref<128xi32, #tpu.memory_space<vmem>>
    %dma_start3A_866 = arith.constant 0 : i32
    %dma_start3A_867 = arith.constant 0 : i32
    %dma_start3A_868 = tpu.memref_slice %arg18[%dma_start3A_866, %dma_start3A_867] : memref<5888x16xf32, #tpu.memory_space<vmem_shared>> -> memref<5888x16xf32, #tpu.memory_space<vmem_shared>>
    tpu.enqueue_indirect_dma source(%dma_start3A_868 : memref<5888x16xf32, #tpu.memory_space<vmem_shared>>) target(%dma_start3A_862 : memref<128x16xf32, #tpu.memory_space<vmem>>) offsets(%dma_start3A_865 : memref<128xi32, #tpu.memory_space<vmem>>) semaphore(%arg20 : memref<!tpu.dma_semaphore, #tpu.memory_space<semaphore_mem>>)
    %dma_start3A_869 = arith.constant 21 : i32
    %dma_start3A_870 = arith.constant 2688 : i32
    %dma_start3A_871 = arith.constant 0 : i32
    %dma_start3A_872 = tpu.memref_slice %arg16[%dma_start3A_870, %dma_start3A_871] : memref<2944x16xf32, #tpu.memory_space<vmem>> -> memref<128x16xf32, #tpu.memory_space<vmem>>
    %dma_start3A_873 = arith.constant 0 : i32
    %dma_start3A_874 = tpu.memref_slice %arg10[%dma_start3A_869, %dma_start3A_873] : memref<23x128xi32, #tpu.memory_space<vmem>> -> memref<1x128xi32, #tpu.memory_space<vmem>>
    %dma_start3A_875 = tpu.memref_squeeze %dma_start3A_874 : memref<1x128xi32, #tpu.memory_space<vmem>> -> memref<128xi32, #tpu.memory_space<vmem>>
    %dma_start3A_876 = arith.constant 0 : i32
    %dma_start3A_877 = arith.constant 0 : i32
    %dma_start3A_878 = tpu.memref_slice %arg18[%dma_start3A_876, %dma_start3A_877] : memref<5888x16xf32, #tpu.memory_space<vmem_shared>> -> memref<5888x16xf32, #tpu.memory_space<vmem_shared>>
    tpu.enqueue_indirect_dma source(%dma_start3A_878 : memref<5888x16xf32, #tpu.memory_space<vmem_shared>>) target(%dma_start3A_872 : memref<128x16xf32, #tpu.memory_space<vmem>>) offsets(%dma_start3A_875 : memref<128xi32, #tpu.memory_space<vmem>>) semaphore(%arg20 : memref<!tpu.dma_semaphore, #tpu.memory_space<semaphore_mem>>)
    %dma_start3A_879 = arith.constant 22 : i32
    %dma_start3A_880 = arith.constant 2816 : i32
    %dma_start3A_881 = arith.constant 0 : i32
    %dma_start3A_882 = tpu.memref_slice %arg16[%dma_start3A_880, %dma_start3A_881] : memref<2944x16xf32, #tpu.memory_space<vmem>> -> memref<128x16xf32, #tpu.memory_space<vmem>>
    %dma_start3A_883 = arith.constant 0 : i32
    %dma_start3A_884 = tpu.memref_slice %arg10[%dma_start3A_879, %dma_start3A_883] : memref<23x128xi32, #tpu.memory_space<vmem>> -> memref<1x128xi32, #tpu.memory_space<vmem>>
    %dma_start3A_885 = tpu.memref_squeeze %dma_start3A_884 : memref<1x128xi32, #tpu.memory_space<vmem>> -> memref<128xi32, #tpu.memory_space<vmem>>
    %dma_start3A_886 = arith.constant 0 : i32
    %dma_start3A_887 = arith.constant 0 : i32
    %dma_start3A_888 = tpu.memref_slice %arg18[%dma_start3A_886, %dma_start3A_887] : memref<5888x16xf32, #tpu.memory_space<vmem_shared>> -> memref<5888x16xf32, #tpu.memory_space<vmem_shared>>
    tpu.enqueue_indirect_dma source(%dma_start3A_888 : memref<5888x16xf32, #tpu.memory_space<vmem_shared>>) target(%dma_start3A_882 : memref<128x16xf32, #tpu.memory_space<vmem>>) offsets(%dma_start3A_885 : memref<128xi32, #tpu.memory_space<vmem>>) semaphore(%arg20 : memref<!tpu.dma_semaphore, #tpu.memory_space<semaphore_mem>>)
    %dma_wait3A_889 = arith.constant 0 : i32
    %dma_wait3A_890 = arith.constant 0 : i32
    %dma_wait3A_891 = arith.constant 0 : i32
    %dma_wait3A_892 = tpu.memref_slice %arg16[%dma_wait3A_890, %dma_wait3A_891] : memref<2944x16xf32, #tpu.memory_space<vmem>> -> memref<128x16xf32, #tpu.memory_space<vmem>>
    %dma_wait3A_893 = arith.constant 0 : i32
    %dma_wait3A_894 = tpu.memref_slice %arg10[%dma_wait3A_889, %dma_wait3A_893] : memref<23x128xi32, #tpu.memory_space<vmem>> -> memref<1x128xi32, #tpu.memory_space<vmem>>
    %dma_wait3A_895 = tpu.memref_squeeze %dma_wait3A_894 : memref<1x128xi32, #tpu.memory_space<vmem>> -> memref<128xi32, #tpu.memory_space<vmem>>
    %dma_wait3A_896 = arith.constant 0 : i32
    %dma_wait3A_897 = arith.constant 0 : i32
    %dma_wait3A_898 = tpu.memref_slice %arg18[%dma_wait3A_896, %dma_wait3A_897] : memref<5888x16xf32, #tpu.memory_space<vmem_shared>> -> memref<5888x16xf32, #tpu.memory_space<vmem_shared>>
    tpu.wait_indirect_dma semaphore(%arg20 : memref<!tpu.dma_semaphore, #tpu.memory_space<semaphore_mem>>) src(%dma_wait3A_898 : memref<5888x16xf32, #tpu.memory_space<vmem_shared>>) dst(%dma_wait3A_892 : memref<128x16xf32, #tpu.memory_space<vmem>>)
    %dma_wait3A_899 = arith.constant 1 : i32
    %dma_wait3A_900 = arith.constant 128 : i32
    %dma_wait3A_901 = arith.constant 0 : i32
    %dma_wait3A_902 = tpu.memref_slice %arg16[%dma_wait3A_900, %dma_wait3A_901] : memref<2944x16xf32, #tpu.memory_space<vmem>> -> memref<128x16xf32, #tpu.memory_space<vmem>>
    %dma_wait3A_903 = arith.constant 0 : i32
    %dma_wait3A_904 = tpu.memref_slice %arg10[%dma_wait3A_899, %dma_wait3A_903] : memref<23x128xi32, #tpu.memory_space<vmem>> -> memref<1x128xi32, #tpu.memory_space<vmem>>
    %dma_wait3A_905 = tpu.memref_squeeze %dma_wait3A_904 : memref<1x128xi32, #tpu.memory_space<vmem>> -> memref<128xi32, #tpu.memory_space<vmem>>
    %dma_wait3A_906 = arith.constant 0 : i32
    %dma_wait3A_907 = arith.constant 0 : i32
    %dma_wait3A_908 = tpu.memref_slice %arg18[%dma_wait3A_906, %dma_wait3A_907] : memref<5888x16xf32, #tpu.memory_space<vmem_shared>> -> memref<5888x16xf32, #tpu.memory_space<vmem_shared>>
    tpu.wait_indirect_dma semaphore(%arg20 : memref<!tpu.dma_semaphore, #tpu.memory_space<semaphore_mem>>) src(%dma_wait3A_908 : memref<5888x16xf32, #tpu.memory_space<vmem_shared>>) dst(%dma_wait3A_902 : memref<128x16xf32, #tpu.memory_space<vmem>>)
    %dma_wait3A_909 = arith.constant 2 : i32
    %dma_wait3A_910 = arith.constant 256 : i32
    %dma_wait3A_911 = arith.constant 0 : i32
    %dma_wait3A_912 = tpu.memref_slice %arg16[%dma_wait3A_910, %dma_wait3A_911] : memref<2944x16xf32, #tpu.memory_space<vmem>> -> memref<128x16xf32, #tpu.memory_space<vmem>>
    %dma_wait3A_913 = arith.constant 0 : i32
    %dma_wait3A_914 = tpu.memref_slice %arg10[%dma_wait3A_909, %dma_wait3A_913] : memref<23x128xi32, #tpu.memory_space<vmem>> -> memref<1x128xi32, #tpu.memory_space<vmem>>
    %dma_wait3A_915 = tpu.memref_squeeze %dma_wait3A_914 : memref<1x128xi32, #tpu.memory_space<vmem>> -> memref<128xi32, #tpu.memory_space<vmem>>
    %dma_wait3A_916 = arith.constant 0 : i32
    %dma_wait3A_917 = arith.constant 0 : i32
    %dma_wait3A_918 = tpu.memref_slice %arg18[%dma_wait3A_916, %dma_wait3A_917] : memref<5888x16xf32, #tpu.memory_space<vmem_shared>> -> memref<5888x16xf32, #tpu.memory_space<vmem_shared>>
    tpu.wait_indirect_dma semaphore(%arg20 : memref<!tpu.dma_semaphore, #tpu.memory_space<semaphore_mem>>) src(%dma_wait3A_918 : memref<5888x16xf32, #tpu.memory_space<vmem_shared>>) dst(%dma_wait3A_912 : memref<128x16xf32, #tpu.memory_space<vmem>>)
    %dma_wait3A_919 = arith.constant 3 : i32
    %dma_wait3A_920 = arith.constant 384 : i32
    %dma_wait3A_921 = arith.constant 0 : i32
    %dma_wait3A_922 = tpu.memref_slice %arg16[%dma_wait3A_920, %dma_wait3A_921] : memref<2944x16xf32, #tpu.memory_space<vmem>> -> memref<128x16xf32, #tpu.memory_space<vmem>>
    %dma_wait3A_923 = arith.constant 0 : i32
    %dma_wait3A_924 = tpu.memref_slice %arg10[%dma_wait3A_919, %dma_wait3A_923] : memref<23x128xi32, #tpu.memory_space<vmem>> -> memref<1x128xi32, #tpu.memory_space<vmem>>
    %dma_wait3A_925 = tpu.memref_squeeze %dma_wait3A_924 : memref<1x128xi32, #tpu.memory_space<vmem>> -> memref<128xi32, #tpu.memory_space<vmem>>
    %dma_wait3A_926 = arith.constant 0 : i32
    %dma_wait3A_927 = arith.constant 0 : i32
    %dma_wait3A_928 = tpu.memref_slice %arg18[%dma_wait3A_926, %dma_wait3A_927] : memref<5888x16xf32, #tpu.memory_space<vmem_shared>> -> memref<5888x16xf32, #tpu.memory_space<vmem_shared>>
    tpu.wait_indirect_dma semaphore(%arg20 : memref<!tpu.dma_semaphore, #tpu.memory_space<semaphore_mem>>) src(%dma_wait3A_928 : memref<5888x16xf32, #tpu.memory_space<vmem_shared>>) dst(%dma_wait3A_922 : memref<128x16xf32, #tpu.memory_space<vmem>>)
    %dma_wait3A_929 = arith.constant 4 : i32
    %dma_wait3A_930 = arith.constant 512 : i32
    %dma_wait3A_931 = arith.constant 0 : i32
    %dma_wait3A_932 = tpu.memref_slice %arg16[%dma_wait3A_930, %dma_wait3A_931] : memref<2944x16xf32, #tpu.memory_space<vmem>> -> memref<128x16xf32, #tpu.memory_space<vmem>>
    %dma_wait3A_933 = arith.constant 0 : i32
    %dma_wait3A_934 = tpu.memref_slice %arg10[%dma_wait3A_929, %dma_wait3A_933] : memref<23x128xi32, #tpu.memory_space<vmem>> -> memref<1x128xi32, #tpu.memory_space<vmem>>
    %dma_wait3A_935 = tpu.memref_squeeze %dma_wait3A_934 : memref<1x128xi32, #tpu.memory_space<vmem>> -> memref<128xi32, #tpu.memory_space<vmem>>
    %dma_wait3A_936 = arith.constant 0 : i32
    %dma_wait3A_937 = arith.constant 0 : i32
    %dma_wait3A_938 = tpu.memref_slice %arg18[%dma_wait3A_936, %dma_wait3A_937] : memref<5888x16xf32, #tpu.memory_space<vmem_shared>> -> memref<5888x16xf32, #tpu.memory_space<vmem_shared>>
    tpu.wait_indirect_dma semaphore(%arg20 : memref<!tpu.dma_semaphore, #tpu.memory_space<semaphore_mem>>) src(%dma_wait3A_938 : memref<5888x16xf32, #tpu.memory_space<vmem_shared>>) dst(%dma_wait3A_932 : memref<128x16xf32, #tpu.memory_space<vmem>>)
    %dma_wait3A_939 = arith.constant 5 : i32
    %dma_wait3A_940 = arith.constant 640 : i32
    %dma_wait3A_941 = arith.constant 0 : i32
    %dma_wait3A_942 = tpu.memref_slice %arg16[%dma_wait3A_940, %dma_wait3A_941] : memref<2944x16xf32, #tpu.memory_space<vmem>> -> memref<128x16xf32, #tpu.memory_space<vmem>>
    %dma_wait3A_943 = arith.constant 0 : i32
    %dma_wait3A_944 = tpu.memref_slice %arg10[%dma_wait3A_939, %dma_wait3A_943] : memref<23x128xi32, #tpu.memory_space<vmem>> -> memref<1x128xi32, #tpu.memory_space<vmem>>
    %dma_wait3A_945 = tpu.memref_squeeze %dma_wait3A_944 : memref<1x128xi32, #tpu.memory_space<vmem>> -> memref<128xi32, #tpu.memory_space<vmem>>
    %dma_wait3A_946 = arith.constant 0 : i32
    %dma_wait3A_947 = arith.constant 0 : i32
    %dma_wait3A_948 = tpu.memref_slice %arg18[%dma_wait3A_946, %dma_wait3A_947] : memref<5888x16xf32, #tpu.memory_space<vmem_shared>> -> memref<5888x16xf32, #tpu.memory_space<vmem_shared>>
    tpu.wait_indirect_dma semaphore(%arg20 : memref<!tpu.dma_semaphore, #tpu.memory_space<semaphore_mem>>) src(%dma_wait3A_948 : memref<5888x16xf32, #tpu.memory_space<vmem_shared>>) dst(%dma_wait3A_942 : memref<128x16xf32, #tpu.memory_space<vmem>>)
    %dma_wait3A_949 = arith.constant 6 : i32
    %dma_wait3A_950 = arith.constant 768 : i32
    %dma_wait3A_951 = arith.constant 0 : i32
    %dma_wait3A_952 = tpu.memref_slice %arg16[%dma_wait3A_950, %dma_wait3A_951] : memref<2944x16xf32, #tpu.memory_space<vmem>> -> memref<128x16xf32, #tpu.memory_space<vmem>>
    %dma_wait3A_953 = arith.constant 0 : i32
    %dma_wait3A_954 = tpu.memref_slice %arg10[%dma_wait3A_949, %dma_wait3A_953] : memref<23x128xi32, #tpu.memory_space<vmem>> -> memref<1x128xi32, #tpu.memory_space<vmem>>
    %dma_wait3A_955 = tpu.memref_squeeze %dma_wait3A_954 : memref<1x128xi32, #tpu.memory_space<vmem>> -> memref<128xi32, #tpu.memory_space<vmem>>
    %dma_wait3A_956 = arith.constant 0 : i32
    %dma_wait3A_957 = arith.constant 0 : i32
    %dma_wait3A_958 = tpu.memref_slice %arg18[%dma_wait3A_956, %dma_wait3A_957] : memref<5888x16xf32, #tpu.memory_space<vmem_shared>> -> memref<5888x16xf32, #tpu.memory_space<vmem_shared>>
    tpu.wait_indirect_dma semaphore(%arg20 : memref<!tpu.dma_semaphore, #tpu.memory_space<semaphore_mem>>) src(%dma_wait3A_958 : memref<5888x16xf32, #tpu.memory_space<vmem_shared>>) dst(%dma_wait3A_952 : memref<128x16xf32, #tpu.memory_space<vmem>>)
    %dma_wait3A_959 = arith.constant 7 : i32
    %dma_wait3A_960 = arith.constant 896 : i32
    %dma_wait3A_961 = arith.constant 0 : i32
    %dma_wait3A_962 = tpu.memref_slice %arg16[%dma_wait3A_960, %dma_wait3A_961] : memref<2944x16xf32, #tpu.memory_space<vmem>> -> memref<128x16xf32, #tpu.memory_space<vmem>>
    %dma_wait3A_963 = arith.constant 0 : i32
    %dma_wait3A_964 = tpu.memref_slice %arg10[%dma_wait3A_959, %dma_wait3A_963] : memref<23x128xi32, #tpu.memory_space<vmem>> -> memref<1x128xi32, #tpu.memory_space<vmem>>
    %dma_wait3A_965 = tpu.memref_squeeze %dma_wait3A_964 : memref<1x128xi32, #tpu.memory_space<vmem>> -> memref<128xi32, #tpu.memory_space<vmem>>
    %dma_wait3A_966 = arith.constant 0 : i32
    %dma_wait3A_967 = arith.constant 0 : i32
    %dma_wait3A_968 = tpu.memref_slice %arg18[%dma_wait3A_966, %dma_wait3A_967] : memref<5888x16xf32, #tpu.memory_space<vmem_shared>> -> memref<5888x16xf32, #tpu.memory_space<vmem_shared>>
    tpu.wait_indirect_dma semaphore(%arg20 : memref<!tpu.dma_semaphore, #tpu.memory_space<semaphore_mem>>) src(%dma_wait3A_968 : memref<5888x16xf32, #tpu.memory_space<vmem_shared>>) dst(%dma_wait3A_962 : memref<128x16xf32, #tpu.memory_space<vmem>>)
    %dma_wait3A_969 = arith.constant 8 : i32
    %dma_wait3A_970 = arith.constant 1024 : i32
    %dma_wait3A_971 = arith.constant 0 : i32
    %dma_wait3A_972 = tpu.memref_slice %arg16[%dma_wait3A_970, %dma_wait3A_971] : memref<2944x16xf32, #tpu.memory_space<vmem>> -> memref<128x16xf32, #tpu.memory_space<vmem>>
    %dma_wait3A_973 = arith.constant 0 : i32
    %dma_wait3A_974 = tpu.memref_slice %arg10[%dma_wait3A_969, %dma_wait3A_973] : memref<23x128xi32, #tpu.memory_space<vmem>> -> memref<1x128xi32, #tpu.memory_space<vmem>>
    %dma_wait3A_975 = tpu.memref_squeeze %dma_wait3A_974 : memref<1x128xi32, #tpu.memory_space<vmem>> -> memref<128xi32, #tpu.memory_space<vmem>>
    %dma_wait3A_976 = arith.constant 0 : i32
    %dma_wait3A_977 = arith.constant 0 : i32
    %dma_wait3A_978 = tpu.memref_slice %arg18[%dma_wait3A_976, %dma_wait3A_977] : memref<5888x16xf32, #tpu.memory_space<vmem_shared>> -> memref<5888x16xf32, #tpu.memory_space<vmem_shared>>
    tpu.wait_indirect_dma semaphore(%arg20 : memref<!tpu.dma_semaphore, #tpu.memory_space<semaphore_mem>>) src(%dma_wait3A_978 : memref<5888x16xf32, #tpu.memory_space<vmem_shared>>) dst(%dma_wait3A_972 : memref<128x16xf32, #tpu.memory_space<vmem>>)
    %dma_wait3A_979 = arith.constant 9 : i32
    %dma_wait3A_980 = arith.constant 1152 : i32
    %dma_wait3A_981 = arith.constant 0 : i32
    %dma_wait3A_982 = tpu.memref_slice %arg16[%dma_wait3A_980, %dma_wait3A_981] : memref<2944x16xf32, #tpu.memory_space<vmem>> -> memref<128x16xf32, #tpu.memory_space<vmem>>
    %dma_wait3A_983 = arith.constant 0 : i32
    %dma_wait3A_984 = tpu.memref_slice %arg10[%dma_wait3A_979, %dma_wait3A_983] : memref<23x128xi32, #tpu.memory_space<vmem>> -> memref<1x128xi32, #tpu.memory_space<vmem>>
    %dma_wait3A_985 = tpu.memref_squeeze %dma_wait3A_984 : memref<1x128xi32, #tpu.memory_space<vmem>> -> memref<128xi32, #tpu.memory_space<vmem>>
    %dma_wait3A_986 = arith.constant 0 : i32
    %dma_wait3A_987 = arith.constant 0 : i32
    %dma_wait3A_988 = tpu.memref_slice %arg18[%dma_wait3A_986, %dma_wait3A_987] : memref<5888x16xf32, #tpu.memory_space<vmem_shared>> -> memref<5888x16xf32, #tpu.memory_space<vmem_shared>>
    tpu.wait_indirect_dma semaphore(%arg20 : memref<!tpu.dma_semaphore, #tpu.memory_space<semaphore_mem>>) src(%dma_wait3A_988 : memref<5888x16xf32, #tpu.memory_space<vmem_shared>>) dst(%dma_wait3A_982 : memref<128x16xf32, #tpu.memory_space<vmem>>)
    %dma_wait3A_989 = arith.constant 10 : i32
    %dma_wait3A_990 = arith.constant 1280 : i32
    %dma_wait3A_991 = arith.constant 0 : i32
    %dma_wait3A_992 = tpu.memref_slice %arg16[%dma_wait3A_990, %dma_wait3A_991] : memref<2944x16xf32, #tpu.memory_space<vmem>> -> memref<128x16xf32, #tpu.memory_space<vmem>>
    %dma_wait3A_993 = arith.constant 0 : i32
    %dma_wait3A_994 = tpu.memref_slice %arg10[%dma_wait3A_989, %dma_wait3A_993] : memref<23x128xi32, #tpu.memory_space<vmem>> -> memref<1x128xi32, #tpu.memory_space<vmem>>
    %dma_wait3A_995 = tpu.memref_squeeze %dma_wait3A_994 : memref<1x128xi32, #tpu.memory_space<vmem>> -> memref<128xi32, #tpu.memory_space<vmem>>
    %dma_wait3A_996 = arith.constant 0 : i32
    %dma_wait3A_997 = arith.constant 0 : i32
    %dma_wait3A_998 = tpu.memref_slice %arg18[%dma_wait3A_996, %dma_wait3A_997] : memref<5888x16xf32, #tpu.memory_space<vmem_shared>> -> memref<5888x16xf32, #tpu.memory_space<vmem_shared>>
    tpu.wait_indirect_dma semaphore(%arg20 : memref<!tpu.dma_semaphore, #tpu.memory_space<semaphore_mem>>) src(%dma_wait3A_998 : memref<5888x16xf32, #tpu.memory_space<vmem_shared>>) dst(%dma_wait3A_992 : memref<128x16xf32, #tpu.memory_space<vmem>>)
    %dma_wait3A_999 = arith.constant 11 : i32
    %dma_wait3A_1000 = arith.constant 1408 : i32
    %dma_wait3A_1001 = arith.constant 0 : i32
    %dma_wait3A_1002 = tpu.memref_slice %arg16[%dma_wait3A_1000, %dma_wait3A_1001] : memref<2944x16xf32, #tpu.memory_space<vmem>> -> memref<128x16xf32, #tpu.memory_space<vmem>>
    %dma_wait3A_1003 = arith.constant 0 : i32
    %dma_wait3A_1004 = tpu.memref_slice %arg10[%dma_wait3A_999, %dma_wait3A_1003] : memref<23x128xi32, #tpu.memory_space<vmem>> -> memref<1x128xi32, #tpu.memory_space<vmem>>
    %dma_wait3A_1005 = tpu.memref_squeeze %dma_wait3A_1004 : memref<1x128xi32, #tpu.memory_space<vmem>> -> memref<128xi32, #tpu.memory_space<vmem>>
    %dma_wait3A_1006 = arith.constant 0 : i32
    %dma_wait3A_1007 = arith.constant 0 : i32
    %dma_wait3A_1008 = tpu.memref_slice %arg18[%dma_wait3A_1006, %dma_wait3A_1007] : memref<5888x16xf32, #tpu.memory_space<vmem_shared>> -> memref<5888x16xf32, #tpu.memory_space<vmem_shared>>
    tpu.wait_indirect_dma semaphore(%arg20 : memref<!tpu.dma_semaphore, #tpu.memory_space<semaphore_mem>>) src(%dma_wait3A_1008 : memref<5888x16xf32, #tpu.memory_space<vmem_shared>>) dst(%dma_wait3A_1002 : memref<128x16xf32, #tpu.memory_space<vmem>>)
    %dma_wait3A_1009 = arith.constant 12 : i32
    %dma_wait3A_1010 = arith.constant 1536 : i32
    %dma_wait3A_1011 = arith.constant 0 : i32
    %dma_wait3A_1012 = tpu.memref_slice %arg16[%dma_wait3A_1010, %dma_wait3A_1011] : memref<2944x16xf32, #tpu.memory_space<vmem>> -> memref<128x16xf32, #tpu.memory_space<vmem>>
    %dma_wait3A_1013 = arith.constant 0 : i32
    %dma_wait3A_1014 = tpu.memref_slice %arg10[%dma_wait3A_1009, %dma_wait3A_1013] : memref<23x128xi32, #tpu.memory_space<vmem>> -> memref<1x128xi32, #tpu.memory_space<vmem>>
    %dma_wait3A_1015 = tpu.memref_squeeze %dma_wait3A_1014 : memref<1x128xi32, #tpu.memory_space<vmem>> -> memref<128xi32, #tpu.memory_space<vmem>>
    %dma_wait3A_1016 = arith.constant 0 : i32
    %dma_wait3A_1017 = arith.constant 0 : i32
    %dma_wait3A_1018 = tpu.memref_slice %arg18[%dma_wait3A_1016, %dma_wait3A_1017] : memref<5888x16xf32, #tpu.memory_space<vmem_shared>> -> memref<5888x16xf32, #tpu.memory_space<vmem_shared>>
    tpu.wait_indirect_dma semaphore(%arg20 : memref<!tpu.dma_semaphore, #tpu.memory_space<semaphore_mem>>) src(%dma_wait3A_1018 : memref<5888x16xf32, #tpu.memory_space<vmem_shared>>) dst(%dma_wait3A_1012 : memref<128x16xf32, #tpu.memory_space<vmem>>)
    %dma_wait3A_1019 = arith.constant 13 : i32
    %dma_wait3A_1020 = arith.constant 1664 : i32
    %dma_wait3A_1021 = arith.constant 0 : i32
    %dma_wait3A_1022 = tpu.memref_slice %arg16[%dma_wait3A_1020, %dma_wait3A_1021] : memref<2944x16xf32, #tpu.memory_space<vmem>> -> memref<128x16xf32, #tpu.memory_space<vmem>>
    %dma_wait3A_1023 = arith.constant 0 : i32
    %dma_wait3A_1024 = tpu.memref_slice %arg10[%dma_wait3A_1019, %dma_wait3A_1023] : memref<23x128xi32, #tpu.memory_space<vmem>> -> memref<1x128xi32, #tpu.memory_space<vmem>>
    %dma_wait3A_1025 = tpu.memref_squeeze %dma_wait3A_1024 : memref<1x128xi32, #tpu.memory_space<vmem>> -> memref<128xi32, #tpu.memory_space<vmem>>
    %dma_wait3A_1026 = arith.constant 0 : i32
    %dma_wait3A_1027 = arith.constant 0 : i32
    %dma_wait3A_1028 = tpu.memref_slice %arg18[%dma_wait3A_1026, %dma_wait3A_1027] : memref<5888x16xf32, #tpu.memory_space<vmem_shared>> -> memref<5888x16xf32, #tpu.memory_space<vmem_shared>>
    tpu.wait_indirect_dma semaphore(%arg20 : memref<!tpu.dma_semaphore, #tpu.memory_space<semaphore_mem>>) src(%dma_wait3A_1028 : memref<5888x16xf32, #tpu.memory_space<vmem_shared>>) dst(%dma_wait3A_1022 : memref<128x16xf32, #tpu.memory_space<vmem>>)
    %dma_wait3A_1029 = arith.constant 14 : i32
    %dma_wait3A_1030 = arith.constant 1792 : i32
    %dma_wait3A_1031 = arith.constant 0 : i32
    %dma_wait3A_1032 = tpu.memref_slice %arg16[%dma_wait3A_1030, %dma_wait3A_1031] : memref<2944x16xf32, #tpu.memory_space<vmem>> -> memref<128x16xf32, #tpu.memory_space<vmem>>
    %dma_wait3A_1033 = arith.constant 0 : i32
    %dma_wait3A_1034 = tpu.memref_slice %arg10[%dma_wait3A_1029, %dma_wait3A_1033] : memref<23x128xi32, #tpu.memory_space<vmem>> -> memref<1x128xi32, #tpu.memory_space<vmem>>
    %dma_wait3A_1035 = tpu.memref_squeeze %dma_wait3A_1034 : memref<1x128xi32, #tpu.memory_space<vmem>> -> memref<128xi32, #tpu.memory_space<vmem>>
    %dma_wait3A_1036 = arith.constant 0 : i32
    %dma_wait3A_1037 = arith.constant 0 : i32
    %dma_wait3A_1038 = tpu.memref_slice %arg18[%dma_wait3A_1036, %dma_wait3A_1037] : memref<5888x16xf32, #tpu.memory_space<vmem_shared>> -> memref<5888x16xf32, #tpu.memory_space<vmem_shared>>
    tpu.wait_indirect_dma semaphore(%arg20 : memref<!tpu.dma_semaphore, #tpu.memory_space<semaphore_mem>>) src(%dma_wait3A_1038 : memref<5888x16xf32, #tpu.memory_space<vmem_shared>>) dst(%dma_wait3A_1032 : memref<128x16xf32, #tpu.memory_space<vmem>>)
    %dma_wait3A_1039 = arith.constant 15 : i32
    %dma_wait3A_1040 = arith.constant 1920 : i32
    %dma_wait3A_1041 = arith.constant 0 : i32
    %dma_wait3A_1042 = tpu.memref_slice %arg16[%dma_wait3A_1040, %dma_wait3A_1041] : memref<2944x16xf32, #tpu.memory_space<vmem>> -> memref<128x16xf32, #tpu.memory_space<vmem>>
    %dma_wait3A_1043 = arith.constant 0 : i32
    %dma_wait3A_1044 = tpu.memref_slice %arg10[%dma_wait3A_1039, %dma_wait3A_1043] : memref<23x128xi32, #tpu.memory_space<vmem>> -> memref<1x128xi32, #tpu.memory_space<vmem>>
    %dma_wait3A_1045 = tpu.memref_squeeze %dma_wait3A_1044 : memref<1x128xi32, #tpu.memory_space<vmem>> -> memref<128xi32, #tpu.memory_space<vmem>>
    %dma_wait3A_1046 = arith.constant 0 : i32
    %dma_wait3A_1047 = arith.constant 0 : i32
    %dma_wait3A_1048 = tpu.memref_slice %arg18[%dma_wait3A_1046, %dma_wait3A_1047] : memref<5888x16xf32, #tpu.memory_space<vmem_shared>> -> memref<5888x16xf32, #tpu.memory_space<vmem_shared>>
    tpu.wait_indirect_dma semaphore(%arg20 : memref<!tpu.dma_semaphore, #tpu.memory_space<semaphore_mem>>) src(%dma_wait3A_1048 : memref<5888x16xf32, #tpu.memory_space<vmem_shared>>) dst(%dma_wait3A_1042 : memref<128x16xf32, #tpu.memory_space<vmem>>)
    %dma_wait3A_1049 = arith.constant 16 : i32
    %dma_wait3A_1050 = arith.constant 2048 : i32
    %dma_wait3A_1051 = arith.constant 0 : i32
    %dma_wait3A_1052 = tpu.memref_slice %arg16[%dma_wait3A_1050, %dma_wait3A_1051] : memref<2944x16xf32, #tpu.memory_space<vmem>> -> memref<128x16xf32, #tpu.memory_space<vmem>>
    %dma_wait3A_1053 = arith.constant 0 : i32
    %dma_wait3A_1054 = tpu.memref_slice %arg10[%dma_wait3A_1049, %dma_wait3A_1053] : memref<23x128xi32, #tpu.memory_space<vmem>> -> memref<1x128xi32, #tpu.memory_space<vmem>>
    %dma_wait3A_1055 = tpu.memref_squeeze %dma_wait3A_1054 : memref<1x128xi32, #tpu.memory_space<vmem>> -> memref<128xi32, #tpu.memory_space<vmem>>
    %dma_wait3A_1056 = arith.constant 0 : i32
    %dma_wait3A_1057 = arith.constant 0 : i32
    %dma_wait3A_1058 = tpu.memref_slice %arg18[%dma_wait3A_1056, %dma_wait3A_1057] : memref<5888x16xf32, #tpu.memory_space<vmem_shared>> -> memref<5888x16xf32, #tpu.memory_space<vmem_shared>>
    tpu.wait_indirect_dma semaphore(%arg20 : memref<!tpu.dma_semaphore, #tpu.memory_space<semaphore_mem>>) src(%dma_wait3A_1058 : memref<5888x16xf32, #tpu.memory_space<vmem_shared>>) dst(%dma_wait3A_1052 : memref<128x16xf32, #tpu.memory_space<vmem>>)
    %dma_wait3A_1059 = arith.constant 17 : i32
    %dma_wait3A_1060 = arith.constant 2176 : i32
    %dma_wait3A_1061 = arith.constant 0 : i32
    %dma_wait3A_1062 = tpu.memref_slice %arg16[%dma_wait3A_1060, %dma_wait3A_1061] : memref<2944x16xf32, #tpu.memory_space<vmem>> -> memref<128x16xf32, #tpu.memory_space<vmem>>
    %dma_wait3A_1063 = arith.constant 0 : i32
    %dma_wait3A_1064 = tpu.memref_slice %arg10[%dma_wait3A_1059, %dma_wait3A_1063] : memref<23x128xi32, #tpu.memory_space<vmem>> -> memref<1x128xi32, #tpu.memory_space<vmem>>
    %dma_wait3A_1065 = tpu.memref_squeeze %dma_wait3A_1064 : memref<1x128xi32, #tpu.memory_space<vmem>> -> memref<128xi32, #tpu.memory_space<vmem>>
    %dma_wait3A_1066 = arith.constant 0 : i32
    %dma_wait3A_1067 = arith.constant 0 : i32
    %dma_wait3A_1068 = tpu.memref_slice %arg18[%dma_wait3A_1066, %dma_wait3A_1067] : memref<5888x16xf32, #tpu.memory_space<vmem_shared>> -> memref<5888x16xf32, #tpu.memory_space<vmem_shared>>
    tpu.wait_indirect_dma semaphore(%arg20 : memref<!tpu.dma_semaphore, #tpu.memory_space<semaphore_mem>>) src(%dma_wait3A_1068 : memref<5888x16xf32, #tpu.memory_space<vmem_shared>>) dst(%dma_wait3A_1062 : memref<128x16xf32, #tpu.memory_space<vmem>>)
    %dma_wait3A_1069 = arith.constant 18 : i32
    %dma_wait3A_1070 = arith.constant 2304 : i32
    %dma_wait3A_1071 = arith.constant 0 : i32
    %dma_wait3A_1072 = tpu.memref_slice %arg16[%dma_wait3A_1070, %dma_wait3A_1071] : memref<2944x16xf32, #tpu.memory_space<vmem>> -> memref<128x16xf32, #tpu.memory_space<vmem>>
    %dma_wait3A_1073 = arith.constant 0 : i32
    %dma_wait3A_1074 = tpu.memref_slice %arg10[%dma_wait3A_1069, %dma_wait3A_1073] : memref<23x128xi32, #tpu.memory_space<vmem>> -> memref<1x128xi32, #tpu.memory_space<vmem>>
    %dma_wait3A_1075 = tpu.memref_squeeze %dma_wait3A_1074 : memref<1x128xi32, #tpu.memory_space<vmem>> -> memref<128xi32, #tpu.memory_space<vmem>>
    %dma_wait3A_1076 = arith.constant 0 : i32
    %dma_wait3A_1077 = arith.constant 0 : i32
    %dma_wait3A_1078 = tpu.memref_slice %arg18[%dma_wait3A_1076, %dma_wait3A_1077] : memref<5888x16xf32, #tpu.memory_space<vmem_shared>> -> memref<5888x16xf32, #tpu.memory_space<vmem_shared>>
    tpu.wait_indirect_dma semaphore(%arg20 : memref<!tpu.dma_semaphore, #tpu.memory_space<semaphore_mem>>) src(%dma_wait3A_1078 : memref<5888x16xf32, #tpu.memory_space<vmem_shared>>) dst(%dma_wait3A_1072 : memref<128x16xf32, #tpu.memory_space<vmem>>)
    %dma_wait3A_1079 = arith.constant 19 : i32
    %dma_wait3A_1080 = arith.constant 2432 : i32
    %dma_wait3A_1081 = arith.constant 0 : i32
    %dma_wait3A_1082 = tpu.memref_slice %arg16[%dma_wait3A_1080, %dma_wait3A_1081] : memref<2944x16xf32, #tpu.memory_space<vmem>> -> memref<128x16xf32, #tpu.memory_space<vmem>>
    %dma_wait3A_1083 = arith.constant 0 : i32
    %dma_wait3A_1084 = tpu.memref_slice %arg10[%dma_wait3A_1079, %dma_wait3A_1083] : memref<23x128xi32, #tpu.memory_space<vmem>> -> memref<1x128xi32, #tpu.memory_space<vmem>>
    %dma_wait3A_1085 = tpu.memref_squeeze %dma_wait3A_1084 : memref<1x128xi32, #tpu.memory_space<vmem>> -> memref<128xi32, #tpu.memory_space<vmem>>
    %dma_wait3A_1086 = arith.constant 0 : i32
    %dma_wait3A_1087 = arith.constant 0 : i32
    %dma_wait3A_1088 = tpu.memref_slice %arg18[%dma_wait3A_1086, %dma_wait3A_1087] : memref<5888x16xf32, #tpu.memory_space<vmem_shared>> -> memref<5888x16xf32, #tpu.memory_space<vmem_shared>>
    tpu.wait_indirect_dma semaphore(%arg20 : memref<!tpu.dma_semaphore, #tpu.memory_space<semaphore_mem>>) src(%dma_wait3A_1088 : memref<5888x16xf32, #tpu.memory_space<vmem_shared>>) dst(%dma_wait3A_1082 : memref<128x16xf32, #tpu.memory_space<vmem>>)
    %dma_wait3A_1089 = arith.constant 20 : i32
    %dma_wait3A_1090 = arith.constant 2560 : i32
    %dma_wait3A_1091 = arith.constant 0 : i32
    %dma_wait3A_1092 = tpu.memref_slice %arg16[%dma_wait3A_1090, %dma_wait3A_1091] : memref<2944x16xf32, #tpu.memory_space<vmem>> -> memref<128x16xf32, #tpu.memory_space<vmem>>
    %dma_wait3A_1093 = arith.constant 0 : i32
    %dma_wait3A_1094 = tpu.memref_slice %arg10[%dma_wait3A_1089, %dma_wait3A_1093] : memref<23x128xi32, #tpu.memory_space<vmem>> -> memref<1x128xi32, #tpu.memory_space<vmem>>
    %dma_wait3A_1095 = tpu.memref_squeeze %dma_wait3A_1094 : memref<1x128xi32, #tpu.memory_space<vmem>> -> memref<128xi32, #tpu.memory_space<vmem>>
    %dma_wait3A_1096 = arith.constant 0 : i32
    %dma_wait3A_1097 = arith.constant 0 : i32
    %dma_wait3A_1098 = tpu.memref_slice %arg18[%dma_wait3A_1096, %dma_wait3A_1097] : memref<5888x16xf32, #tpu.memory_space<vmem_shared>> -> memref<5888x16xf32, #tpu.memory_space<vmem_shared>>
    tpu.wait_indirect_dma semaphore(%arg20 : memref<!tpu.dma_semaphore, #tpu.memory_space<semaphore_mem>>) src(%dma_wait3A_1098 : memref<5888x16xf32, #tpu.memory_space<vmem_shared>>) dst(%dma_wait3A_1092 : memref<128x16xf32, #tpu.memory_space<vmem>>)
    %dma_wait3A_1099 = arith.constant 21 : i32
    %dma_wait3A_1100 = arith.constant 2688 : i32
    %dma_wait3A_1101 = arith.constant 0 : i32
    %dma_wait3A_1102 = tpu.memref_slice %arg16[%dma_wait3A_1100, %dma_wait3A_1101] : memref<2944x16xf32, #tpu.memory_space<vmem>> -> memref<128x16xf32, #tpu.memory_space<vmem>>
    %dma_wait3A_1103 = arith.constant 0 : i32
    %dma_wait3A_1104 = tpu.memref_slice %arg10[%dma_wait3A_1099, %dma_wait3A_1103] : memref<23x128xi32, #tpu.memory_space<vmem>> -> memref<1x128xi32, #tpu.memory_space<vmem>>
    %dma_wait3A_1105 = tpu.memref_squeeze %dma_wait3A_1104 : memref<1x128xi32, #tpu.memory_space<vmem>> -> memref<128xi32, #tpu.memory_space<vmem>>
    %dma_wait3A_1106 = arith.constant 0 : i32
    %dma_wait3A_1107 = arith.constant 0 : i32
    %dma_wait3A_1108 = tpu.memref_slice %arg18[%dma_wait3A_1106, %dma_wait3A_1107] : memref<5888x16xf32, #tpu.memory_space<vmem_shared>> -> memref<5888x16xf32, #tpu.memory_space<vmem_shared>>
    tpu.wait_indirect_dma semaphore(%arg20 : memref<!tpu.dma_semaphore, #tpu.memory_space<semaphore_mem>>) src(%dma_wait3A_1108 : memref<5888x16xf32, #tpu.memory_space<vmem_shared>>) dst(%dma_wait3A_1102 : memref<128x16xf32, #tpu.memory_space<vmem>>)
    %dma_wait3A_1109 = arith.constant 22 : i32
    %dma_wait3A_1110 = arith.constant 2816 : i32
    %dma_wait3A_1111 = arith.constant 0 : i32
    %dma_wait3A_1112 = tpu.memref_slice %arg16[%dma_wait3A_1110, %dma_wait3A_1111] : memref<2944x16xf32, #tpu.memory_space<vmem>> -> memref<128x16xf32, #tpu.memory_space<vmem>>
    %dma_wait3A_1113 = arith.constant 0 : i32
    %dma_wait3A_1114 = tpu.memref_slice %arg10[%dma_wait3A_1109, %dma_wait3A_1113] : memref<23x128xi32, #tpu.memory_space<vmem>> -> memref<1x128xi32, #tpu.memory_space<vmem>>
    %dma_wait3A_1115 = tpu.memref_squeeze %dma_wait3A_1114 : memref<1x128xi32, #tpu.memory_space<vmem>> -> memref<128xi32, #tpu.memory_space<vmem>>
    %dma_wait3A_1116 = arith.constant 0 : i32
    %dma_wait3A_1117 = arith.constant 0 : i32
    %dma_wait3A_1118 = tpu.memref_slice %arg18[%dma_wait3A_1116, %dma_wait3A_1117] : memref<5888x16xf32, #tpu.memory_space<vmem_shared>> -> memref<5888x16xf32, #tpu.memory_space<vmem_shared>>
    tpu.wait_indirect_dma semaphore(%arg20 : memref<!tpu.dma_semaphore, #tpu.memory_space<semaphore_mem>>) src(%dma_wait3A_1118 : memref<5888x16xf32, #tpu.memory_space<vmem_shared>>) dst(%dma_wait3A_1112 : memref<128x16xf32, #tpu.memory_space<vmem>>)
    %dma_start3A_1119 = arith.constant 0 : i32
    %dma_start3A_1120 = arith.constant 0 : i32
    %dma_start3A_1121 = arith.constant 0 : i32
    %dma_start3A_1122 = tpu.memref_slice %arg16[%dma_start3A_1120, %dma_start3A_1121] : memref<2944x16xf32, #tpu.memory_space<vmem>> -> memref<128x16xf32, #tpu.memory_space<vmem>>
    %dma_start3A_1123 = arith.constant 0 : i32
    %dma_start3A_1124 = tpu.memref_slice %arg11[%dma_start3A_1119, %dma_start3A_1123] : memref<23x128xi32, #tpu.memory_space<vmem>> -> memref<1x128xi32, #tpu.memory_space<vmem>>
    %dma_start3A_1125 = tpu.memref_squeeze %dma_start3A_1124 : memref<1x128xi32, #tpu.memory_space<vmem>> -> memref<128xi32, #tpu.memory_space<vmem>>
    %dma_start3A_1126 = arith.constant 0 : i32
    %dma_start3A_1127 = arith.constant 0 : i32
    %dma_start3A_1128 = tpu.memref_slice %arg19[%dma_start3A_1126, %dma_start3A_1127] : memref<5888x16xf32, #tpu.memory_space<vmem_shared>> -> memref<5888x16xf32, #tpu.memory_space<vmem_shared>>
    tpu.enqueue_indirect_dma source(%dma_start3A_1122 : memref<128x16xf32, #tpu.memory_space<vmem>>) target(%dma_start3A_1128 : memref<5888x16xf32, #tpu.memory_space<vmem_shared>>) offsets(%dma_start3A_1125 : memref<128xi32, #tpu.memory_space<vmem>>) semaphore(%arg21 : memref<!tpu.dma_semaphore, #tpu.memory_space<semaphore_mem>>) {add = true}
    %dma_start3A_1129 = arith.constant 1 : i32
    %dma_start3A_1130 = arith.constant 128 : i32
    %dma_start3A_1131 = arith.constant 0 : i32
    %dma_start3A_1132 = tpu.memref_slice %arg16[%dma_start3A_1130, %dma_start3A_1131] : memref<2944x16xf32, #tpu.memory_space<vmem>> -> memref<128x16xf32, #tpu.memory_space<vmem>>
    %dma_start3A_1133 = arith.constant 0 : i32
    %dma_start3A_1134 = tpu.memref_slice %arg11[%dma_start3A_1129, %dma_start3A_1133] : memref<23x128xi32, #tpu.memory_space<vmem>> -> memref<1x128xi32, #tpu.memory_space<vmem>>
    %dma_start3A_1135 = tpu.memref_squeeze %dma_start3A_1134 : memref<1x128xi32, #tpu.memory_space<vmem>> -> memref<128xi32, #tpu.memory_space<vmem>>
    %dma_start3A_1136 = arith.constant 0 : i32
    %dma_start3A_1137 = arith.constant 0 : i32
    %dma_start3A_1138 = tpu.memref_slice %arg19[%dma_start3A_1136, %dma_start3A_1137] : memref<5888x16xf32, #tpu.memory_space<vmem_shared>> -> memref<5888x16xf32, #tpu.memory_space<vmem_shared>>
    tpu.enqueue_indirect_dma source(%dma_start3A_1132 : memref<128x16xf32, #tpu.memory_space<vmem>>) target(%dma_start3A_1138 : memref<5888x16xf32, #tpu.memory_space<vmem_shared>>) offsets(%dma_start3A_1135 : memref<128xi32, #tpu.memory_space<vmem>>) semaphore(%arg21 : memref<!tpu.dma_semaphore, #tpu.memory_space<semaphore_mem>>) {add = true}
    %dma_start3A_1139 = arith.constant 2 : i32
    %dma_start3A_1140 = arith.constant 256 : i32
    %dma_start3A_1141 = arith.constant 0 : i32
    %dma_start3A_1142 = tpu.memref_slice %arg16[%dma_start3A_1140, %dma_start3A_1141] : memref<2944x16xf32, #tpu.memory_space<vmem>> -> memref<128x16xf32, #tpu.memory_space<vmem>>
    %dma_start3A_1143 = arith.constant 0 : i32
    %dma_start3A_1144 = tpu.memref_slice %arg11[%dma_start3A_1139, %dma_start3A_1143] : memref<23x128xi32, #tpu.memory_space<vmem>> -> memref<1x128xi32, #tpu.memory_space<vmem>>
    %dma_start3A_1145 = tpu.memref_squeeze %dma_start3A_1144 : memref<1x128xi32, #tpu.memory_space<vmem>> -> memref<128xi32, #tpu.memory_space<vmem>>
    %dma_start3A_1146 = arith.constant 0 : i32
    %dma_start3A_1147 = arith.constant 0 : i32
    %dma_start3A_1148 = tpu.memref_slice %arg19[%dma_start3A_1146, %dma_start3A_1147] : memref<5888x16xf32, #tpu.memory_space<vmem_shared>> -> memref<5888x16xf32, #tpu.memory_space<vmem_shared>>
    tpu.enqueue_indirect_dma source(%dma_start3A_1142 : memref<128x16xf32, #tpu.memory_space<vmem>>) target(%dma_start3A_1148 : memref<5888x16xf32, #tpu.memory_space<vmem_shared>>) offsets(%dma_start3A_1145 : memref<128xi32, #tpu.memory_space<vmem>>) semaphore(%arg21 : memref<!tpu.dma_semaphore, #tpu.memory_space<semaphore_mem>>) {add = true}
    %dma_start3A_1149 = arith.constant 3 : i32
    %dma_start3A_1150 = arith.constant 384 : i32
    %dma_start3A_1151 = arith.constant 0 : i32
    %dma_start3A_1152 = tpu.memref_slice %arg16[%dma_start3A_1150, %dma_start3A_1151] : memref<2944x16xf32, #tpu.memory_space<vmem>> -> memref<128x16xf32, #tpu.memory_space<vmem>>
    %dma_start3A_1153 = arith.constant 0 : i32
    %dma_start3A_1154 = tpu.memref_slice %arg11[%dma_start3A_1149, %dma_start3A_1153] : memref<23x128xi32, #tpu.memory_space<vmem>> -> memref<1x128xi32, #tpu.memory_space<vmem>>
    %dma_start3A_1155 = tpu.memref_squeeze %dma_start3A_1154 : memref<1x128xi32, #tpu.memory_space<vmem>> -> memref<128xi32, #tpu.memory_space<vmem>>
    %dma_start3A_1156 = arith.constant 0 : i32
    %dma_start3A_1157 = arith.constant 0 : i32
    %dma_start3A_1158 = tpu.memref_slice %arg19[%dma_start3A_1156, %dma_start3A_1157] : memref<5888x16xf32, #tpu.memory_space<vmem_shared>> -> memref<5888x16xf32, #tpu.memory_space<vmem_shared>>
    tpu.enqueue_indirect_dma source(%dma_start3A_1152 : memref<128x16xf32, #tpu.memory_space<vmem>>) target(%dma_start3A_1158 : memref<5888x16xf32, #tpu.memory_space<vmem_shared>>) offsets(%dma_start3A_1155 : memref<128xi32, #tpu.memory_space<vmem>>) semaphore(%arg21 : memref<!tpu.dma_semaphore, #tpu.memory_space<semaphore_mem>>) {add = true}
    %dma_start3A_1159 = arith.constant 4 : i32
    %dma_start3A_1160 = arith.constant 512 : i32
    %dma_start3A_1161 = arith.constant 0 : i32
    %dma_start3A_1162 = tpu.memref_slice %arg16[%dma_start3A_1160, %dma_start3A_1161] : memref<2944x16xf32, #tpu.memory_space<vmem>> -> memref<128x16xf32, #tpu.memory_space<vmem>>
    %dma_start3A_1163 = arith.constant 0 : i32
    %dma_start3A_1164 = tpu.memref_slice %arg11[%dma_start3A_1159, %dma_start3A_1163] : memref<23x128xi32, #tpu.memory_space<vmem>> -> memref<1x128xi32, #tpu.memory_space<vmem>>
    %dma_start3A_1165 = tpu.memref_squeeze %dma_start3A_1164 : memref<1x128xi32, #tpu.memory_space<vmem>> -> memref<128xi32, #tpu.memory_space<vmem>>
    %dma_start3A_1166 = arith.constant 0 : i32
    %dma_start3A_1167 = arith.constant 0 : i32
    %dma_start3A_1168 = tpu.memref_slice %arg19[%dma_start3A_1166, %dma_start3A_1167] : memref<5888x16xf32, #tpu.memory_space<vmem_shared>> -> memref<5888x16xf32, #tpu.memory_space<vmem_shared>>
    tpu.enqueue_indirect_dma source(%dma_start3A_1162 : memref<128x16xf32, #tpu.memory_space<vmem>>) target(%dma_start3A_1168 : memref<5888x16xf32, #tpu.memory_space<vmem_shared>>) offsets(%dma_start3A_1165 : memref<128xi32, #tpu.memory_space<vmem>>) semaphore(%arg21 : memref<!tpu.dma_semaphore, #tpu.memory_space<semaphore_mem>>) {add = true}
    %dma_start3A_1169 = arith.constant 5 : i32
    %dma_start3A_1170 = arith.constant 640 : i32
    %dma_start3A_1171 = arith.constant 0 : i32
    %dma_start3A_1172 = tpu.memref_slice %arg16[%dma_start3A_1170, %dma_start3A_1171] : memref<2944x16xf32, #tpu.memory_space<vmem>> -> memref<128x16xf32, #tpu.memory_space<vmem>>
    %dma_start3A_1173 = arith.constant 0 : i32
    %dma_start3A_1174 = tpu.memref_slice %arg11[%dma_start3A_1169, %dma_start3A_1173] : memref<23x128xi32, #tpu.memory_space<vmem>> -> memref<1x128xi32, #tpu.memory_space<vmem>>
    %dma_start3A_1175 = tpu.memref_squeeze %dma_start3A_1174 : memref<1x128xi32, #tpu.memory_space<vmem>> -> memref<128xi32, #tpu.memory_space<vmem>>
    %dma_start3A_1176 = arith.constant 0 : i32
    %dma_start3A_1177 = arith.constant 0 : i32
    %dma_start3A_1178 = tpu.memref_slice %arg19[%dma_start3A_1176, %dma_start3A_1177] : memref<5888x16xf32, #tpu.memory_space<vmem_shared>> -> memref<5888x16xf32, #tpu.memory_space<vmem_shared>>
    tpu.enqueue_indirect_dma source(%dma_start3A_1172 : memref<128x16xf32, #tpu.memory_space<vmem>>) target(%dma_start3A_1178 : memref<5888x16xf32, #tpu.memory_space<vmem_shared>>) offsets(%dma_start3A_1175 : memref<128xi32, #tpu.memory_space<vmem>>) semaphore(%arg21 : memref<!tpu.dma_semaphore, #tpu.memory_space<semaphore_mem>>) {add = true}
    %dma_start3A_1179 = arith.constant 6 : i32
    %dma_start3A_1180 = arith.constant 768 : i32
    %dma_start3A_1181 = arith.constant 0 : i32
    %dma_start3A_1182 = tpu.memref_slice %arg16[%dma_start3A_1180, %dma_start3A_1181] : memref<2944x16xf32, #tpu.memory_space<vmem>> -> memref<128x16xf32, #tpu.memory_space<vmem>>
    %dma_start3A_1183 = arith.constant 0 : i32
    %dma_start3A_1184 = tpu.memref_slice %arg11[%dma_start3A_1179, %dma_start3A_1183] : memref<23x128xi32, #tpu.memory_space<vmem>> -> memref<1x128xi32, #tpu.memory_space<vmem>>
    %dma_start3A_1185 = tpu.memref_squeeze %dma_start3A_1184 : memref<1x128xi32, #tpu.memory_space<vmem>> -> memref<128xi32, #tpu.memory_space<vmem>>
    %dma_start3A_1186 = arith.constant 0 : i32
    %dma_start3A_1187 = arith.constant 0 : i32
    %dma_start3A_1188 = tpu.memref_slice %arg19[%dma_start3A_1186, %dma_start3A_1187] : memref<5888x16xf32, #tpu.memory_space<vmem_shared>> -> memref<5888x16xf32, #tpu.memory_space<vmem_shared>>
    tpu.enqueue_indirect_dma source(%dma_start3A_1182 : memref<128x16xf32, #tpu.memory_space<vmem>>) target(%dma_start3A_1188 : memref<5888x16xf32, #tpu.memory_space<vmem_shared>>) offsets(%dma_start3A_1185 : memref<128xi32, #tpu.memory_space<vmem>>) semaphore(%arg21 : memref<!tpu.dma_semaphore, #tpu.memory_space<semaphore_mem>>) {add = true}
    %dma_start3A_1189 = arith.constant 7 : i32
    %dma_start3A_1190 = arith.constant 896 : i32
    %dma_start3A_1191 = arith.constant 0 : i32
    %dma_start3A_1192 = tpu.memref_slice %arg16[%dma_start3A_1190, %dma_start3A_1191] : memref<2944x16xf32, #tpu.memory_space<vmem>> -> memref<128x16xf32, #tpu.memory_space<vmem>>
    %dma_start3A_1193 = arith.constant 0 : i32
    %dma_start3A_1194 = tpu.memref_slice %arg11[%dma_start3A_1189, %dma_start3A_1193] : memref<23x128xi32, #tpu.memory_space<vmem>> -> memref<1x128xi32, #tpu.memory_space<vmem>>
    %dma_start3A_1195 = tpu.memref_squeeze %dma_start3A_1194 : memref<1x128xi32, #tpu.memory_space<vmem>> -> memref<128xi32, #tpu.memory_space<vmem>>
    %dma_start3A_1196 = arith.constant 0 : i32
    %dma_start3A_1197 = arith.constant 0 : i32
    %dma_start3A_1198 = tpu.memref_slice %arg19[%dma_start3A_1196, %dma_start3A_1197] : memref<5888x16xf32, #tpu.memory_space<vmem_shared>> -> memref<5888x16xf32, #tpu.memory_space<vmem_shared>>
    tpu.enqueue_indirect_dma source(%dma_start3A_1192 : memref<128x16xf32, #tpu.memory_space<vmem>>) target(%dma_start3A_1198 : memref<5888x16xf32, #tpu.memory_space<vmem_shared>>) offsets(%dma_start3A_1195 : memref<128xi32, #tpu.memory_space<vmem>>) semaphore(%arg21 : memref<!tpu.dma_semaphore, #tpu.memory_space<semaphore_mem>>) {add = true}
    %dma_start3A_1199 = arith.constant 8 : i32
    %dma_start3A_1200 = arith.constant 1024 : i32
    %dma_start3A_1201 = arith.constant 0 : i32
    %dma_start3A_1202 = tpu.memref_slice %arg16[%dma_start3A_1200, %dma_start3A_1201] : memref<2944x16xf32, #tpu.memory_space<vmem>> -> memref<128x16xf32, #tpu.memory_space<vmem>>
    %dma_start3A_1203 = arith.constant 0 : i32
    %dma_start3A_1204 = tpu.memref_slice %arg11[%dma_start3A_1199, %dma_start3A_1203] : memref<23x128xi32, #tpu.memory_space<vmem>> -> memref<1x128xi32, #tpu.memory_space<vmem>>
    %dma_start3A_1205 = tpu.memref_squeeze %dma_start3A_1204 : memref<1x128xi32, #tpu.memory_space<vmem>> -> memref<128xi32, #tpu.memory_space<vmem>>
    %dma_start3A_1206 = arith.constant 0 : i32
    %dma_start3A_1207 = arith.constant 0 : i32
    %dma_start3A_1208 = tpu.memref_slice %arg19[%dma_start3A_1206, %dma_start3A_1207] : memref<5888x16xf32, #tpu.memory_space<vmem_shared>> -> memref<5888x16xf32, #tpu.memory_space<vmem_shared>>
    tpu.enqueue_indirect_dma source(%dma_start3A_1202 : memref<128x16xf32, #tpu.memory_space<vmem>>) target(%dma_start3A_1208 : memref<5888x16xf32, #tpu.memory_space<vmem_shared>>) offsets(%dma_start3A_1205 : memref<128xi32, #tpu.memory_space<vmem>>) semaphore(%arg21 : memref<!tpu.dma_semaphore, #tpu.memory_space<semaphore_mem>>) {add = true}
    %dma_start3A_1209 = arith.constant 9 : i32
    %dma_start3A_1210 = arith.constant 1152 : i32
    %dma_start3A_1211 = arith.constant 0 : i32
    %dma_start3A_1212 = tpu.memref_slice %arg16[%dma_start3A_1210, %dma_start3A_1211] : memref<2944x16xf32, #tpu.memory_space<vmem>> -> memref<128x16xf32, #tpu.memory_space<vmem>>
    %dma_start3A_1213 = arith.constant 0 : i32
    %dma_start3A_1214 = tpu.memref_slice %arg11[%dma_start3A_1209, %dma_start3A_1213] : memref<23x128xi32, #tpu.memory_space<vmem>> -> memref<1x128xi32, #tpu.memory_space<vmem>>
    %dma_start3A_1215 = tpu.memref_squeeze %dma_start3A_1214 : memref<1x128xi32, #tpu.memory_space<vmem>> -> memref<128xi32, #tpu.memory_space<vmem>>
    %dma_start3A_1216 = arith.constant 0 : i32
    %dma_start3A_1217 = arith.constant 0 : i32
    %dma_start3A_1218 = tpu.memref_slice %arg19[%dma_start3A_1216, %dma_start3A_1217] : memref<5888x16xf32, #tpu.memory_space<vmem_shared>> -> memref<5888x16xf32, #tpu.memory_space<vmem_shared>>
    tpu.enqueue_indirect_dma source(%dma_start3A_1212 : memref<128x16xf32, #tpu.memory_space<vmem>>) target(%dma_start3A_1218 : memref<5888x16xf32, #tpu.memory_space<vmem_shared>>) offsets(%dma_start3A_1215 : memref<128xi32, #tpu.memory_space<vmem>>) semaphore(%arg21 : memref<!tpu.dma_semaphore, #tpu.memory_space<semaphore_mem>>) {add = true}
    %dma_start3A_1219 = arith.constant 10 : i32
    %dma_start3A_1220 = arith.constant 1280 : i32
    %dma_start3A_1221 = arith.constant 0 : i32
    %dma_start3A_1222 = tpu.memref_slice %arg16[%dma_start3A_1220, %dma_start3A_1221] : memref<2944x16xf32, #tpu.memory_space<vmem>> -> memref<128x16xf32, #tpu.memory_space<vmem>>
    %dma_start3A_1223 = arith.constant 0 : i32
    %dma_start3A_1224 = tpu.memref_slice %arg11[%dma_start3A_1219, %dma_start3A_1223] : memref<23x128xi32, #tpu.memory_space<vmem>> -> memref<1x128xi32, #tpu.memory_space<vmem>>
    %dma_start3A_1225 = tpu.memref_squeeze %dma_start3A_1224 : memref<1x128xi32, #tpu.memory_space<vmem>> -> memref<128xi32, #tpu.memory_space<vmem>>
    %dma_start3A_1226 = arith.constant 0 : i32
    %dma_start3A_1227 = arith.constant 0 : i32
    %dma_start3A_1228 = tpu.memref_slice %arg19[%dma_start3A_1226, %dma_start3A_1227] : memref<5888x16xf32, #tpu.memory_space<vmem_shared>> -> memref<5888x16xf32, #tpu.memory_space<vmem_shared>>
    tpu.enqueue_indirect_dma source(%dma_start3A_1222 : memref<128x16xf32, #tpu.memory_space<vmem>>) target(%dma_start3A_1228 : memref<5888x16xf32, #tpu.memory_space<vmem_shared>>) offsets(%dma_start3A_1225 : memref<128xi32, #tpu.memory_space<vmem>>) semaphore(%arg21 : memref<!tpu.dma_semaphore, #tpu.memory_space<semaphore_mem>>) {add = true}
    %dma_start3A_1229 = arith.constant 11 : i32
    %dma_start3A_1230 = arith.constant 1408 : i32
    %dma_start3A_1231 = arith.constant 0 : i32
    %dma_start3A_1232 = tpu.memref_slice %arg16[%dma_start3A_1230, %dma_start3A_1231] : memref<2944x16xf32, #tpu.memory_space<vmem>> -> memref<128x16xf32, #tpu.memory_space<vmem>>
    %dma_start3A_1233 = arith.constant 0 : i32
    %dma_start3A_1234 = tpu.memref_slice %arg11[%dma_start3A_1229, %dma_start3A_1233] : memref<23x128xi32, #tpu.memory_space<vmem>> -> memref<1x128xi32, #tpu.memory_space<vmem>>
    %dma_start3A_1235 = tpu.memref_squeeze %dma_start3A_1234 : memref<1x128xi32, #tpu.memory_space<vmem>> -> memref<128xi32, #tpu.memory_space<vmem>>
    %dma_start3A_1236 = arith.constant 0 : i32
    %dma_start3A_1237 = arith.constant 0 : i32
    %dma_start3A_1238 = tpu.memref_slice %arg19[%dma_start3A_1236, %dma_start3A_1237] : memref<5888x16xf32, #tpu.memory_space<vmem_shared>> -> memref<5888x16xf32, #tpu.memory_space<vmem_shared>>
    tpu.enqueue_indirect_dma source(%dma_start3A_1232 : memref<128x16xf32, #tpu.memory_space<vmem>>) target(%dma_start3A_1238 : memref<5888x16xf32, #tpu.memory_space<vmem_shared>>) offsets(%dma_start3A_1235 : memref<128xi32, #tpu.memory_space<vmem>>) semaphore(%arg21 : memref<!tpu.dma_semaphore, #tpu.memory_space<semaphore_mem>>) {add = true}
    %dma_start3A_1239 = arith.constant 12 : i32
    %dma_start3A_1240 = arith.constant 1536 : i32
    %dma_start3A_1241 = arith.constant 0 : i32
    %dma_start3A_1242 = tpu.memref_slice %arg16[%dma_start3A_1240, %dma_start3A_1241] : memref<2944x16xf32, #tpu.memory_space<vmem>> -> memref<128x16xf32, #tpu.memory_space<vmem>>
    %dma_start3A_1243 = arith.constant 0 : i32
    %dma_start3A_1244 = tpu.memref_slice %arg11[%dma_start3A_1239, %dma_start3A_1243] : memref<23x128xi32, #tpu.memory_space<vmem>> -> memref<1x128xi32, #tpu.memory_space<vmem>>
    %dma_start3A_1245 = tpu.memref_squeeze %dma_start3A_1244 : memref<1x128xi32, #tpu.memory_space<vmem>> -> memref<128xi32, #tpu.memory_space<vmem>>
    %dma_start3A_1246 = arith.constant 0 : i32
    %dma_start3A_1247 = arith.constant 0 : i32
    %dma_start3A_1248 = tpu.memref_slice %arg19[%dma_start3A_1246, %dma_start3A_1247] : memref<5888x16xf32, #tpu.memory_space<vmem_shared>> -> memref<5888x16xf32, #tpu.memory_space<vmem_shared>>
    tpu.enqueue_indirect_dma source(%dma_start3A_1242 : memref<128x16xf32, #tpu.memory_space<vmem>>) target(%dma_start3A_1248 : memref<5888x16xf32, #tpu.memory_space<vmem_shared>>) offsets(%dma_start3A_1245 : memref<128xi32, #tpu.memory_space<vmem>>) semaphore(%arg21 : memref<!tpu.dma_semaphore, #tpu.memory_space<semaphore_mem>>) {add = true}
    %dma_start3A_1249 = arith.constant 13 : i32
    %dma_start3A_1250 = arith.constant 1664 : i32
    %dma_start3A_1251 = arith.constant 0 : i32
    %dma_start3A_1252 = tpu.memref_slice %arg16[%dma_start3A_1250, %dma_start3A_1251] : memref<2944x16xf32, #tpu.memory_space<vmem>> -> memref<128x16xf32, #tpu.memory_space<vmem>>
    %dma_start3A_1253 = arith.constant 0 : i32
    %dma_start3A_1254 = tpu.memref_slice %arg11[%dma_start3A_1249, %dma_start3A_1253] : memref<23x128xi32, #tpu.memory_space<vmem>> -> memref<1x128xi32, #tpu.memory_space<vmem>>
    %dma_start3A_1255 = tpu.memref_squeeze %dma_start3A_1254 : memref<1x128xi32, #tpu.memory_space<vmem>> -> memref<128xi32, #tpu.memory_space<vmem>>
    %dma_start3A_1256 = arith.constant 0 : i32
    %dma_start3A_1257 = arith.constant 0 : i32
    %dma_start3A_1258 = tpu.memref_slice %arg19[%dma_start3A_1256, %dma_start3A_1257] : memref<5888x16xf32, #tpu.memory_space<vmem_shared>> -> memref<5888x16xf32, #tpu.memory_space<vmem_shared>>
    tpu.enqueue_indirect_dma source(%dma_start3A_1252 : memref<128x16xf32, #tpu.memory_space<vmem>>) target(%dma_start3A_1258 : memref<5888x16xf32, #tpu.memory_space<vmem_shared>>) offsets(%dma_start3A_1255 : memref<128xi32, #tpu.memory_space<vmem>>) semaphore(%arg21 : memref<!tpu.dma_semaphore, #tpu.memory_space<semaphore_mem>>) {add = true}
    %dma_start3A_1259 = arith.constant 14 : i32
    %dma_start3A_1260 = arith.constant 1792 : i32
    %dma_start3A_1261 = arith.constant 0 : i32
    %dma_start3A_1262 = tpu.memref_slice %arg16[%dma_start3A_1260, %dma_start3A_1261] : memref<2944x16xf32, #tpu.memory_space<vmem>> -> memref<128x16xf32, #tpu.memory_space<vmem>>
    %dma_start3A_1263 = arith.constant 0 : i32
    %dma_start3A_1264 = tpu.memref_slice %arg11[%dma_start3A_1259, %dma_start3A_1263] : memref<23x128xi32, #tpu.memory_space<vmem>> -> memref<1x128xi32, #tpu.memory_space<vmem>>
    %dma_start3A_1265 = tpu.memref_squeeze %dma_start3A_1264 : memref<1x128xi32, #tpu.memory_space<vmem>> -> memref<128xi32, #tpu.memory_space<vmem>>
    %dma_start3A_1266 = arith.constant 0 : i32
    %dma_start3A_1267 = arith.constant 0 : i32
    %dma_start3A_1268 = tpu.memref_slice %arg19[%dma_start3A_1266, %dma_start3A_1267] : memref<5888x16xf32, #tpu.memory_space<vmem_shared>> -> memref<5888x16xf32, #tpu.memory_space<vmem_shared>>
    tpu.enqueue_indirect_dma source(%dma_start3A_1262 : memref<128x16xf32, #tpu.memory_space<vmem>>) target(%dma_start3A_1268 : memref<5888x16xf32, #tpu.memory_space<vmem_shared>>) offsets(%dma_start3A_1265 : memref<128xi32, #tpu.memory_space<vmem>>) semaphore(%arg21 : memref<!tpu.dma_semaphore, #tpu.memory_space<semaphore_mem>>) {add = true}
    %dma_start3A_1269 = arith.constant 15 : i32
    %dma_start3A_1270 = arith.constant 1920 : i32
    %dma_start3A_1271 = arith.constant 0 : i32
    %dma_start3A_1272 = tpu.memref_slice %arg16[%dma_start3A_1270, %dma_start3A_1271] : memref<2944x16xf32, #tpu.memory_space<vmem>> -> memref<128x16xf32, #tpu.memory_space<vmem>>
    %dma_start3A_1273 = arith.constant 0 : i32
    %dma_start3A_1274 = tpu.memref_slice %arg11[%dma_start3A_1269, %dma_start3A_1273] : memref<23x128xi32, #tpu.memory_space<vmem>> -> memref<1x128xi32, #tpu.memory_space<vmem>>
    %dma_start3A_1275 = tpu.memref_squeeze %dma_start3A_1274 : memref<1x128xi32, #tpu.memory_space<vmem>> -> memref<128xi32, #tpu.memory_space<vmem>>
    %dma_start3A_1276 = arith.constant 0 : i32
    %dma_start3A_1277 = arith.constant 0 : i32
    %dma_start3A_1278 = tpu.memref_slice %arg19[%dma_start3A_1276, %dma_start3A_1277] : memref<5888x16xf32, #tpu.memory_space<vmem_shared>> -> memref<5888x16xf32, #tpu.memory_space<vmem_shared>>
    tpu.enqueue_indirect_dma source(%dma_start3A_1272 : memref<128x16xf32, #tpu.memory_space<vmem>>) target(%dma_start3A_1278 : memref<5888x16xf32, #tpu.memory_space<vmem_shared>>) offsets(%dma_start3A_1275 : memref<128xi32, #tpu.memory_space<vmem>>) semaphore(%arg21 : memref<!tpu.dma_semaphore, #tpu.memory_space<semaphore_mem>>) {add = true}
    %dma_start3A_1279 = arith.constant 16 : i32
    %dma_start3A_1280 = arith.constant 2048 : i32
    %dma_start3A_1281 = arith.constant 0 : i32
    %dma_start3A_1282 = tpu.memref_slice %arg16[%dma_start3A_1280, %dma_start3A_1281] : memref<2944x16xf32, #tpu.memory_space<vmem>> -> memref<128x16xf32, #tpu.memory_space<vmem>>
    %dma_start3A_1283 = arith.constant 0 : i32
    %dma_start3A_1284 = tpu.memref_slice %arg11[%dma_start3A_1279, %dma_start3A_1283] : memref<23x128xi32, #tpu.memory_space<vmem>> -> memref<1x128xi32, #tpu.memory_space<vmem>>
    %dma_start3A_1285 = tpu.memref_squeeze %dma_start3A_1284 : memref<1x128xi32, #tpu.memory_space<vmem>> -> memref<128xi32, #tpu.memory_space<vmem>>
    %dma_start3A_1286 = arith.constant 0 : i32
    %dma_start3A_1287 = arith.constant 0 : i32
    %dma_start3A_1288 = tpu.memref_slice %arg19[%dma_start3A_1286, %dma_start3A_1287] : memref<5888x16xf32, #tpu.memory_space<vmem_shared>> -> memref<5888x16xf32, #tpu.memory_space<vmem_shared>>
    tpu.enqueue_indirect_dma source(%dma_start3A_1282 : memref<128x16xf32, #tpu.memory_space<vmem>>) target(%dma_start3A_1288 : memref<5888x16xf32, #tpu.memory_space<vmem_shared>>) offsets(%dma_start3A_1285 : memref<128xi32, #tpu.memory_space<vmem>>) semaphore(%arg21 : memref<!tpu.dma_semaphore, #tpu.memory_space<semaphore_mem>>) {add = true}
    %dma_start3A_1289 = arith.constant 17 : i32
    %dma_start3A_1290 = arith.constant 2176 : i32
    %dma_start3A_1291 = arith.constant 0 : i32
    %dma_start3A_1292 = tpu.memref_slice %arg16[%dma_start3A_1290, %dma_start3A_1291] : memref<2944x16xf32, #tpu.memory_space<vmem>> -> memref<128x16xf32, #tpu.memory_space<vmem>>
    %dma_start3A_1293 = arith.constant 0 : i32
    %dma_start3A_1294 = tpu.memref_slice %arg11[%dma_start3A_1289, %dma_start3A_1293] : memref<23x128xi32, #tpu.memory_space<vmem>> -> memref<1x128xi32, #tpu.memory_space<vmem>>
    %dma_start3A_1295 = tpu.memref_squeeze %dma_start3A_1294 : memref<1x128xi32, #tpu.memory_space<vmem>> -> memref<128xi32, #tpu.memory_space<vmem>>
    %dma_start3A_1296 = arith.constant 0 : i32
    %dma_start3A_1297 = arith.constant 0 : i32
    %dma_start3A_1298 = tpu.memref_slice %arg19[%dma_start3A_1296, %dma_start3A_1297] : memref<5888x16xf32, #tpu.memory_space<vmem_shared>> -> memref<5888x16xf32, #tpu.memory_space<vmem_shared>>
    tpu.enqueue_indirect_dma source(%dma_start3A_1292 : memref<128x16xf32, #tpu.memory_space<vmem>>) target(%dma_start3A_1298 : memref<5888x16xf32, #tpu.memory_space<vmem_shared>>) offsets(%dma_start3A_1295 : memref<128xi32, #tpu.memory_space<vmem>>) semaphore(%arg21 : memref<!tpu.dma_semaphore, #tpu.memory_space<semaphore_mem>>) {add = true}
    %dma_start3A_1299 = arith.constant 18 : i32
    %dma_start3A_1300 = arith.constant 2304 : i32
    %dma_start3A_1301 = arith.constant 0 : i32
    %dma_start3A_1302 = tpu.memref_slice %arg16[%dma_start3A_1300, %dma_start3A_1301] : memref<2944x16xf32, #tpu.memory_space<vmem>> -> memref<128x16xf32, #tpu.memory_space<vmem>>
    %dma_start3A_1303 = arith.constant 0 : i32
    %dma_start3A_1304 = tpu.memref_slice %arg11[%dma_start3A_1299, %dma_start3A_1303] : memref<23x128xi32, #tpu.memory_space<vmem>> -> memref<1x128xi32, #tpu.memory_space<vmem>>
    %dma_start3A_1305 = tpu.memref_squeeze %dma_start3A_1304 : memref<1x128xi32, #tpu.memory_space<vmem>> -> memref<128xi32, #tpu.memory_space<vmem>>
    %dma_start3A_1306 = arith.constant 0 : i32
    %dma_start3A_1307 = arith.constant 0 : i32
    %dma_start3A_1308 = tpu.memref_slice %arg19[%dma_start3A_1306, %dma_start3A_1307] : memref<5888x16xf32, #tpu.memory_space<vmem_shared>> -> memref<5888x16xf32, #tpu.memory_space<vmem_shared>>
    tpu.enqueue_indirect_dma source(%dma_start3A_1302 : memref<128x16xf32, #tpu.memory_space<vmem>>) target(%dma_start3A_1308 : memref<5888x16xf32, #tpu.memory_space<vmem_shared>>) offsets(%dma_start3A_1305 : memref<128xi32, #tpu.memory_space<vmem>>) semaphore(%arg21 : memref<!tpu.dma_semaphore, #tpu.memory_space<semaphore_mem>>) {add = true}
    %dma_start3A_1309 = arith.constant 19 : i32
    %dma_start3A_1310 = arith.constant 2432 : i32
    %dma_start3A_1311 = arith.constant 0 : i32
    %dma_start3A_1312 = tpu.memref_slice %arg16[%dma_start3A_1310, %dma_start3A_1311] : memref<2944x16xf32, #tpu.memory_space<vmem>> -> memref<128x16xf32, #tpu.memory_space<vmem>>
    %dma_start3A_1313 = arith.constant 0 : i32
    %dma_start3A_1314 = tpu.memref_slice %arg11[%dma_start3A_1309, %dma_start3A_1313] : memref<23x128xi32, #tpu.memory_space<vmem>> -> memref<1x128xi32, #tpu.memory_space<vmem>>
    %dma_start3A_1315 = tpu.memref_squeeze %dma_start3A_1314 : memref<1x128xi32, #tpu.memory_space<vmem>> -> memref<128xi32, #tpu.memory_space<vmem>>
    %dma_start3A_1316 = arith.constant 0 : i32
    %dma_start3A_1317 = arith.constant 0 : i32
    %dma_start3A_1318 = tpu.memref_slice %arg19[%dma_start3A_1316, %dma_start3A_1317] : memref<5888x16xf32, #tpu.memory_space<vmem_shared>> -> memref<5888x16xf32, #tpu.memory_space<vmem_shared>>
    tpu.enqueue_indirect_dma source(%dma_start3A_1312 : memref<128x16xf32, #tpu.memory_space<vmem>>) target(%dma_start3A_1318 : memref<5888x16xf32, #tpu.memory_space<vmem_shared>>) offsets(%dma_start3A_1315 : memref<128xi32, #tpu.memory_space<vmem>>) semaphore(%arg21 : memref<!tpu.dma_semaphore, #tpu.memory_space<semaphore_mem>>) {add = true}
    %dma_start3A_1319 = arith.constant 20 : i32
    %dma_start3A_1320 = arith.constant 2560 : i32
    %dma_start3A_1321 = arith.constant 0 : i32
    %dma_start3A_1322 = tpu.memref_slice %arg16[%dma_start3A_1320, %dma_start3A_1321] : memref<2944x16xf32, #tpu.memory_space<vmem>> -> memref<128x16xf32, #tpu.memory_space<vmem>>
    %dma_start3A_1323 = arith.constant 0 : i32
    %dma_start3A_1324 = tpu.memref_slice %arg11[%dma_start3A_1319, %dma_start3A_1323] : memref<23x128xi32, #tpu.memory_space<vmem>> -> memref<1x128xi32, #tpu.memory_space<vmem>>
    %dma_start3A_1325 = tpu.memref_squeeze %dma_start3A_1324 : memref<1x128xi32, #tpu.memory_space<vmem>> -> memref<128xi32, #tpu.memory_space<vmem>>
    %dma_start3A_1326 = arith.constant 0 : i32
    %dma_start3A_1327 = arith.constant 0 : i32
    %dma_start3A_1328 = tpu.memref_slice %arg19[%dma_start3A_1326, %dma_start3A_1327] : memref<5888x16xf32, #tpu.memory_space<vmem_shared>> -> memref<5888x16xf32, #tpu.memory_space<vmem_shared>>
    tpu.enqueue_indirect_dma source(%dma_start3A_1322 : memref<128x16xf32, #tpu.memory_space<vmem>>) target(%dma_start3A_1328 : memref<5888x16xf32, #tpu.memory_space<vmem_shared>>) offsets(%dma_start3A_1325 : memref<128xi32, #tpu.memory_space<vmem>>) semaphore(%arg21 : memref<!tpu.dma_semaphore, #tpu.memory_space<semaphore_mem>>) {add = true}
    %dma_start3A_1329 = arith.constant 21 : i32
    %dma_start3A_1330 = arith.constant 2688 : i32
    %dma_start3A_1331 = arith.constant 0 : i32
    %dma_start3A_1332 = tpu.memref_slice %arg16[%dma_start3A_1330, %dma_start3A_1331] : memref<2944x16xf32, #tpu.memory_space<vmem>> -> memref<128x16xf32, #tpu.memory_space<vmem>>
    %dma_start3A_1333 = arith.constant 0 : i32
    %dma_start3A_1334 = tpu.memref_slice %arg11[%dma_start3A_1329, %dma_start3A_1333] : memref<23x128xi32, #tpu.memory_space<vmem>> -> memref<1x128xi32, #tpu.memory_space<vmem>>
    %dma_start3A_1335 = tpu.memref_squeeze %dma_start3A_1334 : memref<1x128xi32, #tpu.memory_space<vmem>> -> memref<128xi32, #tpu.memory_space<vmem>>
    %dma_start3A_1336 = arith.constant 0 : i32
    %dma_start3A_1337 = arith.constant 0 : i32
    %dma_start3A_1338 = tpu.memref_slice %arg19[%dma_start3A_1336, %dma_start3A_1337] : memref<5888x16xf32, #tpu.memory_space<vmem_shared>> -> memref<5888x16xf32, #tpu.memory_space<vmem_shared>>
    tpu.enqueue_indirect_dma source(%dma_start3A_1332 : memref<128x16xf32, #tpu.memory_space<vmem>>) target(%dma_start3A_1338 : memref<5888x16xf32, #tpu.memory_space<vmem_shared>>) offsets(%dma_start3A_1335 : memref<128xi32, #tpu.memory_space<vmem>>) semaphore(%arg21 : memref<!tpu.dma_semaphore, #tpu.memory_space<semaphore_mem>>) {add = true}
    %dma_start3A_1339 = arith.constant 22 : i32
    %dma_start3A_1340 = arith.constant 2816 : i32
    %dma_start3A_1341 = arith.constant 0 : i32
    %dma_start3A_1342 = tpu.memref_slice %arg16[%dma_start3A_1340, %dma_start3A_1341] : memref<2944x16xf32, #tpu.memory_space<vmem>> -> memref<128x16xf32, #tpu.memory_space<vmem>>
    %dma_start3A_1343 = arith.constant 0 : i32
    %dma_start3A_1344 = tpu.memref_slice %arg11[%dma_start3A_1339, %dma_start3A_1343] : memref<23x128xi32, #tpu.memory_space<vmem>> -> memref<1x128xi32, #tpu.memory_space<vmem>>
    %dma_start3A_1345 = tpu.memref_squeeze %dma_start3A_1344 : memref<1x128xi32, #tpu.memory_space<vmem>> -> memref<128xi32, #tpu.memory_space<vmem>>
    %dma_start3A_1346 = arith.constant 0 : i32
    %dma_start3A_1347 = arith.constant 0 : i32
    %dma_start3A_1348 = tpu.memref_slice %arg19[%dma_start3A_1346, %dma_start3A_1347] : memref<5888x16xf32, #tpu.memory_space<vmem_shared>> -> memref<5888x16xf32, #tpu.memory_space<vmem_shared>>
    tpu.enqueue_indirect_dma source(%dma_start3A_1342 : memref<128x16xf32, #tpu.memory_space<vmem>>) target(%dma_start3A_1348 : memref<5888x16xf32, #tpu.memory_space<vmem_shared>>) offsets(%dma_start3A_1345 : memref<128xi32, #tpu.memory_space<vmem>>) semaphore(%arg21 : memref<!tpu.dma_semaphore, #tpu.memory_space<semaphore_mem>>) {add = true}
    %dma_wait3A_1349 = arith.constant 0 : i32
    %dma_wait3A_1350 = arith.constant 0 : i32
    %dma_wait3A_1351 = arith.constant 0 : i32
    %dma_wait3A_1352 = tpu.memref_slice %arg16[%dma_wait3A_1350, %dma_wait3A_1351] : memref<2944x16xf32, #tpu.memory_space<vmem>> -> memref<128x16xf32, #tpu.memory_space<vmem>>
    %dma_wait3A_1353 = arith.constant 0 : i32
    %dma_wait3A_1354 = tpu.memref_slice %arg11[%dma_wait3A_1349, %dma_wait3A_1353] : memref<23x128xi32, #tpu.memory_space<vmem>> -> memref<1x128xi32, #tpu.memory_space<vmem>>
    %dma_wait3A_1355 = tpu.memref_squeeze %dma_wait3A_1354 : memref<1x128xi32, #tpu.memory_space<vmem>> -> memref<128xi32, #tpu.memory_space<vmem>>
    %dma_wait3A_1356 = arith.constant 0 : i32
    %dma_wait3A_1357 = arith.constant 0 : i32
    %dma_wait3A_1358 = tpu.memref_slice %arg19[%dma_wait3A_1356, %dma_wait3A_1357] : memref<5888x16xf32, #tpu.memory_space<vmem_shared>> -> memref<5888x16xf32, #tpu.memory_space<vmem_shared>>
    tpu.wait_indirect_dma semaphore(%arg21 : memref<!tpu.dma_semaphore, #tpu.memory_space<semaphore_mem>>) src(%dma_wait3A_1352 : memref<128x16xf32, #tpu.memory_space<vmem>>) dst(%dma_wait3A_1358 : memref<5888x16xf32, #tpu.memory_space<vmem_shared>>)
    %dma_wait3A_1359 = arith.constant 1 : i32
    %dma_wait3A_1360 = arith.constant 128 : i32
    %dma_wait3A_1361 = arith.constant 0 : i32
    %dma_wait3A_1362 = tpu.memref_slice %arg16[%dma_wait3A_1360, %dma_wait3A_1361] : memref<2944x16xf32, #tpu.memory_space<vmem>> -> memref<128x16xf32, #tpu.memory_space<vmem>>
    %dma_wait3A_1363 = arith.constant 0 : i32
    %dma_wait3A_1364 = tpu.memref_slice %arg11[%dma_wait3A_1359, %dma_wait3A_1363] : memref<23x128xi32, #tpu.memory_space<vmem>> -> memref<1x128xi32, #tpu.memory_space<vmem>>
    %dma_wait3A_1365 = tpu.memref_squeeze %dma_wait3A_1364 : memref<1x128xi32, #tpu.memory_space<vmem>> -> memref<128xi32, #tpu.memory_space<vmem>>
    %dma_wait3A_1366 = arith.constant 0 : i32
    %dma_wait3A_1367 = arith.constant 0 : i32
    %dma_wait3A_1368 = tpu.memref_slice %arg19[%dma_wait3A_1366, %dma_wait3A_1367] : memref<5888x16xf32, #tpu.memory_space<vmem_shared>> -> memref<5888x16xf32, #tpu.memory_space<vmem_shared>>
    tpu.wait_indirect_dma semaphore(%arg21 : memref<!tpu.dma_semaphore, #tpu.memory_space<semaphore_mem>>) src(%dma_wait3A_1362 : memref<128x16xf32, #tpu.memory_space<vmem>>) dst(%dma_wait3A_1368 : memref<5888x16xf32, #tpu.memory_space<vmem_shared>>)
    %dma_wait3A_1369 = arith.constant 2 : i32
    %dma_wait3A_1370 = arith.constant 256 : i32
    %dma_wait3A_1371 = arith.constant 0 : i32
    %dma_wait3A_1372 = tpu.memref_slice %arg16[%dma_wait3A_1370, %dma_wait3A_1371] : memref<2944x16xf32, #tpu.memory_space<vmem>> -> memref<128x16xf32, #tpu.memory_space<vmem>>
    %dma_wait3A_1373 = arith.constant 0 : i32
    %dma_wait3A_1374 = tpu.memref_slice %arg11[%dma_wait3A_1369, %dma_wait3A_1373] : memref<23x128xi32, #tpu.memory_space<vmem>> -> memref<1x128xi32, #tpu.memory_space<vmem>>
    %dma_wait3A_1375 = tpu.memref_squeeze %dma_wait3A_1374 : memref<1x128xi32, #tpu.memory_space<vmem>> -> memref<128xi32, #tpu.memory_space<vmem>>
    %dma_wait3A_1376 = arith.constant 0 : i32
    %dma_wait3A_1377 = arith.constant 0 : i32
    %dma_wait3A_1378 = tpu.memref_slice %arg19[%dma_wait3A_1376, %dma_wait3A_1377] : memref<5888x16xf32, #tpu.memory_space<vmem_shared>> -> memref<5888x16xf32, #tpu.memory_space<vmem_shared>>
    tpu.wait_indirect_dma semaphore(%arg21 : memref<!tpu.dma_semaphore, #tpu.memory_space<semaphore_mem>>) src(%dma_wait3A_1372 : memref<128x16xf32, #tpu.memory_space<vmem>>) dst(%dma_wait3A_1378 : memref<5888x16xf32, #tpu.memory_space<vmem_shared>>)
    %dma_wait3A_1379 = arith.constant 3 : i32
    %dma_wait3A_1380 = arith.constant 384 : i32
    %dma_wait3A_1381 = arith.constant 0 : i32
    %dma_wait3A_1382 = tpu.memref_slice %arg16[%dma_wait3A_1380, %dma_wait3A_1381] : memref<2944x16xf32, #tpu.memory_space<vmem>> -> memref<128x16xf32, #tpu.memory_space<vmem>>
    %dma_wait3A_1383 = arith.constant 0 : i32
    %dma_wait3A_1384 = tpu.memref_slice %arg11[%dma_wait3A_1379, %dma_wait3A_1383] : memref<23x128xi32, #tpu.memory_space<vmem>> -> memref<1x128xi32, #tpu.memory_space<vmem>>
    %dma_wait3A_1385 = tpu.memref_squeeze %dma_wait3A_1384 : memref<1x128xi32, #tpu.memory_space<vmem>> -> memref<128xi32, #tpu.memory_space<vmem>>
    %dma_wait3A_1386 = arith.constant 0 : i32
    %dma_wait3A_1387 = arith.constant 0 : i32
    %dma_wait3A_1388 = tpu.memref_slice %arg19[%dma_wait3A_1386, %dma_wait3A_1387] : memref<5888x16xf32, #tpu.memory_space<vmem_shared>> -> memref<5888x16xf32, #tpu.memory_space<vmem_shared>>
    tpu.wait_indirect_dma semaphore(%arg21 : memref<!tpu.dma_semaphore, #tpu.memory_space<semaphore_mem>>) src(%dma_wait3A_1382 : memref<128x16xf32, #tpu.memory_space<vmem>>) dst(%dma_wait3A_1388 : memref<5888x16xf32, #tpu.memory_space<vmem_shared>>)
    %dma_wait3A_1389 = arith.constant 4 : i32
    %dma_wait3A_1390 = arith.constant 512 : i32
    %dma_wait3A_1391 = arith.constant 0 : i32
    %dma_wait3A_1392 = tpu.memref_slice %arg16[%dma_wait3A_1390, %dma_wait3A_1391] : memref<2944x16xf32, #tpu.memory_space<vmem>> -> memref<128x16xf32, #tpu.memory_space<vmem>>
    %dma_wait3A_1393 = arith.constant 0 : i32
    %dma_wait3A_1394 = tpu.memref_slice %arg11[%dma_wait3A_1389, %dma_wait3A_1393] : memref<23x128xi32, #tpu.memory_space<vmem>> -> memref<1x128xi32, #tpu.memory_space<vmem>>
    %dma_wait3A_1395 = tpu.memref_squeeze %dma_wait3A_1394 : memref<1x128xi32, #tpu.memory_space<vmem>> -> memref<128xi32, #tpu.memory_space<vmem>>
    %dma_wait3A_1396 = arith.constant 0 : i32
    %dma_wait3A_1397 = arith.constant 0 : i32
    %dma_wait3A_1398 = tpu.memref_slice %arg19[%dma_wait3A_1396, %dma_wait3A_1397] : memref<5888x16xf32, #tpu.memory_space<vmem_shared>> -> memref<5888x16xf32, #tpu.memory_space<vmem_shared>>
    tpu.wait_indirect_dma semaphore(%arg21 : memref<!tpu.dma_semaphore, #tpu.memory_space<semaphore_mem>>) src(%dma_wait3A_1392 : memref<128x16xf32, #tpu.memory_space<vmem>>) dst(%dma_wait3A_1398 : memref<5888x16xf32, #tpu.memory_space<vmem_shared>>)
    %dma_wait3A_1399 = arith.constant 5 : i32
    %dma_wait3A_1400 = arith.constant 640 : i32
    %dma_wait3A_1401 = arith.constant 0 : i32
    %dma_wait3A_1402 = tpu.memref_slice %arg16[%dma_wait3A_1400, %dma_wait3A_1401] : memref<2944x16xf32, #tpu.memory_space<vmem>> -> memref<128x16xf32, #tpu.memory_space<vmem>>
    %dma_wait3A_1403 = arith.constant 0 : i32
    %dma_wait3A_1404 = tpu.memref_slice %arg11[%dma_wait3A_1399, %dma_wait3A_1403] : memref<23x128xi32, #tpu.memory_space<vmem>> -> memref<1x128xi32, #tpu.memory_space<vmem>>
    %dma_wait3A_1405 = tpu.memref_squeeze %dma_wait3A_1404 : memref<1x128xi32, #tpu.memory_space<vmem>> -> memref<128xi32, #tpu.memory_space<vmem>>
    %dma_wait3A_1406 = arith.constant 0 : i32
    %dma_wait3A_1407 = arith.constant 0 : i32
    %dma_wait3A_1408 = tpu.memref_slice %arg19[%dma_wait3A_1406, %dma_wait3A_1407] : memref<5888x16xf32, #tpu.memory_space<vmem_shared>> -> memref<5888x16xf32, #tpu.memory_space<vmem_shared>>
    tpu.wait_indirect_dma semaphore(%arg21 : memref<!tpu.dma_semaphore, #tpu.memory_space<semaphore_mem>>) src(%dma_wait3A_1402 : memref<128x16xf32, #tpu.memory_space<vmem>>) dst(%dma_wait3A_1408 : memref<5888x16xf32, #tpu.memory_space<vmem_shared>>)
    %dma_wait3A_1409 = arith.constant 6 : i32
    %dma_wait3A_1410 = arith.constant 768 : i32
    %dma_wait3A_1411 = arith.constant 0 : i32
    %dma_wait3A_1412 = tpu.memref_slice %arg16[%dma_wait3A_1410, %dma_wait3A_1411] : memref<2944x16xf32, #tpu.memory_space<vmem>> -> memref<128x16xf32, #tpu.memory_space<vmem>>
    %dma_wait3A_1413 = arith.constant 0 : i32
    %dma_wait3A_1414 = tpu.memref_slice %arg11[%dma_wait3A_1409, %dma_wait3A_1413] : memref<23x128xi32, #tpu.memory_space<vmem>> -> memref<1x128xi32, #tpu.memory_space<vmem>>
    %dma_wait3A_1415 = tpu.memref_squeeze %dma_wait3A_1414 : memref<1x128xi32, #tpu.memory_space<vmem>> -> memref<128xi32, #tpu.memory_space<vmem>>
    %dma_wait3A_1416 = arith.constant 0 : i32
    %dma_wait3A_1417 = arith.constant 0 : i32
    %dma_wait3A_1418 = tpu.memref_slice %arg19[%dma_wait3A_1416, %dma_wait3A_1417] : memref<5888x16xf32, #tpu.memory_space<vmem_shared>> -> memref<5888x16xf32, #tpu.memory_space<vmem_shared>>
    tpu.wait_indirect_dma semaphore(%arg21 : memref<!tpu.dma_semaphore, #tpu.memory_space<semaphore_mem>>) src(%dma_wait3A_1412 : memref<128x16xf32, #tpu.memory_space<vmem>>) dst(%dma_wait3A_1418 : memref<5888x16xf32, #tpu.memory_space<vmem_shared>>)
    %dma_wait3A_1419 = arith.constant 7 : i32
    %dma_wait3A_1420 = arith.constant 896 : i32
    %dma_wait3A_1421 = arith.constant 0 : i32
    %dma_wait3A_1422 = tpu.memref_slice %arg16[%dma_wait3A_1420, %dma_wait3A_1421] : memref<2944x16xf32, #tpu.memory_space<vmem>> -> memref<128x16xf32, #tpu.memory_space<vmem>>
    %dma_wait3A_1423 = arith.constant 0 : i32
    %dma_wait3A_1424 = tpu.memref_slice %arg11[%dma_wait3A_1419, %dma_wait3A_1423] : memref<23x128xi32, #tpu.memory_space<vmem>> -> memref<1x128xi32, #tpu.memory_space<vmem>>
    %dma_wait3A_1425 = tpu.memref_squeeze %dma_wait3A_1424 : memref<1x128xi32, #tpu.memory_space<vmem>> -> memref<128xi32, #tpu.memory_space<vmem>>
    %dma_wait3A_1426 = arith.constant 0 : i32
    %dma_wait3A_1427 = arith.constant 0 : i32
    %dma_wait3A_1428 = tpu.memref_slice %arg19[%dma_wait3A_1426, %dma_wait3A_1427] : memref<5888x16xf32, #tpu.memory_space<vmem_shared>> -> memref<5888x16xf32, #tpu.memory_space<vmem_shared>>
    tpu.wait_indirect_dma semaphore(%arg21 : memref<!tpu.dma_semaphore, #tpu.memory_space<semaphore_mem>>) src(%dma_wait3A_1422 : memref<128x16xf32, #tpu.memory_space<vmem>>) dst(%dma_wait3A_1428 : memref<5888x16xf32, #tpu.memory_space<vmem_shared>>)
    %dma_wait3A_1429 = arith.constant 8 : i32
    %dma_wait3A_1430 = arith.constant 1024 : i32
    %dma_wait3A_1431 = arith.constant 0 : i32
    %dma_wait3A_1432 = tpu.memref_slice %arg16[%dma_wait3A_1430, %dma_wait3A_1431] : memref<2944x16xf32, #tpu.memory_space<vmem>> -> memref<128x16xf32, #tpu.memory_space<vmem>>
    %dma_wait3A_1433 = arith.constant 0 : i32
    %dma_wait3A_1434 = tpu.memref_slice %arg11[%dma_wait3A_1429, %dma_wait3A_1433] : memref<23x128xi32, #tpu.memory_space<vmem>> -> memref<1x128xi32, #tpu.memory_space<vmem>>
    %dma_wait3A_1435 = tpu.memref_squeeze %dma_wait3A_1434 : memref<1x128xi32, #tpu.memory_space<vmem>> -> memref<128xi32, #tpu.memory_space<vmem>>
    %dma_wait3A_1436 = arith.constant 0 : i32
    %dma_wait3A_1437 = arith.constant 0 : i32
    %dma_wait3A_1438 = tpu.memref_slice %arg19[%dma_wait3A_1436, %dma_wait3A_1437] : memref<5888x16xf32, #tpu.memory_space<vmem_shared>> -> memref<5888x16xf32, #tpu.memory_space<vmem_shared>>
    tpu.wait_indirect_dma semaphore(%arg21 : memref<!tpu.dma_semaphore, #tpu.memory_space<semaphore_mem>>) src(%dma_wait3A_1432 : memref<128x16xf32, #tpu.memory_space<vmem>>) dst(%dma_wait3A_1438 : memref<5888x16xf32, #tpu.memory_space<vmem_shared>>)
    %dma_wait3A_1439 = arith.constant 9 : i32
    %dma_wait3A_1440 = arith.constant 1152 : i32
    %dma_wait3A_1441 = arith.constant 0 : i32
    %dma_wait3A_1442 = tpu.memref_slice %arg16[%dma_wait3A_1440, %dma_wait3A_1441] : memref<2944x16xf32, #tpu.memory_space<vmem>> -> memref<128x16xf32, #tpu.memory_space<vmem>>
    %dma_wait3A_1443 = arith.constant 0 : i32
    %dma_wait3A_1444 = tpu.memref_slice %arg11[%dma_wait3A_1439, %dma_wait3A_1443] : memref<23x128xi32, #tpu.memory_space<vmem>> -> memref<1x128xi32, #tpu.memory_space<vmem>>
    %dma_wait3A_1445 = tpu.memref_squeeze %dma_wait3A_1444 : memref<1x128xi32, #tpu.memory_space<vmem>> -> memref<128xi32, #tpu.memory_space<vmem>>
    %dma_wait3A_1446 = arith.constant 0 : i32
    %dma_wait3A_1447 = arith.constant 0 : i32
    %dma_wait3A_1448 = tpu.memref_slice %arg19[%dma_wait3A_1446, %dma_wait3A_1447] : memref<5888x16xf32, #tpu.memory_space<vmem_shared>> -> memref<5888x16xf32, #tpu.memory_space<vmem_shared>>
    tpu.wait_indirect_dma semaphore(%arg21 : memref<!tpu.dma_semaphore, #tpu.memory_space<semaphore_mem>>) src(%dma_wait3A_1442 : memref<128x16xf32, #tpu.memory_space<vmem>>) dst(%dma_wait3A_1448 : memref<5888x16xf32, #tpu.memory_space<vmem_shared>>)
    %dma_wait3A_1449 = arith.constant 10 : i32
    %dma_wait3A_1450 = arith.constant 1280 : i32
    %dma_wait3A_1451 = arith.constant 0 : i32
    %dma_wait3A_1452 = tpu.memref_slice %arg16[%dma_wait3A_1450, %dma_wait3A_1451] : memref<2944x16xf32, #tpu.memory_space<vmem>> -> memref<128x16xf32, #tpu.memory_space<vmem>>
    %dma_wait3A_1453 = arith.constant 0 : i32
    %dma_wait3A_1454 = tpu.memref_slice %arg11[%dma_wait3A_1449, %dma_wait3A_1453] : memref<23x128xi32, #tpu.memory_space<vmem>> -> memref<1x128xi32, #tpu.memory_space<vmem>>
    %dma_wait3A_1455 = tpu.memref_squeeze %dma_wait3A_1454 : memref<1x128xi32, #tpu.memory_space<vmem>> -> memref<128xi32, #tpu.memory_space<vmem>>
    %dma_wait3A_1456 = arith.constant 0 : i32
    %dma_wait3A_1457 = arith.constant 0 : i32
    %dma_wait3A_1458 = tpu.memref_slice %arg19[%dma_wait3A_1456, %dma_wait3A_1457] : memref<5888x16xf32, #tpu.memory_space<vmem_shared>> -> memref<5888x16xf32, #tpu.memory_space<vmem_shared>>
    tpu.wait_indirect_dma semaphore(%arg21 : memref<!tpu.dma_semaphore, #tpu.memory_space<semaphore_mem>>) src(%dma_wait3A_1452 : memref<128x16xf32, #tpu.memory_space<vmem>>) dst(%dma_wait3A_1458 : memref<5888x16xf32, #tpu.memory_space<vmem_shared>>)
    %dma_wait3A_1459 = arith.constant 11 : i32
    %dma_wait3A_1460 = arith.constant 1408 : i32
    %dma_wait3A_1461 = arith.constant 0 : i32
    %dma_wait3A_1462 = tpu.memref_slice %arg16[%dma_wait3A_1460, %dma_wait3A_1461] : memref<2944x16xf32, #tpu.memory_space<vmem>> -> memref<128x16xf32, #tpu.memory_space<vmem>>
    %dma_wait3A_1463 = arith.constant 0 : i32
    %dma_wait3A_1464 = tpu.memref_slice %arg11[%dma_wait3A_1459, %dma_wait3A_1463] : memref<23x128xi32, #tpu.memory_space<vmem>> -> memref<1x128xi32, #tpu.memory_space<vmem>>
    %dma_wait3A_1465 = tpu.memref_squeeze %dma_wait3A_1464 : memref<1x128xi32, #tpu.memory_space<vmem>> -> memref<128xi32, #tpu.memory_space<vmem>>
    %dma_wait3A_1466 = arith.constant 0 : i32
    %dma_wait3A_1467 = arith.constant 0 : i32
    %dma_wait3A_1468 = tpu.memref_slice %arg19[%dma_wait3A_1466, %dma_wait3A_1467] : memref<5888x16xf32, #tpu.memory_space<vmem_shared>> -> memref<5888x16xf32, #tpu.memory_space<vmem_shared>>
    tpu.wait_indirect_dma semaphore(%arg21 : memref<!tpu.dma_semaphore, #tpu.memory_space<semaphore_mem>>) src(%dma_wait3A_1462 : memref<128x16xf32, #tpu.memory_space<vmem>>) dst(%dma_wait3A_1468 : memref<5888x16xf32, #tpu.memory_space<vmem_shared>>)
    %dma_wait3A_1469 = arith.constant 12 : i32
    %dma_wait3A_1470 = arith.constant 1536 : i32
    %dma_wait3A_1471 = arith.constant 0 : i32
    %dma_wait3A_1472 = tpu.memref_slice %arg16[%dma_wait3A_1470, %dma_wait3A_1471] : memref<2944x16xf32, #tpu.memory_space<vmem>> -> memref<128x16xf32, #tpu.memory_space<vmem>>
    %dma_wait3A_1473 = arith.constant 0 : i32
    %dma_wait3A_1474 = tpu.memref_slice %arg11[%dma_wait3A_1469, %dma_wait3A_1473] : memref<23x128xi32, #tpu.memory_space<vmem>> -> memref<1x128xi32, #tpu.memory_space<vmem>>
    %dma_wait3A_1475 = tpu.memref_squeeze %dma_wait3A_1474 : memref<1x128xi32, #tpu.memory_space<vmem>> -> memref<128xi32, #tpu.memory_space<vmem>>
    %dma_wait3A_1476 = arith.constant 0 : i32
    %dma_wait3A_1477 = arith.constant 0 : i32
    %dma_wait3A_1478 = tpu.memref_slice %arg19[%dma_wait3A_1476, %dma_wait3A_1477] : memref<5888x16xf32, #tpu.memory_space<vmem_shared>> -> memref<5888x16xf32, #tpu.memory_space<vmem_shared>>
    tpu.wait_indirect_dma semaphore(%arg21 : memref<!tpu.dma_semaphore, #tpu.memory_space<semaphore_mem>>) src(%dma_wait3A_1472 : memref<128x16xf32, #tpu.memory_space<vmem>>) dst(%dma_wait3A_1478 : memref<5888x16xf32, #tpu.memory_space<vmem_shared>>)
    %dma_wait3A_1479 = arith.constant 13 : i32
    %dma_wait3A_1480 = arith.constant 1664 : i32
    %dma_wait3A_1481 = arith.constant 0 : i32
    %dma_wait3A_1482 = tpu.memref_slice %arg16[%dma_wait3A_1480, %dma_wait3A_1481] : memref<2944x16xf32, #tpu.memory_space<vmem>> -> memref<128x16xf32, #tpu.memory_space<vmem>>
    %dma_wait3A_1483 = arith.constant 0 : i32
    %dma_wait3A_1484 = tpu.memref_slice %arg11[%dma_wait3A_1479, %dma_wait3A_1483] : memref<23x128xi32, #tpu.memory_space<vmem>> -> memref<1x128xi32, #tpu.memory_space<vmem>>
    %dma_wait3A_1485 = tpu.memref_squeeze %dma_wait3A_1484 : memref<1x128xi32, #tpu.memory_space<vmem>> -> memref<128xi32, #tpu.memory_space<vmem>>
    %dma_wait3A_1486 = arith.constant 0 : i32
    %dma_wait3A_1487 = arith.constant 0 : i32
    %dma_wait3A_1488 = tpu.memref_slice %arg19[%dma_wait3A_1486, %dma_wait3A_1487] : memref<5888x16xf32, #tpu.memory_space<vmem_shared>> -> memref<5888x16xf32, #tpu.memory_space<vmem_shared>>
    tpu.wait_indirect_dma semaphore(%arg21 : memref<!tpu.dma_semaphore, #tpu.memory_space<semaphore_mem>>) src(%dma_wait3A_1482 : memref<128x16xf32, #tpu.memory_space<vmem>>) dst(%dma_wait3A_1488 : memref<5888x16xf32, #tpu.memory_space<vmem_shared>>)
    %dma_wait3A_1489 = arith.constant 14 : i32
    %dma_wait3A_1490 = arith.constant 1792 : i32
    %dma_wait3A_1491 = arith.constant 0 : i32
    %dma_wait3A_1492 = tpu.memref_slice %arg16[%dma_wait3A_1490, %dma_wait3A_1491] : memref<2944x16xf32, #tpu.memory_space<vmem>> -> memref<128x16xf32, #tpu.memory_space<vmem>>
    %dma_wait3A_1493 = arith.constant 0 : i32
    %dma_wait3A_1494 = tpu.memref_slice %arg11[%dma_wait3A_1489, %dma_wait3A_1493] : memref<23x128xi32, #tpu.memory_space<vmem>> -> memref<1x128xi32, #tpu.memory_space<vmem>>
    %dma_wait3A_1495 = tpu.memref_squeeze %dma_wait3A_1494 : memref<1x128xi32, #tpu.memory_space<vmem>> -> memref<128xi32, #tpu.memory_space<vmem>>
    %dma_wait3A_1496 = arith.constant 0 : i32
    %dma_wait3A_1497 = arith.constant 0 : i32
    %dma_wait3A_1498 = tpu.memref_slice %arg19[%dma_wait3A_1496, %dma_wait3A_1497] : memref<5888x16xf32, #tpu.memory_space<vmem_shared>> -> memref<5888x16xf32, #tpu.memory_space<vmem_shared>>
    tpu.wait_indirect_dma semaphore(%arg21 : memref<!tpu.dma_semaphore, #tpu.memory_space<semaphore_mem>>) src(%dma_wait3A_1492 : memref<128x16xf32, #tpu.memory_space<vmem>>) dst(%dma_wait3A_1498 : memref<5888x16xf32, #tpu.memory_space<vmem_shared>>)
    %dma_wait3A_1499 = arith.constant 15 : i32
    %dma_wait3A_1500 = arith.constant 1920 : i32
    %dma_wait3A_1501 = arith.constant 0 : i32
    %dma_wait3A_1502 = tpu.memref_slice %arg16[%dma_wait3A_1500, %dma_wait3A_1501] : memref<2944x16xf32, #tpu.memory_space<vmem>> -> memref<128x16xf32, #tpu.memory_space<vmem>>
    %dma_wait3A_1503 = arith.constant 0 : i32
    %dma_wait3A_1504 = tpu.memref_slice %arg11[%dma_wait3A_1499, %dma_wait3A_1503] : memref<23x128xi32, #tpu.memory_space<vmem>> -> memref<1x128xi32, #tpu.memory_space<vmem>>
    %dma_wait3A_1505 = tpu.memref_squeeze %dma_wait3A_1504 : memref<1x128xi32, #tpu.memory_space<vmem>> -> memref<128xi32, #tpu.memory_space<vmem>>
    %dma_wait3A_1506 = arith.constant 0 : i32
    %dma_wait3A_1507 = arith.constant 0 : i32
    %dma_wait3A_1508 = tpu.memref_slice %arg19[%dma_wait3A_1506, %dma_wait3A_1507] : memref<5888x16xf32, #tpu.memory_space<vmem_shared>> -> memref<5888x16xf32, #tpu.memory_space<vmem_shared>>
    tpu.wait_indirect_dma semaphore(%arg21 : memref<!tpu.dma_semaphore, #tpu.memory_space<semaphore_mem>>) src(%dma_wait3A_1502 : memref<128x16xf32, #tpu.memory_space<vmem>>) dst(%dma_wait3A_1508 : memref<5888x16xf32, #tpu.memory_space<vmem_shared>>)
    %dma_wait3A_1509 = arith.constant 16 : i32
    %dma_wait3A_1510 = arith.constant 2048 : i32
    %dma_wait3A_1511 = arith.constant 0 : i32
    %dma_wait3A_1512 = tpu.memref_slice %arg16[%dma_wait3A_1510, %dma_wait3A_1511] : memref<2944x16xf32, #tpu.memory_space<vmem>> -> memref<128x16xf32, #tpu.memory_space<vmem>>
    %dma_wait3A_1513 = arith.constant 0 : i32
    %dma_wait3A_1514 = tpu.memref_slice %arg11[%dma_wait3A_1509, %dma_wait3A_1513] : memref<23x128xi32, #tpu.memory_space<vmem>> -> memref<1x128xi32, #tpu.memory_space<vmem>>
    %dma_wait3A_1515 = tpu.memref_squeeze %dma_wait3A_1514 : memref<1x128xi32, #tpu.memory_space<vmem>> -> memref<128xi32, #tpu.memory_space<vmem>>
    %dma_wait3A_1516 = arith.constant 0 : i32
    %dma_wait3A_1517 = arith.constant 0 : i32
    %dma_wait3A_1518 = tpu.memref_slice %arg19[%dma_wait3A_1516, %dma_wait3A_1517] : memref<5888x16xf32, #tpu.memory_space<vmem_shared>> -> memref<5888x16xf32, #tpu.memory_space<vmem_shared>>
    tpu.wait_indirect_dma semaphore(%arg21 : memref<!tpu.dma_semaphore, #tpu.memory_space<semaphore_mem>>) src(%dma_wait3A_1512 : memref<128x16xf32, #tpu.memory_space<vmem>>) dst(%dma_wait3A_1518 : memref<5888x16xf32, #tpu.memory_space<vmem_shared>>)
    %dma_wait3A_1519 = arith.constant 17 : i32
    %dma_wait3A_1520 = arith.constant 2176 : i32
    %dma_wait3A_1521 = arith.constant 0 : i32
    %dma_wait3A_1522 = tpu.memref_slice %arg16[%dma_wait3A_1520, %dma_wait3A_1521] : memref<2944x16xf32, #tpu.memory_space<vmem>> -> memref<128x16xf32, #tpu.memory_space<vmem>>
    %dma_wait3A_1523 = arith.constant 0 : i32
    %dma_wait3A_1524 = tpu.memref_slice %arg11[%dma_wait3A_1519, %dma_wait3A_1523] : memref<23x128xi32, #tpu.memory_space<vmem>> -> memref<1x128xi32, #tpu.memory_space<vmem>>
    %dma_wait3A_1525 = tpu.memref_squeeze %dma_wait3A_1524 : memref<1x128xi32, #tpu.memory_space<vmem>> -> memref<128xi32, #tpu.memory_space<vmem>>
    %dma_wait3A_1526 = arith.constant 0 : i32
    %dma_wait3A_1527 = arith.constant 0 : i32
    %dma_wait3A_1528 = tpu.memref_slice %arg19[%dma_wait3A_1526, %dma_wait3A_1527] : memref<5888x16xf32, #tpu.memory_space<vmem_shared>> -> memref<5888x16xf32, #tpu.memory_space<vmem_shared>>
    tpu.wait_indirect_dma semaphore(%arg21 : memref<!tpu.dma_semaphore, #tpu.memory_space<semaphore_mem>>) src(%dma_wait3A_1522 : memref<128x16xf32, #tpu.memory_space<vmem>>) dst(%dma_wait3A_1528 : memref<5888x16xf32, #tpu.memory_space<vmem_shared>>)
    %dma_wait3A_1529 = arith.constant 18 : i32
    %dma_wait3A_1530 = arith.constant 2304 : i32
    %dma_wait3A_1531 = arith.constant 0 : i32
    %dma_wait3A_1532 = tpu.memref_slice %arg16[%dma_wait3A_1530, %dma_wait3A_1531] : memref<2944x16xf32, #tpu.memory_space<vmem>> -> memref<128x16xf32, #tpu.memory_space<vmem>>
    %dma_wait3A_1533 = arith.constant 0 : i32
    %dma_wait3A_1534 = tpu.memref_slice %arg11[%dma_wait3A_1529, %dma_wait3A_1533] : memref<23x128xi32, #tpu.memory_space<vmem>> -> memref<1x128xi32, #tpu.memory_space<vmem>>
    %dma_wait3A_1535 = tpu.memref_squeeze %dma_wait3A_1534 : memref<1x128xi32, #tpu.memory_space<vmem>> -> memref<128xi32, #tpu.memory_space<vmem>>
    %dma_wait3A_1536 = arith.constant 0 : i32
    %dma_wait3A_1537 = arith.constant 0 : i32
    %dma_wait3A_1538 = tpu.memref_slice %arg19[%dma_wait3A_1536, %dma_wait3A_1537] : memref<5888x16xf32, #tpu.memory_space<vmem_shared>> -> memref<5888x16xf32, #tpu.memory_space<vmem_shared>>
    tpu.wait_indirect_dma semaphore(%arg21 : memref<!tpu.dma_semaphore, #tpu.memory_space<semaphore_mem>>) src(%dma_wait3A_1532 : memref<128x16xf32, #tpu.memory_space<vmem>>) dst(%dma_wait3A_1538 : memref<5888x16xf32, #tpu.memory_space<vmem_shared>>)
    %dma_wait3A_1539 = arith.constant 19 : i32
    %dma_wait3A_1540 = arith.constant 2432 : i32
    %dma_wait3A_1541 = arith.constant 0 : i32
    %dma_wait3A_1542 = tpu.memref_slice %arg16[%dma_wait3A_1540, %dma_wait3A_1541] : memref<2944x16xf32, #tpu.memory_space<vmem>> -> memref<128x16xf32, #tpu.memory_space<vmem>>
    %dma_wait3A_1543 = arith.constant 0 : i32
    %dma_wait3A_1544 = tpu.memref_slice %arg11[%dma_wait3A_1539, %dma_wait3A_1543] : memref<23x128xi32, #tpu.memory_space<vmem>> -> memref<1x128xi32, #tpu.memory_space<vmem>>
    %dma_wait3A_1545 = tpu.memref_squeeze %dma_wait3A_1544 : memref<1x128xi32, #tpu.memory_space<vmem>> -> memref<128xi32, #tpu.memory_space<vmem>>
    %dma_wait3A_1546 = arith.constant 0 : i32
    %dma_wait3A_1547 = arith.constant 0 : i32
    %dma_wait3A_1548 = tpu.memref_slice %arg19[%dma_wait3A_1546, %dma_wait3A_1547] : memref<5888x16xf32, #tpu.memory_space<vmem_shared>> -> memref<5888x16xf32, #tpu.memory_space<vmem_shared>>
    tpu.wait_indirect_dma semaphore(%arg21 : memref<!tpu.dma_semaphore, #tpu.memory_space<semaphore_mem>>) src(%dma_wait3A_1542 : memref<128x16xf32, #tpu.memory_space<vmem>>) dst(%dma_wait3A_1548 : memref<5888x16xf32, #tpu.memory_space<vmem_shared>>)
    %dma_wait3A_1549 = arith.constant 20 : i32
    %dma_wait3A_1550 = arith.constant 2560 : i32
    %dma_wait3A_1551 = arith.constant 0 : i32
    %dma_wait3A_1552 = tpu.memref_slice %arg16[%dma_wait3A_1550, %dma_wait3A_1551] : memref<2944x16xf32, #tpu.memory_space<vmem>> -> memref<128x16xf32, #tpu.memory_space<vmem>>
    %dma_wait3A_1553 = arith.constant 0 : i32
    %dma_wait3A_1554 = tpu.memref_slice %arg11[%dma_wait3A_1549, %dma_wait3A_1553] : memref<23x128xi32, #tpu.memory_space<vmem>> -> memref<1x128xi32, #tpu.memory_space<vmem>>
    %dma_wait3A_1555 = tpu.memref_squeeze %dma_wait3A_1554 : memref<1x128xi32, #tpu.memory_space<vmem>> -> memref<128xi32, #tpu.memory_space<vmem>>
    %dma_wait3A_1556 = arith.constant 0 : i32
    %dma_wait3A_1557 = arith.constant 0 : i32
    %dma_wait3A_1558 = tpu.memref_slice %arg19[%dma_wait3A_1556, %dma_wait3A_1557] : memref<5888x16xf32, #tpu.memory_space<vmem_shared>> -> memref<5888x16xf32, #tpu.memory_space<vmem_shared>>
    tpu.wait_indirect_dma semaphore(%arg21 : memref<!tpu.dma_semaphore, #tpu.memory_space<semaphore_mem>>) src(%dma_wait3A_1552 : memref<128x16xf32, #tpu.memory_space<vmem>>) dst(%dma_wait3A_1558 : memref<5888x16xf32, #tpu.memory_space<vmem_shared>>)
    %dma_wait3A_1559 = arith.constant 21 : i32
    %dma_wait3A_1560 = arith.constant 2688 : i32
    %dma_wait3A_1561 = arith.constant 0 : i32
    %dma_wait3A_1562 = tpu.memref_slice %arg16[%dma_wait3A_1560, %dma_wait3A_1561] : memref<2944x16xf32, #tpu.memory_space<vmem>> -> memref<128x16xf32, #tpu.memory_space<vmem>>
    %dma_wait3A_1563 = arith.constant 0 : i32
    %dma_wait3A_1564 = tpu.memref_slice %arg11[%dma_wait3A_1559, %dma_wait3A_1563] : memref<23x128xi32, #tpu.memory_space<vmem>> -> memref<1x128xi32, #tpu.memory_space<vmem>>
    %dma_wait3A_1565 = tpu.memref_squeeze %dma_wait3A_1564 : memref<1x128xi32, #tpu.memory_space<vmem>> -> memref<128xi32, #tpu.memory_space<vmem>>
    %dma_wait3A_1566 = arith.constant 0 : i32
    %dma_wait3A_1567 = arith.constant 0 : i32
    %dma_wait3A_1568 = tpu.memref_slice %arg19[%dma_wait3A_1566, %dma_wait3A_1567] : memref<5888x16xf32, #tpu.memory_space<vmem_shared>> -> memref<5888x16xf32, #tpu.memory_space<vmem_shared>>
    tpu.wait_indirect_dma semaphore(%arg21 : memref<!tpu.dma_semaphore, #tpu.memory_space<semaphore_mem>>) src(%dma_wait3A_1562 : memref<128x16xf32, #tpu.memory_space<vmem>>) dst(%dma_wait3A_1568 : memref<5888x16xf32, #tpu.memory_space<vmem_shared>>)
    %dma_wait3A_1569 = arith.constant 22 : i32
    %dma_wait3A_1570 = arith.constant 2816 : i32
    %dma_wait3A_1571 = arith.constant 0 : i32
    %dma_wait3A_1572 = tpu.memref_slice %arg16[%dma_wait3A_1570, %dma_wait3A_1571] : memref<2944x16xf32, #tpu.memory_space<vmem>> -> memref<128x16xf32, #tpu.memory_space<vmem>>
    %dma_wait3A_1573 = arith.constant 0 : i32
    %dma_wait3A_1574 = tpu.memref_slice %arg11[%dma_wait3A_1569, %dma_wait3A_1573] : memref<23x128xi32, #tpu.memory_space<vmem>> -> memref<1x128xi32, #tpu.memory_space<vmem>>
    %dma_wait3A_1575 = tpu.memref_squeeze %dma_wait3A_1574 : memref<1x128xi32, #tpu.memory_space<vmem>> -> memref<128xi32, #tpu.memory_space<vmem>>
    %dma_wait3A_1576 = arith.constant 0 : i32
    %dma_wait3A_1577 = arith.constant 0 : i32
    %dma_wait3A_1578 = tpu.memref_slice %arg19[%dma_wait3A_1576, %dma_wait3A_1577] : memref<5888x16xf32, #tpu.memory_space<vmem_shared>> -> memref<5888x16xf32, #tpu.memory_space<vmem_shared>>
    tpu.wait_indirect_dma semaphore(%arg21 : memref<!tpu.dma_semaphore, #tpu.memory_space<semaphore_mem>>) src(%dma_wait3A_1572 : memref<128x16xf32, #tpu.memory_space<vmem>>) dst(%dma_wait3A_1578 : memref<5888x16xf32, #tpu.memory_space<vmem_shared>>)
    %barrier3A_1579 = arith.constant 0 : index
    tpu.barrier barrier_id(%barrier3A_1579)
    "tpu.region"() ({
      %run_scoped3A = tpu.sem_alloc : memref<!tpu.dma_semaphore, #tpu.memory_space<semaphore_mem>>
      %dma_start3A_1580 = arith.constant 0 : i32
      %dma_start3A_1581 = arith.constant 0 : i32
      %dma_start3A_1582 = tpu.memref_slice %arg7[%arg0, %dma_start3A_1580, %dma_start3A_1581] : memref<2x5888x16xf32, #tpu.memory_space<hbm>> -> memref<1x5888x16xf32, #tpu.memory_space<hbm>>
      %dma_start3A_1583 = tpu.memref_squeeze %dma_start3A_1582 : memref<1x5888x16xf32, #tpu.memory_space<hbm>> -> memref<5888x16xf32, #tpu.memory_space<hbm>>
      %dma_start3A_1584 = arith.constant 0 : i32
      %dma_start3A_1585 = tpu.memref_slice %dma_start3A_1583[%mul3A_2, %dma_start3A_1584] : memref<5888x16xf32, #tpu.memory_space<hbm>> -> memref<368x16xf32, #tpu.memory_space<hbm>>
      %dma_start3A_1586 = arith.constant 0 : i32
      %dma_start3A_1587 = tpu.memref_slice %arg19[%mul3A_2, %dma_start3A_1586] : memref<5888x16xf32, #tpu.memory_space<vmem_shared>> -> memref<368x16xf32, #tpu.memory_space<vmem_shared>>
      tpu.enqueue_dma source(%dma_start3A_1587 : memref<368x16xf32, #tpu.memory_space<vmem_shared>>) target(%dma_start3A_1585 : memref<368x16xf32, #tpu.memory_space<hbm>>) target_semaphore(%run_scoped3A : memref<!tpu.dma_semaphore, #tpu.memory_space<semaphore_mem>>)
      %dma_wait3A_1588 = arith.constant 0 : i32
      %dma_wait3A_1589 = arith.constant 0 : i32
      %dma_wait3A_1590 = tpu.memref_slice %arg7[%arg0, %dma_wait3A_1588, %dma_wait3A_1589] : memref<2x5888x16xf32, #tpu.memory_space<hbm>> -> memref<1x5888x16xf32, #tpu.memory_space<hbm>>
      %dma_wait3A_1591 = tpu.memref_squeeze %dma_wait3A_1590 : memref<1x5888x16xf32, #tpu.memory_space<hbm>> -> memref<5888x16xf32, #tpu.memory_space<hbm>>
      %dma_wait3A_1592 = arith.constant 0 : i32
      %dma_wait3A_1593 = tpu.memref_slice %dma_wait3A_1591[%mul3A_2, %dma_wait3A_1592] : memref<5888x16xf32, #tpu.memory_space<hbm>> -> memref<368x16xf32, #tpu.memory_space<hbm>>
      %dma_wait3A_1594 = arith.constant 0 : i32
      %dma_wait3A_1595 = tpu.memref_slice %arg19[%mul3A_2, %dma_wait3A_1594] : memref<5888x16xf32, #tpu.memory_space<vmem_shared>> -> memref<368x16xf32, #tpu.memory_space<vmem_shared>>
      tpu.wait_dma2 semaphore(%run_scoped3A : memref<!tpu.dma_semaphore, #tpu.memory_space<semaphore_mem>>) src(%dma_wait3A_1595 : memref<368x16xf32, #tpu.memory_space<vmem_shared>>) dst(%dma_wait3A_1593 : memref<368x16xf32, #tpu.memory_space<hbm>>)
      tpu.yield
    }) : () -> ()
    return
  }
}

#map = affine_map<(d0, d1) -> (0, 0)>
#map1 = affine_map<(d0, d1) -> (0, 0, 0)>
module attributes {stable_mosaic.version = 14 : i64} {
  func.func @k(%arg0: i32, %arg1: i32, %arg2: memref<5888x24xf32, #tpu.memory_space<hbm>>, %arg3: memref<32x23x128xi32, #tpu.memory_space<hbm>>, %arg4: memref<32x23x128xi32, #tpu.memory_space<hbm>>, %arg5: memref<368x24xf32, #tpu.memory_space<hbm>>, %arg6: memref<2x5888x24xf32, #tpu.memory_space<hbm>>, %arg7: memref<23x128xi32, #tpu.memory_space<vmem>>, %arg8: memref<23x128xi32, #tpu.memory_space<vmem>>, %arg9: memref<2944x24xf32, #tpu.memory_space<vmem>>, %arg10: memref<5888x24xf32, #tpu.memory_space<vmem_shared>>, %arg11: memref<5888x24xf32, #tpu.memory_space<vmem_shared>>, %arg12: memref<!tpu.dma_semaphore, #tpu.memory_space<semaphore_mem>>, %arg13: memref<!tpu.dma_semaphore, #tpu.memory_space<semaphore_mem>>) attributes {dimension_semantics = [#tpu.dimension_semantics<core_parallel>, #tpu.dimension_semantics<subcore_parallel>], iteration_bounds = array<i64: 2, 16>, scalar_prefetch = 0 : i64, scratch_operands = 7 : i64, tpu.core_type = #tpu.core_type<sc_vector_subcore>, window_params = [{transform_indices = #map}, {transform_indices = #map1}, {transform_indices = #map1}, {transform_indices = #map}, {transform_indices = #map1}]} {
    %mul3A = arith.constant 16 : i32
    %mul3A_0 = arith.muli %arg0, %mul3A : i32
    %add3A = arith.addi %mul3A_0, %arg1 : i32
    %mul3A_1 = arith.constant 368 : i32
    %mul3A_2 = arith.muli %arg1, %mul3A_1 : i32
    "tpu.region"() ({
      %run_scoped3A = tpu.sem_alloc : memref<!tpu.dma_semaphore, #tpu.memory_space<semaphore_mem>>
      %dma_start3A_922 = arith.constant 0 : i32
      %dma_start3A_923 = tpu.memref_slice %arg11[%mul3A_2, %dma_start3A_922] : memref<5888x24xf32, #tpu.memory_space<vmem_shared>> -> memref<368x24xf32, #tpu.memory_space<vmem_shared>>
      tpu.enqueue_dma source(%arg5 : memref<368x24xf32, #tpu.memory_space<hbm>>) target(%dma_start3A_923 : memref<368x24xf32, #tpu.memory_space<vmem_shared>>) target_semaphore(%run_scoped3A : memref<!tpu.dma_semaphore, #tpu.memory_space<semaphore_mem>>)
      %dma_wait3A_924 = arith.constant 0 : i32
      %dma_wait3A_925 = tpu.memref_slice %arg11[%mul3A_2, %dma_wait3A_924] : memref<5888x24xf32, #tpu.memory_space<vmem_shared>> -> memref<368x24xf32, #tpu.memory_space<vmem_shared>>
      tpu.wait_dma2 semaphore(%run_scoped3A : memref<!tpu.dma_semaphore, #tpu.memory_space<semaphore_mem>>) src(%arg5 : memref<368x24xf32, #tpu.memory_space<hbm>>) dst(%dma_wait3A_925 : memref<368x24xf32, #tpu.memory_space<vmem_shared>>)
      tpu.yield
    }) : () -> ()
    "tpu.region"() ({
      %run_scoped3A = tpu.sem_alloc : memref<!tpu.dma_semaphore, #tpu.memory_space<semaphore_mem>>
      %dma_start3A_922 = arith.constant 0 : i32
      %dma_start3A_923 = tpu.memref_slice %arg10[%mul3A_2, %dma_start3A_922] : memref<5888x24xf32, #tpu.memory_space<vmem_shared>> -> memref<368x24xf32, #tpu.memory_space<vmem_shared>>
      %dma_start3A_924 = arith.constant 0 : i32
      %dma_start3A_925 = tpu.memref_slice %arg2[%mul3A_2, %dma_start3A_924] : memref<5888x24xf32, #tpu.memory_space<hbm>> -> memref<368x24xf32, #tpu.memory_space<hbm>>
      tpu.enqueue_dma source(%dma_start3A_925 : memref<368x24xf32, #tpu.memory_space<hbm>>) target(%dma_start3A_923 : memref<368x24xf32, #tpu.memory_space<vmem_shared>>) target_semaphore(%run_scoped3A : memref<!tpu.dma_semaphore, #tpu.memory_space<semaphore_mem>>)
      %dma_wait3A_926 = arith.constant 0 : i32
      %dma_wait3A_927 = tpu.memref_slice %arg10[%mul3A_2, %dma_wait3A_926] : memref<5888x24xf32, #tpu.memory_space<vmem_shared>> -> memref<368x24xf32, #tpu.memory_space<vmem_shared>>
      %dma_wait3A_928 = arith.constant 0 : i32
      %dma_wait3A_929 = tpu.memref_slice %arg2[%mul3A_2, %dma_wait3A_928] : memref<5888x24xf32, #tpu.memory_space<hbm>> -> memref<368x24xf32, #tpu.memory_space<hbm>>
      tpu.wait_dma2 semaphore(%run_scoped3A : memref<!tpu.dma_semaphore, #tpu.memory_space<semaphore_mem>>) src(%dma_wait3A_929 : memref<368x24xf32, #tpu.memory_space<hbm>>) dst(%dma_wait3A_927 : memref<368x24xf32, #tpu.memory_space<vmem_shared>>)
      tpu.yield
    }) : () -> ()
    "tpu.region"() ({
      %run_scoped3A = tpu.sem_alloc : memref<!tpu.dma_semaphore, #tpu.memory_space<semaphore_mem>>
      %dma_start3A_922 = arith.constant 0 : i32
      %dma_start3A_923 = arith.constant 0 : i32
      %dma_start3A_924 = tpu.memref_slice %arg3[%add3A, %dma_start3A_922, %dma_start3A_923] : memref<32x23x128xi32, #tpu.memory_space<hbm>> -> memref<1x23x128xi32, #tpu.memory_space<hbm>>
      %dma_start3A_925 = tpu.memref_squeeze %dma_start3A_924 : memref<1x23x128xi32, #tpu.memory_space<hbm>> -> memref<23x128xi32, #tpu.memory_space<hbm>>
      %dma_start3A_926 = arith.constant 0 : i32
      %dma_start3A_927 = arith.constant 0 : i32
      %dma_start3A_928 = tpu.memref_slice %arg3[%add3A, %dma_start3A_926, %dma_start3A_927] : memref<32x23x128xi32, #tpu.memory_space<hbm>> -> memref<1x23x128xi32, #tpu.memory_space<hbm>>
      %dma_start3A_929 = tpu.memref_squeeze %dma_start3A_928 : memref<1x23x128xi32, #tpu.memory_space<hbm>> -> memref<23x128xi32, #tpu.memory_space<hbm>>
      tpu.enqueue_dma source(%dma_start3A_929 : memref<23x128xi32, #tpu.memory_space<hbm>>) target(%arg7 : memref<23x128xi32, #tpu.memory_space<vmem>>) target_semaphore(%run_scoped3A : memref<!tpu.dma_semaphore, #tpu.memory_space<semaphore_mem>>)
      %dma_wait3A_930 = arith.constant 0 : i32
      %dma_wait3A_931 = arith.constant 0 : i32
      %dma_wait3A_932 = tpu.memref_slice %arg3[%add3A, %dma_wait3A_930, %dma_wait3A_931] : memref<32x23x128xi32, #tpu.memory_space<hbm>> -> memref<1x23x128xi32, #tpu.memory_space<hbm>>
      %dma_wait3A_933 = tpu.memref_squeeze %dma_wait3A_932 : memref<1x23x128xi32, #tpu.memory_space<hbm>> -> memref<23x128xi32, #tpu.memory_space<hbm>>
      %dma_wait3A_934 = arith.constant 0 : i32
      %dma_wait3A_935 = arith.constant 0 : i32
      %dma_wait3A_936 = tpu.memref_slice %arg3[%add3A, %dma_wait3A_934, %dma_wait3A_935] : memref<32x23x128xi32, #tpu.memory_space<hbm>> -> memref<1x23x128xi32, #tpu.memory_space<hbm>>
      %dma_wait3A_937 = tpu.memref_squeeze %dma_wait3A_936 : memref<1x23x128xi32, #tpu.memory_space<hbm>> -> memref<23x128xi32, #tpu.memory_space<hbm>>
      tpu.wait_dma2 semaphore(%run_scoped3A : memref<!tpu.dma_semaphore, #tpu.memory_space<semaphore_mem>>) src(%dma_wait3A_937 : memref<23x128xi32, #tpu.memory_space<hbm>>) dst(%arg7 : memref<23x128xi32, #tpu.memory_space<vmem>>)
      tpu.yield
    }) : () -> ()
    "tpu.region"() ({
      %run_scoped3A = tpu.sem_alloc : memref<!tpu.dma_semaphore, #tpu.memory_space<semaphore_mem>>
      %dma_start3A_922 = arith.constant 0 : i32
      %dma_start3A_923 = arith.constant 0 : i32
      %dma_start3A_924 = tpu.memref_slice %arg4[%add3A, %dma_start3A_922, %dma_start3A_923] : memref<32x23x128xi32, #tpu.memory_space<hbm>> -> memref<1x23x128xi32, #tpu.memory_space<hbm>>
      %dma_start3A_925 = tpu.memref_squeeze %dma_start3A_924 : memref<1x23x128xi32, #tpu.memory_space<hbm>> -> memref<23x128xi32, #tpu.memory_space<hbm>>
      %dma_start3A_926 = arith.constant 0 : i32
      %dma_start3A_927 = arith.constant 0 : i32
      %dma_start3A_928 = tpu.memref_slice %arg4[%add3A, %dma_start3A_926, %dma_start3A_927] : memref<32x23x128xi32, #tpu.memory_space<hbm>> -> memref<1x23x128xi32, #tpu.memory_space<hbm>>
      %dma_start3A_929 = tpu.memref_squeeze %dma_start3A_928 : memref<1x23x128xi32, #tpu.memory_space<hbm>> -> memref<23x128xi32, #tpu.memory_space<hbm>>
      tpu.enqueue_dma source(%dma_start3A_929 : memref<23x128xi32, #tpu.memory_space<hbm>>) target(%arg8 : memref<23x128xi32, #tpu.memory_space<vmem>>) target_semaphore(%run_scoped3A : memref<!tpu.dma_semaphore, #tpu.memory_space<semaphore_mem>>)
      %dma_wait3A_930 = arith.constant 0 : i32
      %dma_wait3A_931 = arith.constant 0 : i32
      %dma_wait3A_932 = tpu.memref_slice %arg4[%add3A, %dma_wait3A_930, %dma_wait3A_931] : memref<32x23x128xi32, #tpu.memory_space<hbm>> -> memref<1x23x128xi32, #tpu.memory_space<hbm>>
      %dma_wait3A_933 = tpu.memref_squeeze %dma_wait3A_932 : memref<1x23x128xi32, #tpu.memory_space<hbm>> -> memref<23x128xi32, #tpu.memory_space<hbm>>
      %dma_wait3A_934 = arith.constant 0 : i32
      %dma_wait3A_935 = arith.constant 0 : i32
      %dma_wait3A_936 = tpu.memref_slice %arg4[%add3A, %dma_wait3A_934, %dma_wait3A_935] : memref<32x23x128xi32, #tpu.memory_space<hbm>> -> memref<1x23x128xi32, #tpu.memory_space<hbm>>
      %dma_wait3A_937 = tpu.memref_squeeze %dma_wait3A_936 : memref<1x23x128xi32, #tpu.memory_space<hbm>> -> memref<23x128xi32, #tpu.memory_space<hbm>>
      tpu.wait_dma2 semaphore(%run_scoped3A : memref<!tpu.dma_semaphore, #tpu.memory_space<semaphore_mem>>) src(%dma_wait3A_937 : memref<23x128xi32, #tpu.memory_space<hbm>>) dst(%arg8 : memref<23x128xi32, #tpu.memory_space<vmem>>)
      tpu.yield
    }) : () -> ()
    %barrier3A = arith.constant 0 : index
    tpu.barrier barrier_id(%barrier3A)
    %dma_start3A = arith.constant 0 : i32
    %dma_start3A_3 = arith.constant 0 : i32
    %dma_start3A_4 = arith.constant 0 : i32
    %dma_start3A_5 = tpu.memref_slice %arg9[%dma_start3A_3, %dma_start3A_4] : memref<2944x24xf32, #tpu.memory_space<vmem>> -> memref<128x24xf32, #tpu.memory_space<vmem>>
    %dma_start3A_6 = arith.constant 0 : i32
    %dma_start3A_7 = tpu.memref_slice %arg7[%dma_start3A, %dma_start3A_6] : memref<23x128xi32, #tpu.memory_space<vmem>> -> memref<1x128xi32, #tpu.memory_space<vmem>>
    %dma_start3A_8 = tpu.memref_squeeze %dma_start3A_7 : memref<1x128xi32, #tpu.memory_space<vmem>> -> memref<128xi32, #tpu.memory_space<vmem>>
    %dma_start3A_9 = arith.constant 0 : i32
    %dma_start3A_10 = arith.constant 0 : i32
    %dma_start3A_11 = tpu.memref_slice %arg10[%dma_start3A_9, %dma_start3A_10] : memref<5888x24xf32, #tpu.memory_space<vmem_shared>> -> memref<5888x24xf32, #tpu.memory_space<vmem_shared>>
    tpu.enqueue_indirect_dma source(%dma_start3A_11 : memref<5888x24xf32, #tpu.memory_space<vmem_shared>>) target(%dma_start3A_5 : memref<128x24xf32, #tpu.memory_space<vmem>>) offsets(%dma_start3A_8 : memref<128xi32, #tpu.memory_space<vmem>>) semaphore(%arg12 : memref<!tpu.dma_semaphore, #tpu.memory_space<semaphore_mem>>)
    %dma_start3A_12 = arith.constant 1 : i32
    %dma_start3A_13 = arith.constant 128 : i32
    %dma_start3A_14 = arith.constant 0 : i32
    %dma_start3A_15 = tpu.memref_slice %arg9[%dma_start3A_13, %dma_start3A_14] : memref<2944x24xf32, #tpu.memory_space<vmem>> -> memref<128x24xf32, #tpu.memory_space<vmem>>
    %dma_start3A_16 = arith.constant 0 : i32
    %dma_start3A_17 = tpu.memref_slice %arg7[%dma_start3A_12, %dma_start3A_16] : memref<23x128xi32, #tpu.memory_space<vmem>> -> memref<1x128xi32, #tpu.memory_space<vmem>>
    %dma_start3A_18 = tpu.memref_squeeze %dma_start3A_17 : memref<1x128xi32, #tpu.memory_space<vmem>> -> memref<128xi32, #tpu.memory_space<vmem>>
    %dma_start3A_19 = arith.constant 0 : i32
    %dma_start3A_20 = arith.constant 0 : i32
    %dma_start3A_21 = tpu.memref_slice %arg10[%dma_start3A_19, %dma_start3A_20] : memref<5888x24xf32, #tpu.memory_space<vmem_shared>> -> memref<5888x24xf32, #tpu.memory_space<vmem_shared>>
    tpu.enqueue_indirect_dma source(%dma_start3A_21 : memref<5888x24xf32, #tpu.memory_space<vmem_shared>>) target(%dma_start3A_15 : memref<128x24xf32, #tpu.memory_space<vmem>>) offsets(%dma_start3A_18 : memref<128xi32, #tpu.memory_space<vmem>>) semaphore(%arg12 : memref<!tpu.dma_semaphore, #tpu.memory_space<semaphore_mem>>)
    %dma_start3A_22 = arith.constant 2 : i32
    %dma_start3A_23 = arith.constant 256 : i32
    %dma_start3A_24 = arith.constant 0 : i32
    %dma_start3A_25 = tpu.memref_slice %arg9[%dma_start3A_23, %dma_start3A_24] : memref<2944x24xf32, #tpu.memory_space<vmem>> -> memref<128x24xf32, #tpu.memory_space<vmem>>
    %dma_start3A_26 = arith.constant 0 : i32
    %dma_start3A_27 = tpu.memref_slice %arg7[%dma_start3A_22, %dma_start3A_26] : memref<23x128xi32, #tpu.memory_space<vmem>> -> memref<1x128xi32, #tpu.memory_space<vmem>>
    %dma_start3A_28 = tpu.memref_squeeze %dma_start3A_27 : memref<1x128xi32, #tpu.memory_space<vmem>> -> memref<128xi32, #tpu.memory_space<vmem>>
    %dma_start3A_29 = arith.constant 0 : i32
    %dma_start3A_30 = arith.constant 0 : i32
    %dma_start3A_31 = tpu.memref_slice %arg10[%dma_start3A_29, %dma_start3A_30] : memref<5888x24xf32, #tpu.memory_space<vmem_shared>> -> memref<5888x24xf32, #tpu.memory_space<vmem_shared>>
    tpu.enqueue_indirect_dma source(%dma_start3A_31 : memref<5888x24xf32, #tpu.memory_space<vmem_shared>>) target(%dma_start3A_25 : memref<128x24xf32, #tpu.memory_space<vmem>>) offsets(%dma_start3A_28 : memref<128xi32, #tpu.memory_space<vmem>>) semaphore(%arg12 : memref<!tpu.dma_semaphore, #tpu.memory_space<semaphore_mem>>)
    %dma_start3A_32 = arith.constant 3 : i32
    %dma_start3A_33 = arith.constant 384 : i32
    %dma_start3A_34 = arith.constant 0 : i32
    %dma_start3A_35 = tpu.memref_slice %arg9[%dma_start3A_33, %dma_start3A_34] : memref<2944x24xf32, #tpu.memory_space<vmem>> -> memref<128x24xf32, #tpu.memory_space<vmem>>
    %dma_start3A_36 = arith.constant 0 : i32
    %dma_start3A_37 = tpu.memref_slice %arg7[%dma_start3A_32, %dma_start3A_36] : memref<23x128xi32, #tpu.memory_space<vmem>> -> memref<1x128xi32, #tpu.memory_space<vmem>>
    %dma_start3A_38 = tpu.memref_squeeze %dma_start3A_37 : memref<1x128xi32, #tpu.memory_space<vmem>> -> memref<128xi32, #tpu.memory_space<vmem>>
    %dma_start3A_39 = arith.constant 0 : i32
    %dma_start3A_40 = arith.constant 0 : i32
    %dma_start3A_41 = tpu.memref_slice %arg10[%dma_start3A_39, %dma_start3A_40] : memref<5888x24xf32, #tpu.memory_space<vmem_shared>> -> memref<5888x24xf32, #tpu.memory_space<vmem_shared>>
    tpu.enqueue_indirect_dma source(%dma_start3A_41 : memref<5888x24xf32, #tpu.memory_space<vmem_shared>>) target(%dma_start3A_35 : memref<128x24xf32, #tpu.memory_space<vmem>>) offsets(%dma_start3A_38 : memref<128xi32, #tpu.memory_space<vmem>>) semaphore(%arg12 : memref<!tpu.dma_semaphore, #tpu.memory_space<semaphore_mem>>)
    %dma_start3A_42 = arith.constant 4 : i32
    %dma_start3A_43 = arith.constant 512 : i32
    %dma_start3A_44 = arith.constant 0 : i32
    %dma_start3A_45 = tpu.memref_slice %arg9[%dma_start3A_43, %dma_start3A_44] : memref<2944x24xf32, #tpu.memory_space<vmem>> -> memref<128x24xf32, #tpu.memory_space<vmem>>
    %dma_start3A_46 = arith.constant 0 : i32
    %dma_start3A_47 = tpu.memref_slice %arg7[%dma_start3A_42, %dma_start3A_46] : memref<23x128xi32, #tpu.memory_space<vmem>> -> memref<1x128xi32, #tpu.memory_space<vmem>>
    %dma_start3A_48 = tpu.memref_squeeze %dma_start3A_47 : memref<1x128xi32, #tpu.memory_space<vmem>> -> memref<128xi32, #tpu.memory_space<vmem>>
    %dma_start3A_49 = arith.constant 0 : i32
    %dma_start3A_50 = arith.constant 0 : i32
    %dma_start3A_51 = tpu.memref_slice %arg10[%dma_start3A_49, %dma_start3A_50] : memref<5888x24xf32, #tpu.memory_space<vmem_shared>> -> memref<5888x24xf32, #tpu.memory_space<vmem_shared>>
    tpu.enqueue_indirect_dma source(%dma_start3A_51 : memref<5888x24xf32, #tpu.memory_space<vmem_shared>>) target(%dma_start3A_45 : memref<128x24xf32, #tpu.memory_space<vmem>>) offsets(%dma_start3A_48 : memref<128xi32, #tpu.memory_space<vmem>>) semaphore(%arg12 : memref<!tpu.dma_semaphore, #tpu.memory_space<semaphore_mem>>)
    %dma_start3A_52 = arith.constant 5 : i32
    %dma_start3A_53 = arith.constant 640 : i32
    %dma_start3A_54 = arith.constant 0 : i32
    %dma_start3A_55 = tpu.memref_slice %arg9[%dma_start3A_53, %dma_start3A_54] : memref<2944x24xf32, #tpu.memory_space<vmem>> -> memref<128x24xf32, #tpu.memory_space<vmem>>
    %dma_start3A_56 = arith.constant 0 : i32
    %dma_start3A_57 = tpu.memref_slice %arg7[%dma_start3A_52, %dma_start3A_56] : memref<23x128xi32, #tpu.memory_space<vmem>> -> memref<1x128xi32, #tpu.memory_space<vmem>>
    %dma_start3A_58 = tpu.memref_squeeze %dma_start3A_57 : memref<1x128xi32, #tpu.memory_space<vmem>> -> memref<128xi32, #tpu.memory_space<vmem>>
    %dma_start3A_59 = arith.constant 0 : i32
    %dma_start3A_60 = arith.constant 0 : i32
    %dma_start3A_61 = tpu.memref_slice %arg10[%dma_start3A_59, %dma_start3A_60] : memref<5888x24xf32, #tpu.memory_space<vmem_shared>> -> memref<5888x24xf32, #tpu.memory_space<vmem_shared>>
    tpu.enqueue_indirect_dma source(%dma_start3A_61 : memref<5888x24xf32, #tpu.memory_space<vmem_shared>>) target(%dma_start3A_55 : memref<128x24xf32, #tpu.memory_space<vmem>>) offsets(%dma_start3A_58 : memref<128xi32, #tpu.memory_space<vmem>>) semaphore(%arg12 : memref<!tpu.dma_semaphore, #tpu.memory_space<semaphore_mem>>)
    %dma_start3A_62 = arith.constant 6 : i32
    %dma_start3A_63 = arith.constant 768 : i32
    %dma_start3A_64 = arith.constant 0 : i32
    %dma_start3A_65 = tpu.memref_slice %arg9[%dma_start3A_63, %dma_start3A_64] : memref<2944x24xf32, #tpu.memory_space<vmem>> -> memref<128x24xf32, #tpu.memory_space<vmem>>
    %dma_start3A_66 = arith.constant 0 : i32
    %dma_start3A_67 = tpu.memref_slice %arg7[%dma_start3A_62, %dma_start3A_66] : memref<23x128xi32, #tpu.memory_space<vmem>> -> memref<1x128xi32, #tpu.memory_space<vmem>>
    %dma_start3A_68 = tpu.memref_squeeze %dma_start3A_67 : memref<1x128xi32, #tpu.memory_space<vmem>> -> memref<128xi32, #tpu.memory_space<vmem>>
    %dma_start3A_69 = arith.constant 0 : i32
    %dma_start3A_70 = arith.constant 0 : i32
    %dma_start3A_71 = tpu.memref_slice %arg10[%dma_start3A_69, %dma_start3A_70] : memref<5888x24xf32, #tpu.memory_space<vmem_shared>> -> memref<5888x24xf32, #tpu.memory_space<vmem_shared>>
    tpu.enqueue_indirect_dma source(%dma_start3A_71 : memref<5888x24xf32, #tpu.memory_space<vmem_shared>>) target(%dma_start3A_65 : memref<128x24xf32, #tpu.memory_space<vmem>>) offsets(%dma_start3A_68 : memref<128xi32, #tpu.memory_space<vmem>>) semaphore(%arg12 : memref<!tpu.dma_semaphore, #tpu.memory_space<semaphore_mem>>)
    %dma_start3A_72 = arith.constant 7 : i32
    %dma_start3A_73 = arith.constant 896 : i32
    %dma_start3A_74 = arith.constant 0 : i32
    %dma_start3A_75 = tpu.memref_slice %arg9[%dma_start3A_73, %dma_start3A_74] : memref<2944x24xf32, #tpu.memory_space<vmem>> -> memref<128x24xf32, #tpu.memory_space<vmem>>
    %dma_start3A_76 = arith.constant 0 : i32
    %dma_start3A_77 = tpu.memref_slice %arg7[%dma_start3A_72, %dma_start3A_76] : memref<23x128xi32, #tpu.memory_space<vmem>> -> memref<1x128xi32, #tpu.memory_space<vmem>>
    %dma_start3A_78 = tpu.memref_squeeze %dma_start3A_77 : memref<1x128xi32, #tpu.memory_space<vmem>> -> memref<128xi32, #tpu.memory_space<vmem>>
    %dma_start3A_79 = arith.constant 0 : i32
    %dma_start3A_80 = arith.constant 0 : i32
    %dma_start3A_81 = tpu.memref_slice %arg10[%dma_start3A_79, %dma_start3A_80] : memref<5888x24xf32, #tpu.memory_space<vmem_shared>> -> memref<5888x24xf32, #tpu.memory_space<vmem_shared>>
    tpu.enqueue_indirect_dma source(%dma_start3A_81 : memref<5888x24xf32, #tpu.memory_space<vmem_shared>>) target(%dma_start3A_75 : memref<128x24xf32, #tpu.memory_space<vmem>>) offsets(%dma_start3A_78 : memref<128xi32, #tpu.memory_space<vmem>>) semaphore(%arg12 : memref<!tpu.dma_semaphore, #tpu.memory_space<semaphore_mem>>)
    %dma_start3A_82 = arith.constant 8 : i32
    %dma_start3A_83 = arith.constant 1024 : i32
    %dma_start3A_84 = arith.constant 0 : i32
    %dma_start3A_85 = tpu.memref_slice %arg9[%dma_start3A_83, %dma_start3A_84] : memref<2944x24xf32, #tpu.memory_space<vmem>> -> memref<128x24xf32, #tpu.memory_space<vmem>>
    %dma_start3A_86 = arith.constant 0 : i32
    %dma_start3A_87 = tpu.memref_slice %arg7[%dma_start3A_82, %dma_start3A_86] : memref<23x128xi32, #tpu.memory_space<vmem>> -> memref<1x128xi32, #tpu.memory_space<vmem>>
    %dma_start3A_88 = tpu.memref_squeeze %dma_start3A_87 : memref<1x128xi32, #tpu.memory_space<vmem>> -> memref<128xi32, #tpu.memory_space<vmem>>
    %dma_start3A_89 = arith.constant 0 : i32
    %dma_start3A_90 = arith.constant 0 : i32
    %dma_start3A_91 = tpu.memref_slice %arg10[%dma_start3A_89, %dma_start3A_90] : memref<5888x24xf32, #tpu.memory_space<vmem_shared>> -> memref<5888x24xf32, #tpu.memory_space<vmem_shared>>
    tpu.enqueue_indirect_dma source(%dma_start3A_91 : memref<5888x24xf32, #tpu.memory_space<vmem_shared>>) target(%dma_start3A_85 : memref<128x24xf32, #tpu.memory_space<vmem>>) offsets(%dma_start3A_88 : memref<128xi32, #tpu.memory_space<vmem>>) semaphore(%arg12 : memref<!tpu.dma_semaphore, #tpu.memory_space<semaphore_mem>>)
    %dma_start3A_92 = arith.constant 9 : i32
    %dma_start3A_93 = arith.constant 1152 : i32
    %dma_start3A_94 = arith.constant 0 : i32
    %dma_start3A_95 = tpu.memref_slice %arg9[%dma_start3A_93, %dma_start3A_94] : memref<2944x24xf32, #tpu.memory_space<vmem>> -> memref<128x24xf32, #tpu.memory_space<vmem>>
    %dma_start3A_96 = arith.constant 0 : i32
    %dma_start3A_97 = tpu.memref_slice %arg7[%dma_start3A_92, %dma_start3A_96] : memref<23x128xi32, #tpu.memory_space<vmem>> -> memref<1x128xi32, #tpu.memory_space<vmem>>
    %dma_start3A_98 = tpu.memref_squeeze %dma_start3A_97 : memref<1x128xi32, #tpu.memory_space<vmem>> -> memref<128xi32, #tpu.memory_space<vmem>>
    %dma_start3A_99 = arith.constant 0 : i32
    %dma_start3A_100 = arith.constant 0 : i32
    %dma_start3A_101 = tpu.memref_slice %arg10[%dma_start3A_99, %dma_start3A_100] : memref<5888x24xf32, #tpu.memory_space<vmem_shared>> -> memref<5888x24xf32, #tpu.memory_space<vmem_shared>>
    tpu.enqueue_indirect_dma source(%dma_start3A_101 : memref<5888x24xf32, #tpu.memory_space<vmem_shared>>) target(%dma_start3A_95 : memref<128x24xf32, #tpu.memory_space<vmem>>) offsets(%dma_start3A_98 : memref<128xi32, #tpu.memory_space<vmem>>) semaphore(%arg12 : memref<!tpu.dma_semaphore, #tpu.memory_space<semaphore_mem>>)
    %dma_start3A_102 = arith.constant 10 : i32
    %dma_start3A_103 = arith.constant 1280 : i32
    %dma_start3A_104 = arith.constant 0 : i32
    %dma_start3A_105 = tpu.memref_slice %arg9[%dma_start3A_103, %dma_start3A_104] : memref<2944x24xf32, #tpu.memory_space<vmem>> -> memref<128x24xf32, #tpu.memory_space<vmem>>
    %dma_start3A_106 = arith.constant 0 : i32
    %dma_start3A_107 = tpu.memref_slice %arg7[%dma_start3A_102, %dma_start3A_106] : memref<23x128xi32, #tpu.memory_space<vmem>> -> memref<1x128xi32, #tpu.memory_space<vmem>>
    %dma_start3A_108 = tpu.memref_squeeze %dma_start3A_107 : memref<1x128xi32, #tpu.memory_space<vmem>> -> memref<128xi32, #tpu.memory_space<vmem>>
    %dma_start3A_109 = arith.constant 0 : i32
    %dma_start3A_110 = arith.constant 0 : i32
    %dma_start3A_111 = tpu.memref_slice %arg10[%dma_start3A_109, %dma_start3A_110] : memref<5888x24xf32, #tpu.memory_space<vmem_shared>> -> memref<5888x24xf32, #tpu.memory_space<vmem_shared>>
    tpu.enqueue_indirect_dma source(%dma_start3A_111 : memref<5888x24xf32, #tpu.memory_space<vmem_shared>>) target(%dma_start3A_105 : memref<128x24xf32, #tpu.memory_space<vmem>>) offsets(%dma_start3A_108 : memref<128xi32, #tpu.memory_space<vmem>>) semaphore(%arg12 : memref<!tpu.dma_semaphore, #tpu.memory_space<semaphore_mem>>)
    %dma_start3A_112 = arith.constant 11 : i32
    %dma_start3A_113 = arith.constant 1408 : i32
    %dma_start3A_114 = arith.constant 0 : i32
    %dma_start3A_115 = tpu.memref_slice %arg9[%dma_start3A_113, %dma_start3A_114] : memref<2944x24xf32, #tpu.memory_space<vmem>> -> memref<128x24xf32, #tpu.memory_space<vmem>>
    %dma_start3A_116 = arith.constant 0 : i32
    %dma_start3A_117 = tpu.memref_slice %arg7[%dma_start3A_112, %dma_start3A_116] : memref<23x128xi32, #tpu.memory_space<vmem>> -> memref<1x128xi32, #tpu.memory_space<vmem>>
    %dma_start3A_118 = tpu.memref_squeeze %dma_start3A_117 : memref<1x128xi32, #tpu.memory_space<vmem>> -> memref<128xi32, #tpu.memory_space<vmem>>
    %dma_start3A_119 = arith.constant 0 : i32
    %dma_start3A_120 = arith.constant 0 : i32
    %dma_start3A_121 = tpu.memref_slice %arg10[%dma_start3A_119, %dma_start3A_120] : memref<5888x24xf32, #tpu.memory_space<vmem_shared>> -> memref<5888x24xf32, #tpu.memory_space<vmem_shared>>
    tpu.enqueue_indirect_dma source(%dma_start3A_121 : memref<5888x24xf32, #tpu.memory_space<vmem_shared>>) target(%dma_start3A_115 : memref<128x24xf32, #tpu.memory_space<vmem>>) offsets(%dma_start3A_118 : memref<128xi32, #tpu.memory_space<vmem>>) semaphore(%arg12 : memref<!tpu.dma_semaphore, #tpu.memory_space<semaphore_mem>>)
    %dma_start3A_122 = arith.constant 12 : i32
    %dma_start3A_123 = arith.constant 1536 : i32
    %dma_start3A_124 = arith.constant 0 : i32
    %dma_start3A_125 = tpu.memref_slice %arg9[%dma_start3A_123, %dma_start3A_124] : memref<2944x24xf32, #tpu.memory_space<vmem>> -> memref<128x24xf32, #tpu.memory_space<vmem>>
    %dma_start3A_126 = arith.constant 0 : i32
    %dma_start3A_127 = tpu.memref_slice %arg7[%dma_start3A_122, %dma_start3A_126] : memref<23x128xi32, #tpu.memory_space<vmem>> -> memref<1x128xi32, #tpu.memory_space<vmem>>
    %dma_start3A_128 = tpu.memref_squeeze %dma_start3A_127 : memref<1x128xi32, #tpu.memory_space<vmem>> -> memref<128xi32, #tpu.memory_space<vmem>>
    %dma_start3A_129 = arith.constant 0 : i32
    %dma_start3A_130 = arith.constant 0 : i32
    %dma_start3A_131 = tpu.memref_slice %arg10[%dma_start3A_129, %dma_start3A_130] : memref<5888x24xf32, #tpu.memory_space<vmem_shared>> -> memref<5888x24xf32, #tpu.memory_space<vmem_shared>>
    tpu.enqueue_indirect_dma source(%dma_start3A_131 : memref<5888x24xf32, #tpu.memory_space<vmem_shared>>) target(%dma_start3A_125 : memref<128x24xf32, #tpu.memory_space<vmem>>) offsets(%dma_start3A_128 : memref<128xi32, #tpu.memory_space<vmem>>) semaphore(%arg12 : memref<!tpu.dma_semaphore, #tpu.memory_space<semaphore_mem>>)
    %dma_start3A_132 = arith.constant 13 : i32
    %dma_start3A_133 = arith.constant 1664 : i32
    %dma_start3A_134 = arith.constant 0 : i32
    %dma_start3A_135 = tpu.memref_slice %arg9[%dma_start3A_133, %dma_start3A_134] : memref<2944x24xf32, #tpu.memory_space<vmem>> -> memref<128x24xf32, #tpu.memory_space<vmem>>
    %dma_start3A_136 = arith.constant 0 : i32
    %dma_start3A_137 = tpu.memref_slice %arg7[%dma_start3A_132, %dma_start3A_136] : memref<23x128xi32, #tpu.memory_space<vmem>> -> memref<1x128xi32, #tpu.memory_space<vmem>>
    %dma_start3A_138 = tpu.memref_squeeze %dma_start3A_137 : memref<1x128xi32, #tpu.memory_space<vmem>> -> memref<128xi32, #tpu.memory_space<vmem>>
    %dma_start3A_139 = arith.constant 0 : i32
    %dma_start3A_140 = arith.constant 0 : i32
    %dma_start3A_141 = tpu.memref_slice %arg10[%dma_start3A_139, %dma_start3A_140] : memref<5888x24xf32, #tpu.memory_space<vmem_shared>> -> memref<5888x24xf32, #tpu.memory_space<vmem_shared>>
    tpu.enqueue_indirect_dma source(%dma_start3A_141 : memref<5888x24xf32, #tpu.memory_space<vmem_shared>>) target(%dma_start3A_135 : memref<128x24xf32, #tpu.memory_space<vmem>>) offsets(%dma_start3A_138 : memref<128xi32, #tpu.memory_space<vmem>>) semaphore(%arg12 : memref<!tpu.dma_semaphore, #tpu.memory_space<semaphore_mem>>)
    %dma_start3A_142 = arith.constant 14 : i32
    %dma_start3A_143 = arith.constant 1792 : i32
    %dma_start3A_144 = arith.constant 0 : i32
    %dma_start3A_145 = tpu.memref_slice %arg9[%dma_start3A_143, %dma_start3A_144] : memref<2944x24xf32, #tpu.memory_space<vmem>> -> memref<128x24xf32, #tpu.memory_space<vmem>>
    %dma_start3A_146 = arith.constant 0 : i32
    %dma_start3A_147 = tpu.memref_slice %arg7[%dma_start3A_142, %dma_start3A_146] : memref<23x128xi32, #tpu.memory_space<vmem>> -> memref<1x128xi32, #tpu.memory_space<vmem>>
    %dma_start3A_148 = tpu.memref_squeeze %dma_start3A_147 : memref<1x128xi32, #tpu.memory_space<vmem>> -> memref<128xi32, #tpu.memory_space<vmem>>
    %dma_start3A_149 = arith.constant 0 : i32
    %dma_start3A_150 = arith.constant 0 : i32
    %dma_start3A_151 = tpu.memref_slice %arg10[%dma_start3A_149, %dma_start3A_150] : memref<5888x24xf32, #tpu.memory_space<vmem_shared>> -> memref<5888x24xf32, #tpu.memory_space<vmem_shared>>
    tpu.enqueue_indirect_dma source(%dma_start3A_151 : memref<5888x24xf32, #tpu.memory_space<vmem_shared>>) target(%dma_start3A_145 : memref<128x24xf32, #tpu.memory_space<vmem>>) offsets(%dma_start3A_148 : memref<128xi32, #tpu.memory_space<vmem>>) semaphore(%arg12 : memref<!tpu.dma_semaphore, #tpu.memory_space<semaphore_mem>>)
    %dma_start3A_152 = arith.constant 15 : i32
    %dma_start3A_153 = arith.constant 1920 : i32
    %dma_start3A_154 = arith.constant 0 : i32
    %dma_start3A_155 = tpu.memref_slice %arg9[%dma_start3A_153, %dma_start3A_154] : memref<2944x24xf32, #tpu.memory_space<vmem>> -> memref<128x24xf32, #tpu.memory_space<vmem>>
    %dma_start3A_156 = arith.constant 0 : i32
    %dma_start3A_157 = tpu.memref_slice %arg7[%dma_start3A_152, %dma_start3A_156] : memref<23x128xi32, #tpu.memory_space<vmem>> -> memref<1x128xi32, #tpu.memory_space<vmem>>
    %dma_start3A_158 = tpu.memref_squeeze %dma_start3A_157 : memref<1x128xi32, #tpu.memory_space<vmem>> -> memref<128xi32, #tpu.memory_space<vmem>>
    %dma_start3A_159 = arith.constant 0 : i32
    %dma_start3A_160 = arith.constant 0 : i32
    %dma_start3A_161 = tpu.memref_slice %arg10[%dma_start3A_159, %dma_start3A_160] : memref<5888x24xf32, #tpu.memory_space<vmem_shared>> -> memref<5888x24xf32, #tpu.memory_space<vmem_shared>>
    tpu.enqueue_indirect_dma source(%dma_start3A_161 : memref<5888x24xf32, #tpu.memory_space<vmem_shared>>) target(%dma_start3A_155 : memref<128x24xf32, #tpu.memory_space<vmem>>) offsets(%dma_start3A_158 : memref<128xi32, #tpu.memory_space<vmem>>) semaphore(%arg12 : memref<!tpu.dma_semaphore, #tpu.memory_space<semaphore_mem>>)
    %dma_start3A_162 = arith.constant 16 : i32
    %dma_start3A_163 = arith.constant 2048 : i32
    %dma_start3A_164 = arith.constant 0 : i32
    %dma_start3A_165 = tpu.memref_slice %arg9[%dma_start3A_163, %dma_start3A_164] : memref<2944x24xf32, #tpu.memory_space<vmem>> -> memref<128x24xf32, #tpu.memory_space<vmem>>
    %dma_start3A_166 = arith.constant 0 : i32
    %dma_start3A_167 = tpu.memref_slice %arg7[%dma_start3A_162, %dma_start3A_166] : memref<23x128xi32, #tpu.memory_space<vmem>> -> memref<1x128xi32, #tpu.memory_space<vmem>>
    %dma_start3A_168 = tpu.memref_squeeze %dma_start3A_167 : memref<1x128xi32, #tpu.memory_space<vmem>> -> memref<128xi32, #tpu.memory_space<vmem>>
    %dma_start3A_169 = arith.constant 0 : i32
    %dma_start3A_170 = arith.constant 0 : i32
    %dma_start3A_171 = tpu.memref_slice %arg10[%dma_start3A_169, %dma_start3A_170] : memref<5888x24xf32, #tpu.memory_space<vmem_shared>> -> memref<5888x24xf32, #tpu.memory_space<vmem_shared>>
    tpu.enqueue_indirect_dma source(%dma_start3A_171 : memref<5888x24xf32, #tpu.memory_space<vmem_shared>>) target(%dma_start3A_165 : memref<128x24xf32, #tpu.memory_space<vmem>>) offsets(%dma_start3A_168 : memref<128xi32, #tpu.memory_space<vmem>>) semaphore(%arg12 : memref<!tpu.dma_semaphore, #tpu.memory_space<semaphore_mem>>)
    %dma_start3A_172 = arith.constant 17 : i32
    %dma_start3A_173 = arith.constant 2176 : i32
    %dma_start3A_174 = arith.constant 0 : i32
    %dma_start3A_175 = tpu.memref_slice %arg9[%dma_start3A_173, %dma_start3A_174] : memref<2944x24xf32, #tpu.memory_space<vmem>> -> memref<128x24xf32, #tpu.memory_space<vmem>>
    %dma_start3A_176 = arith.constant 0 : i32
    %dma_start3A_177 = tpu.memref_slice %arg7[%dma_start3A_172, %dma_start3A_176] : memref<23x128xi32, #tpu.memory_space<vmem>> -> memref<1x128xi32, #tpu.memory_space<vmem>>
    %dma_start3A_178 = tpu.memref_squeeze %dma_start3A_177 : memref<1x128xi32, #tpu.memory_space<vmem>> -> memref<128xi32, #tpu.memory_space<vmem>>
    %dma_start3A_179 = arith.constant 0 : i32
    %dma_start3A_180 = arith.constant 0 : i32
    %dma_start3A_181 = tpu.memref_slice %arg10[%dma_start3A_179, %dma_start3A_180] : memref<5888x24xf32, #tpu.memory_space<vmem_shared>> -> memref<5888x24xf32, #tpu.memory_space<vmem_shared>>
    tpu.enqueue_indirect_dma source(%dma_start3A_181 : memref<5888x24xf32, #tpu.memory_space<vmem_shared>>) target(%dma_start3A_175 : memref<128x24xf32, #tpu.memory_space<vmem>>) offsets(%dma_start3A_178 : memref<128xi32, #tpu.memory_space<vmem>>) semaphore(%arg12 : memref<!tpu.dma_semaphore, #tpu.memory_space<semaphore_mem>>)
    %dma_start3A_182 = arith.constant 18 : i32
    %dma_start3A_183 = arith.constant 2304 : i32
    %dma_start3A_184 = arith.constant 0 : i32
    %dma_start3A_185 = tpu.memref_slice %arg9[%dma_start3A_183, %dma_start3A_184] : memref<2944x24xf32, #tpu.memory_space<vmem>> -> memref<128x24xf32, #tpu.memory_space<vmem>>
    %dma_start3A_186 = arith.constant 0 : i32
    %dma_start3A_187 = tpu.memref_slice %arg7[%dma_start3A_182, %dma_start3A_186] : memref<23x128xi32, #tpu.memory_space<vmem>> -> memref<1x128xi32, #tpu.memory_space<vmem>>
    %dma_start3A_188 = tpu.memref_squeeze %dma_start3A_187 : memref<1x128xi32, #tpu.memory_space<vmem>> -> memref<128xi32, #tpu.memory_space<vmem>>
    %dma_start3A_189 = arith.constant 0 : i32
    %dma_start3A_190 = arith.constant 0 : i32
    %dma_start3A_191 = tpu.memref_slice %arg10[%dma_start3A_189, %dma_start3A_190] : memref<5888x24xf32, #tpu.memory_space<vmem_shared>> -> memref<5888x24xf32, #tpu.memory_space<vmem_shared>>
    tpu.enqueue_indirect_dma source(%dma_start3A_191 : memref<5888x24xf32, #tpu.memory_space<vmem_shared>>) target(%dma_start3A_185 : memref<128x24xf32, #tpu.memory_space<vmem>>) offsets(%dma_start3A_188 : memref<128xi32, #tpu.memory_space<vmem>>) semaphore(%arg12 : memref<!tpu.dma_semaphore, #tpu.memory_space<semaphore_mem>>)
    %dma_start3A_192 = arith.constant 19 : i32
    %dma_start3A_193 = arith.constant 2432 : i32
    %dma_start3A_194 = arith.constant 0 : i32
    %dma_start3A_195 = tpu.memref_slice %arg9[%dma_start3A_193, %dma_start3A_194] : memref<2944x24xf32, #tpu.memory_space<vmem>> -> memref<128x24xf32, #tpu.memory_space<vmem>>
    %dma_start3A_196 = arith.constant 0 : i32
    %dma_start3A_197 = tpu.memref_slice %arg7[%dma_start3A_192, %dma_start3A_196] : memref<23x128xi32, #tpu.memory_space<vmem>> -> memref<1x128xi32, #tpu.memory_space<vmem>>
    %dma_start3A_198 = tpu.memref_squeeze %dma_start3A_197 : memref<1x128xi32, #tpu.memory_space<vmem>> -> memref<128xi32, #tpu.memory_space<vmem>>
    %dma_start3A_199 = arith.constant 0 : i32
    %dma_start3A_200 = arith.constant 0 : i32
    %dma_start3A_201 = tpu.memref_slice %arg10[%dma_start3A_199, %dma_start3A_200] : memref<5888x24xf32, #tpu.memory_space<vmem_shared>> -> memref<5888x24xf32, #tpu.memory_space<vmem_shared>>
    tpu.enqueue_indirect_dma source(%dma_start3A_201 : memref<5888x24xf32, #tpu.memory_space<vmem_shared>>) target(%dma_start3A_195 : memref<128x24xf32, #tpu.memory_space<vmem>>) offsets(%dma_start3A_198 : memref<128xi32, #tpu.memory_space<vmem>>) semaphore(%arg12 : memref<!tpu.dma_semaphore, #tpu.memory_space<semaphore_mem>>)
    %dma_start3A_202 = arith.constant 20 : i32
    %dma_start3A_203 = arith.constant 2560 : i32
    %dma_start3A_204 = arith.constant 0 : i32
    %dma_start3A_205 = tpu.memref_slice %arg9[%dma_start3A_203, %dma_start3A_204] : memref<2944x24xf32, #tpu.memory_space<vmem>> -> memref<128x24xf32, #tpu.memory_space<vmem>>
    %dma_start3A_206 = arith.constant 0 : i32
    %dma_start3A_207 = tpu.memref_slice %arg7[%dma_start3A_202, %dma_start3A_206] : memref<23x128xi32, #tpu.memory_space<vmem>> -> memref<1x128xi32, #tpu.memory_space<vmem>>
    %dma_start3A_208 = tpu.memref_squeeze %dma_start3A_207 : memref<1x128xi32, #tpu.memory_space<vmem>> -> memref<128xi32, #tpu.memory_space<vmem>>
    %dma_start3A_209 = arith.constant 0 : i32
    %dma_start3A_210 = arith.constant 0 : i32
    %dma_start3A_211 = tpu.memref_slice %arg10[%dma_start3A_209, %dma_start3A_210] : memref<5888x24xf32, #tpu.memory_space<vmem_shared>> -> memref<5888x24xf32, #tpu.memory_space<vmem_shared>>
    tpu.enqueue_indirect_dma source(%dma_start3A_211 : memref<5888x24xf32, #tpu.memory_space<vmem_shared>>) target(%dma_start3A_205 : memref<128x24xf32, #tpu.memory_space<vmem>>) offsets(%dma_start3A_208 : memref<128xi32, #tpu.memory_space<vmem>>) semaphore(%arg12 : memref<!tpu.dma_semaphore, #tpu.memory_space<semaphore_mem>>)
    %dma_start3A_212 = arith.constant 21 : i32
    %dma_start3A_213 = arith.constant 2688 : i32
    %dma_start3A_214 = arith.constant 0 : i32
    %dma_start3A_215 = tpu.memref_slice %arg9[%dma_start3A_213, %dma_start3A_214] : memref<2944x24xf32, #tpu.memory_space<vmem>> -> memref<128x24xf32, #tpu.memory_space<vmem>>
    %dma_start3A_216 = arith.constant 0 : i32
    %dma_start3A_217 = tpu.memref_slice %arg7[%dma_start3A_212, %dma_start3A_216] : memref<23x128xi32, #tpu.memory_space<vmem>> -> memref<1x128xi32, #tpu.memory_space<vmem>>
    %dma_start3A_218 = tpu.memref_squeeze %dma_start3A_217 : memref<1x128xi32, #tpu.memory_space<vmem>> -> memref<128xi32, #tpu.memory_space<vmem>>
    %dma_start3A_219 = arith.constant 0 : i32
    %dma_start3A_220 = arith.constant 0 : i32
    %dma_start3A_221 = tpu.memref_slice %arg10[%dma_start3A_219, %dma_start3A_220] : memref<5888x24xf32, #tpu.memory_space<vmem_shared>> -> memref<5888x24xf32, #tpu.memory_space<vmem_shared>>
    tpu.enqueue_indirect_dma source(%dma_start3A_221 : memref<5888x24xf32, #tpu.memory_space<vmem_shared>>) target(%dma_start3A_215 : memref<128x24xf32, #tpu.memory_space<vmem>>) offsets(%dma_start3A_218 : memref<128xi32, #tpu.memory_space<vmem>>) semaphore(%arg12 : memref<!tpu.dma_semaphore, #tpu.memory_space<semaphore_mem>>)
    %dma_start3A_222 = arith.constant 22 : i32
    %dma_start3A_223 = arith.constant 2816 : i32
    %dma_start3A_224 = arith.constant 0 : i32
    %dma_start3A_225 = tpu.memref_slice %arg9[%dma_start3A_223, %dma_start3A_224] : memref<2944x24xf32, #tpu.memory_space<vmem>> -> memref<128x24xf32, #tpu.memory_space<vmem>>
    %dma_start3A_226 = arith.constant 0 : i32
    %dma_start3A_227 = tpu.memref_slice %arg7[%dma_start3A_222, %dma_start3A_226] : memref<23x128xi32, #tpu.memory_space<vmem>> -> memref<1x128xi32, #tpu.memory_space<vmem>>
    %dma_start3A_228 = tpu.memref_squeeze %dma_start3A_227 : memref<1x128xi32, #tpu.memory_space<vmem>> -> memref<128xi32, #tpu.memory_space<vmem>>
    %dma_start3A_229 = arith.constant 0 : i32
    %dma_start3A_230 = arith.constant 0 : i32
    %dma_start3A_231 = tpu.memref_slice %arg10[%dma_start3A_229, %dma_start3A_230] : memref<5888x24xf32, #tpu.memory_space<vmem_shared>> -> memref<5888x24xf32, #tpu.memory_space<vmem_shared>>
    tpu.enqueue_indirect_dma source(%dma_start3A_231 : memref<5888x24xf32, #tpu.memory_space<vmem_shared>>) target(%dma_start3A_225 : memref<128x24xf32, #tpu.memory_space<vmem>>) offsets(%dma_start3A_228 : memref<128xi32, #tpu.memory_space<vmem>>) semaphore(%arg12 : memref<!tpu.dma_semaphore, #tpu.memory_space<semaphore_mem>>)
    %dma_wait3A = arith.constant 0 : i32
    %dma_wait3A_232 = arith.constant 0 : i32
    %dma_wait3A_233 = arith.constant 0 : i32
    %dma_wait3A_234 = tpu.memref_slice %arg9[%dma_wait3A_232, %dma_wait3A_233] : memref<2944x24xf32, #tpu.memory_space<vmem>> -> memref<128x24xf32, #tpu.memory_space<vmem>>
    %dma_wait3A_235 = arith.constant 0 : i32
    %dma_wait3A_236 = tpu.memref_slice %arg7[%dma_wait3A, %dma_wait3A_235] : memref<23x128xi32, #tpu.memory_space<vmem>> -> memref<1x128xi32, #tpu.memory_space<vmem>>
    %dma_wait3A_237 = tpu.memref_squeeze %dma_wait3A_236 : memref<1x128xi32, #tpu.memory_space<vmem>> -> memref<128xi32, #tpu.memory_space<vmem>>
    %dma_wait3A_238 = arith.constant 0 : i32
    %dma_wait3A_239 = arith.constant 0 : i32
    %dma_wait3A_240 = tpu.memref_slice %arg10[%dma_wait3A_238, %dma_wait3A_239] : memref<5888x24xf32, #tpu.memory_space<vmem_shared>> -> memref<5888x24xf32, #tpu.memory_space<vmem_shared>>
    tpu.wait_indirect_dma semaphore(%arg12 : memref<!tpu.dma_semaphore, #tpu.memory_space<semaphore_mem>>) src(%dma_wait3A_240 : memref<5888x24xf32, #tpu.memory_space<vmem_shared>>) dst(%dma_wait3A_234 : memref<128x24xf32, #tpu.memory_space<vmem>>)
    %dma_wait3A_241 = arith.constant 1 : i32
    %dma_wait3A_242 = arith.constant 128 : i32
    %dma_wait3A_243 = arith.constant 0 : i32
    %dma_wait3A_244 = tpu.memref_slice %arg9[%dma_wait3A_242, %dma_wait3A_243] : memref<2944x24xf32, #tpu.memory_space<vmem>> -> memref<128x24xf32, #tpu.memory_space<vmem>>
    %dma_wait3A_245 = arith.constant 0 : i32
    %dma_wait3A_246 = tpu.memref_slice %arg7[%dma_wait3A_241, %dma_wait3A_245] : memref<23x128xi32, #tpu.memory_space<vmem>> -> memref<1x128xi32, #tpu.memory_space<vmem>>
    %dma_wait3A_247 = tpu.memref_squeeze %dma_wait3A_246 : memref<1x128xi32, #tpu.memory_space<vmem>> -> memref<128xi32, #tpu.memory_space<vmem>>
    %dma_wait3A_248 = arith.constant 0 : i32
    %dma_wait3A_249 = arith.constant 0 : i32
    %dma_wait3A_250 = tpu.memref_slice %arg10[%dma_wait3A_248, %dma_wait3A_249] : memref<5888x24xf32, #tpu.memory_space<vmem_shared>> -> memref<5888x24xf32, #tpu.memory_space<vmem_shared>>
    tpu.wait_indirect_dma semaphore(%arg12 : memref<!tpu.dma_semaphore, #tpu.memory_space<semaphore_mem>>) src(%dma_wait3A_250 : memref<5888x24xf32, #tpu.memory_space<vmem_shared>>) dst(%dma_wait3A_244 : memref<128x24xf32, #tpu.memory_space<vmem>>)
    %dma_wait3A_251 = arith.constant 2 : i32
    %dma_wait3A_252 = arith.constant 256 : i32
    %dma_wait3A_253 = arith.constant 0 : i32
    %dma_wait3A_254 = tpu.memref_slice %arg9[%dma_wait3A_252, %dma_wait3A_253] : memref<2944x24xf32, #tpu.memory_space<vmem>> -> memref<128x24xf32, #tpu.memory_space<vmem>>
    %dma_wait3A_255 = arith.constant 0 : i32
    %dma_wait3A_256 = tpu.memref_slice %arg7[%dma_wait3A_251, %dma_wait3A_255] : memref<23x128xi32, #tpu.memory_space<vmem>> -> memref<1x128xi32, #tpu.memory_space<vmem>>
    %dma_wait3A_257 = tpu.memref_squeeze %dma_wait3A_256 : memref<1x128xi32, #tpu.memory_space<vmem>> -> memref<128xi32, #tpu.memory_space<vmem>>
    %dma_wait3A_258 = arith.constant 0 : i32
    %dma_wait3A_259 = arith.constant 0 : i32
    %dma_wait3A_260 = tpu.memref_slice %arg10[%dma_wait3A_258, %dma_wait3A_259] : memref<5888x24xf32, #tpu.memory_space<vmem_shared>> -> memref<5888x24xf32, #tpu.memory_space<vmem_shared>>
    tpu.wait_indirect_dma semaphore(%arg12 : memref<!tpu.dma_semaphore, #tpu.memory_space<semaphore_mem>>) src(%dma_wait3A_260 : memref<5888x24xf32, #tpu.memory_space<vmem_shared>>) dst(%dma_wait3A_254 : memref<128x24xf32, #tpu.memory_space<vmem>>)
    %dma_wait3A_261 = arith.constant 3 : i32
    %dma_wait3A_262 = arith.constant 384 : i32
    %dma_wait3A_263 = arith.constant 0 : i32
    %dma_wait3A_264 = tpu.memref_slice %arg9[%dma_wait3A_262, %dma_wait3A_263] : memref<2944x24xf32, #tpu.memory_space<vmem>> -> memref<128x24xf32, #tpu.memory_space<vmem>>
    %dma_wait3A_265 = arith.constant 0 : i32
    %dma_wait3A_266 = tpu.memref_slice %arg7[%dma_wait3A_261, %dma_wait3A_265] : memref<23x128xi32, #tpu.memory_space<vmem>> -> memref<1x128xi32, #tpu.memory_space<vmem>>
    %dma_wait3A_267 = tpu.memref_squeeze %dma_wait3A_266 : memref<1x128xi32, #tpu.memory_space<vmem>> -> memref<128xi32, #tpu.memory_space<vmem>>
    %dma_wait3A_268 = arith.constant 0 : i32
    %dma_wait3A_269 = arith.constant 0 : i32
    %dma_wait3A_270 = tpu.memref_slice %arg10[%dma_wait3A_268, %dma_wait3A_269] : memref<5888x24xf32, #tpu.memory_space<vmem_shared>> -> memref<5888x24xf32, #tpu.memory_space<vmem_shared>>
    tpu.wait_indirect_dma semaphore(%arg12 : memref<!tpu.dma_semaphore, #tpu.memory_space<semaphore_mem>>) src(%dma_wait3A_270 : memref<5888x24xf32, #tpu.memory_space<vmem_shared>>) dst(%dma_wait3A_264 : memref<128x24xf32, #tpu.memory_space<vmem>>)
    %dma_wait3A_271 = arith.constant 4 : i32
    %dma_wait3A_272 = arith.constant 512 : i32
    %dma_wait3A_273 = arith.constant 0 : i32
    %dma_wait3A_274 = tpu.memref_slice %arg9[%dma_wait3A_272, %dma_wait3A_273] : memref<2944x24xf32, #tpu.memory_space<vmem>> -> memref<128x24xf32, #tpu.memory_space<vmem>>
    %dma_wait3A_275 = arith.constant 0 : i32
    %dma_wait3A_276 = tpu.memref_slice %arg7[%dma_wait3A_271, %dma_wait3A_275] : memref<23x128xi32, #tpu.memory_space<vmem>> -> memref<1x128xi32, #tpu.memory_space<vmem>>
    %dma_wait3A_277 = tpu.memref_squeeze %dma_wait3A_276 : memref<1x128xi32, #tpu.memory_space<vmem>> -> memref<128xi32, #tpu.memory_space<vmem>>
    %dma_wait3A_278 = arith.constant 0 : i32
    %dma_wait3A_279 = arith.constant 0 : i32
    %dma_wait3A_280 = tpu.memref_slice %arg10[%dma_wait3A_278, %dma_wait3A_279] : memref<5888x24xf32, #tpu.memory_space<vmem_shared>> -> memref<5888x24xf32, #tpu.memory_space<vmem_shared>>
    tpu.wait_indirect_dma semaphore(%arg12 : memref<!tpu.dma_semaphore, #tpu.memory_space<semaphore_mem>>) src(%dma_wait3A_280 : memref<5888x24xf32, #tpu.memory_space<vmem_shared>>) dst(%dma_wait3A_274 : memref<128x24xf32, #tpu.memory_space<vmem>>)
    %dma_wait3A_281 = arith.constant 5 : i32
    %dma_wait3A_282 = arith.constant 640 : i32
    %dma_wait3A_283 = arith.constant 0 : i32
    %dma_wait3A_284 = tpu.memref_slice %arg9[%dma_wait3A_282, %dma_wait3A_283] : memref<2944x24xf32, #tpu.memory_space<vmem>> -> memref<128x24xf32, #tpu.memory_space<vmem>>
    %dma_wait3A_285 = arith.constant 0 : i32
    %dma_wait3A_286 = tpu.memref_slice %arg7[%dma_wait3A_281, %dma_wait3A_285] : memref<23x128xi32, #tpu.memory_space<vmem>> -> memref<1x128xi32, #tpu.memory_space<vmem>>
    %dma_wait3A_287 = tpu.memref_squeeze %dma_wait3A_286 : memref<1x128xi32, #tpu.memory_space<vmem>> -> memref<128xi32, #tpu.memory_space<vmem>>
    %dma_wait3A_288 = arith.constant 0 : i32
    %dma_wait3A_289 = arith.constant 0 : i32
    %dma_wait3A_290 = tpu.memref_slice %arg10[%dma_wait3A_288, %dma_wait3A_289] : memref<5888x24xf32, #tpu.memory_space<vmem_shared>> -> memref<5888x24xf32, #tpu.memory_space<vmem_shared>>
    tpu.wait_indirect_dma semaphore(%arg12 : memref<!tpu.dma_semaphore, #tpu.memory_space<semaphore_mem>>) src(%dma_wait3A_290 : memref<5888x24xf32, #tpu.memory_space<vmem_shared>>) dst(%dma_wait3A_284 : memref<128x24xf32, #tpu.memory_space<vmem>>)
    %dma_wait3A_291 = arith.constant 6 : i32
    %dma_wait3A_292 = arith.constant 768 : i32
    %dma_wait3A_293 = arith.constant 0 : i32
    %dma_wait3A_294 = tpu.memref_slice %arg9[%dma_wait3A_292, %dma_wait3A_293] : memref<2944x24xf32, #tpu.memory_space<vmem>> -> memref<128x24xf32, #tpu.memory_space<vmem>>
    %dma_wait3A_295 = arith.constant 0 : i32
    %dma_wait3A_296 = tpu.memref_slice %arg7[%dma_wait3A_291, %dma_wait3A_295] : memref<23x128xi32, #tpu.memory_space<vmem>> -> memref<1x128xi32, #tpu.memory_space<vmem>>
    %dma_wait3A_297 = tpu.memref_squeeze %dma_wait3A_296 : memref<1x128xi32, #tpu.memory_space<vmem>> -> memref<128xi32, #tpu.memory_space<vmem>>
    %dma_wait3A_298 = arith.constant 0 : i32
    %dma_wait3A_299 = arith.constant 0 : i32
    %dma_wait3A_300 = tpu.memref_slice %arg10[%dma_wait3A_298, %dma_wait3A_299] : memref<5888x24xf32, #tpu.memory_space<vmem_shared>> -> memref<5888x24xf32, #tpu.memory_space<vmem_shared>>
    tpu.wait_indirect_dma semaphore(%arg12 : memref<!tpu.dma_semaphore, #tpu.memory_space<semaphore_mem>>) src(%dma_wait3A_300 : memref<5888x24xf32, #tpu.memory_space<vmem_shared>>) dst(%dma_wait3A_294 : memref<128x24xf32, #tpu.memory_space<vmem>>)
    %dma_wait3A_301 = arith.constant 7 : i32
    %dma_wait3A_302 = arith.constant 896 : i32
    %dma_wait3A_303 = arith.constant 0 : i32
    %dma_wait3A_304 = tpu.memref_slice %arg9[%dma_wait3A_302, %dma_wait3A_303] : memref<2944x24xf32, #tpu.memory_space<vmem>> -> memref<128x24xf32, #tpu.memory_space<vmem>>
    %dma_wait3A_305 = arith.constant 0 : i32
    %dma_wait3A_306 = tpu.memref_slice %arg7[%dma_wait3A_301, %dma_wait3A_305] : memref<23x128xi32, #tpu.memory_space<vmem>> -> memref<1x128xi32, #tpu.memory_space<vmem>>
    %dma_wait3A_307 = tpu.memref_squeeze %dma_wait3A_306 : memref<1x128xi32, #tpu.memory_space<vmem>> -> memref<128xi32, #tpu.memory_space<vmem>>
    %dma_wait3A_308 = arith.constant 0 : i32
    %dma_wait3A_309 = arith.constant 0 : i32
    %dma_wait3A_310 = tpu.memref_slice %arg10[%dma_wait3A_308, %dma_wait3A_309] : memref<5888x24xf32, #tpu.memory_space<vmem_shared>> -> memref<5888x24xf32, #tpu.memory_space<vmem_shared>>
    tpu.wait_indirect_dma semaphore(%arg12 : memref<!tpu.dma_semaphore, #tpu.memory_space<semaphore_mem>>) src(%dma_wait3A_310 : memref<5888x24xf32, #tpu.memory_space<vmem_shared>>) dst(%dma_wait3A_304 : memref<128x24xf32, #tpu.memory_space<vmem>>)
    %dma_wait3A_311 = arith.constant 8 : i32
    %dma_wait3A_312 = arith.constant 1024 : i32
    %dma_wait3A_313 = arith.constant 0 : i32
    %dma_wait3A_314 = tpu.memref_slice %arg9[%dma_wait3A_312, %dma_wait3A_313] : memref<2944x24xf32, #tpu.memory_space<vmem>> -> memref<128x24xf32, #tpu.memory_space<vmem>>
    %dma_wait3A_315 = arith.constant 0 : i32
    %dma_wait3A_316 = tpu.memref_slice %arg7[%dma_wait3A_311, %dma_wait3A_315] : memref<23x128xi32, #tpu.memory_space<vmem>> -> memref<1x128xi32, #tpu.memory_space<vmem>>
    %dma_wait3A_317 = tpu.memref_squeeze %dma_wait3A_316 : memref<1x128xi32, #tpu.memory_space<vmem>> -> memref<128xi32, #tpu.memory_space<vmem>>
    %dma_wait3A_318 = arith.constant 0 : i32
    %dma_wait3A_319 = arith.constant 0 : i32
    %dma_wait3A_320 = tpu.memref_slice %arg10[%dma_wait3A_318, %dma_wait3A_319] : memref<5888x24xf32, #tpu.memory_space<vmem_shared>> -> memref<5888x24xf32, #tpu.memory_space<vmem_shared>>
    tpu.wait_indirect_dma semaphore(%arg12 : memref<!tpu.dma_semaphore, #tpu.memory_space<semaphore_mem>>) src(%dma_wait3A_320 : memref<5888x24xf32, #tpu.memory_space<vmem_shared>>) dst(%dma_wait3A_314 : memref<128x24xf32, #tpu.memory_space<vmem>>)
    %dma_wait3A_321 = arith.constant 9 : i32
    %dma_wait3A_322 = arith.constant 1152 : i32
    %dma_wait3A_323 = arith.constant 0 : i32
    %dma_wait3A_324 = tpu.memref_slice %arg9[%dma_wait3A_322, %dma_wait3A_323] : memref<2944x24xf32, #tpu.memory_space<vmem>> -> memref<128x24xf32, #tpu.memory_space<vmem>>
    %dma_wait3A_325 = arith.constant 0 : i32
    %dma_wait3A_326 = tpu.memref_slice %arg7[%dma_wait3A_321, %dma_wait3A_325] : memref<23x128xi32, #tpu.memory_space<vmem>> -> memref<1x128xi32, #tpu.memory_space<vmem>>
    %dma_wait3A_327 = tpu.memref_squeeze %dma_wait3A_326 : memref<1x128xi32, #tpu.memory_space<vmem>> -> memref<128xi32, #tpu.memory_space<vmem>>
    %dma_wait3A_328 = arith.constant 0 : i32
    %dma_wait3A_329 = arith.constant 0 : i32
    %dma_wait3A_330 = tpu.memref_slice %arg10[%dma_wait3A_328, %dma_wait3A_329] : memref<5888x24xf32, #tpu.memory_space<vmem_shared>> -> memref<5888x24xf32, #tpu.memory_space<vmem_shared>>
    tpu.wait_indirect_dma semaphore(%arg12 : memref<!tpu.dma_semaphore, #tpu.memory_space<semaphore_mem>>) src(%dma_wait3A_330 : memref<5888x24xf32, #tpu.memory_space<vmem_shared>>) dst(%dma_wait3A_324 : memref<128x24xf32, #tpu.memory_space<vmem>>)
    %dma_wait3A_331 = arith.constant 10 : i32
    %dma_wait3A_332 = arith.constant 1280 : i32
    %dma_wait3A_333 = arith.constant 0 : i32
    %dma_wait3A_334 = tpu.memref_slice %arg9[%dma_wait3A_332, %dma_wait3A_333] : memref<2944x24xf32, #tpu.memory_space<vmem>> -> memref<128x24xf32, #tpu.memory_space<vmem>>
    %dma_wait3A_335 = arith.constant 0 : i32
    %dma_wait3A_336 = tpu.memref_slice %arg7[%dma_wait3A_331, %dma_wait3A_335] : memref<23x128xi32, #tpu.memory_space<vmem>> -> memref<1x128xi32, #tpu.memory_space<vmem>>
    %dma_wait3A_337 = tpu.memref_squeeze %dma_wait3A_336 : memref<1x128xi32, #tpu.memory_space<vmem>> -> memref<128xi32, #tpu.memory_space<vmem>>
    %dma_wait3A_338 = arith.constant 0 : i32
    %dma_wait3A_339 = arith.constant 0 : i32
    %dma_wait3A_340 = tpu.memref_slice %arg10[%dma_wait3A_338, %dma_wait3A_339] : memref<5888x24xf32, #tpu.memory_space<vmem_shared>> -> memref<5888x24xf32, #tpu.memory_space<vmem_shared>>
    tpu.wait_indirect_dma semaphore(%arg12 : memref<!tpu.dma_semaphore, #tpu.memory_space<semaphore_mem>>) src(%dma_wait3A_340 : memref<5888x24xf32, #tpu.memory_space<vmem_shared>>) dst(%dma_wait3A_334 : memref<128x24xf32, #tpu.memory_space<vmem>>)
    %dma_wait3A_341 = arith.constant 11 : i32
    %dma_wait3A_342 = arith.constant 1408 : i32
    %dma_wait3A_343 = arith.constant 0 : i32
    %dma_wait3A_344 = tpu.memref_slice %arg9[%dma_wait3A_342, %dma_wait3A_343] : memref<2944x24xf32, #tpu.memory_space<vmem>> -> memref<128x24xf32, #tpu.memory_space<vmem>>
    %dma_wait3A_345 = arith.constant 0 : i32
    %dma_wait3A_346 = tpu.memref_slice %arg7[%dma_wait3A_341, %dma_wait3A_345] : memref<23x128xi32, #tpu.memory_space<vmem>> -> memref<1x128xi32, #tpu.memory_space<vmem>>
    %dma_wait3A_347 = tpu.memref_squeeze %dma_wait3A_346 : memref<1x128xi32, #tpu.memory_space<vmem>> -> memref<128xi32, #tpu.memory_space<vmem>>
    %dma_wait3A_348 = arith.constant 0 : i32
    %dma_wait3A_349 = arith.constant 0 : i32
    %dma_wait3A_350 = tpu.memref_slice %arg10[%dma_wait3A_348, %dma_wait3A_349] : memref<5888x24xf32, #tpu.memory_space<vmem_shared>> -> memref<5888x24xf32, #tpu.memory_space<vmem_shared>>
    tpu.wait_indirect_dma semaphore(%arg12 : memref<!tpu.dma_semaphore, #tpu.memory_space<semaphore_mem>>) src(%dma_wait3A_350 : memref<5888x24xf32, #tpu.memory_space<vmem_shared>>) dst(%dma_wait3A_344 : memref<128x24xf32, #tpu.memory_space<vmem>>)
    %dma_wait3A_351 = arith.constant 12 : i32
    %dma_wait3A_352 = arith.constant 1536 : i32
    %dma_wait3A_353 = arith.constant 0 : i32
    %dma_wait3A_354 = tpu.memref_slice %arg9[%dma_wait3A_352, %dma_wait3A_353] : memref<2944x24xf32, #tpu.memory_space<vmem>> -> memref<128x24xf32, #tpu.memory_space<vmem>>
    %dma_wait3A_355 = arith.constant 0 : i32
    %dma_wait3A_356 = tpu.memref_slice %arg7[%dma_wait3A_351, %dma_wait3A_355] : memref<23x128xi32, #tpu.memory_space<vmem>> -> memref<1x128xi32, #tpu.memory_space<vmem>>
    %dma_wait3A_357 = tpu.memref_squeeze %dma_wait3A_356 : memref<1x128xi32, #tpu.memory_space<vmem>> -> memref<128xi32, #tpu.memory_space<vmem>>
    %dma_wait3A_358 = arith.constant 0 : i32
    %dma_wait3A_359 = arith.constant 0 : i32
    %dma_wait3A_360 = tpu.memref_slice %arg10[%dma_wait3A_358, %dma_wait3A_359] : memref<5888x24xf32, #tpu.memory_space<vmem_shared>> -> memref<5888x24xf32, #tpu.memory_space<vmem_shared>>
    tpu.wait_indirect_dma semaphore(%arg12 : memref<!tpu.dma_semaphore, #tpu.memory_space<semaphore_mem>>) src(%dma_wait3A_360 : memref<5888x24xf32, #tpu.memory_space<vmem_shared>>) dst(%dma_wait3A_354 : memref<128x24xf32, #tpu.memory_space<vmem>>)
    %dma_wait3A_361 = arith.constant 13 : i32
    %dma_wait3A_362 = arith.constant 1664 : i32
    %dma_wait3A_363 = arith.constant 0 : i32
    %dma_wait3A_364 = tpu.memref_slice %arg9[%dma_wait3A_362, %dma_wait3A_363] : memref<2944x24xf32, #tpu.memory_space<vmem>> -> memref<128x24xf32, #tpu.memory_space<vmem>>
    %dma_wait3A_365 = arith.constant 0 : i32
    %dma_wait3A_366 = tpu.memref_slice %arg7[%dma_wait3A_361, %dma_wait3A_365] : memref<23x128xi32, #tpu.memory_space<vmem>> -> memref<1x128xi32, #tpu.memory_space<vmem>>
    %dma_wait3A_367 = tpu.memref_squeeze %dma_wait3A_366 : memref<1x128xi32, #tpu.memory_space<vmem>> -> memref<128xi32, #tpu.memory_space<vmem>>
    %dma_wait3A_368 = arith.constant 0 : i32
    %dma_wait3A_369 = arith.constant 0 : i32
    %dma_wait3A_370 = tpu.memref_slice %arg10[%dma_wait3A_368, %dma_wait3A_369] : memref<5888x24xf32, #tpu.memory_space<vmem_shared>> -> memref<5888x24xf32, #tpu.memory_space<vmem_shared>>
    tpu.wait_indirect_dma semaphore(%arg12 : memref<!tpu.dma_semaphore, #tpu.memory_space<semaphore_mem>>) src(%dma_wait3A_370 : memref<5888x24xf32, #tpu.memory_space<vmem_shared>>) dst(%dma_wait3A_364 : memref<128x24xf32, #tpu.memory_space<vmem>>)
    %dma_wait3A_371 = arith.constant 14 : i32
    %dma_wait3A_372 = arith.constant 1792 : i32
    %dma_wait3A_373 = arith.constant 0 : i32
    %dma_wait3A_374 = tpu.memref_slice %arg9[%dma_wait3A_372, %dma_wait3A_373] : memref<2944x24xf32, #tpu.memory_space<vmem>> -> memref<128x24xf32, #tpu.memory_space<vmem>>
    %dma_wait3A_375 = arith.constant 0 : i32
    %dma_wait3A_376 = tpu.memref_slice %arg7[%dma_wait3A_371, %dma_wait3A_375] : memref<23x128xi32, #tpu.memory_space<vmem>> -> memref<1x128xi32, #tpu.memory_space<vmem>>
    %dma_wait3A_377 = tpu.memref_squeeze %dma_wait3A_376 : memref<1x128xi32, #tpu.memory_space<vmem>> -> memref<128xi32, #tpu.memory_space<vmem>>
    %dma_wait3A_378 = arith.constant 0 : i32
    %dma_wait3A_379 = arith.constant 0 : i32
    %dma_wait3A_380 = tpu.memref_slice %arg10[%dma_wait3A_378, %dma_wait3A_379] : memref<5888x24xf32, #tpu.memory_space<vmem_shared>> -> memref<5888x24xf32, #tpu.memory_space<vmem_shared>>
    tpu.wait_indirect_dma semaphore(%arg12 : memref<!tpu.dma_semaphore, #tpu.memory_space<semaphore_mem>>) src(%dma_wait3A_380 : memref<5888x24xf32, #tpu.memory_space<vmem_shared>>) dst(%dma_wait3A_374 : memref<128x24xf32, #tpu.memory_space<vmem>>)
    %dma_wait3A_381 = arith.constant 15 : i32
    %dma_wait3A_382 = arith.constant 1920 : i32
    %dma_wait3A_383 = arith.constant 0 : i32
    %dma_wait3A_384 = tpu.memref_slice %arg9[%dma_wait3A_382, %dma_wait3A_383] : memref<2944x24xf32, #tpu.memory_space<vmem>> -> memref<128x24xf32, #tpu.memory_space<vmem>>
    %dma_wait3A_385 = arith.constant 0 : i32
    %dma_wait3A_386 = tpu.memref_slice %arg7[%dma_wait3A_381, %dma_wait3A_385] : memref<23x128xi32, #tpu.memory_space<vmem>> -> memref<1x128xi32, #tpu.memory_space<vmem>>
    %dma_wait3A_387 = tpu.memref_squeeze %dma_wait3A_386 : memref<1x128xi32, #tpu.memory_space<vmem>> -> memref<128xi32, #tpu.memory_space<vmem>>
    %dma_wait3A_388 = arith.constant 0 : i32
    %dma_wait3A_389 = arith.constant 0 : i32
    %dma_wait3A_390 = tpu.memref_slice %arg10[%dma_wait3A_388, %dma_wait3A_389] : memref<5888x24xf32, #tpu.memory_space<vmem_shared>> -> memref<5888x24xf32, #tpu.memory_space<vmem_shared>>
    tpu.wait_indirect_dma semaphore(%arg12 : memref<!tpu.dma_semaphore, #tpu.memory_space<semaphore_mem>>) src(%dma_wait3A_390 : memref<5888x24xf32, #tpu.memory_space<vmem_shared>>) dst(%dma_wait3A_384 : memref<128x24xf32, #tpu.memory_space<vmem>>)
    %dma_wait3A_391 = arith.constant 16 : i32
    %dma_wait3A_392 = arith.constant 2048 : i32
    %dma_wait3A_393 = arith.constant 0 : i32
    %dma_wait3A_394 = tpu.memref_slice %arg9[%dma_wait3A_392, %dma_wait3A_393] : memref<2944x24xf32, #tpu.memory_space<vmem>> -> memref<128x24xf32, #tpu.memory_space<vmem>>
    %dma_wait3A_395 = arith.constant 0 : i32
    %dma_wait3A_396 = tpu.memref_slice %arg7[%dma_wait3A_391, %dma_wait3A_395] : memref<23x128xi32, #tpu.memory_space<vmem>> -> memref<1x128xi32, #tpu.memory_space<vmem>>
    %dma_wait3A_397 = tpu.memref_squeeze %dma_wait3A_396 : memref<1x128xi32, #tpu.memory_space<vmem>> -> memref<128xi32, #tpu.memory_space<vmem>>
    %dma_wait3A_398 = arith.constant 0 : i32
    %dma_wait3A_399 = arith.constant 0 : i32
    %dma_wait3A_400 = tpu.memref_slice %arg10[%dma_wait3A_398, %dma_wait3A_399] : memref<5888x24xf32, #tpu.memory_space<vmem_shared>> -> memref<5888x24xf32, #tpu.memory_space<vmem_shared>>
    tpu.wait_indirect_dma semaphore(%arg12 : memref<!tpu.dma_semaphore, #tpu.memory_space<semaphore_mem>>) src(%dma_wait3A_400 : memref<5888x24xf32, #tpu.memory_space<vmem_shared>>) dst(%dma_wait3A_394 : memref<128x24xf32, #tpu.memory_space<vmem>>)
    %dma_wait3A_401 = arith.constant 17 : i32
    %dma_wait3A_402 = arith.constant 2176 : i32
    %dma_wait3A_403 = arith.constant 0 : i32
    %dma_wait3A_404 = tpu.memref_slice %arg9[%dma_wait3A_402, %dma_wait3A_403] : memref<2944x24xf32, #tpu.memory_space<vmem>> -> memref<128x24xf32, #tpu.memory_space<vmem>>
    %dma_wait3A_405 = arith.constant 0 : i32
    %dma_wait3A_406 = tpu.memref_slice %arg7[%dma_wait3A_401, %dma_wait3A_405] : memref<23x128xi32, #tpu.memory_space<vmem>> -> memref<1x128xi32, #tpu.memory_space<vmem>>
    %dma_wait3A_407 = tpu.memref_squeeze %dma_wait3A_406 : memref<1x128xi32, #tpu.memory_space<vmem>> -> memref<128xi32, #tpu.memory_space<vmem>>
    %dma_wait3A_408 = arith.constant 0 : i32
    %dma_wait3A_409 = arith.constant 0 : i32
    %dma_wait3A_410 = tpu.memref_slice %arg10[%dma_wait3A_408, %dma_wait3A_409] : memref<5888x24xf32, #tpu.memory_space<vmem_shared>> -> memref<5888x24xf32, #tpu.memory_space<vmem_shared>>
    tpu.wait_indirect_dma semaphore(%arg12 : memref<!tpu.dma_semaphore, #tpu.memory_space<semaphore_mem>>) src(%dma_wait3A_410 : memref<5888x24xf32, #tpu.memory_space<vmem_shared>>) dst(%dma_wait3A_404 : memref<128x24xf32, #tpu.memory_space<vmem>>)
    %dma_wait3A_411 = arith.constant 18 : i32
    %dma_wait3A_412 = arith.constant 2304 : i32
    %dma_wait3A_413 = arith.constant 0 : i32
    %dma_wait3A_414 = tpu.memref_slice %arg9[%dma_wait3A_412, %dma_wait3A_413] : memref<2944x24xf32, #tpu.memory_space<vmem>> -> memref<128x24xf32, #tpu.memory_space<vmem>>
    %dma_wait3A_415 = arith.constant 0 : i32
    %dma_wait3A_416 = tpu.memref_slice %arg7[%dma_wait3A_411, %dma_wait3A_415] : memref<23x128xi32, #tpu.memory_space<vmem>> -> memref<1x128xi32, #tpu.memory_space<vmem>>
    %dma_wait3A_417 = tpu.memref_squeeze %dma_wait3A_416 : memref<1x128xi32, #tpu.memory_space<vmem>> -> memref<128xi32, #tpu.memory_space<vmem>>
    %dma_wait3A_418 = arith.constant 0 : i32
    %dma_wait3A_419 = arith.constant 0 : i32
    %dma_wait3A_420 = tpu.memref_slice %arg10[%dma_wait3A_418, %dma_wait3A_419] : memref<5888x24xf32, #tpu.memory_space<vmem_shared>> -> memref<5888x24xf32, #tpu.memory_space<vmem_shared>>
    tpu.wait_indirect_dma semaphore(%arg12 : memref<!tpu.dma_semaphore, #tpu.memory_space<semaphore_mem>>) src(%dma_wait3A_420 : memref<5888x24xf32, #tpu.memory_space<vmem_shared>>) dst(%dma_wait3A_414 : memref<128x24xf32, #tpu.memory_space<vmem>>)
    %dma_wait3A_421 = arith.constant 19 : i32
    %dma_wait3A_422 = arith.constant 2432 : i32
    %dma_wait3A_423 = arith.constant 0 : i32
    %dma_wait3A_424 = tpu.memref_slice %arg9[%dma_wait3A_422, %dma_wait3A_423] : memref<2944x24xf32, #tpu.memory_space<vmem>> -> memref<128x24xf32, #tpu.memory_space<vmem>>
    %dma_wait3A_425 = arith.constant 0 : i32
    %dma_wait3A_426 = tpu.memref_slice %arg7[%dma_wait3A_421, %dma_wait3A_425] : memref<23x128xi32, #tpu.memory_space<vmem>> -> memref<1x128xi32, #tpu.memory_space<vmem>>
    %dma_wait3A_427 = tpu.memref_squeeze %dma_wait3A_426 : memref<1x128xi32, #tpu.memory_space<vmem>> -> memref<128xi32, #tpu.memory_space<vmem>>
    %dma_wait3A_428 = arith.constant 0 : i32
    %dma_wait3A_429 = arith.constant 0 : i32
    %dma_wait3A_430 = tpu.memref_slice %arg10[%dma_wait3A_428, %dma_wait3A_429] : memref<5888x24xf32, #tpu.memory_space<vmem_shared>> -> memref<5888x24xf32, #tpu.memory_space<vmem_shared>>
    tpu.wait_indirect_dma semaphore(%arg12 : memref<!tpu.dma_semaphore, #tpu.memory_space<semaphore_mem>>) src(%dma_wait3A_430 : memref<5888x24xf32, #tpu.memory_space<vmem_shared>>) dst(%dma_wait3A_424 : memref<128x24xf32, #tpu.memory_space<vmem>>)
    %dma_wait3A_431 = arith.constant 20 : i32
    %dma_wait3A_432 = arith.constant 2560 : i32
    %dma_wait3A_433 = arith.constant 0 : i32
    %dma_wait3A_434 = tpu.memref_slice %arg9[%dma_wait3A_432, %dma_wait3A_433] : memref<2944x24xf32, #tpu.memory_space<vmem>> -> memref<128x24xf32, #tpu.memory_space<vmem>>
    %dma_wait3A_435 = arith.constant 0 : i32
    %dma_wait3A_436 = tpu.memref_slice %arg7[%dma_wait3A_431, %dma_wait3A_435] : memref<23x128xi32, #tpu.memory_space<vmem>> -> memref<1x128xi32, #tpu.memory_space<vmem>>
    %dma_wait3A_437 = tpu.memref_squeeze %dma_wait3A_436 : memref<1x128xi32, #tpu.memory_space<vmem>> -> memref<128xi32, #tpu.memory_space<vmem>>
    %dma_wait3A_438 = arith.constant 0 : i32
    %dma_wait3A_439 = arith.constant 0 : i32
    %dma_wait3A_440 = tpu.memref_slice %arg10[%dma_wait3A_438, %dma_wait3A_439] : memref<5888x24xf32, #tpu.memory_space<vmem_shared>> -> memref<5888x24xf32, #tpu.memory_space<vmem_shared>>
    tpu.wait_indirect_dma semaphore(%arg12 : memref<!tpu.dma_semaphore, #tpu.memory_space<semaphore_mem>>) src(%dma_wait3A_440 : memref<5888x24xf32, #tpu.memory_space<vmem_shared>>) dst(%dma_wait3A_434 : memref<128x24xf32, #tpu.memory_space<vmem>>)
    %dma_wait3A_441 = arith.constant 21 : i32
    %dma_wait3A_442 = arith.constant 2688 : i32
    %dma_wait3A_443 = arith.constant 0 : i32
    %dma_wait3A_444 = tpu.memref_slice %arg9[%dma_wait3A_442, %dma_wait3A_443] : memref<2944x24xf32, #tpu.memory_space<vmem>> -> memref<128x24xf32, #tpu.memory_space<vmem>>
    %dma_wait3A_445 = arith.constant 0 : i32
    %dma_wait3A_446 = tpu.memref_slice %arg7[%dma_wait3A_441, %dma_wait3A_445] : memref<23x128xi32, #tpu.memory_space<vmem>> -> memref<1x128xi32, #tpu.memory_space<vmem>>
    %dma_wait3A_447 = tpu.memref_squeeze %dma_wait3A_446 : memref<1x128xi32, #tpu.memory_space<vmem>> -> memref<128xi32, #tpu.memory_space<vmem>>
    %dma_wait3A_448 = arith.constant 0 : i32
    %dma_wait3A_449 = arith.constant 0 : i32
    %dma_wait3A_450 = tpu.memref_slice %arg10[%dma_wait3A_448, %dma_wait3A_449] : memref<5888x24xf32, #tpu.memory_space<vmem_shared>> -> memref<5888x24xf32, #tpu.memory_space<vmem_shared>>
    tpu.wait_indirect_dma semaphore(%arg12 : memref<!tpu.dma_semaphore, #tpu.memory_space<semaphore_mem>>) src(%dma_wait3A_450 : memref<5888x24xf32, #tpu.memory_space<vmem_shared>>) dst(%dma_wait3A_444 : memref<128x24xf32, #tpu.memory_space<vmem>>)
    %dma_wait3A_451 = arith.constant 22 : i32
    %dma_wait3A_452 = arith.constant 2816 : i32
    %dma_wait3A_453 = arith.constant 0 : i32
    %dma_wait3A_454 = tpu.memref_slice %arg9[%dma_wait3A_452, %dma_wait3A_453] : memref<2944x24xf32, #tpu.memory_space<vmem>> -> memref<128x24xf32, #tpu.memory_space<vmem>>
    %dma_wait3A_455 = arith.constant 0 : i32
    %dma_wait3A_456 = tpu.memref_slice %arg7[%dma_wait3A_451, %dma_wait3A_455] : memref<23x128xi32, #tpu.memory_space<vmem>> -> memref<1x128xi32, #tpu.memory_space<vmem>>
    %dma_wait3A_457 = tpu.memref_squeeze %dma_wait3A_456 : memref<1x128xi32, #tpu.memory_space<vmem>> -> memref<128xi32, #tpu.memory_space<vmem>>
    %dma_wait3A_458 = arith.constant 0 : i32
    %dma_wait3A_459 = arith.constant 0 : i32
    %dma_wait3A_460 = tpu.memref_slice %arg10[%dma_wait3A_458, %dma_wait3A_459] : memref<5888x24xf32, #tpu.memory_space<vmem_shared>> -> memref<5888x24xf32, #tpu.memory_space<vmem_shared>>
    tpu.wait_indirect_dma semaphore(%arg12 : memref<!tpu.dma_semaphore, #tpu.memory_space<semaphore_mem>>) src(%dma_wait3A_460 : memref<5888x24xf32, #tpu.memory_space<vmem_shared>>) dst(%dma_wait3A_454 : memref<128x24xf32, #tpu.memory_space<vmem>>)
    %dma_start3A_461 = arith.constant 0 : i32
    %dma_start3A_462 = arith.constant 0 : i32
    %dma_start3A_463 = arith.constant 0 : i32
    %dma_start3A_464 = tpu.memref_slice %arg9[%dma_start3A_462, %dma_start3A_463] : memref<2944x24xf32, #tpu.memory_space<vmem>> -> memref<128x24xf32, #tpu.memory_space<vmem>>
    %dma_start3A_465 = arith.constant 0 : i32
    %dma_start3A_466 = tpu.memref_slice %arg8[%dma_start3A_461, %dma_start3A_465] : memref<23x128xi32, #tpu.memory_space<vmem>> -> memref<1x128xi32, #tpu.memory_space<vmem>>
    %dma_start3A_467 = tpu.memref_squeeze %dma_start3A_466 : memref<1x128xi32, #tpu.memory_space<vmem>> -> memref<128xi32, #tpu.memory_space<vmem>>
    %dma_start3A_468 = arith.constant 0 : i32
    %dma_start3A_469 = arith.constant 0 : i32
    %dma_start3A_470 = tpu.memref_slice %arg11[%dma_start3A_468, %dma_start3A_469] : memref<5888x24xf32, #tpu.memory_space<vmem_shared>> -> memref<5888x24xf32, #tpu.memory_space<vmem_shared>>
    tpu.enqueue_indirect_dma source(%dma_start3A_464 : memref<128x24xf32, #tpu.memory_space<vmem>>) target(%dma_start3A_470 : memref<5888x24xf32, #tpu.memory_space<vmem_shared>>) offsets(%dma_start3A_467 : memref<128xi32, #tpu.memory_space<vmem>>) semaphore(%arg13 : memref<!tpu.dma_semaphore, #tpu.memory_space<semaphore_mem>>) {add = true}
    %dma_start3A_471 = arith.constant 1 : i32
    %dma_start3A_472 = arith.constant 128 : i32
    %dma_start3A_473 = arith.constant 0 : i32
    %dma_start3A_474 = tpu.memref_slice %arg9[%dma_start3A_472, %dma_start3A_473] : memref<2944x24xf32, #tpu.memory_space<vmem>> -> memref<128x24xf32, #tpu.memory_space<vmem>>
    %dma_start3A_475 = arith.constant 0 : i32
    %dma_start3A_476 = tpu.memref_slice %arg8[%dma_start3A_471, %dma_start3A_475] : memref<23x128xi32, #tpu.memory_space<vmem>> -> memref<1x128xi32, #tpu.memory_space<vmem>>
    %dma_start3A_477 = tpu.memref_squeeze %dma_start3A_476 : memref<1x128xi32, #tpu.memory_space<vmem>> -> memref<128xi32, #tpu.memory_space<vmem>>
    %dma_start3A_478 = arith.constant 0 : i32
    %dma_start3A_479 = arith.constant 0 : i32
    %dma_start3A_480 = tpu.memref_slice %arg11[%dma_start3A_478, %dma_start3A_479] : memref<5888x24xf32, #tpu.memory_space<vmem_shared>> -> memref<5888x24xf32, #tpu.memory_space<vmem_shared>>
    tpu.enqueue_indirect_dma source(%dma_start3A_474 : memref<128x24xf32, #tpu.memory_space<vmem>>) target(%dma_start3A_480 : memref<5888x24xf32, #tpu.memory_space<vmem_shared>>) offsets(%dma_start3A_477 : memref<128xi32, #tpu.memory_space<vmem>>) semaphore(%arg13 : memref<!tpu.dma_semaphore, #tpu.memory_space<semaphore_mem>>) {add = true}
    %dma_start3A_481 = arith.constant 2 : i32
    %dma_start3A_482 = arith.constant 256 : i32
    %dma_start3A_483 = arith.constant 0 : i32
    %dma_start3A_484 = tpu.memref_slice %arg9[%dma_start3A_482, %dma_start3A_483] : memref<2944x24xf32, #tpu.memory_space<vmem>> -> memref<128x24xf32, #tpu.memory_space<vmem>>
    %dma_start3A_485 = arith.constant 0 : i32
    %dma_start3A_486 = tpu.memref_slice %arg8[%dma_start3A_481, %dma_start3A_485] : memref<23x128xi32, #tpu.memory_space<vmem>> -> memref<1x128xi32, #tpu.memory_space<vmem>>
    %dma_start3A_487 = tpu.memref_squeeze %dma_start3A_486 : memref<1x128xi32, #tpu.memory_space<vmem>> -> memref<128xi32, #tpu.memory_space<vmem>>
    %dma_start3A_488 = arith.constant 0 : i32
    %dma_start3A_489 = arith.constant 0 : i32
    %dma_start3A_490 = tpu.memref_slice %arg11[%dma_start3A_488, %dma_start3A_489] : memref<5888x24xf32, #tpu.memory_space<vmem_shared>> -> memref<5888x24xf32, #tpu.memory_space<vmem_shared>>
    tpu.enqueue_indirect_dma source(%dma_start3A_484 : memref<128x24xf32, #tpu.memory_space<vmem>>) target(%dma_start3A_490 : memref<5888x24xf32, #tpu.memory_space<vmem_shared>>) offsets(%dma_start3A_487 : memref<128xi32, #tpu.memory_space<vmem>>) semaphore(%arg13 : memref<!tpu.dma_semaphore, #tpu.memory_space<semaphore_mem>>) {add = true}
    %dma_start3A_491 = arith.constant 3 : i32
    %dma_start3A_492 = arith.constant 384 : i32
    %dma_start3A_493 = arith.constant 0 : i32
    %dma_start3A_494 = tpu.memref_slice %arg9[%dma_start3A_492, %dma_start3A_493] : memref<2944x24xf32, #tpu.memory_space<vmem>> -> memref<128x24xf32, #tpu.memory_space<vmem>>
    %dma_start3A_495 = arith.constant 0 : i32
    %dma_start3A_496 = tpu.memref_slice %arg8[%dma_start3A_491, %dma_start3A_495] : memref<23x128xi32, #tpu.memory_space<vmem>> -> memref<1x128xi32, #tpu.memory_space<vmem>>
    %dma_start3A_497 = tpu.memref_squeeze %dma_start3A_496 : memref<1x128xi32, #tpu.memory_space<vmem>> -> memref<128xi32, #tpu.memory_space<vmem>>
    %dma_start3A_498 = arith.constant 0 : i32
    %dma_start3A_499 = arith.constant 0 : i32
    %dma_start3A_500 = tpu.memref_slice %arg11[%dma_start3A_498, %dma_start3A_499] : memref<5888x24xf32, #tpu.memory_space<vmem_shared>> -> memref<5888x24xf32, #tpu.memory_space<vmem_shared>>
    tpu.enqueue_indirect_dma source(%dma_start3A_494 : memref<128x24xf32, #tpu.memory_space<vmem>>) target(%dma_start3A_500 : memref<5888x24xf32, #tpu.memory_space<vmem_shared>>) offsets(%dma_start3A_497 : memref<128xi32, #tpu.memory_space<vmem>>) semaphore(%arg13 : memref<!tpu.dma_semaphore, #tpu.memory_space<semaphore_mem>>) {add = true}
    %dma_start3A_501 = arith.constant 4 : i32
    %dma_start3A_502 = arith.constant 512 : i32
    %dma_start3A_503 = arith.constant 0 : i32
    %dma_start3A_504 = tpu.memref_slice %arg9[%dma_start3A_502, %dma_start3A_503] : memref<2944x24xf32, #tpu.memory_space<vmem>> -> memref<128x24xf32, #tpu.memory_space<vmem>>
    %dma_start3A_505 = arith.constant 0 : i32
    %dma_start3A_506 = tpu.memref_slice %arg8[%dma_start3A_501, %dma_start3A_505] : memref<23x128xi32, #tpu.memory_space<vmem>> -> memref<1x128xi32, #tpu.memory_space<vmem>>
    %dma_start3A_507 = tpu.memref_squeeze %dma_start3A_506 : memref<1x128xi32, #tpu.memory_space<vmem>> -> memref<128xi32, #tpu.memory_space<vmem>>
    %dma_start3A_508 = arith.constant 0 : i32
    %dma_start3A_509 = arith.constant 0 : i32
    %dma_start3A_510 = tpu.memref_slice %arg11[%dma_start3A_508, %dma_start3A_509] : memref<5888x24xf32, #tpu.memory_space<vmem_shared>> -> memref<5888x24xf32, #tpu.memory_space<vmem_shared>>
    tpu.enqueue_indirect_dma source(%dma_start3A_504 : memref<128x24xf32, #tpu.memory_space<vmem>>) target(%dma_start3A_510 : memref<5888x24xf32, #tpu.memory_space<vmem_shared>>) offsets(%dma_start3A_507 : memref<128xi32, #tpu.memory_space<vmem>>) semaphore(%arg13 : memref<!tpu.dma_semaphore, #tpu.memory_space<semaphore_mem>>) {add = true}
    %dma_start3A_511 = arith.constant 5 : i32
    %dma_start3A_512 = arith.constant 640 : i32
    %dma_start3A_513 = arith.constant 0 : i32
    %dma_start3A_514 = tpu.memref_slice %arg9[%dma_start3A_512, %dma_start3A_513] : memref<2944x24xf32, #tpu.memory_space<vmem>> -> memref<128x24xf32, #tpu.memory_space<vmem>>
    %dma_start3A_515 = arith.constant 0 : i32
    %dma_start3A_516 = tpu.memref_slice %arg8[%dma_start3A_511, %dma_start3A_515] : memref<23x128xi32, #tpu.memory_space<vmem>> -> memref<1x128xi32, #tpu.memory_space<vmem>>
    %dma_start3A_517 = tpu.memref_squeeze %dma_start3A_516 : memref<1x128xi32, #tpu.memory_space<vmem>> -> memref<128xi32, #tpu.memory_space<vmem>>
    %dma_start3A_518 = arith.constant 0 : i32
    %dma_start3A_519 = arith.constant 0 : i32
    %dma_start3A_520 = tpu.memref_slice %arg11[%dma_start3A_518, %dma_start3A_519] : memref<5888x24xf32, #tpu.memory_space<vmem_shared>> -> memref<5888x24xf32, #tpu.memory_space<vmem_shared>>
    tpu.enqueue_indirect_dma source(%dma_start3A_514 : memref<128x24xf32, #tpu.memory_space<vmem>>) target(%dma_start3A_520 : memref<5888x24xf32, #tpu.memory_space<vmem_shared>>) offsets(%dma_start3A_517 : memref<128xi32, #tpu.memory_space<vmem>>) semaphore(%arg13 : memref<!tpu.dma_semaphore, #tpu.memory_space<semaphore_mem>>) {add = true}
    %dma_start3A_521 = arith.constant 6 : i32
    %dma_start3A_522 = arith.constant 768 : i32
    %dma_start3A_523 = arith.constant 0 : i32
    %dma_start3A_524 = tpu.memref_slice %arg9[%dma_start3A_522, %dma_start3A_523] : memref<2944x24xf32, #tpu.memory_space<vmem>> -> memref<128x24xf32, #tpu.memory_space<vmem>>
    %dma_start3A_525 = arith.constant 0 : i32
    %dma_start3A_526 = tpu.memref_slice %arg8[%dma_start3A_521, %dma_start3A_525] : memref<23x128xi32, #tpu.memory_space<vmem>> -> memref<1x128xi32, #tpu.memory_space<vmem>>
    %dma_start3A_527 = tpu.memref_squeeze %dma_start3A_526 : memref<1x128xi32, #tpu.memory_space<vmem>> -> memref<128xi32, #tpu.memory_space<vmem>>
    %dma_start3A_528 = arith.constant 0 : i32
    %dma_start3A_529 = arith.constant 0 : i32
    %dma_start3A_530 = tpu.memref_slice %arg11[%dma_start3A_528, %dma_start3A_529] : memref<5888x24xf32, #tpu.memory_space<vmem_shared>> -> memref<5888x24xf32, #tpu.memory_space<vmem_shared>>
    tpu.enqueue_indirect_dma source(%dma_start3A_524 : memref<128x24xf32, #tpu.memory_space<vmem>>) target(%dma_start3A_530 : memref<5888x24xf32, #tpu.memory_space<vmem_shared>>) offsets(%dma_start3A_527 : memref<128xi32, #tpu.memory_space<vmem>>) semaphore(%arg13 : memref<!tpu.dma_semaphore, #tpu.memory_space<semaphore_mem>>) {add = true}
    %dma_start3A_531 = arith.constant 7 : i32
    %dma_start3A_532 = arith.constant 896 : i32
    %dma_start3A_533 = arith.constant 0 : i32
    %dma_start3A_534 = tpu.memref_slice %arg9[%dma_start3A_532, %dma_start3A_533] : memref<2944x24xf32, #tpu.memory_space<vmem>> -> memref<128x24xf32, #tpu.memory_space<vmem>>
    %dma_start3A_535 = arith.constant 0 : i32
    %dma_start3A_536 = tpu.memref_slice %arg8[%dma_start3A_531, %dma_start3A_535] : memref<23x128xi32, #tpu.memory_space<vmem>> -> memref<1x128xi32, #tpu.memory_space<vmem>>
    %dma_start3A_537 = tpu.memref_squeeze %dma_start3A_536 : memref<1x128xi32, #tpu.memory_space<vmem>> -> memref<128xi32, #tpu.memory_space<vmem>>
    %dma_start3A_538 = arith.constant 0 : i32
    %dma_start3A_539 = arith.constant 0 : i32
    %dma_start3A_540 = tpu.memref_slice %arg11[%dma_start3A_538, %dma_start3A_539] : memref<5888x24xf32, #tpu.memory_space<vmem_shared>> -> memref<5888x24xf32, #tpu.memory_space<vmem_shared>>
    tpu.enqueue_indirect_dma source(%dma_start3A_534 : memref<128x24xf32, #tpu.memory_space<vmem>>) target(%dma_start3A_540 : memref<5888x24xf32, #tpu.memory_space<vmem_shared>>) offsets(%dma_start3A_537 : memref<128xi32, #tpu.memory_space<vmem>>) semaphore(%arg13 : memref<!tpu.dma_semaphore, #tpu.memory_space<semaphore_mem>>) {add = true}
    %dma_start3A_541 = arith.constant 8 : i32
    %dma_start3A_542 = arith.constant 1024 : i32
    %dma_start3A_543 = arith.constant 0 : i32
    %dma_start3A_544 = tpu.memref_slice %arg9[%dma_start3A_542, %dma_start3A_543] : memref<2944x24xf32, #tpu.memory_space<vmem>> -> memref<128x24xf32, #tpu.memory_space<vmem>>
    %dma_start3A_545 = arith.constant 0 : i32
    %dma_start3A_546 = tpu.memref_slice %arg8[%dma_start3A_541, %dma_start3A_545] : memref<23x128xi32, #tpu.memory_space<vmem>> -> memref<1x128xi32, #tpu.memory_space<vmem>>
    %dma_start3A_547 = tpu.memref_squeeze %dma_start3A_546 : memref<1x128xi32, #tpu.memory_space<vmem>> -> memref<128xi32, #tpu.memory_space<vmem>>
    %dma_start3A_548 = arith.constant 0 : i32
    %dma_start3A_549 = arith.constant 0 : i32
    %dma_start3A_550 = tpu.memref_slice %arg11[%dma_start3A_548, %dma_start3A_549] : memref<5888x24xf32, #tpu.memory_space<vmem_shared>> -> memref<5888x24xf32, #tpu.memory_space<vmem_shared>>
    tpu.enqueue_indirect_dma source(%dma_start3A_544 : memref<128x24xf32, #tpu.memory_space<vmem>>) target(%dma_start3A_550 : memref<5888x24xf32, #tpu.memory_space<vmem_shared>>) offsets(%dma_start3A_547 : memref<128xi32, #tpu.memory_space<vmem>>) semaphore(%arg13 : memref<!tpu.dma_semaphore, #tpu.memory_space<semaphore_mem>>) {add = true}
    %dma_start3A_551 = arith.constant 9 : i32
    %dma_start3A_552 = arith.constant 1152 : i32
    %dma_start3A_553 = arith.constant 0 : i32
    %dma_start3A_554 = tpu.memref_slice %arg9[%dma_start3A_552, %dma_start3A_553] : memref<2944x24xf32, #tpu.memory_space<vmem>> -> memref<128x24xf32, #tpu.memory_space<vmem>>
    %dma_start3A_555 = arith.constant 0 : i32
    %dma_start3A_556 = tpu.memref_slice %arg8[%dma_start3A_551, %dma_start3A_555] : memref<23x128xi32, #tpu.memory_space<vmem>> -> memref<1x128xi32, #tpu.memory_space<vmem>>
    %dma_start3A_557 = tpu.memref_squeeze %dma_start3A_556 : memref<1x128xi32, #tpu.memory_space<vmem>> -> memref<128xi32, #tpu.memory_space<vmem>>
    %dma_start3A_558 = arith.constant 0 : i32
    %dma_start3A_559 = arith.constant 0 : i32
    %dma_start3A_560 = tpu.memref_slice %arg11[%dma_start3A_558, %dma_start3A_559] : memref<5888x24xf32, #tpu.memory_space<vmem_shared>> -> memref<5888x24xf32, #tpu.memory_space<vmem_shared>>
    tpu.enqueue_indirect_dma source(%dma_start3A_554 : memref<128x24xf32, #tpu.memory_space<vmem>>) target(%dma_start3A_560 : memref<5888x24xf32, #tpu.memory_space<vmem_shared>>) offsets(%dma_start3A_557 : memref<128xi32, #tpu.memory_space<vmem>>) semaphore(%arg13 : memref<!tpu.dma_semaphore, #tpu.memory_space<semaphore_mem>>) {add = true}
    %dma_start3A_561 = arith.constant 10 : i32
    %dma_start3A_562 = arith.constant 1280 : i32
    %dma_start3A_563 = arith.constant 0 : i32
    %dma_start3A_564 = tpu.memref_slice %arg9[%dma_start3A_562, %dma_start3A_563] : memref<2944x24xf32, #tpu.memory_space<vmem>> -> memref<128x24xf32, #tpu.memory_space<vmem>>
    %dma_start3A_565 = arith.constant 0 : i32
    %dma_start3A_566 = tpu.memref_slice %arg8[%dma_start3A_561, %dma_start3A_565] : memref<23x128xi32, #tpu.memory_space<vmem>> -> memref<1x128xi32, #tpu.memory_space<vmem>>
    %dma_start3A_567 = tpu.memref_squeeze %dma_start3A_566 : memref<1x128xi32, #tpu.memory_space<vmem>> -> memref<128xi32, #tpu.memory_space<vmem>>
    %dma_start3A_568 = arith.constant 0 : i32
    %dma_start3A_569 = arith.constant 0 : i32
    %dma_start3A_570 = tpu.memref_slice %arg11[%dma_start3A_568, %dma_start3A_569] : memref<5888x24xf32, #tpu.memory_space<vmem_shared>> -> memref<5888x24xf32, #tpu.memory_space<vmem_shared>>
    tpu.enqueue_indirect_dma source(%dma_start3A_564 : memref<128x24xf32, #tpu.memory_space<vmem>>) target(%dma_start3A_570 : memref<5888x24xf32, #tpu.memory_space<vmem_shared>>) offsets(%dma_start3A_567 : memref<128xi32, #tpu.memory_space<vmem>>) semaphore(%arg13 : memref<!tpu.dma_semaphore, #tpu.memory_space<semaphore_mem>>) {add = true}
    %dma_start3A_571 = arith.constant 11 : i32
    %dma_start3A_572 = arith.constant 1408 : i32
    %dma_start3A_573 = arith.constant 0 : i32
    %dma_start3A_574 = tpu.memref_slice %arg9[%dma_start3A_572, %dma_start3A_573] : memref<2944x24xf32, #tpu.memory_space<vmem>> -> memref<128x24xf32, #tpu.memory_space<vmem>>
    %dma_start3A_575 = arith.constant 0 : i32
    %dma_start3A_576 = tpu.memref_slice %arg8[%dma_start3A_571, %dma_start3A_575] : memref<23x128xi32, #tpu.memory_space<vmem>> -> memref<1x128xi32, #tpu.memory_space<vmem>>
    %dma_start3A_577 = tpu.memref_squeeze %dma_start3A_576 : memref<1x128xi32, #tpu.memory_space<vmem>> -> memref<128xi32, #tpu.memory_space<vmem>>
    %dma_start3A_578 = arith.constant 0 : i32
    %dma_start3A_579 = arith.constant 0 : i32
    %dma_start3A_580 = tpu.memref_slice %arg11[%dma_start3A_578, %dma_start3A_579] : memref<5888x24xf32, #tpu.memory_space<vmem_shared>> -> memref<5888x24xf32, #tpu.memory_space<vmem_shared>>
    tpu.enqueue_indirect_dma source(%dma_start3A_574 : memref<128x24xf32, #tpu.memory_space<vmem>>) target(%dma_start3A_580 : memref<5888x24xf32, #tpu.memory_space<vmem_shared>>) offsets(%dma_start3A_577 : memref<128xi32, #tpu.memory_space<vmem>>) semaphore(%arg13 : memref<!tpu.dma_semaphore, #tpu.memory_space<semaphore_mem>>) {add = true}
    %dma_start3A_581 = arith.constant 12 : i32
    %dma_start3A_582 = arith.constant 1536 : i32
    %dma_start3A_583 = arith.constant 0 : i32
    %dma_start3A_584 = tpu.memref_slice %arg9[%dma_start3A_582, %dma_start3A_583] : memref<2944x24xf32, #tpu.memory_space<vmem>> -> memref<128x24xf32, #tpu.memory_space<vmem>>
    %dma_start3A_585 = arith.constant 0 : i32
    %dma_start3A_586 = tpu.memref_slice %arg8[%dma_start3A_581, %dma_start3A_585] : memref<23x128xi32, #tpu.memory_space<vmem>> -> memref<1x128xi32, #tpu.memory_space<vmem>>
    %dma_start3A_587 = tpu.memref_squeeze %dma_start3A_586 : memref<1x128xi32, #tpu.memory_space<vmem>> -> memref<128xi32, #tpu.memory_space<vmem>>
    %dma_start3A_588 = arith.constant 0 : i32
    %dma_start3A_589 = arith.constant 0 : i32
    %dma_start3A_590 = tpu.memref_slice %arg11[%dma_start3A_588, %dma_start3A_589] : memref<5888x24xf32, #tpu.memory_space<vmem_shared>> -> memref<5888x24xf32, #tpu.memory_space<vmem_shared>>
    tpu.enqueue_indirect_dma source(%dma_start3A_584 : memref<128x24xf32, #tpu.memory_space<vmem>>) target(%dma_start3A_590 : memref<5888x24xf32, #tpu.memory_space<vmem_shared>>) offsets(%dma_start3A_587 : memref<128xi32, #tpu.memory_space<vmem>>) semaphore(%arg13 : memref<!tpu.dma_semaphore, #tpu.memory_space<semaphore_mem>>) {add = true}
    %dma_start3A_591 = arith.constant 13 : i32
    %dma_start3A_592 = arith.constant 1664 : i32
    %dma_start3A_593 = arith.constant 0 : i32
    %dma_start3A_594 = tpu.memref_slice %arg9[%dma_start3A_592, %dma_start3A_593] : memref<2944x24xf32, #tpu.memory_space<vmem>> -> memref<128x24xf32, #tpu.memory_space<vmem>>
    %dma_start3A_595 = arith.constant 0 : i32
    %dma_start3A_596 = tpu.memref_slice %arg8[%dma_start3A_591, %dma_start3A_595] : memref<23x128xi32, #tpu.memory_space<vmem>> -> memref<1x128xi32, #tpu.memory_space<vmem>>
    %dma_start3A_597 = tpu.memref_squeeze %dma_start3A_596 : memref<1x128xi32, #tpu.memory_space<vmem>> -> memref<128xi32, #tpu.memory_space<vmem>>
    %dma_start3A_598 = arith.constant 0 : i32
    %dma_start3A_599 = arith.constant 0 : i32
    %dma_start3A_600 = tpu.memref_slice %arg11[%dma_start3A_598, %dma_start3A_599] : memref<5888x24xf32, #tpu.memory_space<vmem_shared>> -> memref<5888x24xf32, #tpu.memory_space<vmem_shared>>
    tpu.enqueue_indirect_dma source(%dma_start3A_594 : memref<128x24xf32, #tpu.memory_space<vmem>>) target(%dma_start3A_600 : memref<5888x24xf32, #tpu.memory_space<vmem_shared>>) offsets(%dma_start3A_597 : memref<128xi32, #tpu.memory_space<vmem>>) semaphore(%arg13 : memref<!tpu.dma_semaphore, #tpu.memory_space<semaphore_mem>>) {add = true}
    %dma_start3A_601 = arith.constant 14 : i32
    %dma_start3A_602 = arith.constant 1792 : i32
    %dma_start3A_603 = arith.constant 0 : i32
    %dma_start3A_604 = tpu.memref_slice %arg9[%dma_start3A_602, %dma_start3A_603] : memref<2944x24xf32, #tpu.memory_space<vmem>> -> memref<128x24xf32, #tpu.memory_space<vmem>>
    %dma_start3A_605 = arith.constant 0 : i32
    %dma_start3A_606 = tpu.memref_slice %arg8[%dma_start3A_601, %dma_start3A_605] : memref<23x128xi32, #tpu.memory_space<vmem>> -> memref<1x128xi32, #tpu.memory_space<vmem>>
    %dma_start3A_607 = tpu.memref_squeeze %dma_start3A_606 : memref<1x128xi32, #tpu.memory_space<vmem>> -> memref<128xi32, #tpu.memory_space<vmem>>
    %dma_start3A_608 = arith.constant 0 : i32
    %dma_start3A_609 = arith.constant 0 : i32
    %dma_start3A_610 = tpu.memref_slice %arg11[%dma_start3A_608, %dma_start3A_609] : memref<5888x24xf32, #tpu.memory_space<vmem_shared>> -> memref<5888x24xf32, #tpu.memory_space<vmem_shared>>
    tpu.enqueue_indirect_dma source(%dma_start3A_604 : memref<128x24xf32, #tpu.memory_space<vmem>>) target(%dma_start3A_610 : memref<5888x24xf32, #tpu.memory_space<vmem_shared>>) offsets(%dma_start3A_607 : memref<128xi32, #tpu.memory_space<vmem>>) semaphore(%arg13 : memref<!tpu.dma_semaphore, #tpu.memory_space<semaphore_mem>>) {add = true}
    %dma_start3A_611 = arith.constant 15 : i32
    %dma_start3A_612 = arith.constant 1920 : i32
    %dma_start3A_613 = arith.constant 0 : i32
    %dma_start3A_614 = tpu.memref_slice %arg9[%dma_start3A_612, %dma_start3A_613] : memref<2944x24xf32, #tpu.memory_space<vmem>> -> memref<128x24xf32, #tpu.memory_space<vmem>>
    %dma_start3A_615 = arith.constant 0 : i32
    %dma_start3A_616 = tpu.memref_slice %arg8[%dma_start3A_611, %dma_start3A_615] : memref<23x128xi32, #tpu.memory_space<vmem>> -> memref<1x128xi32, #tpu.memory_space<vmem>>
    %dma_start3A_617 = tpu.memref_squeeze %dma_start3A_616 : memref<1x128xi32, #tpu.memory_space<vmem>> -> memref<128xi32, #tpu.memory_space<vmem>>
    %dma_start3A_618 = arith.constant 0 : i32
    %dma_start3A_619 = arith.constant 0 : i32
    %dma_start3A_620 = tpu.memref_slice %arg11[%dma_start3A_618, %dma_start3A_619] : memref<5888x24xf32, #tpu.memory_space<vmem_shared>> -> memref<5888x24xf32, #tpu.memory_space<vmem_shared>>
    tpu.enqueue_indirect_dma source(%dma_start3A_614 : memref<128x24xf32, #tpu.memory_space<vmem>>) target(%dma_start3A_620 : memref<5888x24xf32, #tpu.memory_space<vmem_shared>>) offsets(%dma_start3A_617 : memref<128xi32, #tpu.memory_space<vmem>>) semaphore(%arg13 : memref<!tpu.dma_semaphore, #tpu.memory_space<semaphore_mem>>) {add = true}
    %dma_start3A_621 = arith.constant 16 : i32
    %dma_start3A_622 = arith.constant 2048 : i32
    %dma_start3A_623 = arith.constant 0 : i32
    %dma_start3A_624 = tpu.memref_slice %arg9[%dma_start3A_622, %dma_start3A_623] : memref<2944x24xf32, #tpu.memory_space<vmem>> -> memref<128x24xf32, #tpu.memory_space<vmem>>
    %dma_start3A_625 = arith.constant 0 : i32
    %dma_start3A_626 = tpu.memref_slice %arg8[%dma_start3A_621, %dma_start3A_625] : memref<23x128xi32, #tpu.memory_space<vmem>> -> memref<1x128xi32, #tpu.memory_space<vmem>>
    %dma_start3A_627 = tpu.memref_squeeze %dma_start3A_626 : memref<1x128xi32, #tpu.memory_space<vmem>> -> memref<128xi32, #tpu.memory_space<vmem>>
    %dma_start3A_628 = arith.constant 0 : i32
    %dma_start3A_629 = arith.constant 0 : i32
    %dma_start3A_630 = tpu.memref_slice %arg11[%dma_start3A_628, %dma_start3A_629] : memref<5888x24xf32, #tpu.memory_space<vmem_shared>> -> memref<5888x24xf32, #tpu.memory_space<vmem_shared>>
    tpu.enqueue_indirect_dma source(%dma_start3A_624 : memref<128x24xf32, #tpu.memory_space<vmem>>) target(%dma_start3A_630 : memref<5888x24xf32, #tpu.memory_space<vmem_shared>>) offsets(%dma_start3A_627 : memref<128xi32, #tpu.memory_space<vmem>>) semaphore(%arg13 : memref<!tpu.dma_semaphore, #tpu.memory_space<semaphore_mem>>) {add = true}
    %dma_start3A_631 = arith.constant 17 : i32
    %dma_start3A_632 = arith.constant 2176 : i32
    %dma_start3A_633 = arith.constant 0 : i32
    %dma_start3A_634 = tpu.memref_slice %arg9[%dma_start3A_632, %dma_start3A_633] : memref<2944x24xf32, #tpu.memory_space<vmem>> -> memref<128x24xf32, #tpu.memory_space<vmem>>
    %dma_start3A_635 = arith.constant 0 : i32
    %dma_start3A_636 = tpu.memref_slice %arg8[%dma_start3A_631, %dma_start3A_635] : memref<23x128xi32, #tpu.memory_space<vmem>> -> memref<1x128xi32, #tpu.memory_space<vmem>>
    %dma_start3A_637 = tpu.memref_squeeze %dma_start3A_636 : memref<1x128xi32, #tpu.memory_space<vmem>> -> memref<128xi32, #tpu.memory_space<vmem>>
    %dma_start3A_638 = arith.constant 0 : i32
    %dma_start3A_639 = arith.constant 0 : i32
    %dma_start3A_640 = tpu.memref_slice %arg11[%dma_start3A_638, %dma_start3A_639] : memref<5888x24xf32, #tpu.memory_space<vmem_shared>> -> memref<5888x24xf32, #tpu.memory_space<vmem_shared>>
    tpu.enqueue_indirect_dma source(%dma_start3A_634 : memref<128x24xf32, #tpu.memory_space<vmem>>) target(%dma_start3A_640 : memref<5888x24xf32, #tpu.memory_space<vmem_shared>>) offsets(%dma_start3A_637 : memref<128xi32, #tpu.memory_space<vmem>>) semaphore(%arg13 : memref<!tpu.dma_semaphore, #tpu.memory_space<semaphore_mem>>) {add = true}
    %dma_start3A_641 = arith.constant 18 : i32
    %dma_start3A_642 = arith.constant 2304 : i32
    %dma_start3A_643 = arith.constant 0 : i32
    %dma_start3A_644 = tpu.memref_slice %arg9[%dma_start3A_642, %dma_start3A_643] : memref<2944x24xf32, #tpu.memory_space<vmem>> -> memref<128x24xf32, #tpu.memory_space<vmem>>
    %dma_start3A_645 = arith.constant 0 : i32
    %dma_start3A_646 = tpu.memref_slice %arg8[%dma_start3A_641, %dma_start3A_645] : memref<23x128xi32, #tpu.memory_space<vmem>> -> memref<1x128xi32, #tpu.memory_space<vmem>>
    %dma_start3A_647 = tpu.memref_squeeze %dma_start3A_646 : memref<1x128xi32, #tpu.memory_space<vmem>> -> memref<128xi32, #tpu.memory_space<vmem>>
    %dma_start3A_648 = arith.constant 0 : i32
    %dma_start3A_649 = arith.constant 0 : i32
    %dma_start3A_650 = tpu.memref_slice %arg11[%dma_start3A_648, %dma_start3A_649] : memref<5888x24xf32, #tpu.memory_space<vmem_shared>> -> memref<5888x24xf32, #tpu.memory_space<vmem_shared>>
    tpu.enqueue_indirect_dma source(%dma_start3A_644 : memref<128x24xf32, #tpu.memory_space<vmem>>) target(%dma_start3A_650 : memref<5888x24xf32, #tpu.memory_space<vmem_shared>>) offsets(%dma_start3A_647 : memref<128xi32, #tpu.memory_space<vmem>>) semaphore(%arg13 : memref<!tpu.dma_semaphore, #tpu.memory_space<semaphore_mem>>) {add = true}
    %dma_start3A_651 = arith.constant 19 : i32
    %dma_start3A_652 = arith.constant 2432 : i32
    %dma_start3A_653 = arith.constant 0 : i32
    %dma_start3A_654 = tpu.memref_slice %arg9[%dma_start3A_652, %dma_start3A_653] : memref<2944x24xf32, #tpu.memory_space<vmem>> -> memref<128x24xf32, #tpu.memory_space<vmem>>
    %dma_start3A_655 = arith.constant 0 : i32
    %dma_start3A_656 = tpu.memref_slice %arg8[%dma_start3A_651, %dma_start3A_655] : memref<23x128xi32, #tpu.memory_space<vmem>> -> memref<1x128xi32, #tpu.memory_space<vmem>>
    %dma_start3A_657 = tpu.memref_squeeze %dma_start3A_656 : memref<1x128xi32, #tpu.memory_space<vmem>> -> memref<128xi32, #tpu.memory_space<vmem>>
    %dma_start3A_658 = arith.constant 0 : i32
    %dma_start3A_659 = arith.constant 0 : i32
    %dma_start3A_660 = tpu.memref_slice %arg11[%dma_start3A_658, %dma_start3A_659] : memref<5888x24xf32, #tpu.memory_space<vmem_shared>> -> memref<5888x24xf32, #tpu.memory_space<vmem_shared>>
    tpu.enqueue_indirect_dma source(%dma_start3A_654 : memref<128x24xf32, #tpu.memory_space<vmem>>) target(%dma_start3A_660 : memref<5888x24xf32, #tpu.memory_space<vmem_shared>>) offsets(%dma_start3A_657 : memref<128xi32, #tpu.memory_space<vmem>>) semaphore(%arg13 : memref<!tpu.dma_semaphore, #tpu.memory_space<semaphore_mem>>) {add = true}
    %dma_start3A_661 = arith.constant 20 : i32
    %dma_start3A_662 = arith.constant 2560 : i32
    %dma_start3A_663 = arith.constant 0 : i32
    %dma_start3A_664 = tpu.memref_slice %arg9[%dma_start3A_662, %dma_start3A_663] : memref<2944x24xf32, #tpu.memory_space<vmem>> -> memref<128x24xf32, #tpu.memory_space<vmem>>
    %dma_start3A_665 = arith.constant 0 : i32
    %dma_start3A_666 = tpu.memref_slice %arg8[%dma_start3A_661, %dma_start3A_665] : memref<23x128xi32, #tpu.memory_space<vmem>> -> memref<1x128xi32, #tpu.memory_space<vmem>>
    %dma_start3A_667 = tpu.memref_squeeze %dma_start3A_666 : memref<1x128xi32, #tpu.memory_space<vmem>> -> memref<128xi32, #tpu.memory_space<vmem>>
    %dma_start3A_668 = arith.constant 0 : i32
    %dma_start3A_669 = arith.constant 0 : i32
    %dma_start3A_670 = tpu.memref_slice %arg11[%dma_start3A_668, %dma_start3A_669] : memref<5888x24xf32, #tpu.memory_space<vmem_shared>> -> memref<5888x24xf32, #tpu.memory_space<vmem_shared>>
    tpu.enqueue_indirect_dma source(%dma_start3A_664 : memref<128x24xf32, #tpu.memory_space<vmem>>) target(%dma_start3A_670 : memref<5888x24xf32, #tpu.memory_space<vmem_shared>>) offsets(%dma_start3A_667 : memref<128xi32, #tpu.memory_space<vmem>>) semaphore(%arg13 : memref<!tpu.dma_semaphore, #tpu.memory_space<semaphore_mem>>) {add = true}
    %dma_start3A_671 = arith.constant 21 : i32
    %dma_start3A_672 = arith.constant 2688 : i32
    %dma_start3A_673 = arith.constant 0 : i32
    %dma_start3A_674 = tpu.memref_slice %arg9[%dma_start3A_672, %dma_start3A_673] : memref<2944x24xf32, #tpu.memory_space<vmem>> -> memref<128x24xf32, #tpu.memory_space<vmem>>
    %dma_start3A_675 = arith.constant 0 : i32
    %dma_start3A_676 = tpu.memref_slice %arg8[%dma_start3A_671, %dma_start3A_675] : memref<23x128xi32, #tpu.memory_space<vmem>> -> memref<1x128xi32, #tpu.memory_space<vmem>>
    %dma_start3A_677 = tpu.memref_squeeze %dma_start3A_676 : memref<1x128xi32, #tpu.memory_space<vmem>> -> memref<128xi32, #tpu.memory_space<vmem>>
    %dma_start3A_678 = arith.constant 0 : i32
    %dma_start3A_679 = arith.constant 0 : i32
    %dma_start3A_680 = tpu.memref_slice %arg11[%dma_start3A_678, %dma_start3A_679] : memref<5888x24xf32, #tpu.memory_space<vmem_shared>> -> memref<5888x24xf32, #tpu.memory_space<vmem_shared>>
    tpu.enqueue_indirect_dma source(%dma_start3A_674 : memref<128x24xf32, #tpu.memory_space<vmem>>) target(%dma_start3A_680 : memref<5888x24xf32, #tpu.memory_space<vmem_shared>>) offsets(%dma_start3A_677 : memref<128xi32, #tpu.memory_space<vmem>>) semaphore(%arg13 : memref<!tpu.dma_semaphore, #tpu.memory_space<semaphore_mem>>) {add = true}
    %dma_start3A_681 = arith.constant 22 : i32
    %dma_start3A_682 = arith.constant 2816 : i32
    %dma_start3A_683 = arith.constant 0 : i32
    %dma_start3A_684 = tpu.memref_slice %arg9[%dma_start3A_682, %dma_start3A_683] : memref<2944x24xf32, #tpu.memory_space<vmem>> -> memref<128x24xf32, #tpu.memory_space<vmem>>
    %dma_start3A_685 = arith.constant 0 : i32
    %dma_start3A_686 = tpu.memref_slice %arg8[%dma_start3A_681, %dma_start3A_685] : memref<23x128xi32, #tpu.memory_space<vmem>> -> memref<1x128xi32, #tpu.memory_space<vmem>>
    %dma_start3A_687 = tpu.memref_squeeze %dma_start3A_686 : memref<1x128xi32, #tpu.memory_space<vmem>> -> memref<128xi32, #tpu.memory_space<vmem>>
    %dma_start3A_688 = arith.constant 0 : i32
    %dma_start3A_689 = arith.constant 0 : i32
    %dma_start3A_690 = tpu.memref_slice %arg11[%dma_start3A_688, %dma_start3A_689] : memref<5888x24xf32, #tpu.memory_space<vmem_shared>> -> memref<5888x24xf32, #tpu.memory_space<vmem_shared>>
    tpu.enqueue_indirect_dma source(%dma_start3A_684 : memref<128x24xf32, #tpu.memory_space<vmem>>) target(%dma_start3A_690 : memref<5888x24xf32, #tpu.memory_space<vmem_shared>>) offsets(%dma_start3A_687 : memref<128xi32, #tpu.memory_space<vmem>>) semaphore(%arg13 : memref<!tpu.dma_semaphore, #tpu.memory_space<semaphore_mem>>) {add = true}
    %dma_wait3A_691 = arith.constant 0 : i32
    %dma_wait3A_692 = arith.constant 0 : i32
    %dma_wait3A_693 = arith.constant 0 : i32
    %dma_wait3A_694 = tpu.memref_slice %arg9[%dma_wait3A_692, %dma_wait3A_693] : memref<2944x24xf32, #tpu.memory_space<vmem>> -> memref<128x24xf32, #tpu.memory_space<vmem>>
    %dma_wait3A_695 = arith.constant 0 : i32
    %dma_wait3A_696 = tpu.memref_slice %arg8[%dma_wait3A_691, %dma_wait3A_695] : memref<23x128xi32, #tpu.memory_space<vmem>> -> memref<1x128xi32, #tpu.memory_space<vmem>>
    %dma_wait3A_697 = tpu.memref_squeeze %dma_wait3A_696 : memref<1x128xi32, #tpu.memory_space<vmem>> -> memref<128xi32, #tpu.memory_space<vmem>>
    %dma_wait3A_698 = arith.constant 0 : i32
    %dma_wait3A_699 = arith.constant 0 : i32
    %dma_wait3A_700 = tpu.memref_slice %arg11[%dma_wait3A_698, %dma_wait3A_699] : memref<5888x24xf32, #tpu.memory_space<vmem_shared>> -> memref<5888x24xf32, #tpu.memory_space<vmem_shared>>
    tpu.wait_indirect_dma semaphore(%arg13 : memref<!tpu.dma_semaphore, #tpu.memory_space<semaphore_mem>>) src(%dma_wait3A_694 : memref<128x24xf32, #tpu.memory_space<vmem>>) dst(%dma_wait3A_700 : memref<5888x24xf32, #tpu.memory_space<vmem_shared>>)
    %dma_wait3A_701 = arith.constant 1 : i32
    %dma_wait3A_702 = arith.constant 128 : i32
    %dma_wait3A_703 = arith.constant 0 : i32
    %dma_wait3A_704 = tpu.memref_slice %arg9[%dma_wait3A_702, %dma_wait3A_703] : memref<2944x24xf32, #tpu.memory_space<vmem>> -> memref<128x24xf32, #tpu.memory_space<vmem>>
    %dma_wait3A_705 = arith.constant 0 : i32
    %dma_wait3A_706 = tpu.memref_slice %arg8[%dma_wait3A_701, %dma_wait3A_705] : memref<23x128xi32, #tpu.memory_space<vmem>> -> memref<1x128xi32, #tpu.memory_space<vmem>>
    %dma_wait3A_707 = tpu.memref_squeeze %dma_wait3A_706 : memref<1x128xi32, #tpu.memory_space<vmem>> -> memref<128xi32, #tpu.memory_space<vmem>>
    %dma_wait3A_708 = arith.constant 0 : i32
    %dma_wait3A_709 = arith.constant 0 : i32
    %dma_wait3A_710 = tpu.memref_slice %arg11[%dma_wait3A_708, %dma_wait3A_709] : memref<5888x24xf32, #tpu.memory_space<vmem_shared>> -> memref<5888x24xf32, #tpu.memory_space<vmem_shared>>
    tpu.wait_indirect_dma semaphore(%arg13 : memref<!tpu.dma_semaphore, #tpu.memory_space<semaphore_mem>>) src(%dma_wait3A_704 : memref<128x24xf32, #tpu.memory_space<vmem>>) dst(%dma_wait3A_710 : memref<5888x24xf32, #tpu.memory_space<vmem_shared>>)
    %dma_wait3A_711 = arith.constant 2 : i32
    %dma_wait3A_712 = arith.constant 256 : i32
    %dma_wait3A_713 = arith.constant 0 : i32
    %dma_wait3A_714 = tpu.memref_slice %arg9[%dma_wait3A_712, %dma_wait3A_713] : memref<2944x24xf32, #tpu.memory_space<vmem>> -> memref<128x24xf32, #tpu.memory_space<vmem>>
    %dma_wait3A_715 = arith.constant 0 : i32
    %dma_wait3A_716 = tpu.memref_slice %arg8[%dma_wait3A_711, %dma_wait3A_715] : memref<23x128xi32, #tpu.memory_space<vmem>> -> memref<1x128xi32, #tpu.memory_space<vmem>>
    %dma_wait3A_717 = tpu.memref_squeeze %dma_wait3A_716 : memref<1x128xi32, #tpu.memory_space<vmem>> -> memref<128xi32, #tpu.memory_space<vmem>>
    %dma_wait3A_718 = arith.constant 0 : i32
    %dma_wait3A_719 = arith.constant 0 : i32
    %dma_wait3A_720 = tpu.memref_slice %arg11[%dma_wait3A_718, %dma_wait3A_719] : memref<5888x24xf32, #tpu.memory_space<vmem_shared>> -> memref<5888x24xf32, #tpu.memory_space<vmem_shared>>
    tpu.wait_indirect_dma semaphore(%arg13 : memref<!tpu.dma_semaphore, #tpu.memory_space<semaphore_mem>>) src(%dma_wait3A_714 : memref<128x24xf32, #tpu.memory_space<vmem>>) dst(%dma_wait3A_720 : memref<5888x24xf32, #tpu.memory_space<vmem_shared>>)
    %dma_wait3A_721 = arith.constant 3 : i32
    %dma_wait3A_722 = arith.constant 384 : i32
    %dma_wait3A_723 = arith.constant 0 : i32
    %dma_wait3A_724 = tpu.memref_slice %arg9[%dma_wait3A_722, %dma_wait3A_723] : memref<2944x24xf32, #tpu.memory_space<vmem>> -> memref<128x24xf32, #tpu.memory_space<vmem>>
    %dma_wait3A_725 = arith.constant 0 : i32
    %dma_wait3A_726 = tpu.memref_slice %arg8[%dma_wait3A_721, %dma_wait3A_725] : memref<23x128xi32, #tpu.memory_space<vmem>> -> memref<1x128xi32, #tpu.memory_space<vmem>>
    %dma_wait3A_727 = tpu.memref_squeeze %dma_wait3A_726 : memref<1x128xi32, #tpu.memory_space<vmem>> -> memref<128xi32, #tpu.memory_space<vmem>>
    %dma_wait3A_728 = arith.constant 0 : i32
    %dma_wait3A_729 = arith.constant 0 : i32
    %dma_wait3A_730 = tpu.memref_slice %arg11[%dma_wait3A_728, %dma_wait3A_729] : memref<5888x24xf32, #tpu.memory_space<vmem_shared>> -> memref<5888x24xf32, #tpu.memory_space<vmem_shared>>
    tpu.wait_indirect_dma semaphore(%arg13 : memref<!tpu.dma_semaphore, #tpu.memory_space<semaphore_mem>>) src(%dma_wait3A_724 : memref<128x24xf32, #tpu.memory_space<vmem>>) dst(%dma_wait3A_730 : memref<5888x24xf32, #tpu.memory_space<vmem_shared>>)
    %dma_wait3A_731 = arith.constant 4 : i32
    %dma_wait3A_732 = arith.constant 512 : i32
    %dma_wait3A_733 = arith.constant 0 : i32
    %dma_wait3A_734 = tpu.memref_slice %arg9[%dma_wait3A_732, %dma_wait3A_733] : memref<2944x24xf32, #tpu.memory_space<vmem>> -> memref<128x24xf32, #tpu.memory_space<vmem>>
    %dma_wait3A_735 = arith.constant 0 : i32
    %dma_wait3A_736 = tpu.memref_slice %arg8[%dma_wait3A_731, %dma_wait3A_735] : memref<23x128xi32, #tpu.memory_space<vmem>> -> memref<1x128xi32, #tpu.memory_space<vmem>>
    %dma_wait3A_737 = tpu.memref_squeeze %dma_wait3A_736 : memref<1x128xi32, #tpu.memory_space<vmem>> -> memref<128xi32, #tpu.memory_space<vmem>>
    %dma_wait3A_738 = arith.constant 0 : i32
    %dma_wait3A_739 = arith.constant 0 : i32
    %dma_wait3A_740 = tpu.memref_slice %arg11[%dma_wait3A_738, %dma_wait3A_739] : memref<5888x24xf32, #tpu.memory_space<vmem_shared>> -> memref<5888x24xf32, #tpu.memory_space<vmem_shared>>
    tpu.wait_indirect_dma semaphore(%arg13 : memref<!tpu.dma_semaphore, #tpu.memory_space<semaphore_mem>>) src(%dma_wait3A_734 : memref<128x24xf32, #tpu.memory_space<vmem>>) dst(%dma_wait3A_740 : memref<5888x24xf32, #tpu.memory_space<vmem_shared>>)
    %dma_wait3A_741 = arith.constant 5 : i32
    %dma_wait3A_742 = arith.constant 640 : i32
    %dma_wait3A_743 = arith.constant 0 : i32
    %dma_wait3A_744 = tpu.memref_slice %arg9[%dma_wait3A_742, %dma_wait3A_743] : memref<2944x24xf32, #tpu.memory_space<vmem>> -> memref<128x24xf32, #tpu.memory_space<vmem>>
    %dma_wait3A_745 = arith.constant 0 : i32
    %dma_wait3A_746 = tpu.memref_slice %arg8[%dma_wait3A_741, %dma_wait3A_745] : memref<23x128xi32, #tpu.memory_space<vmem>> -> memref<1x128xi32, #tpu.memory_space<vmem>>
    %dma_wait3A_747 = tpu.memref_squeeze %dma_wait3A_746 : memref<1x128xi32, #tpu.memory_space<vmem>> -> memref<128xi32, #tpu.memory_space<vmem>>
    %dma_wait3A_748 = arith.constant 0 : i32
    %dma_wait3A_749 = arith.constant 0 : i32
    %dma_wait3A_750 = tpu.memref_slice %arg11[%dma_wait3A_748, %dma_wait3A_749] : memref<5888x24xf32, #tpu.memory_space<vmem_shared>> -> memref<5888x24xf32, #tpu.memory_space<vmem_shared>>
    tpu.wait_indirect_dma semaphore(%arg13 : memref<!tpu.dma_semaphore, #tpu.memory_space<semaphore_mem>>) src(%dma_wait3A_744 : memref<128x24xf32, #tpu.memory_space<vmem>>) dst(%dma_wait3A_750 : memref<5888x24xf32, #tpu.memory_space<vmem_shared>>)
    %dma_wait3A_751 = arith.constant 6 : i32
    %dma_wait3A_752 = arith.constant 768 : i32
    %dma_wait3A_753 = arith.constant 0 : i32
    %dma_wait3A_754 = tpu.memref_slice %arg9[%dma_wait3A_752, %dma_wait3A_753] : memref<2944x24xf32, #tpu.memory_space<vmem>> -> memref<128x24xf32, #tpu.memory_space<vmem>>
    %dma_wait3A_755 = arith.constant 0 : i32
    %dma_wait3A_756 = tpu.memref_slice %arg8[%dma_wait3A_751, %dma_wait3A_755] : memref<23x128xi32, #tpu.memory_space<vmem>> -> memref<1x128xi32, #tpu.memory_space<vmem>>
    %dma_wait3A_757 = tpu.memref_squeeze %dma_wait3A_756 : memref<1x128xi32, #tpu.memory_space<vmem>> -> memref<128xi32, #tpu.memory_space<vmem>>
    %dma_wait3A_758 = arith.constant 0 : i32
    %dma_wait3A_759 = arith.constant 0 : i32
    %dma_wait3A_760 = tpu.memref_slice %arg11[%dma_wait3A_758, %dma_wait3A_759] : memref<5888x24xf32, #tpu.memory_space<vmem_shared>> -> memref<5888x24xf32, #tpu.memory_space<vmem_shared>>
    tpu.wait_indirect_dma semaphore(%arg13 : memref<!tpu.dma_semaphore, #tpu.memory_space<semaphore_mem>>) src(%dma_wait3A_754 : memref<128x24xf32, #tpu.memory_space<vmem>>) dst(%dma_wait3A_760 : memref<5888x24xf32, #tpu.memory_space<vmem_shared>>)
    %dma_wait3A_761 = arith.constant 7 : i32
    %dma_wait3A_762 = arith.constant 896 : i32
    %dma_wait3A_763 = arith.constant 0 : i32
    %dma_wait3A_764 = tpu.memref_slice %arg9[%dma_wait3A_762, %dma_wait3A_763] : memref<2944x24xf32, #tpu.memory_space<vmem>> -> memref<128x24xf32, #tpu.memory_space<vmem>>
    %dma_wait3A_765 = arith.constant 0 : i32
    %dma_wait3A_766 = tpu.memref_slice %arg8[%dma_wait3A_761, %dma_wait3A_765] : memref<23x128xi32, #tpu.memory_space<vmem>> -> memref<1x128xi32, #tpu.memory_space<vmem>>
    %dma_wait3A_767 = tpu.memref_squeeze %dma_wait3A_766 : memref<1x128xi32, #tpu.memory_space<vmem>> -> memref<128xi32, #tpu.memory_space<vmem>>
    %dma_wait3A_768 = arith.constant 0 : i32
    %dma_wait3A_769 = arith.constant 0 : i32
    %dma_wait3A_770 = tpu.memref_slice %arg11[%dma_wait3A_768, %dma_wait3A_769] : memref<5888x24xf32, #tpu.memory_space<vmem_shared>> -> memref<5888x24xf32, #tpu.memory_space<vmem_shared>>
    tpu.wait_indirect_dma semaphore(%arg13 : memref<!tpu.dma_semaphore, #tpu.memory_space<semaphore_mem>>) src(%dma_wait3A_764 : memref<128x24xf32, #tpu.memory_space<vmem>>) dst(%dma_wait3A_770 : memref<5888x24xf32, #tpu.memory_space<vmem_shared>>)
    %dma_wait3A_771 = arith.constant 8 : i32
    %dma_wait3A_772 = arith.constant 1024 : i32
    %dma_wait3A_773 = arith.constant 0 : i32
    %dma_wait3A_774 = tpu.memref_slice %arg9[%dma_wait3A_772, %dma_wait3A_773] : memref<2944x24xf32, #tpu.memory_space<vmem>> -> memref<128x24xf32, #tpu.memory_space<vmem>>
    %dma_wait3A_775 = arith.constant 0 : i32
    %dma_wait3A_776 = tpu.memref_slice %arg8[%dma_wait3A_771, %dma_wait3A_775] : memref<23x128xi32, #tpu.memory_space<vmem>> -> memref<1x128xi32, #tpu.memory_space<vmem>>
    %dma_wait3A_777 = tpu.memref_squeeze %dma_wait3A_776 : memref<1x128xi32, #tpu.memory_space<vmem>> -> memref<128xi32, #tpu.memory_space<vmem>>
    %dma_wait3A_778 = arith.constant 0 : i32
    %dma_wait3A_779 = arith.constant 0 : i32
    %dma_wait3A_780 = tpu.memref_slice %arg11[%dma_wait3A_778, %dma_wait3A_779] : memref<5888x24xf32, #tpu.memory_space<vmem_shared>> -> memref<5888x24xf32, #tpu.memory_space<vmem_shared>>
    tpu.wait_indirect_dma semaphore(%arg13 : memref<!tpu.dma_semaphore, #tpu.memory_space<semaphore_mem>>) src(%dma_wait3A_774 : memref<128x24xf32, #tpu.memory_space<vmem>>) dst(%dma_wait3A_780 : memref<5888x24xf32, #tpu.memory_space<vmem_shared>>)
    %dma_wait3A_781 = arith.constant 9 : i32
    %dma_wait3A_782 = arith.constant 1152 : i32
    %dma_wait3A_783 = arith.constant 0 : i32
    %dma_wait3A_784 = tpu.memref_slice %arg9[%dma_wait3A_782, %dma_wait3A_783] : memref<2944x24xf32, #tpu.memory_space<vmem>> -> memref<128x24xf32, #tpu.memory_space<vmem>>
    %dma_wait3A_785 = arith.constant 0 : i32
    %dma_wait3A_786 = tpu.memref_slice %arg8[%dma_wait3A_781, %dma_wait3A_785] : memref<23x128xi32, #tpu.memory_space<vmem>> -> memref<1x128xi32, #tpu.memory_space<vmem>>
    %dma_wait3A_787 = tpu.memref_squeeze %dma_wait3A_786 : memref<1x128xi32, #tpu.memory_space<vmem>> -> memref<128xi32, #tpu.memory_space<vmem>>
    %dma_wait3A_788 = arith.constant 0 : i32
    %dma_wait3A_789 = arith.constant 0 : i32
    %dma_wait3A_790 = tpu.memref_slice %arg11[%dma_wait3A_788, %dma_wait3A_789] : memref<5888x24xf32, #tpu.memory_space<vmem_shared>> -> memref<5888x24xf32, #tpu.memory_space<vmem_shared>>
    tpu.wait_indirect_dma semaphore(%arg13 : memref<!tpu.dma_semaphore, #tpu.memory_space<semaphore_mem>>) src(%dma_wait3A_784 : memref<128x24xf32, #tpu.memory_space<vmem>>) dst(%dma_wait3A_790 : memref<5888x24xf32, #tpu.memory_space<vmem_shared>>)
    %dma_wait3A_791 = arith.constant 10 : i32
    %dma_wait3A_792 = arith.constant 1280 : i32
    %dma_wait3A_793 = arith.constant 0 : i32
    %dma_wait3A_794 = tpu.memref_slice %arg9[%dma_wait3A_792, %dma_wait3A_793] : memref<2944x24xf32, #tpu.memory_space<vmem>> -> memref<128x24xf32, #tpu.memory_space<vmem>>
    %dma_wait3A_795 = arith.constant 0 : i32
    %dma_wait3A_796 = tpu.memref_slice %arg8[%dma_wait3A_791, %dma_wait3A_795] : memref<23x128xi32, #tpu.memory_space<vmem>> -> memref<1x128xi32, #tpu.memory_space<vmem>>
    %dma_wait3A_797 = tpu.memref_squeeze %dma_wait3A_796 : memref<1x128xi32, #tpu.memory_space<vmem>> -> memref<128xi32, #tpu.memory_space<vmem>>
    %dma_wait3A_798 = arith.constant 0 : i32
    %dma_wait3A_799 = arith.constant 0 : i32
    %dma_wait3A_800 = tpu.memref_slice %arg11[%dma_wait3A_798, %dma_wait3A_799] : memref<5888x24xf32, #tpu.memory_space<vmem_shared>> -> memref<5888x24xf32, #tpu.memory_space<vmem_shared>>
    tpu.wait_indirect_dma semaphore(%arg13 : memref<!tpu.dma_semaphore, #tpu.memory_space<semaphore_mem>>) src(%dma_wait3A_794 : memref<128x24xf32, #tpu.memory_space<vmem>>) dst(%dma_wait3A_800 : memref<5888x24xf32, #tpu.memory_space<vmem_shared>>)
    %dma_wait3A_801 = arith.constant 11 : i32
    %dma_wait3A_802 = arith.constant 1408 : i32
    %dma_wait3A_803 = arith.constant 0 : i32
    %dma_wait3A_804 = tpu.memref_slice %arg9[%dma_wait3A_802, %dma_wait3A_803] : memref<2944x24xf32, #tpu.memory_space<vmem>> -> memref<128x24xf32, #tpu.memory_space<vmem>>
    %dma_wait3A_805 = arith.constant 0 : i32
    %dma_wait3A_806 = tpu.memref_slice %arg8[%dma_wait3A_801, %dma_wait3A_805] : memref<23x128xi32, #tpu.memory_space<vmem>> -> memref<1x128xi32, #tpu.memory_space<vmem>>
    %dma_wait3A_807 = tpu.memref_squeeze %dma_wait3A_806 : memref<1x128xi32, #tpu.memory_space<vmem>> -> memref<128xi32, #tpu.memory_space<vmem>>
    %dma_wait3A_808 = arith.constant 0 : i32
    %dma_wait3A_809 = arith.constant 0 : i32
    %dma_wait3A_810 = tpu.memref_slice %arg11[%dma_wait3A_808, %dma_wait3A_809] : memref<5888x24xf32, #tpu.memory_space<vmem_shared>> -> memref<5888x24xf32, #tpu.memory_space<vmem_shared>>
    tpu.wait_indirect_dma semaphore(%arg13 : memref<!tpu.dma_semaphore, #tpu.memory_space<semaphore_mem>>) src(%dma_wait3A_804 : memref<128x24xf32, #tpu.memory_space<vmem>>) dst(%dma_wait3A_810 : memref<5888x24xf32, #tpu.memory_space<vmem_shared>>)
    %dma_wait3A_811 = arith.constant 12 : i32
    %dma_wait3A_812 = arith.constant 1536 : i32
    %dma_wait3A_813 = arith.constant 0 : i32
    %dma_wait3A_814 = tpu.memref_slice %arg9[%dma_wait3A_812, %dma_wait3A_813] : memref<2944x24xf32, #tpu.memory_space<vmem>> -> memref<128x24xf32, #tpu.memory_space<vmem>>
    %dma_wait3A_815 = arith.constant 0 : i32
    %dma_wait3A_816 = tpu.memref_slice %arg8[%dma_wait3A_811, %dma_wait3A_815] : memref<23x128xi32, #tpu.memory_space<vmem>> -> memref<1x128xi32, #tpu.memory_space<vmem>>
    %dma_wait3A_817 = tpu.memref_squeeze %dma_wait3A_816 : memref<1x128xi32, #tpu.memory_space<vmem>> -> memref<128xi32, #tpu.memory_space<vmem>>
    %dma_wait3A_818 = arith.constant 0 : i32
    %dma_wait3A_819 = arith.constant 0 : i32
    %dma_wait3A_820 = tpu.memref_slice %arg11[%dma_wait3A_818, %dma_wait3A_819] : memref<5888x24xf32, #tpu.memory_space<vmem_shared>> -> memref<5888x24xf32, #tpu.memory_space<vmem_shared>>
    tpu.wait_indirect_dma semaphore(%arg13 : memref<!tpu.dma_semaphore, #tpu.memory_space<semaphore_mem>>) src(%dma_wait3A_814 : memref<128x24xf32, #tpu.memory_space<vmem>>) dst(%dma_wait3A_820 : memref<5888x24xf32, #tpu.memory_space<vmem_shared>>)
    %dma_wait3A_821 = arith.constant 13 : i32
    %dma_wait3A_822 = arith.constant 1664 : i32
    %dma_wait3A_823 = arith.constant 0 : i32
    %dma_wait3A_824 = tpu.memref_slice %arg9[%dma_wait3A_822, %dma_wait3A_823] : memref<2944x24xf32, #tpu.memory_space<vmem>> -> memref<128x24xf32, #tpu.memory_space<vmem>>
    %dma_wait3A_825 = arith.constant 0 : i32
    %dma_wait3A_826 = tpu.memref_slice %arg8[%dma_wait3A_821, %dma_wait3A_825] : memref<23x128xi32, #tpu.memory_space<vmem>> -> memref<1x128xi32, #tpu.memory_space<vmem>>
    %dma_wait3A_827 = tpu.memref_squeeze %dma_wait3A_826 : memref<1x128xi32, #tpu.memory_space<vmem>> -> memref<128xi32, #tpu.memory_space<vmem>>
    %dma_wait3A_828 = arith.constant 0 : i32
    %dma_wait3A_829 = arith.constant 0 : i32
    %dma_wait3A_830 = tpu.memref_slice %arg11[%dma_wait3A_828, %dma_wait3A_829] : memref<5888x24xf32, #tpu.memory_space<vmem_shared>> -> memref<5888x24xf32, #tpu.memory_space<vmem_shared>>
    tpu.wait_indirect_dma semaphore(%arg13 : memref<!tpu.dma_semaphore, #tpu.memory_space<semaphore_mem>>) src(%dma_wait3A_824 : memref<128x24xf32, #tpu.memory_space<vmem>>) dst(%dma_wait3A_830 : memref<5888x24xf32, #tpu.memory_space<vmem_shared>>)
    %dma_wait3A_831 = arith.constant 14 : i32
    %dma_wait3A_832 = arith.constant 1792 : i32
    %dma_wait3A_833 = arith.constant 0 : i32
    %dma_wait3A_834 = tpu.memref_slice %arg9[%dma_wait3A_832, %dma_wait3A_833] : memref<2944x24xf32, #tpu.memory_space<vmem>> -> memref<128x24xf32, #tpu.memory_space<vmem>>
    %dma_wait3A_835 = arith.constant 0 : i32
    %dma_wait3A_836 = tpu.memref_slice %arg8[%dma_wait3A_831, %dma_wait3A_835] : memref<23x128xi32, #tpu.memory_space<vmem>> -> memref<1x128xi32, #tpu.memory_space<vmem>>
    %dma_wait3A_837 = tpu.memref_squeeze %dma_wait3A_836 : memref<1x128xi32, #tpu.memory_space<vmem>> -> memref<128xi32, #tpu.memory_space<vmem>>
    %dma_wait3A_838 = arith.constant 0 : i32
    %dma_wait3A_839 = arith.constant 0 : i32
    %dma_wait3A_840 = tpu.memref_slice %arg11[%dma_wait3A_838, %dma_wait3A_839] : memref<5888x24xf32, #tpu.memory_space<vmem_shared>> -> memref<5888x24xf32, #tpu.memory_space<vmem_shared>>
    tpu.wait_indirect_dma semaphore(%arg13 : memref<!tpu.dma_semaphore, #tpu.memory_space<semaphore_mem>>) src(%dma_wait3A_834 : memref<128x24xf32, #tpu.memory_space<vmem>>) dst(%dma_wait3A_840 : memref<5888x24xf32, #tpu.memory_space<vmem_shared>>)
    %dma_wait3A_841 = arith.constant 15 : i32
    %dma_wait3A_842 = arith.constant 1920 : i32
    %dma_wait3A_843 = arith.constant 0 : i32
    %dma_wait3A_844 = tpu.memref_slice %arg9[%dma_wait3A_842, %dma_wait3A_843] : memref<2944x24xf32, #tpu.memory_space<vmem>> -> memref<128x24xf32, #tpu.memory_space<vmem>>
    %dma_wait3A_845 = arith.constant 0 : i32
    %dma_wait3A_846 = tpu.memref_slice %arg8[%dma_wait3A_841, %dma_wait3A_845] : memref<23x128xi32, #tpu.memory_space<vmem>> -> memref<1x128xi32, #tpu.memory_space<vmem>>
    %dma_wait3A_847 = tpu.memref_squeeze %dma_wait3A_846 : memref<1x128xi32, #tpu.memory_space<vmem>> -> memref<128xi32, #tpu.memory_space<vmem>>
    %dma_wait3A_848 = arith.constant 0 : i32
    %dma_wait3A_849 = arith.constant 0 : i32
    %dma_wait3A_850 = tpu.memref_slice %arg11[%dma_wait3A_848, %dma_wait3A_849] : memref<5888x24xf32, #tpu.memory_space<vmem_shared>> -> memref<5888x24xf32, #tpu.memory_space<vmem_shared>>
    tpu.wait_indirect_dma semaphore(%arg13 : memref<!tpu.dma_semaphore, #tpu.memory_space<semaphore_mem>>) src(%dma_wait3A_844 : memref<128x24xf32, #tpu.memory_space<vmem>>) dst(%dma_wait3A_850 : memref<5888x24xf32, #tpu.memory_space<vmem_shared>>)
    %dma_wait3A_851 = arith.constant 16 : i32
    %dma_wait3A_852 = arith.constant 2048 : i32
    %dma_wait3A_853 = arith.constant 0 : i32
    %dma_wait3A_854 = tpu.memref_slice %arg9[%dma_wait3A_852, %dma_wait3A_853] : memref<2944x24xf32, #tpu.memory_space<vmem>> -> memref<128x24xf32, #tpu.memory_space<vmem>>
    %dma_wait3A_855 = arith.constant 0 : i32
    %dma_wait3A_856 = tpu.memref_slice %arg8[%dma_wait3A_851, %dma_wait3A_855] : memref<23x128xi32, #tpu.memory_space<vmem>> -> memref<1x128xi32, #tpu.memory_space<vmem>>
    %dma_wait3A_857 = tpu.memref_squeeze %dma_wait3A_856 : memref<1x128xi32, #tpu.memory_space<vmem>> -> memref<128xi32, #tpu.memory_space<vmem>>
    %dma_wait3A_858 = arith.constant 0 : i32
    %dma_wait3A_859 = arith.constant 0 : i32
    %dma_wait3A_860 = tpu.memref_slice %arg11[%dma_wait3A_858, %dma_wait3A_859] : memref<5888x24xf32, #tpu.memory_space<vmem_shared>> -> memref<5888x24xf32, #tpu.memory_space<vmem_shared>>
    tpu.wait_indirect_dma semaphore(%arg13 : memref<!tpu.dma_semaphore, #tpu.memory_space<semaphore_mem>>) src(%dma_wait3A_854 : memref<128x24xf32, #tpu.memory_space<vmem>>) dst(%dma_wait3A_860 : memref<5888x24xf32, #tpu.memory_space<vmem_shared>>)
    %dma_wait3A_861 = arith.constant 17 : i32
    %dma_wait3A_862 = arith.constant 2176 : i32
    %dma_wait3A_863 = arith.constant 0 : i32
    %dma_wait3A_864 = tpu.memref_slice %arg9[%dma_wait3A_862, %dma_wait3A_863] : memref<2944x24xf32, #tpu.memory_space<vmem>> -> memref<128x24xf32, #tpu.memory_space<vmem>>
    %dma_wait3A_865 = arith.constant 0 : i32
    %dma_wait3A_866 = tpu.memref_slice %arg8[%dma_wait3A_861, %dma_wait3A_865] : memref<23x128xi32, #tpu.memory_space<vmem>> -> memref<1x128xi32, #tpu.memory_space<vmem>>
    %dma_wait3A_867 = tpu.memref_squeeze %dma_wait3A_866 : memref<1x128xi32, #tpu.memory_space<vmem>> -> memref<128xi32, #tpu.memory_space<vmem>>
    %dma_wait3A_868 = arith.constant 0 : i32
    %dma_wait3A_869 = arith.constant 0 : i32
    %dma_wait3A_870 = tpu.memref_slice %arg11[%dma_wait3A_868, %dma_wait3A_869] : memref<5888x24xf32, #tpu.memory_space<vmem_shared>> -> memref<5888x24xf32, #tpu.memory_space<vmem_shared>>
    tpu.wait_indirect_dma semaphore(%arg13 : memref<!tpu.dma_semaphore, #tpu.memory_space<semaphore_mem>>) src(%dma_wait3A_864 : memref<128x24xf32, #tpu.memory_space<vmem>>) dst(%dma_wait3A_870 : memref<5888x24xf32, #tpu.memory_space<vmem_shared>>)
    %dma_wait3A_871 = arith.constant 18 : i32
    %dma_wait3A_872 = arith.constant 2304 : i32
    %dma_wait3A_873 = arith.constant 0 : i32
    %dma_wait3A_874 = tpu.memref_slice %arg9[%dma_wait3A_872, %dma_wait3A_873] : memref<2944x24xf32, #tpu.memory_space<vmem>> -> memref<128x24xf32, #tpu.memory_space<vmem>>
    %dma_wait3A_875 = arith.constant 0 : i32
    %dma_wait3A_876 = tpu.memref_slice %arg8[%dma_wait3A_871, %dma_wait3A_875] : memref<23x128xi32, #tpu.memory_space<vmem>> -> memref<1x128xi32, #tpu.memory_space<vmem>>
    %dma_wait3A_877 = tpu.memref_squeeze %dma_wait3A_876 : memref<1x128xi32, #tpu.memory_space<vmem>> -> memref<128xi32, #tpu.memory_space<vmem>>
    %dma_wait3A_878 = arith.constant 0 : i32
    %dma_wait3A_879 = arith.constant 0 : i32
    %dma_wait3A_880 = tpu.memref_slice %arg11[%dma_wait3A_878, %dma_wait3A_879] : memref<5888x24xf32, #tpu.memory_space<vmem_shared>> -> memref<5888x24xf32, #tpu.memory_space<vmem_shared>>
    tpu.wait_indirect_dma semaphore(%arg13 : memref<!tpu.dma_semaphore, #tpu.memory_space<semaphore_mem>>) src(%dma_wait3A_874 : memref<128x24xf32, #tpu.memory_space<vmem>>) dst(%dma_wait3A_880 : memref<5888x24xf32, #tpu.memory_space<vmem_shared>>)
    %dma_wait3A_881 = arith.constant 19 : i32
    %dma_wait3A_882 = arith.constant 2432 : i32
    %dma_wait3A_883 = arith.constant 0 : i32
    %dma_wait3A_884 = tpu.memref_slice %arg9[%dma_wait3A_882, %dma_wait3A_883] : memref<2944x24xf32, #tpu.memory_space<vmem>> -> memref<128x24xf32, #tpu.memory_space<vmem>>
    %dma_wait3A_885 = arith.constant 0 : i32
    %dma_wait3A_886 = tpu.memref_slice %arg8[%dma_wait3A_881, %dma_wait3A_885] : memref<23x128xi32, #tpu.memory_space<vmem>> -> memref<1x128xi32, #tpu.memory_space<vmem>>
    %dma_wait3A_887 = tpu.memref_squeeze %dma_wait3A_886 : memref<1x128xi32, #tpu.memory_space<vmem>> -> memref<128xi32, #tpu.memory_space<vmem>>
    %dma_wait3A_888 = arith.constant 0 : i32
    %dma_wait3A_889 = arith.constant 0 : i32
    %dma_wait3A_890 = tpu.memref_slice %arg11[%dma_wait3A_888, %dma_wait3A_889] : memref<5888x24xf32, #tpu.memory_space<vmem_shared>> -> memref<5888x24xf32, #tpu.memory_space<vmem_shared>>
    tpu.wait_indirect_dma semaphore(%arg13 : memref<!tpu.dma_semaphore, #tpu.memory_space<semaphore_mem>>) src(%dma_wait3A_884 : memref<128x24xf32, #tpu.memory_space<vmem>>) dst(%dma_wait3A_890 : memref<5888x24xf32, #tpu.memory_space<vmem_shared>>)
    %dma_wait3A_891 = arith.constant 20 : i32
    %dma_wait3A_892 = arith.constant 2560 : i32
    %dma_wait3A_893 = arith.constant 0 : i32
    %dma_wait3A_894 = tpu.memref_slice %arg9[%dma_wait3A_892, %dma_wait3A_893] : memref<2944x24xf32, #tpu.memory_space<vmem>> -> memref<128x24xf32, #tpu.memory_space<vmem>>
    %dma_wait3A_895 = arith.constant 0 : i32
    %dma_wait3A_896 = tpu.memref_slice %arg8[%dma_wait3A_891, %dma_wait3A_895] : memref<23x128xi32, #tpu.memory_space<vmem>> -> memref<1x128xi32, #tpu.memory_space<vmem>>
    %dma_wait3A_897 = tpu.memref_squeeze %dma_wait3A_896 : memref<1x128xi32, #tpu.memory_space<vmem>> -> memref<128xi32, #tpu.memory_space<vmem>>
    %dma_wait3A_898 = arith.constant 0 : i32
    %dma_wait3A_899 = arith.constant 0 : i32
    %dma_wait3A_900 = tpu.memref_slice %arg11[%dma_wait3A_898, %dma_wait3A_899] : memref<5888x24xf32, #tpu.memory_space<vmem_shared>> -> memref<5888x24xf32, #tpu.memory_space<vmem_shared>>
    tpu.wait_indirect_dma semaphore(%arg13 : memref<!tpu.dma_semaphore, #tpu.memory_space<semaphore_mem>>) src(%dma_wait3A_894 : memref<128x24xf32, #tpu.memory_space<vmem>>) dst(%dma_wait3A_900 : memref<5888x24xf32, #tpu.memory_space<vmem_shared>>)
    %dma_wait3A_901 = arith.constant 21 : i32
    %dma_wait3A_902 = arith.constant 2688 : i32
    %dma_wait3A_903 = arith.constant 0 : i32
    %dma_wait3A_904 = tpu.memref_slice %arg9[%dma_wait3A_902, %dma_wait3A_903] : memref<2944x24xf32, #tpu.memory_space<vmem>> -> memref<128x24xf32, #tpu.memory_space<vmem>>
    %dma_wait3A_905 = arith.constant 0 : i32
    %dma_wait3A_906 = tpu.memref_slice %arg8[%dma_wait3A_901, %dma_wait3A_905] : memref<23x128xi32, #tpu.memory_space<vmem>> -> memref<1x128xi32, #tpu.memory_space<vmem>>
    %dma_wait3A_907 = tpu.memref_squeeze %dma_wait3A_906 : memref<1x128xi32, #tpu.memory_space<vmem>> -> memref<128xi32, #tpu.memory_space<vmem>>
    %dma_wait3A_908 = arith.constant 0 : i32
    %dma_wait3A_909 = arith.constant 0 : i32
    %dma_wait3A_910 = tpu.memref_slice %arg11[%dma_wait3A_908, %dma_wait3A_909] : memref<5888x24xf32, #tpu.memory_space<vmem_shared>> -> memref<5888x24xf32, #tpu.memory_space<vmem_shared>>
    tpu.wait_indirect_dma semaphore(%arg13 : memref<!tpu.dma_semaphore, #tpu.memory_space<semaphore_mem>>) src(%dma_wait3A_904 : memref<128x24xf32, #tpu.memory_space<vmem>>) dst(%dma_wait3A_910 : memref<5888x24xf32, #tpu.memory_space<vmem_shared>>)
    %dma_wait3A_911 = arith.constant 22 : i32
    %dma_wait3A_912 = arith.constant 2816 : i32
    %dma_wait3A_913 = arith.constant 0 : i32
    %dma_wait3A_914 = tpu.memref_slice %arg9[%dma_wait3A_912, %dma_wait3A_913] : memref<2944x24xf32, #tpu.memory_space<vmem>> -> memref<128x24xf32, #tpu.memory_space<vmem>>
    %dma_wait3A_915 = arith.constant 0 : i32
    %dma_wait3A_916 = tpu.memref_slice %arg8[%dma_wait3A_911, %dma_wait3A_915] : memref<23x128xi32, #tpu.memory_space<vmem>> -> memref<1x128xi32, #tpu.memory_space<vmem>>
    %dma_wait3A_917 = tpu.memref_squeeze %dma_wait3A_916 : memref<1x128xi32, #tpu.memory_space<vmem>> -> memref<128xi32, #tpu.memory_space<vmem>>
    %dma_wait3A_918 = arith.constant 0 : i32
    %dma_wait3A_919 = arith.constant 0 : i32
    %dma_wait3A_920 = tpu.memref_slice %arg11[%dma_wait3A_918, %dma_wait3A_919] : memref<5888x24xf32, #tpu.memory_space<vmem_shared>> -> memref<5888x24xf32, #tpu.memory_space<vmem_shared>>
    tpu.wait_indirect_dma semaphore(%arg13 : memref<!tpu.dma_semaphore, #tpu.memory_space<semaphore_mem>>) src(%dma_wait3A_914 : memref<128x24xf32, #tpu.memory_space<vmem>>) dst(%dma_wait3A_920 : memref<5888x24xf32, #tpu.memory_space<vmem_shared>>)
    %barrier3A_921 = arith.constant 0 : index
    tpu.barrier barrier_id(%barrier3A_921)
    "tpu.region"() ({
      %run_scoped3A = tpu.sem_alloc : memref<!tpu.dma_semaphore, #tpu.memory_space<semaphore_mem>>
      %dma_start3A_922 = arith.constant 0 : i32
      %dma_start3A_923 = arith.constant 0 : i32
      %dma_start3A_924 = tpu.memref_slice %arg6[%arg0, %dma_start3A_922, %dma_start3A_923] : memref<2x5888x24xf32, #tpu.memory_space<hbm>> -> memref<1x5888x24xf32, #tpu.memory_space<hbm>>
      %dma_start3A_925 = tpu.memref_squeeze %dma_start3A_924 : memref<1x5888x24xf32, #tpu.memory_space<hbm>> -> memref<5888x24xf32, #tpu.memory_space<hbm>>
      %dma_start3A_926 = arith.constant 0 : i32
      %dma_start3A_927 = tpu.memref_slice %dma_start3A_925[%mul3A_2, %dma_start3A_926] : memref<5888x24xf32, #tpu.memory_space<hbm>> -> memref<368x24xf32, #tpu.memory_space<hbm>>
      %dma_start3A_928 = arith.constant 0 : i32
      %dma_start3A_929 = tpu.memref_slice %arg11[%mul3A_2, %dma_start3A_928] : memref<5888x24xf32, #tpu.memory_space<vmem_shared>> -> memref<368x24xf32, #tpu.memory_space<vmem_shared>>
      tpu.enqueue_dma source(%dma_start3A_929 : memref<368x24xf32, #tpu.memory_space<vmem_shared>>) target(%dma_start3A_927 : memref<368x24xf32, #tpu.memory_space<hbm>>) target_semaphore(%run_scoped3A : memref<!tpu.dma_semaphore, #tpu.memory_space<semaphore_mem>>)
      %dma_wait3A_930 = arith.constant 0 : i32
      %dma_wait3A_931 = arith.constant 0 : i32
      %dma_wait3A_932 = tpu.memref_slice %arg6[%arg0, %dma_wait3A_930, %dma_wait3A_931] : memref<2x5888x24xf32, #tpu.memory_space<hbm>> -> memref<1x5888x24xf32, #tpu.memory_space<hbm>>
      %dma_wait3A_933 = tpu.memref_squeeze %dma_wait3A_932 : memref<1x5888x24xf32, #tpu.memory_space<hbm>> -> memref<5888x24xf32, #tpu.memory_space<hbm>>
      %dma_wait3A_934 = arith.constant 0 : i32
      %dma_wait3A_935 = tpu.memref_slice %dma_wait3A_933[%mul3A_2, %dma_wait3A_934] : memref<5888x24xf32, #tpu.memory_space<hbm>> -> memref<368x24xf32, #tpu.memory_space<hbm>>
      %dma_wait3A_936 = arith.constant 0 : i32
      %dma_wait3A_937 = tpu.memref_slice %arg11[%mul3A_2, %dma_wait3A_936] : memref<5888x24xf32, #tpu.memory_space<vmem_shared>> -> memref<368x24xf32, #tpu.memory_space<vmem_shared>>
      tpu.wait_dma2 semaphore(%run_scoped3A : memref<!tpu.dma_semaphore, #tpu.memory_space<semaphore_mem>>) src(%dma_wait3A_937 : memref<368x24xf32, #tpu.memory_space<vmem_shared>>) dst(%dma_wait3A_935 : memref<368x24xf32, #tpu.memory_space<hbm>>)
      tpu.yield
    }) : () -> ()
    return
  }
}

module attributes {stable_mosaic.version = 14 : i64} {
  func.func @body(%arg0: memref<5888x3xf32, #tpu.memory_space<vmem>>, %arg1: memref<3x5xf32, #tpu.memory_space<vmem>>, %arg2: memref<5888x16xf32, #tpu.memory_space<vmem>>) attributes {dimension_semantics = [], scalar_prefetch = 0 : i64, scratch_operands = 0 : i64, tpu.core_type = #tpu.core_type<tc>} {
    %get3A = arith.constant 0 : index
    %get3A_0 = arith.constant 0 : index
    %get3A_1 = vector.load %arg1[%get3A, %get3A_0] : memref<3x5xf32, #tpu.memory_space<vmem>>, vector<3x5xf32>
    %jit3A = arith.constant 0 : i32
    %convert_element_type3A = arith.sitofp %jit3A : i32 to f32
    %pad3A = vector.broadcast %convert_element_type3A : f32 to vector<3x11xf32>
    %pad3A_2 = tpu.concatenate %get3A_1, %pad3A in 1 : vector<3x5xf32>, vector<3x11xf32> -> vector<3x16xf32>
    %get3A_3 = arith.constant 0 : index
    %get3A_4 = arith.constant 0 : index
    %get3A_5 = vector.load %arg0[%get3A_3, %get3A_4] : memref<5888x3xf32, #tpu.memory_space<vmem>>, vector<5888x3xf32>
    %dot_general3A = arith.constant dense<0.000000e+00> : vector<5888x16xf32>
    %dot_general3A_6 = tpu.matmul %get3A_5, %pad3A_2, %dot_general3A {dimension_numbers = #tpu.dot_dimension_numbers<[1], [0], [0], [1], [0, 0, 1, 1], [], []>, transpose_lhs_hint = false} : vector<5888x3xf32>, vector<3x16xf32>, vector<5888x16xf32> -> vector<5888x16xf32>
    %swap3A = arith.constant 0 : index
    %swap3A_7 = arith.constant 0 : index
    %swap3A_8 = vector.load %arg2[%swap3A, %swap3A_7] : memref<5888x16xf32, #tpu.memory_space<vmem>>, vector<5888x16xf32>
    tpu.vector_store %arg2[%swap3A, %swap3A_7], %dot_general3A_6 {strides = array<i32>} : memref<5888x16xf32, #tpu.memory_space<vmem>>, vector<5888x16xf32>,
    return
  }
}

module attributes {stable_mosaic.version = 14 : i64} {
  func.func @body(%arg0: memref<2x5888x16xf32, #tpu.memory_space<vmem>>, %arg1: memref<5888x16xf32, #tpu.memory_space<vmem>>, %arg2: memref<5888x16xf32, #tpu.memory_space<vmem>>, %arg3: memref<5xf32, #tpu.memory_space<vmem>>, %arg4: memref<5x20xf32, #tpu.memory_space<vmem>>, %arg5: memref<5888x24xf32, #tpu.memory_space<vmem>>) attributes {dimension_semantics = [], scalar_prefetch = 0 : i64, scratch_operands = 0 : i64, tpu.core_type = #tpu.core_type<tc>} {
    %get3A = arith.constant 0 : index
    %get3A_0 = arith.constant 0 : index
    %get3A_1 = vector.load %arg2[%get3A, %get3A_0] : memref<5888x16xf32, #tpu.memory_space<vmem>>, vector<5888x1xf32>
    %get3A_2 = arith.constant 0 : index
    %get3A_3 = vector.load %arg3[%get3A_2] : memref<5xf32, #tpu.memory_space<vmem>>, vector<5xf32>
    %jit3A = arith.constant 0 : i32
    %convert_element_type3A = arith.sitofp %jit3A : i32 to f32
    %pad3A = vector.broadcast %convert_element_type3A : f32 to vector<11xf32>
    %pad3A_4 = tpu.concatenate %get3A_3, %pad3A in 0 : vector<5xf32>, vector<11xf32> -> vector<16xf32>
    %get3A_5 = arith.constant 0 : index
    %get3A_6 = arith.constant 0 : index
    %get3A_7 = vector.load %arg4[%get3A_5, %get3A_6] : memref<5x20xf32, #tpu.memory_space<vmem>>, vector<5x20xf32>
    %jit3A_8 = arith.constant 0 : i32
    %convert_element_type3A_9 = arith.sitofp %jit3A_8 : i32 to f32
    %pad3A_10 = vector.broadcast %convert_element_type3A_9 : f32 to vector<11x20xf32>
    %pad3A_11 = tpu.concatenate %get3A_7, %pad3A_10 in 0 : vector<5x20xf32>, vector<11x20xf32> -> vector<16x20xf32>
    %pad3A_12 = vector.broadcast %convert_element_type3A_9 : f32 to vector<16x4xf32>
    %pad3A_13 = tpu.concatenate %pad3A_11, %pad3A_12 in 1 : vector<16x20xf32>, vector<16x4xf32> -> vector<16x24xf32>
    %get3A_14 = arith.constant 0 : index
    %get3A_15 = arith.constant 0 : index
    %get3A_16 = arith.constant 0 : index
    %get3A_17 = vector.load %arg0[%get3A_14, %get3A_15, %get3A_16] : memref<2x5888x16xf32, #tpu.memory_space<vmem>>, vector<1x5888x16xf32>
    %get3A_18 = vector.shape_cast %get3A_17 : vector<1x5888x16xf32> to vector<5888x16xf32>
    %get3A_19 = arith.constant 1 : index
    %get3A_20 = arith.constant 0 : index
    %get3A_21 = arith.constant 0 : index
    %get3A_22 = vector.load %arg0[%get3A_19, %get3A_20, %get3A_21] : memref<2x5888x16xf32, #tpu.memory_space<vmem>>, vector<1x5888x16xf32>
    %get3A_23 = vector.shape_cast %get3A_22 : vector<1x5888x16xf32> to vector<5888x16xf32>
    %add3A = arith.addf %get3A_18, %get3A_23 : vector<5888x16xf32>
    %get3A_24 = arith.constant 0 : index
    %get3A_25 = arith.constant 0 : index
    %get3A_26 = vector.load %arg1[%get3A_24, %get3A_25] : memref<5888x16xf32, #tpu.memory_space<vmem>>, vector<5888x16xf32>
    %add3A_27 = arith.addf %add3A, %get3A_26 : vector<5888x16xf32>
    %mul3A = vector.broadcast %get3A_1 : vector<5888x1xf32> to vector<5888x16xf32>
    %mul3A_28 = arith.mulf %mul3A, %add3A_27 : vector<5888x16xf32>
    %broadcast_in_dim3A = vector.shape_cast %pad3A_4 : vector<16xf32> to vector<1x16xf32>
    %add3A_29 = vector.broadcast %broadcast_in_dim3A : vector<1x16xf32> to vector<5888x16xf32>
    %add3A_30 = arith.addf %mul3A_28, %add3A_29 : vector<5888x16xf32>
    %ge3A = arith.constant 0.000000e+00 : f32
    %ge3A_31 = vector.broadcast %ge3A : f32 to vector<5888x16xf32>
    %ge3A_32 = arith.cmpf oge, %add3A_30, %ge3A_31 : vector<5888x16xf32>
    %mul3A_33 = arith.constant 0.00999999977 : f32
    %mul3A_34 = vector.broadcast %mul3A_33 : f32 to vector<5888x16xf32>
    %mul3A_35 = arith.mulf %mul3A_34, %add3A_30 : vector<5888x16xf32>
    %select_n3A = arith.select %ge3A_32, %add3A_30, %mul3A_35 : vector<5888x16xi1>, vector<5888x16xf32>
    %dot_general3A = arith.constant dense<0.000000e+00> : vector<5888x24xf32>
    %dot_general3A_36 = tpu.matmul %select_n3A, %pad3A_13, %dot_general3A {dimension_numbers = #tpu.dot_dimension_numbers<[1], [0], [0], [1], [0, 0, 1, 1], [], []>, transpose_lhs_hint = false} : vector<5888x16xf32>, vector<16x24xf32>, vector<5888x24xf32> -> vector<5888x24xf32>
    %mul3A_37 = vector.broadcast %get3A_1 : vector<5888x1xf32> to vector<5888x24xf32>
    %mul3A_38 = arith.mulf %mul3A_37, %dot_general3A_36 : vector<5888x24xf32>
    %swap3A = arith.constant 0 : index
    %swap3A_39 = arith.constant 0 : index
    %swap3A_40 = vector.load %arg5[%swap3A, %swap3A_39] : memref<5888x24xf32, #tpu.memory_space<vmem>>, vector<5888x24xf32>
    tpu.vector_store %arg5[%swap3A, %swap3A_39], %mul3A_38 {strides = array<i32>} : memref<5888x24xf32, #tpu.memory_space<vmem>>, vector<5888x24xf32>,
    return
  }
}

module attributes {stable_mosaic.version = 14 : i64} {
  func.func @body(%arg0: memref<2x5888x24xf32, #tpu.memory_space<vmem>>, %arg1: memref<5888x24xf32, #tpu.memory_space<vmem>>, %arg2: memref<5888x16xf32, #tpu.memory_space<vmem>>, %arg3: memref<20xf32, #tpu.memory_space<vmem>>, %arg4: memref<20x10xf32, #tpu.memory_space<vmem>>, %arg5: memref<10xf32, #tpu.memory_space<vmem>>, %arg6: memref<5888x10xf32, #tpu.memory_space<vmem>>) attributes {dimension_semantics = [], scalar_prefetch = 0 : i64, scratch_operands = 0 : i64, tpu.core_type = #tpu.core_type<tc>} {
    %get3A = arith.constant 0 : index
    %get3A_0 = vector.load %arg3[%get3A] : memref<20xf32, #tpu.memory_space<vmem>>, vector<20xf32>
    %jit3A = arith.constant 0 : i32
    %convert_element_type3A = arith.sitofp %jit3A : i32 to f32
    %pad3A = vector.broadcast %convert_element_type3A : f32 to vector<4xf32>
    %pad3A_1 = tpu.concatenate %get3A_0, %pad3A in 0 : vector<20xf32>, vector<4xf32> -> vector<24xf32>
    %get3A_2 = arith.constant 0 : index
    %get3A_3 = arith.constant 0 : index
    %get3A_4 = vector.load %arg4[%get3A_2, %get3A_3] : memref<20x10xf32, #tpu.memory_space<vmem>>, vector<20x10xf32>
    %jit3A_5 = arith.constant 0 : i32
    %convert_element_type3A_6 = arith.sitofp %jit3A_5 : i32 to f32
    %pad3A_7 = vector.broadcast %convert_element_type3A_6 : f32 to vector<4x10xf32>
    %pad3A_8 = tpu.concatenate %get3A_4, %pad3A_7 in 0 : vector<20x10xf32>, vector<4x10xf32> -> vector<24x10xf32>
    %get3A_9 = arith.constant 0 : index
    %get3A_10 = arith.constant 0 : index
    %get3A_11 = vector.load %arg2[%get3A_9, %get3A_10] : memref<5888x16xf32, #tpu.memory_space<vmem>>, vector<5888x1xf32>
    %get3A_12 = arith.constant 0 : index
    %get3A_13 = arith.constant 0 : index
    %get3A_14 = arith.constant 0 : index
    %get3A_15 = vector.load %arg0[%get3A_12, %get3A_13, %get3A_14] : memref<2x5888x24xf32, #tpu.memory_space<vmem>>, vector<1x5888x24xf32>
    %get3A_16 = vector.shape_cast %get3A_15 : vector<1x5888x24xf32> to vector<5888x24xf32>
    %get3A_17 = arith.constant 1 : index
    %get3A_18 = arith.constant 0 : index
    %get3A_19 = arith.constant 0 : index
    %get3A_20 = vector.load %arg0[%get3A_17, %get3A_18, %get3A_19] : memref<2x5888x24xf32, #tpu.memory_space<vmem>>, vector<1x5888x24xf32>
    %get3A_21 = vector.shape_cast %get3A_20 : vector<1x5888x24xf32> to vector<5888x24xf32>
    %add3A = arith.addf %get3A_16, %get3A_21 : vector<5888x24xf32>
    %get3A_22 = arith.constant 0 : index
    %get3A_23 = arith.constant 0 : index
    %get3A_24 = vector.load %arg1[%get3A_22, %get3A_23] : memref<5888x24xf32, #tpu.memory_space<vmem>>, vector<5888x24xf32>
    %add3A_25 = arith.addf %add3A, %get3A_24 : vector<5888x24xf32>
    %mul3A = vector.broadcast %get3A_11 : vector<5888x1xf32> to vector<5888x24xf32>
    %mul3A_26 = arith.mulf %mul3A, %add3A_25 : vector<5888x24xf32>
    %broadcast_in_dim3A = vector.shape_cast %pad3A_1 : vector<24xf32> to vector<1x24xf32>
    %add3A_27 = vector.broadcast %broadcast_in_dim3A : vector<1x24xf32> to vector<5888x24xf32>
    %add3A_28 = arith.addf %mul3A_26, %add3A_27 : vector<5888x24xf32>
    %ge3A = arith.constant 0.000000e+00 : f32
    %ge3A_29 = vector.broadcast %ge3A : f32 to vector<5888x24xf32>
    %ge3A_30 = arith.cmpf oge, %add3A_28, %ge3A_29 : vector<5888x24xf32>
    %mul3A_31 = arith.constant 0.00999999977 : f32
    %mul3A_32 = vector.broadcast %mul3A_31 : f32 to vector<5888x24xf32>
    %mul3A_33 = arith.mulf %mul3A_32, %add3A_28 : vector<5888x24xf32>
    %select_n3A = arith.select %ge3A_30, %add3A_28, %mul3A_33 : vector<5888x24xi1>, vector<5888x24xf32>
    %dot_general3A = arith.constant dense<0.000000e+00> : vector<5888x10xf32>
    %dot_general3A_34 = tpu.matmul %select_n3A, %pad3A_8, %dot_general3A {dimension_numbers = #tpu.dot_dimension_numbers<[1], [0], [0], [1], [0, 0, 1, 1], [], []>, transpose_lhs_hint = false} : vector<5888x24xf32>, vector<24x10xf32>, vector<5888x10xf32> -> vector<5888x10xf32>
    %get3A_35 = arith.constant 0 : index
    %get3A_36 = vector.load %arg5[%get3A_35] : memref<10xf32, #tpu.memory_space<vmem>>, vector<10xf32>
    %broadcast_in_dim3A_37 = vector.shape_cast %get3A_36 : vector<10xf32> to vector<1x10xf32>
    %add3A_38 = vector.broadcast %broadcast_in_dim3A_37 : vector<1x10xf32> to vector<5888x10xf32>
    %add3A_39 = arith.addf %dot_general3A_34, %add3A_38 : vector<5888x10xf32>
    %ge3A_40 = arith.constant 0.000000e+00 : f32
    %ge3A_41 = vector.broadcast %ge3A_40 : f32 to vector<5888x10xf32>
    %ge3A_42 = arith.cmpf oge, %add3A_39, %ge3A_41 : vector<5888x10xf32>
    %mul3A_43 = arith.constant 0.00999999977 : f32
    %mul3A_44 = vector.broadcast %mul3A_43 : f32 to vector<5888x10xf32>
    %mul3A_45 = arith.mulf %mul3A_44, %add3A_39 : vector<5888x10xf32>
    %select_n3A_46 = arith.select %ge3A_42, %add3A_39, %mul3A_45 : vector<5888x10xi1>, vector<5888x10xf32>
    %swap3A = arith.constant 0 : index
    %swap3A_47 = arith.constant 0 : index
    %swap3A_48 = vector.load %arg6[%swap3A, %swap3A_47] : memref<5888x10xf32, #tpu.memory_space<vmem>>, vector<5888x10xf32>
    tpu.vector_store %arg6[%swap3A, %swap3A_47], %select_n3A_46 {strides = array<i32>} : memref<5888x10xf32, #tpu.memory_space<vmem>>, vector<5888x10xf32>,
    return
  }
}

module attributes {stable_mosaic.version = 14 : i64} {
  func.func @body(%arg0: memref<1x58500xf32, #tpu.memory_space<vmem>>, %arg1: memref<58500x100xf32, #tpu.memory_space<vmem>>, %arg2: memref<1x100xf32, #tpu.memory_space<vmem>>, %arg3: memref<1x100xf32, #tpu.memory_space<vmem>>) attributes {dimension_semantics = [], scalar_prefetch = 0 : i64, scratch_operands = 0 : i64, tpu.core_type = #tpu.core_type<tc>} {
    %get3A = arith.constant 0 : index
    %get3A_0 = arith.constant 0 : index
    %get3A_1 = vector.load %arg0[%get3A, %get3A_0] : memref<1x58500xf32, #tpu.memory_space<vmem>>, vector<1x58500xf32>
    %get3A_2 = arith.constant 0 : index
    %get3A_3 = arith.constant 0 : index
    %get3A_4 = vector.load %arg1[%get3A_2, %get3A_3] : memref<58500x100xf32, #tpu.memory_space<vmem>>, vector<58500x100xf32>
    %dot_general3A = arith.constant dense<0.000000e+00> : vector<1x100xf32>
    %dot_general3A_5 = tpu.matmul %get3A_1, %get3A_4, %dot_general3A {dimension_numbers = #tpu.dot_dimension_numbers<[1], [0], [0], [1], [0, 0, 1, 1], [], []>, transpose_lhs_hint = false} : vector<1x58500xf32>, vector<58500x100xf32>, vector<1x100xf32> -> vector<1x100xf32>
    %get3A_6 = arith.constant 0 : index
    %get3A_7 = arith.constant 0 : index
    %get3A_8 = vector.load %arg2[%get3A_6, %get3A_7] : memref<1x100xf32, #tpu.memory_space<vmem>>, vector<1x100xf32>
    %add3A = arith.addf %dot_general3A_5, %get3A_8 : vector<1x100xf32>
    %ge3A = arith.constant 0.000000e+00 : f32
    %ge3A_9 = vector.broadcast %ge3A : f32 to vector<1x100xf32>
    %ge3A_10 = arith.cmpf oge, %add3A, %ge3A_9 : vector<1x100xf32>
    %mul3A = arith.constant 0.00999999977 : f32
    %mul3A_11 = vector.broadcast %mul3A : f32 to vector<1x100xf32>
    %mul3A_12 = arith.mulf %mul3A_11, %add3A : vector<1x100xf32>
    %select_n3A = arith.select %ge3A_10, %add3A, %mul3A_12 : vector<1x100xi1>, vector<1x100xf32>
    %swap3A = arith.constant 0 : index
    %swap3A_13 = arith.constant 0 : index
    %swap3A_14 = vector.load %arg3[%swap3A, %swap3A_13] : memref<1x100xf32, #tpu.memory_space<vmem>>, vector<1x100xf32>
    tpu.vector_store %arg3[%swap3A, %swap3A_13], %select_n3A {strides = array<i32>} : memref<1x100xf32, #tpu.memory_space<vmem>>, vector<1x100xf32>,
    return
  }
}

</mosaic_0001>

<sc_bundles>
// kernel: kernel.11.cloned.1.call-start
scs
__scs_entry_jumppad:
0x0: {  	(pc) =	sbr.rel $0x88, $3  }
0x1: {  	(tag) =	ssettag $0x0;
	lr =	simm.s32 $0x1  }
0x2: {  	[smem:$0x3F97] =	sst lr;
	_ =	strace $0xD0000000  }
0x3: {  	_ = 	snop  }
0x4: {  	_ = 	snop  }
0x5: {  	_ = 	snop  }
0x6: {  	_ = 	snop  }
0x7: {  	_ = 	snop  }
__scs_overlays_trampoline_lowered:
0x8: {  	[smem:$0x3FA6] =	sst s0  }
0x9: {  	[smem:$0x3FA7] =	sst s1  }
0xa: {  	[smem:$0x3FA8] =	sst s2  }
0xb: {  	[smem:$0x3FA9] =	sst s3  }
0xc: {  	[smem:$0x3FAA] =	sst s4  }
0xd: {  	[smem:$0x3FAB] =	sst s5  }
0xe: {  	[smem:$0x3FAC] =	sst s6  }
0xf: {  	[smem:$0x3FAD] =	sst s7  }
0x10: {  	[smem:$0x3FAE] =	sst s8  }
0x11: {  	[smem:$0x3FAF] =	sst s9;
	s0 =	simm.s32 @!p0 $0x0  }
0x12: {  	s1 =	sld [smem:$0x3F95];
	s0 =	simm.s32 @p0 $0x1  }
0x13: {  	[smem:$0x3FB0] =	sst s0;
	s0 =	simm.s32 @!p1 $0x0  }
0x14: {  	s2 =	sld [smem:$0x3F94];
	s0 =	simm.s32 @p1 $0x1  }
0x15: {  	[smem:$0x3FB1] =	sst s0;
	s0 =	simm.s32 @!p2 $0x0  }
0x16: {  	s3 =	sld [smem:$0x3FDB];
	s0 =	simm.s32 @p2 $0x1  }
0x17: {  	s4 =	simm.s32 $0x1BF5;
	[smem:$0x3FB3] =	sst s0  }
0x18: {  	s0 =	sld [smem:$0x3F96];
	_ =	swait.ge [sflag:s4], $0x0  }
0x19: {  	s7 =	sld [smem:$0x3F97]  }
0x1a: {  	s8 =	sadd.s32 $0xFFFFE003, lr  }
0x1b: {  	s9 =	sadd.s32 $0xFFFFFEF7, lr;
	s5 =	simm.s32 $0xFFFFFFFF;
	p2 =	slt.u32 s8, $0xFFFFF086  }
0x1c: {  	p1 =	slt.u32 s9, $0xF7A;
	s5 =	simm.s32 @!p2 $0x0  }
0x1d: {  	s5 =	simm.s32 @p1 $0x1;
	p0 =	seq.s32 s7, s2  }
0x1e: {  	s7 =	smul.u32 @!p0 $0xF7A, s2;
	p2 =	seq.s32 @!p0 s5, $0x0  }
0x1f: {  	s9 =	smul.u32 $0xF7A, s1;
	s8 =	simm.s32 @!p0 $0x1BF5;
	p2 =	por !p2, p0  }
0x20: {  	[sflag:s8] =	ssyncset.s32 @!p0 $0xFFFFF086;
	s6 =	sadd.s32 @!p0 s3, s7;
	s7 =	simm.s32 @!p0 $0x108  }
0x21: {  	s3 =	sadd.s32 s3, s9;
	s6 =	sadd.s32 @!p0 $0x88, s6;
	s7 =	simm.s32 @p2 $0x1082  }
0x22: {  	[simem:s7], [sflag:s8] =	dma.local @!p0 [hbm:s6], $0xF7A  }
0x23: {  	s9 =	sor.u32 $0xD0000000, s2;
	s6 =	simm.s32 $0x108;
	_ =	swait.ge @!p0 [sflag:s8], $0x0  }
0x24: {  	s3 =	sadd.s32 $0x88, s3;
	s6 =	simm.s32 @!p1 $0x1082;
	[sflag:s4] =	ssyncset.s32 $0xFFFFF086  }
0x25: {  	[simem:s6], [sflag:s4] =	dma.local [hbm:s3], $0xF7A  }
0x26: {  	[smem:$0x3F97] =	sst s1;
	(tag) =	ssettag s2;
	_ =	strace s9  }
0x27: {  	s1 =	sld [smem:$0x3FA7]  }
0x28: {  	s2 =	sld [smem:$0x3FA8]  }
0x29: {  	s4 =	sld [smem:$0x3FAA]  }
0x2a: {  	p0 =	seq.s32 s5, $0x0;
	s5 =	sld [smem:$0x3FAB]  }
0x2b: {  	s6 =	sld [smem:$0x3FAC]  }
0x2c: {  	s7 =	sld [smem:$0x3FAD]  }
0x2d: {  	s3 =	simm.s32 $0x108;
	s8 =	sld [smem:$0x3FAE]  }
0x2e: {  	s3 =	simm.s32 @!p0 $0x1082;
	s9 =	sld [smem:$0x3FAF]  }
0x2f: {  	lr =	sadd.s32 s0, s3;
	s0 =	sld [smem:$0x3FA6]  }
0x30: {  	s3 =	sld [smem:$0x3FA9]  }
0x31: {  	[smem:$0x3FB2] =	sst s10  }
0x32: {  	s10 =	sld [smem:$0x3FB0];
	_ =	sdelay $0x3  }
0x33: {  	p0 =	seq.s32 s10, $0x1;
	s10 =	sld [smem:$0x3FB2];
	_ =	sdelay $0x3  }
0x34: {  	[smem:$0x3FB2] =	sst s10  }
0x35: {  	s10 =	sld [smem:$0x3FB1];
	_ =	sdelay $0x3  }
0x36: {  	p1 =	seq.s32 s10, $0x1;
	s10 =	sld [smem:$0x3FB2];
	_ =	sdelay $0x3  }
0x37: {  	[smem:$0x3FB2] =	sst s10  }
0x38: {  	s10 =	sld [smem:$0x3FB3]  }
0x39: {  	_ = 	snop;
	(pc) =	sbr.ind lr, $3  }
0x3a: {  	_ = 	snop  }
0x3b: {  	_ = 	snop  }
0x3c: {  	p2 =	seq.s32 s10, $0x1;
	s10 =	sld [smem:$0x3FB2]  }
0x3d: {  	_ =	shalt  }
0x3e: {  	_ =	shalt  }
0x3f: {  	_ =	shalt  }
0x40: {  	_ =	shalt  }
0x41: {  	_ =	shalt  }
0x42: {  	_ =	shalt  }
0x43: {  	_ =	shalt  }
0x44: {  	_ =	shalt  }
0x45: {  	_ =	shalt  }
0x46: {  	_ =	shalt  }
0x47: {  	_ =	shalt  }
0x48: {  	_ =	shalt  }
0x49: {  	_ =	shalt  }
0x4a: {  	_ =	shalt  }
0x4b: {  	_ =	shalt  }
0x4c: {  	_ =	shalt  }
0x4d: {  	_ =	shalt  }
0x4e: {  	_ =	shalt  }
0x4f: {  	_ =	shalt  }
0x50: {  	_ =	shalt  }
0x51: {  	_ =	shalt  }
0x52: {  	_ =	shalt  }
0x53: {  	_ =	shalt  }
0x54: {  	_ =	shalt  }
0x55: {  	_ =	shalt  }
0x56: {  	_ =	shalt  }
0x57: {  	_ =	shalt  }
0x58: {  	_ =	shalt  }
0x59: {  	_ =	shalt  }
0x5a: {  	_ =	shalt  }
0x5b: {  	_ =	shalt  }
0x5c: {  	_ =	shalt  }
0x5d: {  	_ =	shalt  }
0x5e: {  	_ =	shalt  }
0x5f: {  	_ =	shalt  }
0x60: {  	_ =	shalt  }
0x61: {  	_ =	shalt  }
0x62: {  	_ =	shalt  }
0x63: {  	_ =	shalt  }
0x64: {  	_ =	shalt  }
0x65: {  	_ =	shalt  }
0x66: {  	_ =	shalt  }
0x67: {  	_ =	shalt  }
0x68: {  	_ =	shalt  }
0x69: {  	_ =	shalt  }
0x6a: {  	_ =	shalt  }
0x6b: {  	_ =	shalt  }
0x6c: {  	_ =	shalt  }
0x6d: {  	_ =	shalt  }
0x6e: {  	_ =	shalt  }
0x6f: {  	_ =	shalt  }
0x70: {  	_ =	shalt  }
0x71: {  	_ =	shalt  }
0x72: {  	_ =	shalt  }
0x73: {  	_ =	shalt  }
0x74: {  	_ =	shalt  }
0x75: {  	_ =	shalt  }
0x76: {  	_ =	shalt  }
0x77: {  	_ =	shalt  }
0x78: {  	_ =	shalt  }
0x79: {  	_ =	shalt  }
0x7a: {  	_ =	shalt  }
0x7b: {  	_ =	shalt  }
0x7c: {  	_ =	shalt  }
0x7d: {  	_ =	shalt  }
0x7e: {  	_ =	shalt  }
0x7f: {  	_ =	shalt  }
0x80: {  	_ =	shalt  }
0x81: {  	_ =	shalt  }
0x82: {  	_ =	shalt  }
0x83: {  	_ =	shalt  }
0x84: {  	_ =	shalt  }
0x85: {  	_ =	shalt  }
0x86: {  	_ =	shalt  }
0x87: {  	_ =	shalt  }
.Lfunc_end0:
.L_simem_size_0:
called_computation.1_lowered:
.L_overlay_start_0:
0x88: {  	s2 =	sld [smem:$0x3FD9]  }
0x89: {  	s3 =	sld [smem:$0x3FFE];
	_ =	sdelay $0x1  }
0x8a: {  	s1 =	srdreg.scid  }
0x8b: {  	s0 =	sand.u32 $0x1, s1  }
0x8c: {  	s16 =	sshll.u32 s0, $0xA;
	s2 =	sadd.s32 s3, s2  }
0x8d: {  	s2 =	sadd.s32 s2, s16  }
0x8e: {  	[smem:$0x3FBE] =	sst s2  }
0x8f: {  	_ = 	snop  }
0x90: {  	(tm) =	ssettm $0x1  }
0x91: {  	s17 =	sld [smem:$0x3FFB];
	_ =	sdelay $0x3  }
0x92: {  	_ =	strace s17  }
0x93: {  	s2 =	sld [smem:$0x3FFC];
	_ =	sdelay $0x3  }
0x94: {  	_ =	strace s2  }
0x95: {  	s2 =	sld [smem:$0x3FFD];
	_ =	sdelay $0x3  }
0x96: {  	_ =	strace s2  }
0x97: {  	_ =	strace $0x8FFFFFFF  }
0x98: {  	s18 =	sld [smem:$0x3FDB];
	_ =	sdelay $0x1  }
0x99: {  	s19 =	simm.s32 $_scs_section_size  }
0x9a: {  	s4 =	simm.s32 $_size__tile_overlayer_lowered;
	s5 =	simm.s32 $_tile_overlayer_lowered  }
0x9b: {  	s22 =	simm.s32 $0x1BFF;
	s21 =	sshll.u32 s5, $0x1;
	s2 =	sadd.s32 s19, s18  }
0x9c: {  	s6 =	simm.s32 $0x0;
	s20 =	sshll.u32 s4, $0x1;
	s4 =	sadd.s32 s21, s2  }
0x9d: {  	[timem:s6], [sflag:s22] =	dma.local [hbm:s4], s20  }
0x9e: {  	_ =	swait.ge [sflag:s22], s20  }
0x9f: {  	s3 =	ssub.s32 $0x0, s20;
	[sflag:s22] =	ssyncset.done $0x0  }
0xa0: {  	[sflag:s22] =	ssyncadd.s32 s3;
	_ =	sdelay $0x1  }
0xa1: {  	s23 =	simm.s32 $0x1B8B  }
0xa2: {  	_ =	swait.ge [sflag:s23], $0x1  }
0xa3: {  	[sflag:s23] =	ssyncset.done $0x0  }
0xa4: {  	s25 =	simm.s32 $0x1B8E;
	s24 =	sld [smem:$0x3FFE];
	[sflag:s23] =	ssyncadd.s32 $0xFFFFFFFF  }
0xa5: {  	s26 =	simm.s32 $execute0_lowered;
	[smem:$0x3FD2] =	sst s25  }
0xa6: {  	s4 =	sshll.u32 s26, $0x1;
	_ =	strace $0x80000049;
	[dreg:$0x1] =	wrdreg $0xFFFFFFFF  }
0xa7: {  	s28 =	simm.s32 $_size_execute0_lowered;
	s2 =	sadd.s32 s2, s4;
	[dreg:$0x0] =	wrdreg $0x0  }
0xa8: {  	s4 =	sshll.u32 s28, $0x1;
	[dreg:$0x2] =	wrdreg s2  }
0xa9: {  	[dreg:$0x3] =	wrdreg s4  }
0xaa: {  	[dreg:$0x4] =	wrdreg $0xC0  }
0xab: {  	_ =	task [dreg:s6], $0x5FFFF  }
0xac: {  	[dreg:$0x1] =	wrdreg $0xFFFFFFFF  }
0xad: {  	[dreg:$0x0] =	wrdreg $0x60  }
0xae: {  	[dreg:$0x2] =	wrdreg s24  }
0xaf: {  	[dreg:$0x3] =	wrdreg $0x14D800  }
0xb0: {  	[dreg:$0x4] =	wrdreg $0x12B000  }
0xb1: {  	[dreg:$0x5] =	wrdreg $0x9  }
0xb2: {  	_ =	task.clear_ibuf [dreg:s6], $0x6FFFF;
	_ =	strace $0x90000049  }
0xb3: {  	s29 =	simm.s32 $0x9;
	_ =	strace $0x8000004B  }
0xb4: {  	_ =	swait.ge [sflag:s29], $0x1  }
0xb5: {  	[sflag:s29] =	ssyncadd.s32 $0xFFFFFFFF  }
0xb6: {  	_ =	strace $0x9000004B  }
0xb7: {  	_ =	sfence  }
0xb8: {  	s30 =	sld [smem:$0x0];
	_ =	sdelay $0x2  }
0xb9: {  	s31 =	sshll.u32 s1, $0xD;
	s1 =	sshrl.u32 s1, $0x2  }
0xba: {  	s3 =	sand.u32 $0x4000, s31;
	s1 =	sadd.s32 s1, s30  }
0xbb: {  	s0 =	sor.u32 s3, s0;
	s1 =	sshll.u32 s1, $0x11  }
0xbc: {  	s0 =	sor.u32 s1, s0  }
0xbd: {  	s0 =	sadd.s32 $0x8F2B, s0  }
0xbe: {  	[sflag:s0] =	ssyncadd.remote.s32 $0x1  }
0xbf: {  	_ =	sfence.sel $0xFFFF  }
0xc0: {  	[dreg:$0x0] =	wrdreg $0xFFFFFFFF;
	(pc) =	sbr.abs _section_cstart, $3  }
0xc1: {  	[dreg:$0x1] =	wrdreg $0xFFFFFFFF  }
0xc2: {  	_ =	task.clear_ibuf [dreg:s6], $0x2FFFF;
	_ =	strace $0x9FFFFFFF  }
0xc3: {  	(tm) =	ssettm $0x7FFFFFFF  }
tec
execute0_lowered:
.L_overlay_start_1:
0x0: {  	(tag) =	ssettag $0x1  }
0x1: {  	s0 =	rddreg [dreg:$0x0]  }
0x2: {  	s2 =	rddreg [dreg:$0x1]  }
0x3: {  	s1 =	srdreg.scid;
	s3 =	rddreg [dreg:$0x2];
	s4 =	simm.s32 $0x0  }
0x4: {  	s10 =	sand.u32 $0x1, s1;
	[smem:$0x7FF] =	sst s4  }
0x5: {  	s8 =	sadd.s32 $0x1800, s0;
	[smem:$0x7FA] =	sst s10  }
0x6: {  	s11 =	simm.s32 $0x100;
	_ =	strace $0x8000004A;
	[dreg:$0x4] =	wrdreg s8  }
0x7: {  	s12 =	simm.s32 $0x180;
	[dreg:$0x9] =	wrdreg s11  }
0x8: {  	s13 =	simm.s32 $0x200;
	[dreg:$0xa] =	wrdreg s12  }
0x9: {  	s14 =	simm.s32 $0x280;
	[dreg:$0xb] =	wrdreg s13  }
0xa: {  	s15 =	simm.s32 $0x300;
	[dreg:$0xc] =	wrdreg s14  }
0xb: {  	s16 =	simm.s32 $0x380;
	[dreg:$0xd] =	wrdreg s15  }
0xc: {  	s17 =	simm.s32 $0x400;
	[dreg:$0xe] =	wrdreg s16  }
0xd: {  	s18 =	simm.s32 $0x480;
	[dreg:$0xf] =	wrdreg s17  }
0xe: {  	s19 =	simm.s32 $0x500;
	[dreg:$0x10] =	wrdreg s18  }
0xf: {  	s20 =	simm.s32 $0x580;
	[dreg:$0x11] =	wrdreg s19  }
0x10: {  	s21 =	simm.s32 $0x600;
	[dreg:$0x12] =	wrdreg s20  }
0x11: {  	s22 =	simm.s32 $0x680;
	[dreg:$0x13] =	wrdreg s21  }
0x12: {  	s23 =	simm.s32 $0x700;
	[dreg:$0x14] =	wrdreg s22  }
0x13: {  	s24 =	simm.s32 $0x780;
	[dreg:$0x15] =	wrdreg s23  }
0x14: {  	s25 =	simm.s32 $0x800;
	[dreg:$0x16] =	wrdreg s24  }
0x15: {  	s26 =	simm.s32 $0x880;
	[dreg:$0x17] =	wrdreg s25  }
0x16: {  	s28 =	simm.s32 $0x900;
	[dreg:$0x18] =	wrdreg s26  }
0x17: {  	s29 =	simm.s32 $0x980;
	[dreg:$0x19] =	wrdreg s28  }
0x18: {  	[dreg:$0x1a] =	wrdreg s29;
	s11 =	simm.s32 $0xC80  }
0x19: {  	s12 =	simm.s32 $0xD00;
	[dreg:$0x1f] =	wrdreg s11  }
0x1a: {  	s13 =	simm.s32 $0xD80;
	[smem:$0x7E6] =	sst s12  }
0x1b: {  	s14 =	simm.s32 $0xE00;
	[smem:$0x7E7] =	sst s13  }
0x1c: {  	s15 =	simm.s32 $0xE80;
	[smem:$0x7E8] =	sst s14  }
0x1d: {  	s16 =	simm.s32 $0xF00;
	[smem:$0x7E9] =	sst s15  }
0x1e: {  	s17 =	simm.s32 $0xF80;
	[smem:$0x7EA] =	sst s16  }
0x1f: {  	s18 =	simm.s32 $0x1000;
	[smem:$0x7EB] =	sst s17  }
0x20: {  	s19 =	simm.s32 $0x1080;
	[smem:$0x7EC] =	sst s18  }
0x21: {  	s20 =	simm.s32 $0x1100;
	[smem:$0x7ED] =	sst s19  }
0x22: {  	s21 =	simm.s32 $0x1180;
	[smem:$0x7EE] =	sst s20  }
0x23: {  	s22 =	simm.s32 $0x1200;
	[smem:$0x7EF] =	sst s21  }
0x24: {  	s23 =	simm.s32 $0x1280;
	[smem:$0x7F0] =	sst s22  }
0x25: {  	s24 =	simm.s32 $0x1300;
	[smem:$0x7F1] =	sst s23  }
0x26: {  	s9 =	stileid.u32;
	s25 =	simm.s32 $0x1380;
	[smem:$0x7F2] =	sst s24  }
0x27: {  	s5 =	smul.u32 $0x2280, s9;
	s26 =	simm.s32 $0x1400;
	[smem:$0x7F3] =	sst s25  }
0x28: {  	s28 =	simm.s32 $0x1480;
	[smem:$0x7F4] =	sst s26  }
0x29: {  	s1 =	sshll.u32 s10, $0x4;
	s31 =	sadd.s32 s5, s3;
	[smem:$0x7F5] =	sst s28  }
0x2a: {  	s6 =	sor.u32 s9, s1;
	s8 =	sshrl.u32 s31, $0x3;
	s12 =	rddreg [dreg:$0x4]  }
0x2b: {  	s1 =	sshrl.u32 s5, $0x3;
	s31 =	simm.s32 $0xA80;
	[dreg:$0x8] =	wrdreg s8  }
0x2c: {  	s7 =	sadd.s32 s1, s0;
	s11 =	simm.s32 $0x1680;
	[dreg:$0x1c] =	wrdreg s31  }
0x2d: {  	s7 =	sadd.s32 $0xA200, s7;
	[smem:$0x7F9] =	sst s11  }
0x2e: {  	s6 =	smul.u32 $0x170, s6;
	s8 =	simm.s32 $0xC00;
	[dreg:$0x5] =	wrdreg s7  }
0x2f: {  	s31 =	simm.s32 $0x1580;
	[dreg:$0x1e] =	wrdreg s8  }
0x30: {  	s6 =	sadd.s32 s6, s0;
	s7 =	simm.s32 $0xB00;
	[smem:$0x7F7] =	sst s31  }
0x31: {  	s29 =	smul.u32 $0x4500, s10;
	s30 =	sadd.s32 $0x7400, s6;
	[dreg:$0x1d] =	wrdreg s7  }
0x32: {  	s10 =	sshll.u32 s9, $0x6;
	s6 =	sadd.s32 $0x4600, s6;
	[dreg:$0x6] =	wrdreg s30  }
0x33: {  	s0 =	sadd.s32 s29, s0;
	s7 =	simm.s32 $0x1600;
	[dreg:$0x7] =	wrdreg s6  }
0x34: {  	s0 =	sadd.s32 $0xE800, s0;
	s30 =	simm.s32 $0xA00;
	[smem:$0x7F8] =	sst s7  }
0x35: {  	s8 =	sadd.s32 s5, s2;
	s0 =	sadd.s32 s1, s0;
	[dreg:$0x1b] =	wrdreg s30  }
0x36: {  	s31 =	sor.u32 $0x1C03, s10;
	s30 =	simm.s32 $0x1500;
	[smem:$0x7FB] =	sst s0  }
0x37: {  	s5 =	sshrl.u32 s8, $0x3;
	s6 =	simm.s32 $0x3;
	[smem:$0x7F6] =	sst s30  }
0x38: {  	[spmem:s5], [sflag:s31] =	dma.local [hbm:s12], $0x450  }
0x39: {  	_ =	swait.ge [sflag:s6], $0x450  }
0x3a: {  	s13 =	rddreg [dreg:$0x5];
	[sflag:s6] =	ssyncset.done $0x0  }
0x3b: {  	s14 =	rddreg [dreg:$0x8];
	[sflag:s6] =	ssyncadd.s32 $0xFFFFFBB0  }
0x3c: {  	[spmem:s14], [sflag:s31] =	dma.local [hbm:s13], $0x450  }
0x3d: {  	_ =	swait.ge [sflag:s6], $0x450  }
0x3e: {  	[sflag:s6] =	ssyncset.done $0x0  }
0x3f: {  	s15 =	rddreg [dreg:$0x6];
	[sflag:s6] =	ssyncadd.s32 $0xFFFFFBB0  }
0x40: {  	[tilespmem:s4], [sflag:$0x3] =	stream.linear.gather [hbm4b:s15+s4], $0xB80, $0x38;
	[tilespmem:$0x17000] =	vst v63  }
0x41: {  	_ =	swait.ge [sflag:s6], $0xB80  }
0x42: {  	[sflag:s6] =	ssyncset.done $0x0  }
0x43: {  	s17 =	simm.s32 $0xB80;
	s16 =	rddreg [dreg:$0x7];
	[sflag:s6] =	ssyncadd.s32 $0xFFFFF480  }
0x44: {  	[tilespmem:s17], [sflag:$0x3] =	stream.linear.gather [hbm4b:s16+s4], $0xB80, $0x38;
	[tilespmem:$0x17000] =	vst v63  }
0x45: {  	_ =	swait.ge [sflag:s6], $0xB80  }
0x46: {  	[sflag:s6] =	ssyncset.done $0x0  }
0x47: {  	[sflag:s6] =	ssyncadd.s32 $0xFFFFF480  }
0x48: {  	s9 =	simm.s32 $0x80;
	s18 =	simm.s32 $0x1700;
	[bflag:$0x0] =	sbarrier.arrive $0xFFFF  }
0x49: {  	[tilespmem:s18], [sflag:$0x1] =	stream.indirect.gather [spmem:s3], $0x18, s4, s9, $0xb8;
	[tilespmem:$0x17000] =	vst v63  }
0x4a: {  	s19 =	simm.s32 $0x2300  }
0x4b: {  	[tilespmem:s19], [sflag:$0x1] =	stream.indirect.gather [spmem:s3], $0x18, s9, s9, $0xb8;
	[tilespmem:$0x17000] =	vst v63  }
0x4c: {  	s14 =	simm.s32 $0x2F00;
	s20 =	rddreg [dreg:$0x9]  }
0x4d: {  	[tilespmem:s14], [sflag:$0x1] =	stream.indirect.gather [spmem:s3], $0x18, s20, s9, $0xb8;
	[tilespmem:$0x17000] =	vst v63  }
0x4e: {  	s15 =	simm.s32 $0x3B00;
	s21 =	rddreg [dreg:$0xa]  }
0x4f: {  	[tilespmem:s15], [sflag:$0x1] =	stream.indirect.gather [spmem:s3], $0x18, s21, s9, $0xb8;
	[tilespmem:$0x17000] =	vst v63  }
0x50: {  	s16 =	simm.s32 $0x4700;
	s22 =	rddreg [dreg:$0xb]  }
0x51: {  	[tilespmem:s16], [sflag:$0x1] =	stream.indirect.gather [spmem:s3], $0x18, s22, s9, $0xb8;
	[tilespmem:$0x17000] =	vst v63  }
0x52: {  	s17 =	simm.s32 $0x5300;
	s23 =	rddreg [dreg:$0xc]  }
0x53: {  	[tilespmem:s17], [sflag:$0x1] =	stream.indirect.gather [spmem:s3], $0x18, s23, s9, $0xb8;
	[tilespmem:$0x17000] =	vst v63  }
0x54: {  	s24 =	rddreg [dreg:$0xd];
	s18 =	simm.s32 $0x5F00  }
0x55: {  	[tilespmem:s18], [sflag:$0x1] =	stream.indirect.gather [spmem:s3], $0x18, s24, s9, $0xb8;
	[tilespmem:$0x17000] =	vst v63  }
0x56: {  	s25 =	rddreg [dreg:$0xe];
	s19 =	simm.s32 $0x6B00  }
0x57: {  	[tilespmem:s19], [sflag:$0x1] =	stream.indirect.gather [spmem:s3], $0x18, s25, s9, $0xb8;
	[tilespmem:$0x17000] =	vst v63  }
0x58: {  	s26 =	rddreg [dreg:$0xf];
	s20 =	simm.s32 $0x7700  }
0x59: {  	[tilespmem:s20], [sflag:$0x1] =	stream.indirect.gather [spmem:s3], $0x18, s26, s9, $0xb8;
	[tilespmem:$0x17000] =	vst v63  }
0x5a: {  	s28 =	rddreg [dreg:$0x10];
	s21 =	simm.s32 $0x8300  }
0x5b: {  	[tilespmem:s21], [sflag:$0x1] =	stream.indirect.gather [spmem:s3], $0x18, s28, s9, $0xb8;
	[tilespmem:$0x17000] =	vst v63  }
0x5c: {  	s29 =	rddreg [dreg:$0x11];
	s22 =	simm.s32 $0x8F00  }
0x5d: {  	[tilespmem:s22], [sflag:$0x1] =	stream.indirect.gather [spmem:s3], $0x18, s29, s9, $0xb8;
	[tilespmem:$0x17000] =	vst v63  }
0x5e: {  	s30 =	rddreg [dreg:$0x12];
	s23 =	simm.s32 $0x9B00  }
0x5f: {  	[tilespmem:s23], [sflag:$0x1] =	stream.indirect.gather [spmem:s3], $0x18, s30, s9, $0xb8;
	[tilespmem:$0x17000] =	vst v63  }
0x60: {  	s4 =	rddreg [dreg:$0x13];
	s24 =	simm.s32 $0xA700  }
0x61: {  	[tilespmem:s24], [sflag:$0x1] =	stream.indirect.gather [spmem:s3], $0x18, s4, s9, $0xb8;
	[tilespmem:$0x17000] =	vst v63  }
0x62: {  	s7 =	rddreg [dreg:$0x14];
	s25 =	simm.s32 $0xB300  }
0x63: {  	[tilespmem:s25], [sflag:$0x1] =	stream.indirect.gather [spmem:s3], $0x18, s7, s9, $0xb8;
	[tilespmem:$0x17000] =	vst v63  }
0x64: {  	s8 =	rddreg [dreg:$0x15];
	s26 =	simm.s32 $0xBF00  }
0x65: {  	[tilespmem:s26], [sflag:$0x1] =	stream.indirect.gather [spmem:s3], $0x18, s8, s9, $0xb8;
	[tilespmem:$0x17000] =	vst v63  }
0x66: {  	s10 =	rddreg [dreg:$0x16];
	s28 =	simm.s32 $0xCB00  }
0x67: {  	[tilespmem:s28], [sflag:$0x1] =	stream.indirect.gather [spmem:s3], $0x18, s10, s9, $0xb8;
	[tilespmem:$0x17000] =	vst v63  }
0x68: {  	s11 =	rddreg [dreg:$0x17];
	s29 =	simm.s32 $0xD700  }
0x69: {  	[tilespmem:s29], [sflag:$0x1] =	stream.indirect.gather [spmem:s3], $0x18, s11, s9, $0xb8;
	[tilespmem:$0x17000] =	vst v63  }
0x6a: {  	s12 =	rddreg [dreg:$0x18];
	s30 =	simm.s32 $0xE300  }
0x6b: {  	[tilespmem:s30], [sflag:$0x1] =	stream.indirect.gather [spmem:s3], $0x18, s12, s9, $0xb8;
	[tilespmem:$0x17000] =	vst v63  }
0x6c: {  	s13 =	rddreg [dreg:$0x19];
	s12 =	simm.s32 $0xEF00  }
0x6d: {  	[tilespmem:s12], [sflag:$0x1] =	stream.indirect.gather [spmem:s3], $0x18, s13, s9, $0xb8;
	[tilespmem:$0x17000] =	vst v63  }
0x6e: {  	s4 =	rddreg [dreg:$0x1a];
	s7 =	simm.s32 $0xFB00  }
0x6f: {  	[tilespmem:s7], [sflag:$0x1] =	stream.indirect.gather [spmem:s3], $0x18, s4, s9, $0xb8;
	[tilespmem:$0x17000] =	vst v63  }
0x70: {  	s8 =	rddreg [dreg:$0x1b];
	s4 =	simm.s32 $0x10700  }
0x71: {  	[tilespmem:s4], [sflag:$0x1] =	stream.indirect.gather [spmem:s3], $0x18, s8, s9, $0xb8;
	[tilespmem:$0x17000] =	vst v63  }
0x72: {  	s1 =	simm.s32 $0x11300;
	s10 =	rddreg [dreg:$0x1c]  }
0x73: {  	[tilespmem:s1], [sflag:$0x1] =	stream.indirect.gather [spmem:s3], $0x18, s10, s9, $0xb8;
	[tilespmem:$0x17000] =	vst v63  }
0x74: {  	s0 =	simm.s32 $0x11F00;
	s11 =	rddreg [dreg:$0x1d];
	s8 =	simm.s32 $0x1  }
0x75: {  	[tilespmem:s0], [sflag:$0x1] =	stream.indirect.gather [spmem:s3], $0x18, s11, s9, $0xb8;
	[tilespmem:$0x17000] =	vst v63  }
0x76: {  	_ =	swait.ge [sflag:s8], $0xC00  }
0x77: {  	[sflag:s8] =	ssyncset.done $0x0  }
0x78: {  	[sflag:s8] =	ssyncadd.s32 $0xFFFFF400  }
0x79: {  	_ =	swait.ge [sflag:s8], $0xC00  }
0x7a: {  	[sflag:s8] =	ssyncset.done $0x0  }
0x7b: {  	[sflag:s8] =	ssyncadd.s32 $0xFFFFF400  }
0x7c: {  	_ =	swait.ge [sflag:s8], $0xC00  }
0x7d: {  	[sflag:s8] =	ssyncset.done $0x0  }
0x7e: {  	[sflag:s8] =	ssyncadd.s32 $0xFFFFF400  }
0x7f: {  	_ =	swait.ge [sflag:s8], $0xC00  }
0x80: {  	[sflag:s8] =	ssyncset.done $0x0  }
0x81: {  	[sflag:s8] =	ssyncadd.s32 $0xFFFFF400  }
0x82: {  	_ =	swait.ge [sflag:s8], $0xC00  }
0x83: {  	[sflag:s8] =	ssyncset.done $0x0  }
0x84: {  	[sflag:s8] =	ssyncadd.s32 $0xFFFFF400  }
0x85: {  	_ =	swait.ge [sflag:s8], $0xC00  }
0x86: {  	[sflag:s8] =	ssyncset.done $0x0  }
0x87: {  	[sflag:s8] =	ssyncadd.s32 $0xFFFFF400  }
0x88: {  	_ =	swait.ge [sflag:s8], $0xC00  }
0x89: {  	[sflag:s8] =	ssyncset.done $0x0  }
0x8a: {  	[sflag:s8] =	ssyncadd.s32 $0xFFFFF400  }
0x8b: {  	_ =	swait.ge [sflag:s8], $0xC00  }
0x8c: {  	[sflag:s8] =	ssyncset.done $0x0  }
0x8d: {  	[sflag:s8] =	ssyncadd.s32 $0xFFFFF400  }
0x8e: {  	_ =	swait.ge [sflag:s8], $0xC00  }
0x8f: {  	[sflag:s8] =	ssyncset.done $0x0  }
0x90: {  	[sflag:s8] =	ssyncadd.s32 $0xFFFFF400  }
0x91: {  	_ =	swait.ge [sflag:s8], $0xC00  }
0x92: {  	[sflag:s8] =	ssyncset.done $0x0  }
0x93: {  	[sflag:s8] =	ssyncadd.s32 $0xFFFFF400  }
0x94: {  	_ =	swait.ge [sflag:s8], $0xC00  }
0x95: {  	[sflag:s8] =	ssyncset.done $0x0  }
0x96: {  	[sflag:s8] =	ssyncadd.s32 $0xFFFFF400  }
0x97: {  	_ =	swait.ge [sflag:s8], $0xC00  }
0x98: {  	[sflag:s8] =	ssyncset.done $0x0  }
0x99: {  	[sflag:s8] =	ssyncadd.s32 $0xFFFFF400  }
0x9a: {  	_ =	swait.ge [sflag:s8], $0xC00  }
0x9b: {  	[sflag:s8] =	ssyncset.done $0x0  }
0x9c: {  	[sflag:s8] =	ssyncadd.s32 $0xFFFFF400  }
0x9d: {  	_ =	swait.ge [sflag:s8], $0xC00  }
0x9e: {  	[sflag:s8] =	ssyncset.done $0x0  }
0x9f: {  	[sflag:s8] =	ssyncadd.s32 $0xFFFFF400  }
0xa0: {  	_ =	swait.ge [sflag:s8], $0xC00  }
0xa1: {  	[sflag:s8] =	ssyncset.done $0x0  }
0xa2: {  	[sflag:s8] =	ssyncadd.s32 $0xFFFFF400  }
0xa3: {  	_ =	swait.ge [sflag:s8], $0xC00  }
0xa4: {  	[sflag:s8] =	ssyncset.done $0x0  }
0xa5: {  	[sflag:s8] =	ssyncadd.s32 $0xFFFFF400  }
0xa6: {  	_ =	swait.ge [sflag:s8], $0xC00  }
0xa7: {  	[sflag:s8] =	ssyncset.done $0x0  }
0xa8: {  	[sflag:s8] =	ssyncadd.s32 $0xFFFFF400  }
0xa9: {  	_ =	swait.ge [sflag:s8], $0xC00  }
0xaa: {  	[sflag:s8] =	ssyncset.done $0x0  }
0xab: {  	[sflag:s8] =	ssyncadd.s32 $0xFFFFF400  }
0xac: {  	_ =	swait.ge [sflag:s8], $0xC00  }
0xad: {  	[sflag:s8] =	ssyncset.done $0x0  }
0xae: {  	[sflag:s8] =	ssyncadd.s32 $0xFFFFF400  }
0xaf: {  	_ =	swait.ge [sflag:s8], $0xC00  }
0xb0: {  	[sflag:s8] =	ssyncset.done $0x0  }
0xb1: {  	[sflag:s8] =	ssyncadd.s32 $0xFFFFF400  }
0xb2: {  	_ =	swait.ge [sflag:s8], $0xC00  }
0xb3: {  	[sflag:s8] =	ssyncset.done $0x0  }
0xb4: {  	[sflag:s8] =	ssyncadd.s32 $0xFFFFF400  }
0xb5: {  	_ =	swait.ge [sflag:s8], $0xC00  }
0xb6: {  	[sflag:s8] =	ssyncset.done $0x0  }
0xb7: {  	[sflag:s8] =	ssyncadd.s32 $0xFFFFF400  }
0xb8: {  	_ =	swait.ge [sflag:s8], $0xC00  }
0xb9: {  	s13 =	simm.s32 $0x1700;
	[sflag:s8] =	ssyncset.done $0x0  }
0xba: {  	s11 =	simm.s32 $0xB80;
	s10 =	rddreg [dreg:$0x1e];
	[sflag:s8] =	ssyncadd.s32 $0xFFFFF400  }
0xbb: {  	[spmem:s2] =	stream.indirect.scatter.add.f32 [tilespmem:s13], [sflag:$0x2], $0x18, s11, s9, $0xb8;
	[tilespmem:$0x17000] =	vst v63  }
0xbc: {  	s11 =	rddreg [dreg:$0x1f];
	s13 =	simm.s32 $0x2300  }
0xbd: {  	[spmem:s2] =	stream.indirect.scatter.add.f32 [tilespmem:s13], [sflag:$0x2], $0x18, s10, s9, $0xb8;
	[tilespmem:$0x17000] =	vst v63  }
0xbe: {  	s13 =	sld [smem:$0x7E6]  }
0xbf: {  	[spmem:s2] =	stream.indirect.scatter.add.f32 [tilespmem:s14], [sflag:$0x2], $0x18, s11, s9, $0xb8;
	[tilespmem:$0x17000] =	vst v63  }
0xc0: {  	s14 =	sld [smem:$0x7E7]  }
0xc1: {  	[spmem:s2] =	stream.indirect.scatter.add.f32 [tilespmem:s15], [sflag:$0x2], $0x18, s13, s9, $0xb8;
	[tilespmem:$0x17000] =	vst v63  }
0xc2: {  	s15 =	sld [smem:$0x7E8]  }
0xc3: {  	[spmem:s2] =	stream.indirect.scatter.add.f32 [tilespmem:s16], [sflag:$0x2], $0x18, s14, s9, $0xb8;
	[tilespmem:$0x17000] =	vst v63  }
0xc4: {  	s16 =	sld [smem:$0x7E9]  }
0xc5: {  	[spmem:s2] =	stream.indirect.scatter.add.f32 [tilespmem:s17], [sflag:$0x2], $0x18, s15, s9, $0xb8;
	[tilespmem:$0x17000] =	vst v63  }
0xc6: {  	s17 =	sld [smem:$0x7EA]  }
0xc7: {  	[spmem:s2] =	stream.indirect.scatter.add.f32 [tilespmem:s18], [sflag:$0x2], $0x18, s16, s9, $0xb8;
	[tilespmem:$0x17000] =	vst v63  }
0xc8: {  	s18 =	sld [smem:$0x7EB]  }
0xc9: {  	[spmem:s2] =	stream.indirect.scatter.add.f32 [tilespmem:s19], [sflag:$0x2], $0x18, s17, s9, $0xb8;
	[tilespmem:$0x17000] =	vst v63  }
0xca: {  	s13 =	sld [smem:$0x7EC]  }
0xcb: {  	[spmem:s2] =	stream.indirect.scatter.add.f32 [tilespmem:s20], [sflag:$0x2], $0x18, s18, s9, $0xb8;
	[tilespmem:$0x17000] =	vst v63  }
0xcc: {  	s14 =	sld [smem:$0x7ED]  }
0xcd: {  	[spmem:s2] =	stream.indirect.scatter.add.f32 [tilespmem:s21], [sflag:$0x2], $0x18, s13, s9, $0xb8;
	[tilespmem:$0x17000] =	vst v63  }
0xce: {  	s15 =	sld [smem:$0x7EE]  }
0xcf: {  	[spmem:s2] =	stream.indirect.scatter.add.f32 [tilespmem:s22], [sflag:$0x2], $0x18, s14, s9, $0xb8;
	[tilespmem:$0x17000] =	vst v63  }
0xd0: {  	s16 =	sld [smem:$0x7EF]  }
0xd1: {  	[spmem:s2] =	stream.indirect.scatter.add.f32 [tilespmem:s23], [sflag:$0x2], $0x18, s15, s9, $0xb8;
	[tilespmem:$0x17000] =	vst v63  }
0xd2: {  	s17 =	sld [smem:$0x7F0]  }
0xd3: {  	[spmem:s2] =	stream.indirect.scatter.add.f32 [tilespmem:s24], [sflag:$0x2], $0x18, s16, s9, $0xb8;
	[tilespmem:$0x17000] =	vst v63  }
0xd4: {  	s18 =	sld [smem:$0x7F1]  }
0xd5: {  	[spmem:s2] =	stream.indirect.scatter.add.f32 [tilespmem:s25], [sflag:$0x2], $0x18, s17, s9, $0xb8;
	[tilespmem:$0x17000] =	vst v63  }
0xd6: {  	s19 =	sld [smem:$0x7F2]  }
0xd7: {  	[spmem:s2] =	stream.indirect.scatter.add.f32 [tilespmem:s26], [sflag:$0x2], $0x18, s18, s9, $0xb8;
	[tilespmem:$0x17000] =	vst v63  }
0xd8: {  	s20 =	sld [smem:$0x7F3]  }
0xd9: {  	[spmem:s2] =	stream.indirect.scatter.add.f32 [tilespmem:s28], [sflag:$0x2], $0x18, s19, s9, $0xb8;
	[tilespmem:$0x17000] =	vst v63  }
0xda: {  	s21 =	sld [smem:$0x7F4]  }
0xdb: {  	[spmem:s2] =	stream.indirect.scatter.add.f32 [tilespmem:s29], [sflag:$0x2], $0x18, s20, s9, $0xb8;
	[tilespmem:$0x17000] =	vst v63  }
0xdc: {  	s22 =	sld [smem:$0x7F5]  }
0xdd: {  	[spmem:s2] =	stream.indirect.scatter.add.f32 [tilespmem:s30], [sflag:$0x2], $0x18, s21, s9, $0xb8;
	[tilespmem:$0x17000] =	vst v63  }
0xde: {  	s23 =	sld [smem:$0x7F6]  }
0xdf: {  	[spmem:s2] =	stream.indirect.scatter.add.f32 [tilespmem:s12], [sflag:$0x2], $0x18, s22, s9, $0xb8;
	[tilespmem:$0x17000] =	vst v63  }
0xe0: {  	s24 =	sld [smem:$0x7F7]  }
0xe1: {  	[spmem:s2] =	stream.indirect.scatter.add.f32 [tilespmem:s7], [sflag:$0x2], $0x18, s23, s9, $0xb8;
	[tilespmem:$0x17000] =	vst v63  }
0xe2: {  	s25 =	sld [smem:$0x7F8]  }
0xe3: {  	[spmem:s2] =	stream.indirect.scatter.add.f32 [tilespmem:s4], [sflag:$0x2], $0x18, s24, s9, $0xb8;
	[tilespmem:$0x17000] =	vst v63  }
0xe4: {  	s26 =	sld [smem:$0x7F9]  }
0xe5: {  	[spmem:s2] =	stream.indirect.scatter.add.f32 [tilespmem:s1], [sflag:$0x2], $0x18, s25, s9, $0xb8;
	[tilespmem:$0x17000] =	vst v63  }
0xe6: {  	s10 =	simm.s32 $0x2  }
0xe7: {  	[spmem:s2] =	stream.indirect.scatter.add.f32 [tilespmem:s0], [sflag:$0x2], $0x18, s26, s9, $0xb8;
	[tilespmem:$0x17000] =	vst v63  }
0xe8: {  	_ =	swait.ge [sflag:s10], $0xC00  }
0xe9: {  	[sflag:s10] =	ssyncset.done $0x0  }
0xea: {  	[sflag:s10] =	ssyncadd.s32 $0xFFFFF400  }
0xeb: {  	_ =	swait.ge [sflag:s10], $0xC00  }
0xec: {  	[sflag:s10] =	ssyncset.done $0x0  }
0xed: {  	[sflag:s10] =	ssyncadd.s32 $0xFFFFF400  }
0xee: {  	_ =	swait.ge [sflag:s10], $0xC00  }
0xef: {  	[sflag:s10] =	ssyncset.done $0x0  }
0xf0: {  	[sflag:s10] =	ssyncadd.s32 $0xFFFFF400  }
0xf1: {  	_ =	swait.ge [sflag:s10], $0xC00  }
0xf2: {  	[sflag:s10] =	ssyncset.done $0x0  }
0xf3: {  	[sflag:s10] =	ssyncadd.s32 $0xFFFFF400  }
0xf4: {  	_ =	swait.ge [sflag:s10], $0xC00  }
0xf5: {  	[sflag:s10] =	ssyncset.done $0x0  }
0xf6: {  	[sflag:s10] =	ssyncadd.s32 $0xFFFFF400  }
0xf7: {  	_ =	swait.ge [sflag:s10], $0xC00  }
0xf8: {  	[sflag:s10] =	ssyncset.done $0x0  }
0xf9: {  	[sflag:s10] =	ssyncadd.s32 $0xFFFFF400  }
0xfa: {  	_ =	swait.ge [sflag:s10], $0xC00  }
0xfb: {  	[sflag:s10] =	ssyncset.done $0x0  }
0xfc: {  	[sflag:s10] =	ssyncadd.s32 $0xFFFFF400  }
0xfd: {  	_ =	swait.ge [sflag:s10], $0xC00  }
0xfe: {  	[sflag:s10] =	ssyncset.done $0x0  }
0xff: {  	[sflag:s10] =	ssyncadd.s32 $0xFFFFF400  }
0x100: {  	_ =	swait.ge [sflag:s10], $0xC00  }
0x101: {  	[sflag:s10] =	ssyncset.done $0x0  }
0x102: {  	[sflag:s10] =	ssyncadd.s32 $0xFFFFF400  }
0x103: {  	_ =	swait.ge [sflag:s10], $0xC00  }
0x104: {  	[sflag:s10] =	ssyncset.done $0x0  }
0x105: {  	[sflag:s10] =	ssyncadd.s32 $0xFFFFF400  }
0x106: {  	_ =	swait.ge [sflag:s10], $0xC00  }
0x107: {  	[sflag:s10] =	ssyncset.done $0x0  }
0x108: {  	[sflag:s10] =	ssyncadd.s32 $0xFFFFF400  }
0x109: {  	_ =	swait.ge [sflag:s10], $0xC00  }
0x10a: {  	[sflag:s10] =	ssyncset.done $0x0  }
0x10b: {  	[sflag:s10] =	ssyncadd.s32 $0xFFFFF400  }
0x10c: {  	_ =	swait.ge [sflag:s10], $0xC00  }
0x10d: {  	[sflag:s10] =	ssyncset.done $0x0  }
0x10e: {  	[sflag:s10] =	ssyncadd.s32 $0xFFFFF400  }
0x10f: {  	_ =	swait.ge [sflag:s10], $0xC00  }
0x110: {  	[sflag:s10] =	ssyncset.done $0x0  }
0x111: {  	[sflag:s10] =	ssyncadd.s32 $0xFFFFF400  }
0x112: {  	_ =	swait.ge [sflag:s10], $0xC00  }
0x113: {  	[sflag:s10] =	ssyncset.done $0x0  }
0x114: {  	[sflag:s10] =	ssyncadd.s32 $0xFFFFF400  }
0x115: {  	_ =	swait.ge [sflag:s10], $0xC00  }
0x116: {  	[sflag:s10] =	ssyncset.done $0x0  }
0x117: {  	[sflag:s10] =	ssyncadd.s32 $0xFFFFF400  }
0x118: {  	_ =	swait.ge [sflag:s10], $0xC00  }
0x119: {  	[sflag:s10] =	ssyncset.done $0x0  }
0x11a: {  	[sflag:s10] =	ssyncadd.s32 $0xFFFFF400  }
0x11b: {  	_ =	swait.ge [sflag:s10], $0xC00  }
0x11c: {  	[sflag:s10] =	ssyncset.done $0x0  }
0x11d: {  	[sflag:s10] =	ssyncadd.s32 $0xFFFFF400  }
0x11e: {  	_ =	swait.ge [sflag:s10], $0xC00  }
0x11f: {  	[sflag:s10] =	ssyncset.done $0x0  }
0x120: {  	[sflag:s10] =	ssyncadd.s32 $0xFFFFF400  }
0x121: {  	_ =	swait.ge [sflag:s10], $0xC00  }
0x122: {  	[sflag:s10] =	ssyncset.done $0x0  }
0x123: {  	[sflag:s10] =	ssyncadd.s32 $0xFFFFF400  }
0x124: {  	_ =	swait.ge [sflag:s10], $0xC00  }
0x125: {  	[sflag:s10] =	ssyncset.done $0x0  }
0x126: {  	[sflag:s10] =	ssyncadd.s32 $0xFFFFF400  }
0x127: {  	_ =	swait.ge [sflag:s10], $0xC00  }
0x128: {  	[sflag:s10] =	ssyncset.done $0x0  }
0x129: {  	[sflag:s10] =	ssyncadd.s32 $0xFFFFF400  }
0x12a: {  	_ =	swait.ge [sflag:s10], $0xC00  }
0x12b: {  	[sflag:s10] =	ssyncset.done $0x0  }
0x12c: {  	[sflag:s10] =	ssyncadd.s32 $0xFFFFF400  }
0x12d: {  	[bflag:$0x0] =	sbarrier.arrive $0xFFFF  }
0x12e: {  	s28 =	sld [smem:$0x7FA];
	_ =	sdelay $0x2  }
0x12f: {  	s0 =	ssub.s32 $0x2, s28  }
0x130: {  	s30 =	sshrl.u32 s0, $0x1  }
0x131: {  	s11 =	ssub.s32 s0, s30  }
0x132: {  	s11 =	smax.u32 s11, $0x1  }
0x133: {  	p0 =	sne.s32 s11, $0x1  }
.Ltmp0:
0x134: {  	s29 =	sld [smem:$0x7FB];
	(pc) =	sbr.rel @!p0 .LBB2_3-.Ltmp0, $4  }
0x135: {  	[smem:$0x7FC] =	sst s5  }
0x136: {  	[smem:$0x7FD] =	sst s31  }
0x137: {  	[hbm:s29], [sflag:s31] =	dma.local [spmem:s5], $0x450  }
0x138: {  	s11 =	sadd.s32 $0xFFFFFFFF, s11  }
0x139: {  	s15 =	simm.s32 $0x1700;
	s16 =	simm.s32 $0x2300;
	s17 =	simm.s32 $0x2F00  }
0x13a: {  	s18 =	simm.s32 $0x3B00;
	s19 =	simm.s32 $0x4700;
	s20 =	simm.s32 $0x5300  }
0x13b: {  	s21 =	simm.s32 $0x5F00;
	s22 =	simm.s32 $0x6B00;
	s23 =	simm.s32 $0x7700  }
0x13c: {  	s24 =	simm.s32 $0x8300;
	s25 =	simm.s32 $0x8F00;
	s26 =	simm.s32 $0x9B00  }
0x13d: {  	s28 =	simm.s32 $0xA700;
	s29 =	simm.s32 $0xB300;
	s30 =	simm.s32 $0xBF00  }
0x13e: {  	s31 =	simm.s32 $0xCB00;
	s7 =	simm.s32 $0xFB00;
	s14 =	simm.s32 $0x10700  }
.LBB2_2:
0x13f: {  	_ =	swait.ge [sflag:s6], $0x450  }
0x140: {  	s0 =	sld [smem:$0x7FC]  }
0x141: {  	s1 =	sld [smem:$0x7FD]  }
0x142: {  	[sflag:s6] =	ssyncset.done $0x0  }
0x143: {  	s12 =	rddreg [dreg:$0x4];
	[sflag:s6] =	ssyncadd.s32 $0xFFFFFBB0  }
0x144: {  	[spmem:s0], [sflag:s1] =	dma.local [hbm:s12], $0x450  }
0x145: {  	_ =	swait.ge [sflag:s6], $0x450  }
0x146: {  	[sflag:s6] =	ssyncset.done $0x0;
	s4 =	rddreg [dreg:$0x5]  }
0x147: {  	s13 =	rddreg [dreg:$0x8];
	[sflag:s6] =	ssyncadd.s32 $0xFFFFFBB0  }
0x148: {  	[spmem:s13], [sflag:s1] =	dma.local [hbm:s4], $0x450  }
0x149: {  	_ =	swait.ge [sflag:s6], $0x450  }
0x14a: {  	[sflag:s6] =	ssyncset.done $0x0  }
0x14b: {  	s13 =	simm.s32 $0x0;
	s5 =	rddreg [dreg:$0x6];
	[sflag:s6] =	ssyncadd.s32 $0xFFFFFBB0  }
0x14c: {  	[tilespmem:s13], [sflag:$0x3] =	stream.linear.gather [hbm4b:s5+s13], $0xB80, $0x38;
	[tilespmem:$0x17000] =	vst v63  }
0x14d: {  	_ =	swait.ge [sflag:s6], $0xB80  }
0x14e: {  	[sflag:s6] =	ssyncset.done $0x0  }
0x14f: {  	s4 =	simm.s32 $0xB80;
	s5 =	rddreg [dreg:$0x7];
	[sflag:s6] =	ssyncadd.s32 $0xFFFFF480  }
0x150: {  	[tilespmem:s4], [sflag:$0x3] =	stream.linear.gather [hbm4b:s5+s13], $0xB80, $0x38;
	[tilespmem:$0x17000] =	vst v63  }
0x151: {  	_ =	swait.ge [sflag:s6], $0xB80  }
0x152: {  	[sflag:s6] =	ssyncset.done $0x0  }
0x153: {  	[sflag:s6] =	ssyncadd.s32 $0xFFFFF480  }
0x154: {  	[bflag:$0x0] =	sbarrier.arrive $0xFFFF  }
0x155: {  	[tilespmem:s15], [sflag:$0x1] =	stream.indirect.gather [spmem:s3], $0x18, s13, s9, $0xb8;
	[tilespmem:$0x17000] =	vst v63  }
0x156: {  	_ = 	snop  }
0x157: {  	[tilespmem:s16], [sflag:$0x1] =	stream.indirect.gather [spmem:s3], $0x18, s9, s9, $0xb8;
	[tilespmem:$0x17000] =	vst v63  }
0x158: {  	s13 =	rddreg [dreg:$0x9]  }
0x159: {  	[tilespmem:s17], [sflag:$0x1] =	stream.indirect.gather [spmem:s3], $0x18, s13, s9, $0xb8;
	[tilespmem:$0x17000] =	vst v63  }
0x15a: {  	s0 =	rddreg [dreg:$0xa]  }
0x15b: {  	[tilespmem:s18], [sflag:$0x1] =	stream.indirect.gather [spmem:s3], $0x18, s0, s9, $0xb8;
	[tilespmem:$0x17000] =	vst v63  }
0x15c: {  	s4 =	rddreg [dreg:$0xb]  }
0x15d: {  	[tilespmem:s19], [sflag:$0x1] =	stream.indirect.gather [spmem:s3], $0x18, s4, s9, $0xb8;
	[tilespmem:$0x17000] =	vst v63  }
0x15e: {  	s5 =	rddreg [dreg:$0xc]  }
0x15f: {  	[tilespmem:s20], [sflag:$0x1] =	stream.indirect.gather [spmem:s3], $0x18, s5, s9, $0xb8;
	[tilespmem:$0x17000] =	vst v63  }
0x160: {  	s0 =	rddreg [dreg:$0xd]  }
0x161: {  	[tilespmem:s21], [sflag:$0x1] =	stream.indirect.gather [spmem:s3], $0x18, s0, s9, $0xb8;
	[tilespmem:$0x17000] =	vst v63  }
0x162: {  	s4 =	rddreg [dreg:$0xe]  }
0x163: {  	[tilespmem:s22], [sflag:$0x1] =	stream.indirect.gather [spmem:s3], $0x18, s4, s9, $0xb8;
	[tilespmem:$0x17000] =	vst v63  }
0x164: {  	s5 =	rddreg [dreg:$0xf]  }
0x165: {  	[tilespmem:s23], [sflag:$0x1] =	stream.indirect.gather [spmem:s3], $0x18, s5, s9, $0xb8;
	[tilespmem:$0x17000] =	vst v63  }
0x166: {  	s0 =	rddreg [dreg:$0x10]  }
0x167: {  	[tilespmem:s24], [sflag:$0x1] =	stream.indirect.gather [spmem:s3], $0x18, s0, s9, $0xb8;
	[tilespmem:$0x17000] =	vst v63  }
0x168: {  	s4 =	rddreg [dreg:$0x11]  }
0x169: {  	[tilespmem:s25], [sflag:$0x1] =	stream.indirect.gather [spmem:s3], $0x18, s4, s9, $0xb8;
	[tilespmem:$0x17000] =	vst v63  }
0x16a: {  	s5 =	rddreg [dreg:$0x12]  }
0x16b: {  	[tilespmem:s26], [sflag:$0x1] =	stream.indirect.gather [spmem:s3], $0x18, s5, s9, $0xb8;
	[tilespmem:$0x17000] =	vst v63  }
0x16c: {  	s0 =	rddreg [dreg:$0x13]  }
0x16d: {  	[tilespmem:s28], [sflag:$0x1] =	stream.indirect.gather [spmem:s3], $0x18, s0, s9, $0xb8;
	[tilespmem:$0x17000] =	vst v63  }
0x16e: {  	s4 =	rddreg [dreg:$0x14]  }
0x16f: {  	[tilespmem:s29], [sflag:$0x1] =	stream.indirect.gather [spmem:s3], $0x18, s4, s9, $0xb8;
	[tilespmem:$0x17000] =	vst v63  }
0x170: {  	s5 =	rddreg [dreg:$0x15]  }
0x171: {  	[tilespmem:s30], [sflag:$0x1] =	stream.indirect.gather [spmem:s3], $0x18, s5, s9, $0xb8;
	[tilespmem:$0x17000] =	vst v63  }
0x172: {  	s0 =	rddreg [dreg:$0x16]  }
0x173: {  	[tilespmem:s31], [sflag:$0x1] =	stream.indirect.gather [spmem:s3], $0x18, s0, s9, $0xb8;
	[tilespmem:$0x17000] =	vst v63  }
0x174: {  	s4 =	rddreg [dreg:$0x17];
	s5 =	simm.s32 $0xD700  }
0x175: {  	[tilespmem:s5], [sflag:$0x1] =	stream.indirect.gather [spmem:s3], $0x18, s4, s9, $0xb8;
	[tilespmem:$0x17000] =	vst v63  }
0x176: {  	s0 =	rddreg [dreg:$0x18];
	s4 =	simm.s32 $0xE300  }
0x177: {  	[tilespmem:s4], [sflag:$0x1] =	stream.indirect.gather [spmem:s3], $0x18, s0, s9, $0xb8;
	[tilespmem:$0x17000] =	vst v63  }
0x178: {  	s12 =	rddreg [dreg:$0x19];
	s4 =	simm.s32 $0xEF00  }
0x179: {  	[tilespmem:s4], [sflag:$0x1] =	stream.indirect.gather [spmem:s3], $0x18, s12, s9, $0xb8;
	[tilespmem:$0x17000] =	vst v63  }
0x17a: {  	s13 =	rddreg [dreg:$0x1a]  }
0x17b: {  	[tilespmem:s7], [sflag:$0x1] =	stream.indirect.gather [spmem:s3], $0x18, s13, s9, $0xb8;
	[tilespmem:$0x17000] =	vst v63  }
0x17c: {  	s0 =	rddreg [dreg:$0x1b]  }
0x17d: {  	[tilespmem:s14], [sflag:$0x1] =	stream.indirect.gather [spmem:s3], $0x18, s0, s9, $0xb8;
	[tilespmem:$0x17000] =	vst v63  }
0x17e: {  	s13 =	rddreg [dreg:$0x1c];
	s0 =	simm.s32 $0x11300  }
0x17f: {  	[tilespmem:s0], [sflag:$0x1] =	stream.indirect.gather [spmem:s3], $0x18, s13, s9, $0xb8;
	[tilespmem:$0x17000] =	vst v63  }
0x180: {  	s12 =	rddreg [dreg:$0x1d];
	s0 =	simm.s32 $0x11F00  }
0x181: {  	[tilespmem:s0], [sflag:$0x1] =	stream.indirect.gather [spmem:s3], $0x18, s12, s9, $0xb8;
	[tilespmem:$0x17000] =	vst v63  }
0x182: {  	_ =	swait.ge [sflag:s8], $0xC00  }
0x183: {  	[sflag:s8] =	ssyncset.done $0x0  }
0x184: {  	[sflag:s8] =	ssyncadd.s32 $0xFFFFF400  }
0x185: {  	_ =	swait.ge [sflag:s8], $0xC00  }
0x186: {  	[sflag:s8] =	ssyncset.done $0x0  }
0x187: {  	[sflag:s8] =	ssyncadd.s32 $0xFFFFF400  }
0x188: {  	_ =	swait.ge [sflag:s8], $0xC00  }
0x189: {  	[sflag:s8] =	ssyncset.done $0x0  }
0x18a: {  	[sflag:s8] =	ssyncadd.s32 $0xFFFFF400  }
0x18b: {  	_ =	swait.ge [sflag:s8], $0xC00  }
0x18c: {  	[sflag:s8] =	ssyncset.done $0x0  }
0x18d: {  	[sflag:s8] =	ssyncadd.s32 $0xFFFFF400  }
0x18e: {  	_ =	swait.ge [sflag:s8], $0xC00  }
0x18f: {  	[sflag:s8] =	ssyncset.done $0x0  }
0x190: {  	[sflag:s8] =	ssyncadd.s32 $0xFFFFF400  }
0x191: {  	_ =	swait.ge [sflag:s8], $0xC00  }
0x192: {  	[sflag:s8] =	ssyncset.done $0x0  }
0x193: {  	[sflag:s8] =	ssyncadd.s32 $0xFFFFF400  }
0x194: {  	_ =	swait.ge [sflag:s8], $0xC00  }
0x195: {  	[sflag:s8] =	ssyncset.done $0x0  }
0x196: {  	[sflag:s8] =	ssyncadd.s32 $0xFFFFF400  }
0x197: {  	_ =	swait.ge [sflag:s8], $0xC00  }
0x198: {  	[sflag:s8] =	ssyncset.done $0x0  }
0x199: {  	[sflag:s8] =	ssyncadd.s32 $0xFFFFF400  }
0x19a: {  	_ =	swait.ge [sflag:s8], $0xC00  }
0x19b: {  	[sflag:s8] =	ssyncset.done $0x0  }
0x19c: {  	[sflag:s8] =	ssyncadd.s32 $0xFFFFF400  }
0x19d: {  	_ =	swait.ge [sflag:s8], $0xC00  }
0x19e: {  	[sflag:s8] =	ssyncset.done $0x0  }
0x19f: {  	[sflag:s8] =	ssyncadd.s32 $0xFFFFF400  }
0x1a0: {  	_ =	swait.ge [sflag:s8], $0xC00  }
0x1a1: {  	[sflag:s8] =	ssyncset.done $0x0  }
0x1a2: {  	[sflag:s8] =	ssyncadd.s32 $0xFFFFF400  }
0x1a3: {  	_ =	swait.ge [sflag:s8], $0xC00  }
0x1a4: {  	[sflag:s8] =	ssyncset.done $0x0  }
0x1a5: {  	[sflag:s8] =	ssyncadd.s32 $0xFFFFF400  }
0x1a6: {  	_ =	swait.ge [sflag:s8], $0xC00  }
0x1a7: {  	[sflag:s8] =	ssyncset.done $0x0  }
0x1a8: {  	[sflag:s8] =	ssyncadd.s32 $0xFFFFF400  }
0x1a9: {  	_ =	swait.ge [sflag:s8], $0xC00  }
0x1aa: {  	[sflag:s8] =	ssyncset.done $0x0  }
0x1ab: {  	[sflag:s8] =	ssyncadd.s32 $0xFFFFF400  }
0x1ac: {  	_ =	swait.ge [sflag:s8], $0xC00  }
0x1ad: {  	[sflag:s8] =	ssyncset.done $0x0  }
0x1ae: {  	[sflag:s8] =	ssyncadd.s32 $0xFFFFF400  }
0x1af: {  	_ =	swait.ge [sflag:s8], $0xC00  }
0x1b0: {  	[sflag:s8] =	ssyncset.done $0x0  }
0x1b1: {  	[sflag:s8] =	ssyncadd.s32 $0xFFFFF400  }
0x1b2: {  	_ =	swait.ge [sflag:s8], $0xC00  }
0x1b3: {  	[sflag:s8] =	ssyncset.done $0x0  }
0x1b4: {  	[sflag:s8] =	ssyncadd.s32 $0xFFFFF400  }
0x1b5: {  	_ =	swait.ge [sflag:s8], $0xC00  }
0x1b6: {  	[sflag:s8] =	ssyncset.done $0x0  }
0x1b7: {  	[sflag:s8] =	ssyncadd.s32 $0xFFFFF400  }
0x1b8: {  	_ =	swait.ge [sflag:s8], $0xC00  }
0x1b9: {  	[sflag:s8] =	ssyncset.done $0x0  }
0x1ba: {  	[sflag:s8] =	ssyncadd.s32 $0xFFFFF400  }
0x1bb: {  	_ =	swait.ge [sflag:s8], $0xC00  }
0x1bc: {  	[sflag:s8] =	ssyncset.done $0x0  }
0x1bd: {  	[sflag:s8] =	ssyncadd.s32 $0xFFFFF400  }
0x1be: {  	_ =	swait.ge [sflag:s8], $0xC00  }
0x1bf: {  	[sflag:s8] =	ssyncset.done $0x0  }
0x1c0: {  	[sflag:s8] =	ssyncadd.s32 $0xFFFFF400  }
0x1c1: {  	_ =	swait.ge [sflag:s8], $0xC00  }
0x1c2: {  	[sflag:s8] =	ssyncset.done $0x0  }
0x1c3: {  	[sflag:s8] =	ssyncadd.s32 $0xFFFFF400  }
0x1c4: {  	_ =	swait.ge [sflag:s8], $0xC00  }
0x1c5: {  	[sflag:s8] =	ssyncset.done $0x0  }
0x1c6: {  	s13 =	simm.s32 $0xB80;
	s12 =	rddreg [dreg:$0x1e];
	[sflag:s8] =	ssyncadd.s32 $0xFFFFF400  }
0x1c7: {  	[spmem:s2] =	stream.indirect.scatter.add.f32 [tilespmem:s15], [sflag:$0x2], $0x18, s13, s9, $0xb8;
	[tilespmem:$0x17000] =	vst v63  }
0x1c8: {  	s13 =	rddreg [dreg:$0x1f]  }
0x1c9: {  	[spmem:s2] =	stream.indirect.scatter.add.f32 [tilespmem:s16], [sflag:$0x2], $0x18, s12, s9, $0xb8;
	[tilespmem:$0x17000] =	vst v63  }
0x1ca: {  	s12 =	sld [smem:$0x7E6]  }
0x1cb: {  	[spmem:s2] =	stream.indirect.scatter.add.f32 [tilespmem:s17], [sflag:$0x2], $0x18, s13, s9, $0xb8;
	[tilespmem:$0x17000] =	vst v63  }
0x1cc: {  	s13 =	sld [smem:$0x7E7]  }
0x1cd: {  	[spmem:s2] =	stream.indirect.scatter.add.f32 [tilespmem:s18], [sflag:$0x2], $0x18, s12, s9, $0xb8;
	[tilespmem:$0x17000] =	vst v63  }
0x1ce: {  	s12 =	sld [smem:$0x7E8]  }
0x1cf: {  	[spmem:s2] =	stream.indirect.scatter.add.f32 [tilespmem:s19], [sflag:$0x2], $0x18, s13, s9, $0xb8;
	[tilespmem:$0x17000] =	vst v63  }
0x1d0: {  	s13 =	sld [smem:$0x7E9]  }
0x1d1: {  	[spmem:s2] =	stream.indirect.scatter.add.f32 [tilespmem:s20], [sflag:$0x2], $0x18, s12, s9, $0xb8;
	[tilespmem:$0x17000] =	vst v63  }
0x1d2: {  	s12 =	sld [smem:$0x7EA]  }
0x1d3: {  	[spmem:s2] =	stream.indirect.scatter.add.f32 [tilespmem:s21], [sflag:$0x2], $0x18, s13, s9, $0xb8;
	[tilespmem:$0x17000] =	vst v63  }
0x1d4: {  	s13 =	sld [smem:$0x7EB]  }
0x1d5: {  	[spmem:s2] =	stream.indirect.scatter.add.f32 [tilespmem:s22], [sflag:$0x2], $0x18, s12, s9, $0xb8;
	[tilespmem:$0x17000] =	vst v63  }
0x1d6: {  	s12 =	sld [smem:$0x7EC]  }
0x1d7: {  	[spmem:s2] =	stream.indirect.scatter.add.f32 [tilespmem:s23], [sflag:$0x2], $0x18, s13, s9, $0xb8;
	[tilespmem:$0x17000] =	vst v63  }
0x1d8: {  	s13 =	sld [smem:$0x7ED]  }
0x1d9: {  	[spmem:s2] =	stream.indirect.scatter.add.f32 [tilespmem:s24], [sflag:$0x2], $0x18, s12, s9, $0xb8;
	[tilespmem:$0x17000] =	vst v63  }
0x1da: {  	s12 =	sld [smem:$0x7EE]  }
0x1db: {  	[spmem:s2] =	stream.indirect.scatter.add.f32 [tilespmem:s25], [sflag:$0x2], $0x18, s13, s9, $0xb8;
	[tilespmem:$0x17000] =	vst v63  }
0x1dc: {  	s13 =	sld [smem:$0x7EF]  }
0x1dd: {  	[spmem:s2] =	stream.indirect.scatter.add.f32 [tilespmem:s26], [sflag:$0x2], $0x18, s12, s9, $0xb8;
	[tilespmem:$0x17000] =	vst v63  }
0x1de: {  	s12 =	sld [smem:$0x7F0]  }
0x1df: {  	[spmem:s2] =	stream.indirect.scatter.add.f32 [tilespmem:s28], [sflag:$0x2], $0x18, s13, s9, $0xb8;
	[tilespmem:$0x17000] =	vst v63  }
0x1e0: {  	s13 =	sld [smem:$0x7F1]  }
0x1e1: {  	[spmem:s2] =	stream.indirect.scatter.add.f32 [tilespmem:s29], [sflag:$0x2], $0x18, s12, s9, $0xb8;
	[tilespmem:$0x17000] =	vst v63  }
0x1e2: {  	s12 =	sld [smem:$0x7F2]  }
0x1e3: {  	[spmem:s2] =	stream.indirect.scatter.add.f32 [tilespmem:s30], [sflag:$0x2], $0x18, s13, s9, $0xb8;
	[tilespmem:$0x17000] =	vst v63  }
0x1e4: {  	s13 =	sld [smem:$0x7F3]  }
0x1e5: {  	[spmem:s2] =	stream.indirect.scatter.add.f32 [tilespmem:s31], [sflag:$0x2], $0x18, s12, s9, $0xb8;
	[tilespmem:$0x17000] =	vst v63  }
0x1e6: {  	s12 =	sld [smem:$0x7F4]  }
0x1e7: {  	[spmem:s2] =	stream.indirect.scatter.add.f32 [tilespmem:s5], [sflag:$0x2], $0x18, s13, s9, $0xb8;
	[tilespmem:$0x17000] =	vst v63  }
0x1e8: {  	s13 =	sld [smem:$0x7F5];
	s5 =	simm.s32 $0xE300  }
0x1e9: {  	[spmem:s2] =	stream.indirect.scatter.add.f32 [tilespmem:s5], [sflag:$0x2], $0x18, s12, s9, $0xb8;
	[tilespmem:$0x17000] =	vst v63  }
0x1ea: {  	s12 =	sld [smem:$0x7F6]  }
0x1eb: {  	[spmem:s2] =	stream.indirect.scatter.add.f32 [tilespmem:s4], [sflag:$0x2], $0x18, s13, s9, $0xb8;
	[tilespmem:$0x17000] =	vst v63  }
0x1ec: {  	s5 =	sld [smem:$0x7F7]  }
0x1ed: {  	[spmem:s2] =	stream.indirect.scatter.add.f32 [tilespmem:s7], [sflag:$0x2], $0x18, s12, s9, $0xb8;
	[tilespmem:$0x17000] =	vst v63  }
0x1ee: {  	s4 =	sld [smem:$0x7F8]  }
0x1ef: {  	[spmem:s2] =	stream.indirect.scatter.add.f32 [tilespmem:s14], [sflag:$0x2], $0x18, s5, s9, $0xb8;
	[tilespmem:$0x17000] =	vst v63  }
0x1f0: {  	s13 =	sld [smem:$0x7F9];
	s5 =	simm.s32 $0x11300  }
0x1f1: {  	[spmem:s2] =	stream.indirect.scatter.add.f32 [tilespmem:s5], [sflag:$0x2], $0x18, s4, s9, $0xb8;
	[tilespmem:$0x17000] =	vst v63  }
0x1f2: {  	_ = 	snop  }
0x1f3: {  	[spmem:s2] =	stream.indirect.scatter.add.f32 [tilespmem:s0], [sflag:$0x2], $0x18, s13, s9, $0xb8;
	[tilespmem:$0x17000] =	vst v63  }
0x1f4: {  	_ =	swait.ge [sflag:s10], $0xC00  }
0x1f5: {  	[sflag:s10] =	ssyncset.done $0x0  }
0x1f6: {  	[sflag:s10] =	ssyncadd.s32 $0xFFFFF400  }
0x1f7: {  	_ =	swait.ge [sflag:s10], $0xC00  }
0x1f8: {  	[sflag:s10] =	ssyncset.done $0x0  }
0x1f9: {  	[sflag:s10] =	ssyncadd.s32 $0xFFFFF400  }
0x1fa: {  	_ =	swait.ge [sflag:s10], $0xC00  }
0x1fb: {  	[sflag:s10] =	ssyncset.done $0x0  }
0x1fc: {  	[sflag:s10] =	ssyncadd.s32 $0xFFFFF400  }
0x1fd: {  	_ =	swait.ge [sflag:s10], $0xC00  }
0x1fe: {  	[sflag:s10] =	ssyncset.done $0x0  }
0x1ff: {  	[sflag:s10] =	ssyncadd.s32 $0xFFFFF400  }
0x200: {  	_ =	swait.ge [sflag:s10], $0xC00  }
0x201: {  	[sflag:s10] =	ssyncset.done $0x0  }
0x202: {  	[sflag:s10] =	ssyncadd.s32 $0xFFFFF400  }
0x203: {  	_ =	swait.ge [sflag:s10], $0xC00  }
0x204: {  	[sflag:s10] =	ssyncset.done $0x0  }
0x205: {  	[sflag:s10] =	ssyncadd.s32 $0xFFFFF400  }
0x206: {  	_ =	swait.ge [sflag:s10], $0xC00  }
0x207: {  	[sflag:s10] =	ssyncset.done $0x0  }
0x208: {  	[sflag:s10] =	ssyncadd.s32 $0xFFFFF400  }
0x209: {  	_ =	swait.ge [sflag:s10], $0xC00  }
0x20a: {  	[sflag:s10] =	ssyncset.done $0x0  }
0x20b: {  	[sflag:s10] =	ssyncadd.s32 $0xFFFFF400  }
0x20c: {  	_ =	swait.ge [sflag:s10], $0xC00  }
0x20d: {  	[sflag:s10] =	ssyncset.done $0x0  }
0x20e: {  	[sflag:s10] =	ssyncadd.s32 $0xFFFFF400  }
0x20f: {  	_ =	swait.ge [sflag:s10], $0xC00  }
0x210: {  	[sflag:s10] =	ssyncset.done $0x0  }
0x211: {  	[sflag:s10] =	ssyncadd.s32 $0xFFFFF400  }
0x212: {  	_ =	swait.ge [sflag:s10], $0xC00  }
0x213: {  	[sflag:s10] =	ssyncset.done $0x0  }
0x214: {  	[sflag:s10] =	ssyncadd.s32 $0xFFFFF400  }
0x215: {  	_ =	swait.ge [sflag:s10], $0xC00  }
0x216: {  	[sflag:s10] =	ssyncset.done $0x0  }
0x217: {  	[sflag:s10] =	ssyncadd.s32 $0xFFFFF400  }
0x218: {  	_ =	swait.ge [sflag:s10], $0xC00  }
0x219: {  	[sflag:s10] =	ssyncset.done $0x0  }
0x21a: {  	[sflag:s10] =	ssyncadd.s32 $0xFFFFF400  }
0x21b: {  	_ =	swait.ge [sflag:s10], $0xC00  }
0x21c: {  	[sflag:s10] =	ssyncset.done $0x0  }
0x21d: {  	[sflag:s10] =	ssyncadd.s32 $0xFFFFF400  }
0x21e: {  	_ =	swait.ge [sflag:s10], $0xC00  }
0x21f: {  	[sflag:s10] =	ssyncset.done $0x0  }
0x220: {  	[sflag:s10] =	ssyncadd.s32 $0xFFFFF400  }
0x221: {  	_ =	swait.ge [sflag:s10], $0xC00  }
0x222: {  	[sflag:s10] =	ssyncset.done $0x0  }
0x223: {  	[sflag:s10] =	ssyncadd.s32 $0xFFFFF400  }
0x224: {  	_ =	swait.ge [sflag:s10], $0xC00  }
0x225: {  	[sflag:s10] =	ssyncset.done $0x0  }
0x226: {  	[sflag:s10] =	ssyncadd.s32 $0xFFFFF400  }
0x227: {  	_ =	swait.ge [sflag:s10], $0xC00  }
0x228: {  	[sflag:s10] =	ssyncset.done $0x0  }
0x229: {  	[sflag:s10] =	ssyncadd.s32 $0xFFFFF400  }
0x22a: {  	_ =	swait.ge [sflag:s10], $0xC00  }
0x22b: {  	[sflag:s10] =	ssyncset.done $0x0  }
0x22c: {  	[sflag:s10] =	ssyncadd.s32 $0xFFFFF400  }
0x22d: {  	_ =	swait.ge [sflag:s10], $0xC00  }
0x22e: {  	[sflag:s10] =	ssyncset.done $0x0  }
0x22f: {  	[sflag:s10] =	ssyncadd.s32 $0xFFFFF400  }
0x230: {  	_ =	swait.ge [sflag:s10], $0xC00  }
0x231: {  	[sflag:s10] =	ssyncset.done $0x0  }
0x232: {  	[sflag:s10] =	ssyncadd.s32 $0xFFFFF400  }
0x233: {  	_ =	swait.ge [sflag:s10], $0xC00  }
0x234: {  	[sflag:s10] =	ssyncset.done $0x0  }
0x235: {  	[sflag:s10] =	ssyncadd.s32 $0xFFFFF400  }
0x236: {  	_ =	swait.ge [sflag:s10], $0xC00  }
0x237: {  	[sflag:s10] =	ssyncset.done $0x0  }
0x238: {  	[sflag:s10] =	ssyncadd.s32 $0xFFFFF400  }
0x239: {  	p0 =	sne.s32 s11, $0x1;
	[bflag:$0x0] =	sbarrier.arrive $0xFFFF  }
.Ltmp1:
0x23a: {  	s5 =	sld [smem:$0x7FB];
	(pc) =	sbr.rel @p0 .LBB2_2-.Ltmp1, $3  }
0x23b: {  	s13 =	sld [smem:$0x7FC];
	_ =	sdelay $0x1  }
0x23c: {  	s11 =	sadd.s32 $0xFFFFFFFF, s11  }
0x23d: {  	[hbm:s5], [sflag:s1] =	dma.local [spmem:s13], $0x450  }
.LBB2_3:
0x23e: {  	_ =	swait.ge [sflag:s6], $0x450  }
0x23f: {  	[sflag:s6] =	ssyncset.done $0x0  }
0x240: {  	[sflag:s6] =	ssyncadd.s32 $0xFFFFFBB0  }
0x241: {  	_ =	sfence.sel $0x180000  }
0x242: {  	[bflag:$0x0] =	sbarrier.arrive $0xFFFF  }
0x243: {  	_ =	strace $0x9000004A  }
0x244: {  	s0 =	stileid.u32;
	[bflag:$0x2] =	sbarrier.arrive $0xFFFF  }
0x245: {  	p0 =	sne.s32 s0, $0x0;
	s0 =	rddreg [dreg:$0x3]  }
0x246: {  	s0 =	sadd.s32 @!p0 $0x100000, s0  }
0x247: {  	[sflag:s0] =	ssyncadd.tile.s32 @!p0 $0x1;
	_ =	shalt  }
.Lfunc_end2:
_tile_overlayer_lowered:
.L_overlay_start_2:
0x248: {  	(tag) =	ssettag $0x2  }
0x249: {  	s0 =	rddreg [dreg:$0x0];
	s2 =	stileid.u32  }
0x24a: {  	s1 =	rddreg [dreg:$0x1];
	p0 =	sne.s32 s2, $0x0  }
0x24b: {  	s3 =	rddreg [dreg:$0x2];
	[bflag:$0x3] =	sbarrier.arrive $0xFFFF;
	s2 =	simm.s32 @!p0 $0x1C03  }
0x24c: {  	[timem:s3], [sflag:s2] =	dma.local @!p0 [hbm:s0], s1  }
0x24d: {  	s0 =	simm.s32 @!p0 $0x3  }
0x24e: {  	_ =	swait.ge @!p0 [sflag:s0], s1  }
0x24f: {  	s1 =	ssub.s32 @!p0 $0x0, s1;
	[sflag:s0] =	ssyncset.done @!p0 $0x0  }
0x250: {  	[sflag:s0] =	ssyncadd.s32 @!p0 s1  }
0x251: {  	[bflag:$0x3] =	sbarrier.arrive $0xFFFF  }
0x252: {  	_ =	shalt  }

// kernel: kernel.8.cloned.1.call-start
scs
__scs_entry_jumppad:
0x0: {  	(pc) =	sbr.rel $0x88, $3  }
0x1: {  	(tag) =	ssettag $0x0;
	lr =	simm.s32 $0x1  }
0x2: {  	[smem:$0x3F97] =	sst lr;
	_ =	strace $0xD0000000  }
0x3: {  	_ = 	snop  }
0x4: {  	_ = 	snop  }
0x5: {  	_ = 	snop  }
0x6: {  	_ = 	snop  }
0x7: {  	_ = 	snop  }
__scs_overlays_trampoline_lowered:
0x8: {  	[smem:$0x3FA6] =	sst s0  }
0x9: {  	[smem:$0x3FA7] =	sst s1  }
0xa: {  	[smem:$0x3FA8] =	sst s2  }
0xb: {  	[smem:$0x3FA9] =	sst s3  }
0xc: {  	[smem:$0x3FAA] =	sst s4  }
0xd: {  	[smem:$0x3FAB] =	sst s5  }
0xe: {  	[smem:$0x3FAC] =	sst s6  }
0xf: {  	[smem:$0x3FAD] =	sst s7  }
0x10: {  	[smem:$0x3FAE] =	sst s8  }
0x11: {  	[smem:$0x3FAF] =	sst s9;
	s0 =	simm.s32 @!p0 $0x0  }
0x12: {  	s1 =	sld [smem:$0x3F95];
	s0 =	simm.s32 @p0 $0x1  }
0x13: {  	[smem:$0x3FB0] =	sst s0;
	s0 =	simm.s32 @!p1 $0x0  }
0x14: {  	s2 =	sld [smem:$0x3F94];
	s0 =	simm.s32 @p1 $0x1  }
0x15: {  	[smem:$0x3FB1] =	sst s0;
	s0 =	simm.s32 @!p2 $0x0  }
0x16: {  	s3 =	sld [smem:$0x3FDB];
	s0 =	simm.s32 @p2 $0x1  }
0x17: {  	s4 =	simm.s32 $0x1BF5;
	[smem:$0x3FB3] =	sst s0  }
0x18: {  	s0 =	sld [smem:$0x3F96];
	_ =	swait.ge [sflag:s4], $0x0  }
0x19: {  	s7 =	sld [smem:$0x3F97]  }
0x1a: {  	s8 =	sadd.s32 $0xFFFFE003, lr  }
0x1b: {  	s9 =	sadd.s32 $0xFFFFFEF7, lr;
	s5 =	simm.s32 $0xFFFFFFFF;
	p2 =	slt.u32 s8, $0xFFFFF086  }
0x1c: {  	p1 =	slt.u32 s9, $0xF7A;
	s5 =	simm.s32 @!p2 $0x0  }
0x1d: {  	s5 =	simm.s32 @p1 $0x1;
	p0 =	seq.s32 s7, s2  }
0x1e: {  	s7 =	smul.u32 @!p0 $0xF7A, s2;
	p2 =	seq.s32 @!p0 s5, $0x0  }
0x1f: {  	s9 =	smul.u32 $0xF7A, s1;
	s8 =	simm.s32 @!p0 $0x1BF5;
	p2 =	por !p2, p0  }
0x20: {  	[sflag:s8] =	ssyncset.s32 @!p0 $0xFFFFF086;
	s6 =	sadd.s32 @!p0 s3, s7;
	s7 =	simm.s32 @!p0 $0x108  }
0x21: {  	s3 =	sadd.s32 s3, s9;
	s6 =	sadd.s32 @!p0 $0x88, s6;
	s7 =	simm.s32 @p2 $0x1082  }
0x22: {  	[simem:s7], [sflag:s8] =	dma.local @!p0 [hbm:s6], $0xF7A  }
0x23: {  	s9 =	sor.u32 $0xD0000000, s2;
	s6 =	simm.s32 $0x108;
	_ =	swait.ge @!p0 [sflag:s8], $0x0  }
0x24: {  	s3 =	sadd.s32 $0x88, s3;
	s6 =	simm.s32 @!p1 $0x1082;
	[sflag:s4] =	ssyncset.s32 $0xFFFFF086  }
0x25: {  	[simem:s6], [sflag:s4] =	dma.local [hbm:s3], $0xF7A  }
0x26: {  	[smem:$0x3F97] =	sst s1;
	(tag) =	ssettag s2;
	_ =	strace s9  }
0x27: {  	s1 =	sld [smem:$0x3FA7]  }
0x28: {  	s2 =	sld [smem:$0x3FA8]  }
0x29: {  	s4 =	sld [smem:$0x3FAA]  }
0x2a: {  	p0 =	seq.s32 s5, $0x0;
	s5 =	sld [smem:$0x3FAB]  }
0x2b: {  	s6 =	sld [smem:$0x3FAC]  }
0x2c: {  	s7 =	sld [smem:$0x3FAD]  }
0x2d: {  	s3 =	simm.s32 $0x108;
	s8 =	sld [smem:$0x3FAE]  }
0x2e: {  	s3 =	simm.s32 @!p0 $0x1082;
	s9 =	sld [smem:$0x3FAF]  }
0x2f: {  	lr =	sadd.s32 s0, s3;
	s0 =	sld [smem:$0x3FA6]  }
0x30: {  	s3 =	sld [smem:$0x3FA9]  }
0x31: {  	[smem:$0x3FB2] =	sst s10  }
0x32: {  	s10 =	sld [smem:$0x3FB0];
	_ =	sdelay $0x3  }
0x33: {  	p0 =	seq.s32 s10, $0x1;
	s10 =	sld [smem:$0x3FB2];
	_ =	sdelay $0x3  }
0x34: {  	[smem:$0x3FB2] =	sst s10  }
0x35: {  	s10 =	sld [smem:$0x3FB1];
	_ =	sdelay $0x3  }
0x36: {  	p1 =	seq.s32 s10, $0x1;
	s10 =	sld [smem:$0x3FB2];
	_ =	sdelay $0x3  }
0x37: {  	[smem:$0x3FB2] =	sst s10  }
0x38: {  	s10 =	sld [smem:$0x3FB3]  }
0x39: {  	_ = 	snop;
	(pc) =	sbr.ind lr, $3  }
0x3a: {  	_ = 	snop  }
0x3b: {  	_ = 	snop  }
0x3c: {  	p2 =	seq.s32 s10, $0x1;
	s10 =	sld [smem:$0x3FB2]  }
0x3d: {  	_ =	shalt  }
0x3e: {  	_ =	shalt  }
0x3f: {  	_ =	shalt  }
0x40: {  	_ =	shalt  }
0x41: {  	_ =	shalt  }
0x42: {  	_ =	shalt  }
0x43: {  	_ =	shalt  }
0x44: {  	_ =	shalt  }
0x45: {  	_ =	shalt  }
0x46: {  	_ =	shalt  }
0x47: {  	_ =	shalt  }
0x48: {  	_ =	shalt  }
0x49: {  	_ =	shalt  }
0x4a: {  	_ =	shalt  }
0x4b: {  	_ =	shalt  }
0x4c: {  	_ =	shalt  }
0x4d: {  	_ =	shalt  }
0x4e: {  	_ =	shalt  }
0x4f: {  	_ =	shalt  }
0x50: {  	_ =	shalt  }
0x51: {  	_ =	shalt  }
0x52: {  	_ =	shalt  }
0x53: {  	_ =	shalt  }
0x54: {  	_ =	shalt  }
0x55: {  	_ =	shalt  }
0x56: {  	_ =	shalt  }
0x57: {  	_ =	shalt  }
0x58: {  	_ =	shalt  }
0x59: {  	_ =	shalt  }
0x5a: {  	_ =	shalt  }
0x5b: {  	_ =	shalt  }
0x5c: {  	_ =	shalt  }
0x5d: {  	_ =	shalt  }
0x5e: {  	_ =	shalt  }
0x5f: {  	_ =	shalt  }
0x60: {  	_ =	shalt  }
0x61: {  	_ =	shalt  }
0x62: {  	_ =	shalt  }
0x63: {  	_ =	shalt  }
0x64: {  	_ =	shalt  }
0x65: {  	_ =	shalt  }
0x66: {  	_ =	shalt  }
0x67: {  	_ =	shalt  }
0x68: {  	_ =	shalt  }
0x69: {  	_ =	shalt  }
0x6a: {  	_ =	shalt  }
0x6b: {  	_ =	shalt  }
0x6c: {  	_ =	shalt  }
0x6d: {  	_ =	shalt  }
0x6e: {  	_ =	shalt  }
0x6f: {  	_ =	shalt  }
0x70: {  	_ =	shalt  }
0x71: {  	_ =	shalt  }
0x72: {  	_ =	shalt  }
0x73: {  	_ =	shalt  }
0x74: {  	_ =	shalt  }
0x75: {  	_ =	shalt  }
0x76: {  	_ =	shalt  }
0x77: {  	_ =	shalt  }
0x78: {  	_ =	shalt  }
0x79: {  	_ =	shalt  }
0x7a: {  	_ =	shalt  }
0x7b: {  	_ =	shalt  }
0x7c: {  	_ =	shalt  }
0x7d: {  	_ =	shalt  }
0x7e: {  	_ =	shalt  }
0x7f: {  	_ =	shalt  }
0x80: {  	_ =	shalt  }
0x81: {  	_ =	shalt  }
0x82: {  	_ =	shalt  }
0x83: {  	_ =	shalt  }
0x84: {  	_ =	shalt  }
0x85: {  	_ =	shalt  }
0x86: {  	_ =	shalt  }
0x87: {  	_ =	shalt  }
.Lfunc_end0:
.L_simem_size_0:
called_computation_lowered:
.L_overlay_start_0:
0x88: {  	s2 =	sld [smem:$0x3FD9]  }
0x89: {  	s3 =	sld [smem:$0x3FFE];
	_ =	sdelay $0x1  }
0x8a: {  	s1 =	srdreg.scid  }
0x8b: {  	s0 =	sand.u32 $0x1, s1  }
0x8c: {  	s16 =	sshll.u32 s0, $0xA;
	s2 =	sadd.s32 s3, s2  }
0x8d: {  	s2 =	sadd.s32 s2, s16  }
0x8e: {  	[smem:$0x3FBE] =	sst s2  }
0x8f: {  	_ = 	snop  }
0x90: {  	(tm) =	ssettm $0x1  }
0x91: {  	s17 =	sld [smem:$0x3FFB];
	_ =	sdelay $0x3  }
0x92: {  	_ =	strace s17  }
0x93: {  	s2 =	sld [smem:$0x3FFC];
	_ =	sdelay $0x3  }
0x94: {  	_ =	strace s2  }
0x95: {  	s2 =	sld [smem:$0x3FFD];
	_ =	sdelay $0x3  }
0x96: {  	_ =	strace s2  }
0x97: {  	_ =	strace $0x8FFFFFFF  }
0x98: {  	s18 =	sld [smem:$0x3FDB];
	_ =	sdelay $0x1  }
0x99: {  	s19 =	simm.s32 $_scs_section_size  }
0x9a: {  	s4 =	simm.s32 $_size__tile_overlayer_lowered;
	s5 =	simm.s32 $_tile_overlayer_lowered  }
0x9b: {  	s22 =	simm.s32 $0x1BFF;
	s21 =	sshll.u32 s5, $0x1;
	s2 =	sadd.s32 s19, s18  }
0x9c: {  	s6 =	simm.s32 $0x0;
	s20 =	sshll.u32 s4, $0x1;
	s4 =	sadd.s32 s21, s2  }
0x9d: {  	[timem:s6], [sflag:s22] =	dma.local [hbm:s4], s20  }
0x9e: {  	_ =	swait.ge [sflag:s22], s20  }
0x9f: {  	s3 =	ssub.s32 $0x0, s20;
	[sflag:s22] =	ssyncset.done $0x0  }
0xa0: {  	[sflag:s22] =	ssyncadd.s32 s3;
	_ =	sdelay $0x1  }
0xa1: {  	s23 =	simm.s32 $0x1B8B  }
0xa2: {  	_ =	swait.ge [sflag:s23], $0x1  }
0xa3: {  	[sflag:s23] =	ssyncset.done $0x0  }
0xa4: {  	s25 =	simm.s32 $0x1B8E;
	s24 =	sld [smem:$0x3FFE];
	[sflag:s23] =	ssyncadd.s32 $0xFFFFFFFF  }
0xa5: {  	s26 =	simm.s32 $execute0_lowered;
	[smem:$0x3FD2] =	sst s25  }
0xa6: {  	s4 =	sshll.u32 s26, $0x1;
	_ =	strace $0x80000046;
	[dreg:$0x1] =	wrdreg $0xFFFFFFFF  }
0xa7: {  	s28 =	simm.s32 $_size_execute0_lowered;
	s2 =	sadd.s32 s2, s4;
	[dreg:$0x0] =	wrdreg $0x0  }
0xa8: {  	s4 =	sshll.u32 s28, $0x1;
	[dreg:$0x2] =	wrdreg s2  }
0xa9: {  	[dreg:$0x3] =	wrdreg s4  }
0xaa: {  	[dreg:$0x4] =	wrdreg $0xC0  }
0xab: {  	_ =	task [dreg:s6], $0x5FFFF  }
0xac: {  	[dreg:$0x1] =	wrdreg $0xFFFFFFFF  }
0xad: {  	[dreg:$0x0] =	wrdreg $0x60  }
0xae: {  	[dreg:$0x2] =	wrdreg s24  }
0xaf: {  	[dreg:$0x3] =	wrdreg $0x11C000  }
0xb0: {  	[dreg:$0x4] =	wrdreg $0x14A000  }
0xb1: {  	[dreg:$0x5] =	wrdreg $0x133000  }
0xb2: {  	[dreg:$0x6] =	wrdreg $0x9  }
0xb3: {  	_ =	task.clear_ibuf [dreg:s6], $0x7FFFF;
	_ =	strace $0x90000046  }
0xb4: {  	s29 =	simm.s32 $0x9;
	_ =	strace $0x80000048  }
0xb5: {  	_ =	swait.ge [sflag:s29], $0x1  }
0xb6: {  	[sflag:s29] =	ssyncadd.s32 $0xFFFFFFFF  }
0xb7: {  	_ =	strace $0x90000048  }
0xb8: {  	_ =	sfence  }
0xb9: {  	s30 =	sld [smem:$0x0];
	_ =	sdelay $0x2  }
0xba: {  	s31 =	sshll.u32 s1, $0xD;
	s1 =	sshrl.u32 s1, $0x2  }
0xbb: {  	s3 =	sand.u32 $0x4000, s31;
	s1 =	sadd.s32 s1, s30  }
0xbc: {  	s0 =	sor.u32 s3, s0;
	s1 =	sshll.u32 s1, $0x11  }
0xbd: {  	s0 =	sor.u32 s1, s0  }
0xbe: {  	s0 =	sadd.s32 $0x8F2B, s0  }
0xbf: {  	[sflag:s0] =	ssyncadd.remote.s32 $0x1  }
0xc0: {  	_ =	sfence.sel $0xFFFF  }
0xc1: {  	[dreg:$0x0] =	wrdreg $0xFFFFFFFF;
	(pc) =	sbr.abs _section_cstart, $3  }
0xc2: {  	[dreg:$0x1] =	wrdreg $0xFFFFFFFF  }
0xc3: {  	_ =	task.clear_ibuf [dreg:s6], $0x2FFFF;
	_ =	strace $0x9FFFFFFF  }
0xc4: {  	(tm) =	ssettm $0x7FFFFFFF  }
0xc5: {  	_ =	shalt  }
tec
execute0_lowered:
.L_overlay_start_1:
0x0: {  	(tag) =	ssettag $0x1  }
0x1: {  	s1 =	rddreg [dreg:$0x0]  }
0x2: {  	s0 =	rddreg [dreg:$0x1]  }
0x3: {  	s3 =	rddreg [dreg:$0x2]  }
0x4: {  	s2 =	srdreg.scid;
	s4 =	rddreg [dreg:$0x3];
	s5 =	simm.s32 $0x0  }
0x5: {  	s15 =	stileid.u32;
	s2 =	sand.u32 $0x1, s2;
	[smem:$0x7FF] =	sst s5  }
0x6: {  	s8 =	smul.u32 $0x1700, s15;
	s11 =	sadd.s32 $0x4600, s1;
	s19 =	sadd.s32 $0xA400, s1  }
0x7: {  	s12 =	sadd.s32 $0xA200, s1;
	s14 =	sshll.u32 s15, $0x6;
	s5 =	simm.s32 $0x1F00  }
0x8: {  	s6 =	sshll.u32 s2, $0x4;
	_ =	strace $0x80000047;
	[dreg:$0x13] =	wrdreg s19  }
0x9: {  	s9 =	smul.u32 $0x2E00, s2;
	[dreg:$0x5] =	wrdreg s12;
	s2 =	ssub.s32 $0x2, s2  }
0xa: {  	s6 =	sor.u32 s15, s6;
	s20 =	sshrl.u32 s8, $0x3;
	s21 =	sshrl.u32 s2, $0x1  }
0xb: {  	s15 =	smul.u32 $0x2E0, s15;
	s16 =	sadd.s32 s8, s0;
	s22 =	sadd.s32 s8, s3  }
0xc: {  	s8 =	sadd.s32 s8, s4;
	s7 =	smul.u32 $0x170, s6;
	[dreg:$0x7] =	wrdreg s22  }
0xd: {  	s13 =	sadd.s32 s9, s1;
	s2 =	ssub.s32 s2, s21;
	[dreg:$0xb] =	wrdreg s8  }
0xe: {  	s6 =	sor.u32 $0x1C03, s14;
	[dreg:$0x6] =	wrdreg s16;
	s31 =	sshrl.u32 s16, $0x3  }
0xf: {  	s24 =	sadd.s32 s11, s20;
	s21 =	simm.s32 $0x3;
	[dreg:$0x11] =	wrdreg s31  }
0x10: {  	s22 =	simm.s32 $0x1700;
	s23 =	sadd.s32 s11, s15;
	[dreg:$0x14] =	wrdreg s6  }
0x11: {  	s14 =	sadd.s32 $0x170, s24;
	s30 =	sadd.s32 $0x10400, s13;
	[dreg:$0x8] =	wrdreg s23  }
0x12: {  	s2 =	smax.u32 s2, $0x1;
	s10 =	sadd.s32 s7, s1;
	[dreg:$0x9] =	wrdreg s14  }
0x13: {  	s1 =	sadd.s32 s20, s1;
	s29 =	sadd.s32 s11, s7;
	[dreg:$0x10] =	wrdreg s2  }
0x14: {  	s13 =	simm.s32 $0xB80;
	s25 =	sadd.s32 $0x1800, s1;
	[dreg:$0xf] =	wrdreg s29  }
0x15: {  	s15 =	simm.s32 $0x180;
	s26 =	sadd.s32 $0xA800, s1;
	[dreg:$0xa] =	wrdreg s25  }
0x16: {  	s23 =	simm.s32 $0x100;
	s1 =	sadd.s32 $0xD600, s1;
	[dreg:$0xc] =	wrdreg s26  }
0x17: {  	s28 =	sadd.s32 $0x7400, s10;
	s10 =	simm.s32 $0x2;
	[dreg:$0xd] =	wrdreg s1  }
0x18: {  	[dreg:$0xe] =	wrdreg s28;
	s1 =	sadd.s32 s20, s30;
	s26 =	simm.s32 $0x80  }
0x19: {  	s20 =	simm.s32 $0x1;
	[dreg:$0x12] =	wrdreg s1;
	s1 =	simm.s32 $0x0  }
.LBB2_1:
0x1a: {  	[dreg:$0x15] =	wrdreg s1  }
0x1b: {  	s11 =	rddreg [dreg:$0x11]  }
0x1c: {  	s31 =	rddreg [dreg:$0x13]  }
0x1d: {  	[spmem:s11], [sflag:s6] =	dma.local [hbm:s31], $0x2E0  }
0x1e: {  	_ =	swait.ge [sflag:s21], $0x2E0  }
0x1f: {  	s7 =	rddreg [dreg:$0x7]  }
0x20: {  	[sflag:s21] =	ssyncset.done $0x0;
	s2 =	sshrl.u32 s7, $0x3  }
0x21: {  	[sflag:s21] =	ssyncadd.s32 $0xFFFFFD20;
	[dreg:$0x16] =	wrdreg s2  }
0x22: {  	[spmem:s2], [sflag:s6] =	dma.local [hbm:s31], $0x2E0  }
0x23: {  	_ =	swait.ge [sflag:s21], $0x2E0  }
0x24: {  	[sflag:s21] =	ssyncset.done $0x0  }
0x25: {  	s8 =	simm.s32 $0x0;
	s12 =	rddreg [dreg:$0x5];
	[sflag:s21] =	ssyncadd.s32 $0xFFFFFD20  }
0x26: {  	[tilespmem:s22], [sflag:$0x3] =	stream.linear.gather [hbm4b:s12+s8], $0x800, $0x38;
	[tilespmem:$0x16100] =	vst v63  }
0x27: {  	_ =	swait.ge [sflag:s21], $0x800  }
0x28: {  	[sflag:s21] =	ssyncset.done $0x0  }
0x29: {  	s9 =	rddreg [dreg:$0x8];
	[sflag:s21] =	ssyncadd.s32 $0xFFFFF800  }
0x2a: {  	[tilespmem:s8], [sflag:$0x3] =	stream.linear.gather [hbm4b:s9+s8], $0xB80, $0x38;
	[tilespmem:$0x16100] =	vst v63  }
0x2b: {  	_ =	swait.ge [sflag:s21], $0xB80  }
0x2c: {  	[sflag:s21] =	ssyncset.done $0x0  }
0x2d: {  	s11 =	rddreg [dreg:$0x9];
	[sflag:s21] =	ssyncadd.s32 $0xFFFFF480  }
0x2e: {  	[tilespmem:s13], [sflag:$0x3] =	stream.linear.gather [hbm4b:s11+s8], $0xB80, $0x38;
	[tilespmem:$0x16100] =	vst v63  }
0x2f: {  	_ =	swait.ge [sflag:s21], $0xB80  }
0x30: {  	[sflag:s21] =	ssyncset.done $0x0  }
0x31: {  	s11 =	simm.s32 $0x4D00;
	s13 =	rddreg [dreg:$0xa];
	[sflag:s21] =	ssyncadd.s32 $0xFFFFF480  }
0x32: {  	[tilespmem:s11], [sflag:$0x3] =	stream.linear.gather [hbm4b:s13+s8], $0x1700, $0x38;
	[tilespmem:$0x16100] =	vst v63  }
0x33: {  	_ =	swait.ge [sflag:s21], $0x1700  }
0x34: {  	[sflag:s21] =	ssyncset.done $0x0  }
0x35: {  	[sflag:s21] =	ssyncadd.s32 $0xFFFFE900  }
0x36: {  	[bflag:$0x0] =	sbarrier.arrive $0xFFFF  }
0x37: {  	[spmem:s0] =	stream.indirect.scatter.add.f32 [tilespmem:s22], [sflag:$0x1], $0x10, s8, s26, $0xb8;
	[tilespmem:$0x16100] =	vst v63  }
0x38: {  	_ = 	snop  }
0x39: {  	[spmem:s0] =	stream.indirect.scatter.add.f32 [tilespmem:s22], [sflag:$0x1], $0x10, s26, s26, $0xb8;
	[tilespmem:$0x16100] =	vst v63  }
0x3a: {  	_ = 	snop  }
0x3b: {  	[spmem:s0] =	stream.indirect.scatter.add.f32 [tilespmem:s22], [sflag:$0x1], $0x10, s23, s26, $0xb8;
	[tilespmem:$0x16100] =	vst v63  }
0x3c: {  	_ = 	snop  }
0x3d: {  	[spmem:s0] =	stream.indirect.scatter.add.f32 [tilespmem:s22], [sflag:$0x1], $0x10, s15, s26, $0xb8;
	[tilespmem:$0x16100] =	vst v63  }
0x3e: {  	s16 =	simm.s32 $0x200  }
0x3f: {  	[spmem:s0] =	stream.indirect.scatter.add.f32 [tilespmem:s22], [sflag:$0x1], $0x10, s16, s26, $0xb8;
	[tilespmem:$0x16100] =	vst v63  }
0x40: {  	s16 =	simm.s32 $0x280  }
0x41: {  	[spmem:s0] =	stream.indirect.scatter.add.f32 [tilespmem:s22], [sflag:$0x1], $0x10, s16, s26, $0xb8;
	[tilespmem:$0x16100] =	vst v63  }
0x42: {  	s17 =	simm.s32 $0x300  }
0x43: {  	[spmem:s0] =	stream.indirect.scatter.add.f32 [tilespmem:s22], [sflag:$0x1], $0x10, s17, s26, $0xb8;
	[tilespmem:$0x16100] =	vst v63  }
0x44: {  	s17 =	simm.s32 $0x380  }
0x45: {  	[spmem:s0] =	stream.indirect.scatter.add.f32 [tilespmem:s22], [sflag:$0x1], $0x10, s17, s26, $0xb8;
	[tilespmem:$0x16100] =	vst v63  }
0x46: {  	s28 =	simm.s32 $0x400  }
0x47: {  	[spmem:s0] =	stream.indirect.scatter.add.f32 [tilespmem:s22], [sflag:$0x1], $0x10, s28, s26, $0xb8;
	[tilespmem:$0x16100] =	vst v63  }
0x48: {  	s11 =	simm.s32 $0x480  }
0x49: {  	[spmem:s0] =	stream.indirect.scatter.add.f32 [tilespmem:s22], [sflag:$0x1], $0x10, s11, s26, $0xb8;
	[tilespmem:$0x16100] =	vst v63  }
0x4a: {  	s18 =	simm.s32 $0x500  }
0x4b: {  	[spmem:s0] =	stream.indirect.scatter.add.f32 [tilespmem:s22], [sflag:$0x1], $0x10, s18, s26, $0xb8;
	[tilespmem:$0x16100] =	vst v63  }
0x4c: {  	s13 =	simm.s32 $0x580  }
0x4d: {  	[spmem:s0] =	stream.indirect.scatter.add.f32 [tilespmem:s22], [sflag:$0x1], $0x10, s13, s26, $0xb8;
	[tilespmem:$0x16100] =	vst v63  }
0x4e: {  	s29 =	simm.s32 $0x600  }
0x4f: {  	[spmem:s0] =	stream.indirect.scatter.add.f32 [tilespmem:s22], [sflag:$0x1], $0x10, s29, s26, $0xb8;
	[tilespmem:$0x16100] =	vst v63  }
0x50: {  	s15 =	simm.s32 $0x680  }
0x51: {  	[spmem:s0] =	stream.indirect.scatter.add.f32 [tilespmem:s22], [sflag:$0x1], $0x10, s15, s26, $0xb8;
	[tilespmem:$0x16100] =	vst v63  }
0x52: {  	s30 =	simm.s32 $0x700  }
0x53: {  	[spmem:s0] =	stream.indirect.scatter.add.f32 [tilespmem:s22], [sflag:$0x1], $0x10, s30, s26, $0xb8;
	[tilespmem:$0x16100] =	vst v63  }
0x54: {  	s18 =	simm.s32 $0x780  }
0x55: {  	[spmem:s0] =	stream.indirect.scatter.add.f32 [tilespmem:s22], [sflag:$0x1], $0x10, s18, s26, $0xb8;
	[tilespmem:$0x16100] =	vst v63  }
0x56: {  	s19 =	simm.s32 $0x800  }
0x57: {  	[spmem:s0] =	stream.indirect.scatter.add.f32 [tilespmem:s22], [sflag:$0x1], $0x10, s19, s26, $0xb8;
	[tilespmem:$0x16100] =	vst v63  }
0x58: {  	s19 =	simm.s32 $0x880  }
0x59: {  	[spmem:s0] =	stream.indirect.scatter.add.f32 [tilespmem:s22], [sflag:$0x1], $0x10, s19, s26, $0xb8;
	[tilespmem:$0x16100] =	vst v63  }
0x5a: {  	s31 =	simm.s32 $0x900  }
0x5b: {  	[spmem:s0] =	stream.indirect.scatter.add.f32 [tilespmem:s22], [sflag:$0x1], $0x10, s31, s26, $0xb8;
	[tilespmem:$0x16100] =	vst v63  }
0x5c: {  	s23 =	simm.s32 $0x980  }
0x5d: {  	[spmem:s0] =	stream.indirect.scatter.add.f32 [tilespmem:s22], [sflag:$0x1], $0x10, s23, s26, $0xb8;
	[tilespmem:$0x16100] =	vst v63  }
0x5e: {  	s1 =	simm.s32 $0xA00  }
0x5f: {  	[spmem:s0] =	stream.indirect.scatter.add.f32 [tilespmem:s22], [sflag:$0x1], $0x10, s1, s26, $0xb8;
	[tilespmem:$0x16100] =	vst v63  }
0x60: {  	s2 =	simm.s32 $0xA80  }
0x61: {  	[spmem:s0] =	stream.indirect.scatter.add.f32 [tilespmem:s22], [sflag:$0x1], $0x10, s2, s26, $0xb8;
	[tilespmem:$0x16100] =	vst v63  }
0x62: {  	s28 =	simm.s32 $0xB00  }
0x63: {  	[spmem:s0] =	stream.indirect.scatter.add.f32 [tilespmem:s22], [sflag:$0x1], $0x10, s28, s26, $0xb8;
	[tilespmem:$0x16100] =	vst v63  }
0x64: {  	s9 =	simm.s32 $0xB80  }
0x65: {  	[spmem:s0] =	stream.indirect.scatter.add.f32 [tilespmem:s22], [sflag:$0x1], $0x10, s9, s26, $0xb8;
	[tilespmem:$0x16100] =	vst v63  }
0x66: {  	s25 =	simm.s32 $0xC00  }
0x67: {  	[spmem:s0] =	stream.indirect.scatter.add.f32 [tilespmem:s22], [sflag:$0x1], $0x10, s25, s26, $0xb8;
	[tilespmem:$0x16100] =	vst v63  }
0x68: {  	s30 =	simm.s32 $0xC80  }
0x69: {  	[spmem:s0] =	stream.indirect.scatter.add.f32 [tilespmem:s22], [sflag:$0x1], $0x10, s30, s26, $0xb8;
	[tilespmem:$0x16100] =	vst v63  }
0x6a: {  	s24 =	simm.s32 $0xD00  }
0x6b: {  	[spmem:s0] =	stream.indirect.scatter.add.f32 [tilespmem:s22], [sflag:$0x1], $0x10, s24, s26, $0xb8;
	[tilespmem:$0x16100] =	vst v63  }
0x6c: {  	s31 =	simm.s32 $0xD80  }
0x6d: {  	[spmem:s0] =	stream.indirect.scatter.add.f32 [tilespmem:s22], [sflag:$0x1], $0x10, s31, s26, $0xb8;
	[tilespmem:$0x16100] =	vst v63  }
0x6e: {  	s7 =	simm.s32 $0xE00  }
0x6f: {  	[spmem:s0] =	stream.indirect.scatter.add.f32 [tilespmem:s22], [sflag:$0x1], $0x10, s7, s26, $0xb8;
	[tilespmem:$0x16100] =	vst v63  }
0x70: {  	s9 =	simm.s32 $0xE80  }
0x71: {  	[spmem:s0] =	stream.indirect.scatter.add.f32 [tilespmem:s22], [sflag:$0x1], $0x10, s9, s26, $0xb8;
	[tilespmem:$0x16100] =	vst v63  }
0x72: {  	s6 =	simm.s32 $0xF00  }
0x73: {  	[spmem:s0] =	stream.indirect.scatter.add.f32 [tilespmem:s22], [sflag:$0x1], $0x10, s6, s26, $0xb8;
	[tilespmem:$0x16100] =	vst v63  }
0x74: {  	s12 =	simm.s32 $0xF80  }
0x75: {  	[spmem:s0] =	stream.indirect.scatter.add.f32 [tilespmem:s22], [sflag:$0x1], $0x10, s12, s26, $0xb8;
	[tilespmem:$0x16100] =	vst v63  }
0x76: {  	s14 =	simm.s32 $0x1000  }
0x77: {  	[spmem:s0] =	stream.indirect.scatter.add.f32 [tilespmem:s22], [sflag:$0x1], $0x10, s14, s26, $0xb8;
	[tilespmem:$0x16100] =	vst v63  }
0x78: {  	s29 =	simm.s32 $0x1080  }
0x79: {  	[spmem:s0] =	stream.indirect.scatter.add.f32 [tilespmem:s22], [sflag:$0x1], $0x10, s29, s26, $0xb8;
	[tilespmem:$0x16100] =	vst v63  }
0x7a: {  	s13 =	simm.s32 $0x1100  }
0x7b: {  	[spmem:s0] =	stream.indirect.scatter.add.f32 [tilespmem:s22], [sflag:$0x1], $0x10, s13, s26, $0xb8;
	[tilespmem:$0x16100] =	vst v63  }
0x7c: {  	s14 =	simm.s32 $0x1180  }
0x7d: {  	[spmem:s0] =	stream.indirect.scatter.add.f32 [tilespmem:s22], [sflag:$0x1], $0x10, s14, s26, $0xb8;
	[tilespmem:$0x16100] =	vst v63  }
0x7e: {  	s8 =	simm.s32 $0x1200  }
0x7f: {  	[spmem:s0] =	stream.indirect.scatter.add.f32 [tilespmem:s22], [sflag:$0x1], $0x10, s8, s26, $0xb8;
	[tilespmem:$0x16100] =	vst v63  }
0x80: {  	s15 =	simm.s32 $0x1280  }
0x81: {  	[spmem:s0] =	stream.indirect.scatter.add.f32 [tilespmem:s22], [sflag:$0x1], $0x10, s15, s26, $0xb8;
	[tilespmem:$0x16100] =	vst v63  }
0x82: {  	s18 =	simm.s32 $0x1300  }
0x83: {  	[spmem:s0] =	stream.indirect.scatter.add.f32 [tilespmem:s22], [sflag:$0x1], $0x10, s18, s26, $0xb8;
	[tilespmem:$0x16100] =	vst v63  }
0x84: {  	s19 =	simm.s32 $0x1380  }
0x85: {  	[spmem:s0] =	stream.indirect.scatter.add.f32 [tilespmem:s22], [sflag:$0x1], $0x10, s19, s26, $0xb8;
	[tilespmem:$0x16100] =	vst v63  }
0x86: {  	s23 =	simm.s32 $0x1400  }
0x87: {  	[spmem:s0] =	stream.indirect.scatter.add.f32 [tilespmem:s22], [sflag:$0x1], $0x10, s23, s26, $0xb8;
	[tilespmem:$0x16100] =	vst v63  }
0x88: {  	s24 =	simm.s32 $0x1480  }
0x89: {  	[spmem:s0] =	stream.indirect.scatter.add.f32 [tilespmem:s22], [sflag:$0x1], $0x10, s24, s26, $0xb8;
	[tilespmem:$0x16100] =	vst v63  }
0x8a: {  	s25 =	simm.s32 $0x1500  }
0x8b: {  	[spmem:s0] =	stream.indirect.scatter.add.f32 [tilespmem:s22], [sflag:$0x1], $0x10, s25, s26, $0xb8;
	[tilespmem:$0x16100] =	vst v63  }
0x8c: {  	s28 =	simm.s32 $0x1580  }
0x8d: {  	[spmem:s0] =	stream.indirect.scatter.add.f32 [tilespmem:s22], [sflag:$0x1], $0x10, s28, s26, $0xb8;
	[tilespmem:$0x16100] =	vst v63  }
0x8e: {  	s29 =	simm.s32 $0x1600  }
0x8f: {  	[spmem:s0] =	stream.indirect.scatter.add.f32 [tilespmem:s22], [sflag:$0x1], $0x10, s29, s26, $0xb8;
	[tilespmem:$0x16100] =	vst v63  }
0x90: {  	s30 =	simm.s32 $0x1680  }
0x91: {  	[spmem:s0] =	stream.indirect.scatter.add.f32 [tilespmem:s22], [sflag:$0x1], $0x10, s30, s26, $0xb8;
	[tilespmem:$0x16100] =	vst v63  }
0x92: {  	_ =	swait.ge [sflag:s20], $0x800  }
0x93: {  	[sflag:s20] =	ssyncset.done $0x0  }
0x94: {  	[sflag:s20] =	ssyncadd.s32 $0xFFFFF800  }
0x95: {  	_ =	swait.ge [sflag:s20], $0x800  }
0x96: {  	[sflag:s20] =	ssyncset.done $0x0  }
0x97: {  	[sflag:s20] =	ssyncadd.s32 $0xFFFFF800  }
0x98: {  	_ =	swait.ge [sflag:s20], $0x800  }
0x99: {  	[sflag:s20] =	ssyncset.done $0x0  }
0x9a: {  	[sflag:s20] =	ssyncadd.s32 $0xFFFFF800  }
0x9b: {  	_ =	swait.ge [sflag:s20], $0x800  }
0x9c: {  	[sflag:s20] =	ssyncset.done $0x0  }
0x9d: {  	[sflag:s20] =	ssyncadd.s32 $0xFFFFF800  }
0x9e: {  	_ =	swait.ge [sflag:s20], $0x800  }
0x9f: {  	[sflag:s20] =	ssyncset.done $0x0  }
0xa0: {  	[sflag:s20] =	ssyncadd.s32 $0xFFFFF800  }
0xa1: {  	_ =	swait.ge [sflag:s20], $0x800  }
0xa2: {  	[sflag:s20] =	ssyncset.done $0x0  }
0xa3: {  	[sflag:s20] =	ssyncadd.s32 $0xFFFFF800  }
0xa4: {  	_ =	swait.ge [sflag:s20], $0x800  }
0xa5: {  	[sflag:s20] =	ssyncset.done $0x0  }
0xa6: {  	[sflag:s20] =	ssyncadd.s32 $0xFFFFF800  }
0xa7: {  	_ =	swait.ge [sflag:s20], $0x800  }
0xa8: {  	[sflag:s20] =	ssyncset.done $0x0  }
0xa9: {  	[sflag:s20] =	ssyncadd.s32 $0xFFFFF800  }
0xaa: {  	_ =	swait.ge [sflag:s20], $0x800  }
0xab: {  	[sflag:s20] =	ssyncset.done $0x0  }
0xac: {  	[sflag:s20] =	ssyncadd.s32 $0xFFFFF800  }
0xad: {  	_ =	swait.ge [sflag:s20], $0x800  }
0xae: {  	[sflag:s20] =	ssyncset.done $0x0  }
0xaf: {  	[sflag:s20] =	ssyncadd.s32 $0xFFFFF800  }
0xb0: {  	_ =	swait.ge [sflag:s20], $0x800  }
0xb1: {  	[sflag:s20] =	ssyncset.done $0x0  }
0xb2: {  	[sflag:s20] =	ssyncadd.s32 $0xFFFFF800  }
0xb3: {  	_ =	swait.ge [sflag:s20], $0x800  }
0xb4: {  	[sflag:s20] =	ssyncset.done $0x0  }
0xb5: {  	[sflag:s20] =	ssyncadd.s32 $0xFFFFF800  }
0xb6: {  	_ =	swait.ge [sflag:s20], $0x800  }
0xb7: {  	[sflag:s20] =	ssyncset.done $0x0  }
0xb8: {  	[sflag:s20] =	ssyncadd.s32 $0xFFFFF800  }
0xb9: {  	_ =	swait.ge [sflag:s20], $0x800  }
0xba: {  	[sflag:s20] =	ssyncset.done $0x0  }
0xbb: {  	[sflag:s20] =	ssyncadd.s32 $0xFFFFF800  }
0xbc: {  	_ =	swait.ge [sflag:s20], $0x800  }
0xbd: {  	[sflag:s20] =	ssyncset.done $0x0  }
0xbe: {  	[sflag:s20] =	ssyncadd.s32 $0xFFFFF800  }
0xbf: {  	_ =	swait.ge [sflag:s20], $0x800  }
0xc0: {  	[sflag:s20] =	ssyncset.done $0x0  }
0xc1: {  	[sflag:s20] =	ssyncadd.s32 $0xFFFFF800  }
0xc2: {  	_ =	swait.ge [sflag:s20], $0x800  }
0xc3: {  	[sflag:s20] =	ssyncset.done $0x0  }
0xc4: {  	[sflag:s20] =	ssyncadd.s32 $0xFFFFF800  }
0xc5: {  	_ =	swait.ge [sflag:s20], $0x800  }
0xc6: {  	[sflag:s20] =	ssyncset.done $0x0  }
0xc7: {  	[sflag:s20] =	ssyncadd.s32 $0xFFFFF800  }
0xc8: {  	_ =	swait.ge [sflag:s20], $0x800  }
0xc9: {  	[sflag:s20] =	ssyncset.done $0x0  }
0xca: {  	[sflag:s20] =	ssyncadd.s32 $0xFFFFF800  }
0xcb: {  	_ =	swait.ge [sflag:s20], $0x800  }
0xcc: {  	[sflag:s20] =	ssyncset.done $0x0  }
0xcd: {  	[sflag:s20] =	ssyncadd.s32 $0xFFFFF800  }
0xce: {  	_ =	swait.ge [sflag:s20], $0x800  }
0xcf: {  	[sflag:s20] =	ssyncset.done $0x0  }
0xd0: {  	[sflag:s20] =	ssyncadd.s32 $0xFFFFF800  }
0xd1: {  	_ =	swait.ge [sflag:s20], $0x800  }
0xd2: {  	[sflag:s20] =	ssyncset.done $0x0  }
0xd3: {  	[sflag:s20] =	ssyncadd.s32 $0xFFFFF800  }
0xd4: {  	_ =	swait.ge [sflag:s20], $0x800  }
0xd5: {  	[sflag:s20] =	ssyncset.done $0x0  }
0xd6: {  	[sflag:s20] =	ssyncadd.s32 $0xFFFFF800  }
0xd7: {  	_ =	swait.ge [sflag:s20], $0x800  }
0xd8: {  	[sflag:s20] =	ssyncset.done $0x0  }
0xd9: {  	[sflag:s20] =	ssyncadd.s32 $0xFFFFF800  }
0xda: {  	_ =	swait.ge [sflag:s20], $0x800  }
0xdb: {  	[sflag:s20] =	ssyncset.done $0x0  }
0xdc: {  	[sflag:s20] =	ssyncadd.s32 $0xFFFFF800  }
0xdd: {  	_ =	swait.ge [sflag:s20], $0x800  }
0xde: {  	[sflag:s20] =	ssyncset.done $0x0  }
0xdf: {  	[sflag:s20] =	ssyncadd.s32 $0xFFFFF800  }
0xe0: {  	_ =	swait.ge [sflag:s20], $0x800  }
0xe1: {  	[sflag:s20] =	ssyncset.done $0x0  }
0xe2: {  	[sflag:s20] =	ssyncadd.s32 $0xFFFFF800  }
0xe3: {  	_ =	swait.ge [sflag:s20], $0x800  }
0xe4: {  	[sflag:s20] =	ssyncset.done $0x0  }
0xe5: {  	[sflag:s20] =	ssyncadd.s32 $0xFFFFF800  }
0xe6: {  	_ =	swait.ge [sflag:s20], $0x800  }
0xe7: {  	[sflag:s20] =	ssyncset.done $0x0  }
0xe8: {  	[sflag:s20] =	ssyncadd.s32 $0xFFFFF800  }
0xe9: {  	_ =	swait.ge [sflag:s20], $0x800  }
0xea: {  	[sflag:s20] =	ssyncset.done $0x0  }
0xeb: {  	[sflag:s20] =	ssyncadd.s32 $0xFFFFF800  }
0xec: {  	_ =	swait.ge [sflag:s20], $0x800  }
0xed: {  	[sflag:s20] =	ssyncset.done $0x0  }
0xee: {  	[sflag:s20] =	ssyncadd.s32 $0xFFFFF800  }
0xef: {  	_ =	swait.ge [sflag:s20], $0x800  }
0xf0: {  	[sflag:s20] =	ssyncset.done $0x0  }
0xf1: {  	[sflag:s20] =	ssyncadd.s32 $0xFFFFF800  }
0xf2: {  	_ =	swait.ge [sflag:s20], $0x800  }
0xf3: {  	[sflag:s20] =	ssyncset.done $0x0  }
0xf4: {  	[sflag:s20] =	ssyncadd.s32 $0xFFFFF800  }
0xf5: {  	_ =	swait.ge [sflag:s20], $0x800  }
0xf6: {  	[sflag:s20] =	ssyncset.done $0x0  }
0xf7: {  	[sflag:s20] =	ssyncadd.s32 $0xFFFFF800  }
0xf8: {  	_ =	swait.ge [sflag:s20], $0x800  }
0xf9: {  	[sflag:s20] =	ssyncset.done $0x0  }
0xfa: {  	[sflag:s20] =	ssyncadd.s32 $0xFFFFF800  }
0xfb: {  	_ =	swait.ge [sflag:s20], $0x800  }
0xfc: {  	[sflag:s20] =	ssyncset.done $0x0  }
0xfd: {  	[sflag:s20] =	ssyncadd.s32 $0xFFFFF800  }
0xfe: {  	_ =	swait.ge [sflag:s20], $0x800  }
0xff: {  	[sflag:s20] =	ssyncset.done $0x0  }
0x100: {  	[sflag:s20] =	ssyncadd.s32 $0xFFFFF800  }
0x101: {  	_ =	swait.ge [sflag:s20], $0x800  }
0x102: {  	[sflag:s20] =	ssyncset.done $0x0  }
0x103: {  	[sflag:s20] =	ssyncadd.s32 $0xFFFFF800  }
0x104: {  	_ =	swait.ge [sflag:s20], $0x800  }
0x105: {  	[sflag:s20] =	ssyncset.done $0x0  }
0x106: {  	[sflag:s20] =	ssyncadd.s32 $0xFFFFF800  }
0x107: {  	_ =	swait.ge [sflag:s20], $0x800  }
0x108: {  	[sflag:s20] =	ssyncset.done $0x0  }
0x109: {  	[sflag:s20] =	ssyncadd.s32 $0xFFFFF800  }
0x10a: {  	_ =	swait.ge [sflag:s20], $0x800  }
0x10b: {  	[sflag:s20] =	ssyncset.done $0x0  }
0x10c: {  	[sflag:s20] =	ssyncadd.s32 $0xFFFFF800  }
0x10d: {  	_ =	swait.ge [sflag:s20], $0x800  }
0x10e: {  	[sflag:s20] =	ssyncset.done $0x0  }
0x10f: {  	[sflag:s20] =	ssyncadd.s32 $0xFFFFF800  }
0x110: {  	_ =	swait.ge [sflag:s20], $0x800  }
0x111: {  	[sflag:s20] =	ssyncset.done $0x0  }
0x112: {  	[sflag:s20] =	ssyncadd.s32 $0xFFFFF800  }
0x113: {  	_ =	swait.ge [sflag:s20], $0x800  }
0x114: {  	[sflag:s20] =	ssyncset.done $0x0  }
0x115: {  	[sflag:s20] =	ssyncadd.s32 $0xFFFFF800  }
0x116: {  	_ =	swait.ge [sflag:s20], $0x800  }
0x117: {  	[sflag:s20] =	ssyncset.done $0x0  }
0x118: {  	[sflag:s20] =	ssyncadd.s32 $0xFFFFF800  }
0x119: {  	_ =	swait.ge [sflag:s20], $0x800  }
0x11a: {  	[sflag:s20] =	ssyncset.done $0x0  }
0x11b: {  	[sflag:s20] =	ssyncadd.s32 $0xFFFFF800  }
0x11c: {  	[bflag:$0x0] =	sbarrier.arrive $0xFFFF  }
0x11d: {  	s31 =	rddreg [dreg:$0x6]  }
0x11e: {  	[tilespmem:s5], [sflag:$0x3] =	stream.linear.gather [spmem:s31], $0x1700, $0x38;
	[tilespmem:$0x16100] =	vst v63  }
0x11f: {  	_ =	swait.ge [sflag:s21], $0x1700  }
0x120: {  	[sflag:s21] =	ssyncset.done $0x0  }
0x121: {  	s12 =	simm.s32 $0x0;
	[sflag:s21] =	ssyncadd.s32 $0xFFFFE900  }
0x122: {  	v0 =	vld [tilespmem:s12+$0x1F00];
	_ =	sdelay $0x4  }
0x123: {  	v0 =	vadd.f32 $1.000000000e+00, v0;
	_ =	sdelay $0x1  }
0x124: {  	v1 =	vshrl.u32 v0, $0x1;
	v0 =	vmul.f32 $-5.000000000e-01, v0  }
0x125: {  	v1 =	vsub.s32 $0x5F3759DF, v1  }
0x126: {  	v2 =	vmul.f32 v1, v0;
	_ =	sdelay $0x1  }
0x127: {  	v2 =	vmul.f32 v1, v2;
	_ =	sdelay $0x1  }
0x128: {  	v2 =	vadd.f32 $1.500000000e+00, v2;
	_ =	sdelay $0x1  }
0x129: {  	v1 =	vmul.f32 v1, v2;
	_ =	sdelay $0x1  }
0x12a: {  	v2 =	vmul.f32 v1, v0;
	_ =	sdelay $0x1  }
0x12b: {  	v2 =	vmul.f32 v2, v1;
	_ =	sdelay $0x1  }
0x12c: {  	v2 =	vadd.f32 $1.500000000e+00, v2;
	_ =	sdelay $0x1  }
0x12d: {  	v1 =	vmul.f32 v2, v1;
	_ =	sdelay $0x1  }
0x12e: {  	v2 =	vmul.f32 v1, v0;
	_ =	sdelay $0x1  }
0x12f: {  	v2 =	vmul.f32 v2, v1;
	_ =	sdelay $0x1  }
0x130: {  	v2 =	vadd.f32 $1.500000000e+00, v2;
	_ =	sdelay $0x1  }
0x131: {  	v1 =	vmul.f32 v2, v1;
	_ =	sdelay $0x1  }
0x132: {  	v0 =	vmul.f32 v1, v0;
	_ =	sdelay $0x1  }
0x133: {  	v0 =	vmul.f32 v0, v1;
	_ =	sdelay $0x1  }
0x134: {  	v2 =	vadd.f32 $1.500000000e+00, v0;
	v0 =	vld [tilespmem:s12+$0x4D00];
	_ =	sdelay $0x2  }
0x135: {  	s13 =	simm.s32 $0x40;
	s14 =	simm.s32 $0x80;
	v1 =	vmul.f32 v2, v1  }
.LBB2_2:
0x136: {  	p0 =	sne.s32 s14, $0x5BC0  }
0x137: {  	s15 =	sshra.s32 s13, $0x2;
	s13 =	smov.u32 s14;
	[tilespmem:s12+$0x1F00] =	vst v1;
	v1 =	vmul.f32 v1, v0  }
0x138: {  	v2 =	vld [tilespmem:s15+$0x1F00]  }
0x139: {  	v0 =	vld [tilespmem:s15+$0x4D00];
	[tilespmem:s12+$0x3600] =	vst v1;
	s12 =	smov.u32 s15;
	_ =	sdelay $0x3  }
0x13a: {  	v1 =	vadd.f32 $1.000000000e+00, v2;
	_ =	sdelay $0x1  }
0x13b: {  	v2 =	vshrl.u32 v1, $0x1;
	v1 =	vmul.f32 $-5.000000000e-01, v1  }
0x13c: {  	v2 =	vsub.s32 $0x5F3759DF, v2  }
0x13d: {  	v3 =	vmul.f32 v2, v1;
	_ =	sdelay $0x1  }
0x13e: {  	v3 =	vmul.f32 v2, v3;
	_ =	sdelay $0x1  }
0x13f: {  	v3 =	vadd.f32 $1.500000000e+00, v3;
	_ =	sdelay $0x1  }
0x140: {  	v2 =	vmul.f32 v2, v3;
	_ =	sdelay $0x1  }
0x141: {  	v3 =	vmul.f32 v2, v1;
	_ =	sdelay $0x1  }
0x142: {  	v3 =	vmul.f32 v3, v2;
	_ =	sdelay $0x1  }
0x143: {  	v3 =	vadd.f32 $1.500000000e+00, v3;
	_ =	sdelay $0x1  }
0x144: {  	v2 =	vmul.f32 v3, v2;
	_ =	sdelay $0x1  }
0x145: {  	v3 =	vmul.f32 v2, v1;
	_ =	sdelay $0x1  }
0x146: {  	v3 =	vmul.f32 v3, v2;
	_ =	sdelay $0x1  }
0x147: {  	v3 =	vadd.f32 $1.500000000e+00, v3;
	_ =	sdelay $0x1  }
0x148: {  	v2 =	vmul.f32 v3, v2;
	_ =	sdelay $0x1  }
0x149: {  	v1 =	vmul.f32 v2, v1;
	_ =	sdelay $0x1  }
.Ltmp0:
0x14a: {  	v1 =	vmul.f32 v1, v2;
	(pc) =	sbr.rel @p0 .LBB2_2-.Ltmp0, $3  }
0x14b: {  	_ = 	snop  }
0x14c: {  	v1 =	vadd.f32 $1.500000000e+00, v1;
	_ =	sdelay $0x1  }
0x14d: {  	s14 =	sadd.s32 $0x40, s14;
	v1 =	vmul.f32 v1, v2  }
0x14e: {  	_ = 	snop  }
0x14f: {  	s13 =	sshra.s32 s13, $0x2;
	[tilespmem:s12+$0x1F00] =	vst v1  }
0x150: {  	v2 =	vld [tilespmem:s13+$0x1F00];
	_ =	sdelay $0x4  }
0x151: {  	v2 =	vadd.f32 $1.000000000e+00, v2;
	_ =	sdelay $0x1  }
0x152: {  	v3 =	vshrl.u32 v2, $0x1;
	v2 =	vmul.f32 $-5.000000000e-01, v2  }
0x153: {  	v3 =	vsub.s32 $0x5F3759DF, v3  }
0x154: {  	v4 =	vmul.f32 v3, v2;
	_ =	sdelay $0x1  }
0x155: {  	v4 =	vmul.f32 v3, v4;
	_ =	sdelay $0x1  }
0x156: {  	v4 =	vadd.f32 $1.500000000e+00, v4;
	_ =	sdelay $0x1  }
0x157: {  	v3 =	vmul.f32 v3, v4;
	_ =	sdelay $0x1  }
0x158: {  	v4 =	vmul.f32 v3, v2;
	_ =	sdelay $0x1  }
0x159: {  	v4 =	vmul.f32 v4, v3;
	_ =	sdelay $0x1  }
0x15a: {  	v4 =	vadd.f32 $1.500000000e+00, v4;
	_ =	sdelay $0x1  }
0x15b: {  	v3 =	vmul.f32 v4, v3;
	_ =	sdelay $0x1  }
0x15c: {  	v4 =	vmul.f32 v3, v2;
	_ =	sdelay $0x1  }
0x15d: {  	v4 =	vmul.f32 v4, v3;
	_ =	sdelay $0x1  }
0x15e: {  	v4 =	vadd.f32 $1.500000000e+00, v4;
	_ =	sdelay $0x1  }
0x15f: {  	v3 =	vmul.f32 v4, v3;
	_ =	sdelay $0x1  }
0x160: {  	v2 =	vmul.f32 v3, v2;
	_ =	sdelay $0x1  }
0x161: {  	v2 =	vmul.f32 v2, v3  }
0x162: {  	v61 =	vld [tilespmem:s13+$0x4D00]  }
0x163: {  	v2 =	vadd.f32 $1.500000000e+00, v2;
	_ =	sdelay $0x1  }
0x164: {  	v0 =	vmul.f32 v1, v0;
	v62 =	vmul.f32 v2, v3;
	_ =	sdelay $0x1  }
0x165: {  	[tilespmem:s12+$0x3600] =	vst v0;
	v63 =	vmul.f32 v62, v61  }
0x166: {  	[tilespmem:s13+$0x1F00] =	vst v62  }
0x167: {  	s15 =	rddreg [dreg:$0xb];
	s18 =	simm.s32 $0x3600;
	[tilespmem:s13+$0x3600] =	vst v63  }
0x168: {  	[spmem:s15] =	stream.linear.scatter [tilespmem:s18], [sflag:$0x3], $0x1700, $0x38;
	[tilespmem:$0x16100] =	vst v63  }
0x169: {  	_ =	swait.ge [sflag:s21], $0x1700  }
0x16a: {  	[sflag:s21] =	ssyncset.done $0x0  }
0x16b: {  	s1 =	simm.s32 $0x0;
	s19 =	rddreg [dreg:$0xc];
	[sflag:s21] =	ssyncadd.s32 $0xFFFFE900  }
0x16c: {  	[hbm4b:s19+s1] =	stream.linear.scatter [tilespmem:s18], [sflag:$0x3], $0x1700, $0x38;
	[tilespmem:$0x16100] =	vst v63  }
0x16d: {  	_ =	swait.ge [sflag:s21], $0x1700  }
0x16e: {  	[sflag:s21] =	ssyncset.done $0x0  }
0x16f: {  	s2 =	simm.s32 $0x1F00;
	s23 =	rddreg [dreg:$0xd];
	[sflag:s21] =	ssyncadd.s32 $0xFFFFE900  }
0x170: {  	[hbm4b:s23+s1] =	stream.linear.scatter [tilespmem:s2], [sflag:$0x3], $0x1700, $0x38;
	[tilespmem:$0x16100] =	vst v63  }
0x171: {  	_ =	swait.ge [sflag:s21], $0x1700  }
0x172: {  	[sflag:s21] =	ssyncset.done $0x0  }
0x173: {  	s24 =	rddreg [dreg:$0xe];
	[sflag:s21] =	ssyncadd.s32 $0xFFFFE900  }
0x174: {  	[tilespmem:s1], [sflag:$0x3] =	stream.linear.gather [hbm4b:s24+s1], $0xB80, $0x38;
	[tilespmem:$0x16100] =	vst v63  }
0x175: {  	_ =	swait.ge [sflag:s21], $0xB80  }
0x176: {  	[sflag:s21] =	ssyncset.done $0x0  }
0x177: {  	s13 =	simm.s32 $0xB80;
	s25 =	rddreg [dreg:$0xf];
	[sflag:s21] =	ssyncadd.s32 $0xFFFFF480  }
0x178: {  	[tilespmem:s13], [sflag:$0x3] =	stream.linear.gather [hbm4b:s25+s1], $0xB80, $0x38;
	[tilespmem:$0x16100] =	vst v63  }
0x179: {  	_ =	swait.ge [sflag:s21], $0xB80  }
0x17a: {  	[sflag:s21] =	ssyncset.done $0x0  }
0x17b: {  	[sflag:s21] =	ssyncadd.s32 $0xFFFFF480  }
0x17c: {  	s8 =	simm.s32 $0x6400;
	[bflag:$0x0] =	sbarrier.arrive $0xFFFF  }
0x17d: {  	[tilespmem:s8], [sflag:$0x1] =	stream.indirect.gather [spmem:s4], $0x10, s1, s26, $0xb8;
	[tilespmem:$0x16100] =	vst v63  }
0x17e: {  	s9 =	simm.s32 $0x6C00  }
0x17f: {  	[tilespmem:s9], [sflag:$0x1] =	stream.indirect.gather [spmem:s4], $0x10, s26, s26, $0xb8;
	[tilespmem:$0x16100] =	vst v63  }
0x180: {  	s23 =	simm.s32 $0x100;
	s25 =	simm.s32 $0x7400  }
0x181: {  	[tilespmem:s25], [sflag:$0x1] =	stream.indirect.gather [spmem:s4], $0x10, s23, s26, $0xb8;
	[tilespmem:$0x16100] =	vst v63  }
0x182: {  	s15 =	simm.s32 $0x180;
	s24 =	simm.s32 $0x7C00  }
0x183: {  	[tilespmem:s24], [sflag:$0x1] =	stream.indirect.gather [spmem:s4], $0x10, s15, s26, $0xb8;
	[tilespmem:$0x16100] =	vst v63  }
0x184: {  	s28 =	simm.s32 $0x200;
	s7 =	simm.s32 $0x8400  }
0x185: {  	[tilespmem:s7], [sflag:$0x1] =	stream.indirect.gather [spmem:s4], $0x10, s28, s26, $0xb8;
	[tilespmem:$0x16100] =	vst v63  }
0x186: {  	s29 =	simm.s32 $0x8C00  }
0x187: {  	[tilespmem:s29], [sflag:$0x1] =	stream.indirect.gather [spmem:s4], $0x10, s16, s26, $0xb8;
	[tilespmem:$0x16100] =	vst v63  }
0x188: {  	s30 =	simm.s32 $0x300;
	s16 =	simm.s32 $0x9400  }
0x189: {  	[tilespmem:s16], [sflag:$0x1] =	stream.indirect.gather [spmem:s4], $0x10, s30, s26, $0xb8;
	[tilespmem:$0x16100] =	vst v63  }
0x18a: {  	s31 =	simm.s32 $0x9C00  }
0x18b: {  	[tilespmem:s31], [sflag:$0x1] =	stream.indirect.gather [spmem:s4], $0x10, s17, s26, $0xb8;
	[tilespmem:$0x16100] =	vst v63  }
0x18c: {  	s2 =	simm.s32 $0x400;
	s17 =	simm.s32 $0xA400  }
0x18d: {  	[tilespmem:s17], [sflag:$0x1] =	stream.indirect.gather [spmem:s4], $0x10, s2, s26, $0xb8;
	[tilespmem:$0x16100] =	vst v63  }
0x18e: {  	s28 =	simm.s32 $0xAC00  }
0x18f: {  	[tilespmem:s28], [sflag:$0x1] =	stream.indirect.gather [spmem:s4], $0x10, s11, s26, $0xb8;
	[tilespmem:$0x16100] =	vst v63  }
0x190: {  	s5 =	simm.s32 $0x500;
	s18 =	simm.s32 $0xB400  }
0x191: {  	[tilespmem:s18], [sflag:$0x1] =	stream.indirect.gather [spmem:s4], $0x10, s5, s26, $0xb8;
	[tilespmem:$0x16100] =	vst v63  }
0x192: {  	s6 =	simm.s32 $0x580;
	s29 =	simm.s32 $0xBC00  }
0x193: {  	[tilespmem:s29], [sflag:$0x1] =	stream.indirect.gather [spmem:s4], $0x10, s6, s26, $0xb8;
	[tilespmem:$0x16100] =	vst v63  }
0x194: {  	s30 =	simm.s32 $0xC400;
	s11 =	simm.s32 $0x600  }
0x195: {  	[tilespmem:s30], [sflag:$0x1] =	stream.indirect.gather [spmem:s4], $0x10, s11, s26, $0xb8;
	[tilespmem:$0x16100] =	vst v63  }
0x196: {  	s12 =	simm.s32 $0x680;
	s19 =	simm.s32 $0xCC00  }
0x197: {  	[tilespmem:s19], [sflag:$0x1] =	stream.indirect.gather [spmem:s4], $0x10, s12, s26, $0xb8;
	[tilespmem:$0x16100] =	vst v63  }
0x198: {  	s14 =	simm.s32 $0x700;
	s31 =	simm.s32 $0xD400  }
0x199: {  	[tilespmem:s31], [sflag:$0x1] =	stream.indirect.gather [spmem:s4], $0x10, s14, s26, $0xb8;
	[tilespmem:$0x16100] =	vst v63  }
0x19a: {  	s1 =	simm.s32 $0xDC00;
	s5 =	simm.s32 $0x780  }
0x19b: {  	[tilespmem:s1], [sflag:$0x1] =	stream.indirect.gather [spmem:s4], $0x10, s5, s26, $0xb8;
	[tilespmem:$0x16100] =	vst v63  }
0x19c: {  	s6 =	simm.s32 $0x800;
	s11 =	simm.s32 $0xE400  }
0x19d: {  	[tilespmem:s11], [sflag:$0x1] =	stream.indirect.gather [spmem:s4], $0x10, s6, s26, $0xb8;
	[tilespmem:$0x16100] =	vst v63  }
0x19e: {  	s12 =	simm.s32 $0xEC00;
	s14 =	simm.s32 $0x880  }
0x19f: {  	[tilespmem:s12], [sflag:$0x1] =	stream.indirect.gather [spmem:s4], $0x10, s14, s26, $0xb8;
	[tilespmem:$0x16100] =	vst v63  }
0x1a0: {  	s2 =	simm.s32 $0xF400;
	s1 =	simm.s32 $0x900  }
0x1a1: {  	[tilespmem:s2], [sflag:$0x1] =	stream.indirect.gather [spmem:s4], $0x10, s1, s26, $0xb8;
	[tilespmem:$0x16100] =	vst v63  }
0x1a2: {  	s5 =	simm.s32 $0x980;
	s12 =	simm.s32 $0xFC00  }
0x1a3: {  	[tilespmem:s12], [sflag:$0x1] =	stream.indirect.gather [spmem:s4], $0x10, s5, s26, $0xb8;
	[tilespmem:$0x16100] =	vst v63  }
0x1a4: {  	s6 =	simm.s32 $0xA00;
	s5 =	simm.s32 $0x10400  }
0x1a5: {  	[tilespmem:s5], [sflag:$0x1] =	stream.indirect.gather [spmem:s4], $0x10, s6, s26, $0xb8;
	[tilespmem:$0x16100] =	vst v63  }
0x1a6: {  	s14 =	simm.s32 $0xA80;
	s6 =	simm.s32 $0x10C00  }
0x1a7: {  	[tilespmem:s6], [sflag:$0x1] =	stream.indirect.gather [spmem:s4], $0x10, s14, s26, $0xb8;
	[tilespmem:$0x16100] =	vst v63  }
0x1a8: {  	s1 =	simm.s32 $0xB00;
	s14 =	simm.s32 $0x11400  }
0x1a9: {  	[tilespmem:s14], [sflag:$0x1] =	stream.indirect.gather [spmem:s4], $0x10, s1, s26, $0xb8;
	[tilespmem:$0x16100] =	vst v63  }
0x1aa: {  	_ =	swait.ge [sflag:s20], $0x800  }
0x1ab: {  	[sflag:s20] =	ssyncset.done $0x0  }
0x1ac: {  	[sflag:s20] =	ssyncadd.s32 $0xFFFFF800  }
0x1ad: {  	_ =	swait.ge [sflag:s20], $0x800  }
0x1ae: {  	[sflag:s20] =	ssyncset.done $0x0  }
0x1af: {  	[sflag:s20] =	ssyncadd.s32 $0xFFFFF800  }
0x1b0: {  	_ =	swait.ge [sflag:s20], $0x800  }
0x1b1: {  	[sflag:s20] =	ssyncset.done $0x0  }
0x1b2: {  	[sflag:s20] =	ssyncadd.s32 $0xFFFFF800  }
0x1b3: {  	_ =	swait.ge [sflag:s20], $0x800  }
0x1b4: {  	[sflag:s20] =	ssyncset.done $0x0  }
0x1b5: {  	[sflag:s20] =	ssyncadd.s32 $0xFFFFF800  }
0x1b6: {  	_ =	swait.ge [sflag:s20], $0x800  }
0x1b7: {  	[sflag:s20] =	ssyncset.done $0x0  }
0x1b8: {  	[sflag:s20] =	ssyncadd.s32 $0xFFFFF800  }
0x1b9: {  	_ =	swait.ge [sflag:s20], $0x800  }
0x1ba: {  	[sflag:s20] =	ssyncset.done $0x0  }
0x1bb: {  	[sflag:s20] =	ssyncadd.s32 $0xFFFFF800  }
0x1bc: {  	_ =	swait.ge [sflag:s20], $0x800  }
0x1bd: {  	[sflag:s20] =	ssyncset.done $0x0  }
0x1be: {  	[sflag:s20] =	ssyncadd.s32 $0xFFFFF800  }
0x1bf: {  	_ =	swait.ge [sflag:s20], $0x800  }
0x1c0: {  	[sflag:s20] =	ssyncset.done $0x0  }
0x1c1: {  	[sflag:s20] =	ssyncadd.s32 $0xFFFFF800  }
0x1c2: {  	_ =	swait.ge [sflag:s20], $0x800  }
0x1c3: {  	[sflag:s20] =	ssyncset.done $0x0  }
0x1c4: {  	[sflag:s20] =	ssyncadd.s32 $0xFFFFF800  }
0x1c5: {  	_ =	swait.ge [sflag:s20], $0x800  }
0x1c6: {  	[sflag:s20] =	ssyncset.done $0x0  }
0x1c7: {  	[sflag:s20] =	ssyncadd.s32 $0xFFFFF800  }
0x1c8: {  	_ =	swait.ge [sflag:s20], $0x800  }
0x1c9: {  	[sflag:s20] =	ssyncset.done $0x0  }
0x1ca: {  	[sflag:s20] =	ssyncadd.s32 $0xFFFFF800  }
0x1cb: {  	_ =	swait.ge [sflag:s20], $0x800  }
0x1cc: {  	[sflag:s20] =	ssyncset.done $0x0  }
0x1cd: {  	[sflag:s20] =	ssyncadd.s32 $0xFFFFF800  }
0x1ce: {  	_ =	swait.ge [sflag:s20], $0x800  }
0x1cf: {  	[sflag:s20] =	ssyncset.done $0x0  }
0x1d0: {  	[sflag:s20] =	ssyncadd.s32 $0xFFFFF800  }
0x1d1: {  	_ =	swait.ge [sflag:s20], $0x800  }
0x1d2: {  	[sflag:s20] =	ssyncset.done $0x0  }
0x1d3: {  	[sflag:s20] =	ssyncadd.s32 $0xFFFFF800  }
0x1d4: {  	_ =	swait.ge [sflag:s20], $0x800  }
0x1d5: {  	[sflag:s20] =	ssyncset.done $0x0  }
0x1d6: {  	[sflag:s20] =	ssyncadd.s32 $0xFFFFF800  }
0x1d7: {  	_ =	swait.ge [sflag:s20], $0x800  }
0x1d8: {  	[sflag:s20] =	ssyncset.done $0x0  }
0x1d9: {  	[sflag:s20] =	ssyncadd.s32 $0xFFFFF800  }
0x1da: {  	_ =	swait.ge [sflag:s20], $0x800  }
0x1db: {  	[sflag:s20] =	ssyncset.done $0x0  }
0x1dc: {  	[sflag:s20] =	ssyncadd.s32 $0xFFFFF800  }
0x1dd: {  	_ =	swait.ge [sflag:s20], $0x800  }
0x1de: {  	[sflag:s20] =	ssyncset.done $0x0  }
0x1df: {  	[sflag:s20] =	ssyncadd.s32 $0xFFFFF800  }
0x1e0: {  	_ =	swait.ge [sflag:s20], $0x800  }
0x1e1: {  	[sflag:s20] =	ssyncset.done $0x0  }
0x1e2: {  	[sflag:s20] =	ssyncadd.s32 $0xFFFFF800  }
0x1e3: {  	_ =	swait.ge [sflag:s20], $0x800  }
0x1e4: {  	[sflag:s20] =	ssyncset.done $0x0  }
0x1e5: {  	[sflag:s20] =	ssyncadd.s32 $0xFFFFF800  }
0x1e6: {  	_ =	swait.ge [sflag:s20], $0x800  }
0x1e7: {  	[sflag:s20] =	ssyncset.done $0x0  }
0x1e8: {  	[sflag:s20] =	ssyncadd.s32 $0xFFFFF800  }
0x1e9: {  	_ =	swait.ge [sflag:s20], $0x800  }
0x1ea: {  	[sflag:s20] =	ssyncset.done $0x0  }
0x1eb: {  	[sflag:s20] =	ssyncadd.s32 $0xFFFFF800  }
0x1ec: {  	_ =	swait.ge [sflag:s20], $0x800  }
0x1ed: {  	[sflag:s20] =	ssyncset.done $0x0  }
0x1ee: {  	[sflag:s20] =	ssyncadd.s32 $0xFFFFF800  }
0x1ef: {  	[spmem:s3] =	stream.indirect.scatter.add.f32 [tilespmem:s8], [sflag:$0x2], $0x10, s13, s26, $0xb8;
	[tilespmem:$0x16100] =	vst v63  }
0x1f0: {  	s8 =	simm.s32 $0xC00  }
0x1f1: {  	[spmem:s3] =	stream.indirect.scatter.add.f32 [tilespmem:s9], [sflag:$0x2], $0x10, s8, s26, $0xb8;
	[tilespmem:$0x16100] =	vst v63  }
0x1f2: {  	s9 =	simm.s32 $0xC80  }
0x1f3: {  	[spmem:s3] =	stream.indirect.scatter.add.f32 [tilespmem:s25], [sflag:$0x2], $0x10, s9, s26, $0xb8;
	[tilespmem:$0x16100] =	vst v63  }
0x1f4: {  	s8 =	simm.s32 $0xD00  }
0x1f5: {  	[spmem:s3] =	stream.indirect.scatter.add.f32 [tilespmem:s24], [sflag:$0x2], $0x10, s8, s26, $0xb8;
	[tilespmem:$0x16100] =	vst v63  }
0x1f6: {  	s9 =	simm.s32 $0xD80  }
0x1f7: {  	[spmem:s3] =	stream.indirect.scatter.add.f32 [tilespmem:s7], [sflag:$0x2], $0x10, s9, s26, $0xb8;
	[tilespmem:$0x16100] =	vst v63  }
0x1f8: {  	s25 =	simm.s32 $0x8C00;
	s24 =	simm.s32 $0xE00  }
0x1f9: {  	[spmem:s3] =	stream.indirect.scatter.add.f32 [tilespmem:s25], [sflag:$0x2], $0x10, s24, s26, $0xb8;
	[tilespmem:$0x16100] =	vst v63  }
0x1fa: {  	s7 =	simm.s32 $0xE80  }
0x1fb: {  	[spmem:s3] =	stream.indirect.scatter.add.f32 [tilespmem:s16], [sflag:$0x2], $0x10, s7, s26, $0xb8;
	[tilespmem:$0x16100] =	vst v63  }
0x1fc: {  	s8 =	simm.s32 $0xF00;
	s9 =	simm.s32 $0x9C00  }
0x1fd: {  	[spmem:s3] =	stream.indirect.scatter.add.f32 [tilespmem:s9], [sflag:$0x2], $0x10, s8, s26, $0xb8;
	[tilespmem:$0x16100] =	vst v63  }
0x1fe: {  	s16 =	simm.s32 $0xF80  }
0x1ff: {  	[spmem:s3] =	stream.indirect.scatter.add.f32 [tilespmem:s17], [sflag:$0x2], $0x10, s16, s26, $0xb8;
	[tilespmem:$0x16100] =	vst v63  }
0x200: {  	s17 =	simm.s32 $0x1000  }
0x201: {  	[spmem:s3] =	stream.indirect.scatter.add.f32 [tilespmem:s28], [sflag:$0x2], $0x10, s17, s26, $0xb8;
	[tilespmem:$0x16100] =	vst v63  }
0x202: {  	s24 =	simm.s32 $0x1080  }
0x203: {  	[spmem:s3] =	stream.indirect.scatter.add.f32 [tilespmem:s18], [sflag:$0x2], $0x10, s24, s26, $0xb8;
	[tilespmem:$0x16100] =	vst v63  }
0x204: {  	s25 =	simm.s32 $0x1100  }
0x205: {  	[spmem:s3] =	stream.indirect.scatter.add.f32 [tilespmem:s29], [sflag:$0x2], $0x10, s25, s26, $0xb8;
	[tilespmem:$0x16100] =	vst v63  }
0x206: {  	s28 =	simm.s32 $0x1180  }
0x207: {  	[spmem:s3] =	stream.indirect.scatter.add.f32 [tilespmem:s30], [sflag:$0x2], $0x10, s28, s26, $0xb8;
	[tilespmem:$0x16100] =	vst v63  }
0x208: {  	s29 =	simm.s32 $0x1200  }
0x209: {  	[spmem:s3] =	stream.indirect.scatter.add.f32 [tilespmem:s19], [sflag:$0x2], $0x10, s29, s26, $0xb8;
	[tilespmem:$0x16100] =	vst v63  }
0x20a: {  	s30 =	simm.s32 $0x1280  }
0x20b: {  	[spmem:s3] =	stream.indirect.scatter.add.f32 [tilespmem:s31], [sflag:$0x2], $0x10, s30, s26, $0xb8;
	[tilespmem:$0x16100] =	vst v63  }
0x20c: {  	s7 =	simm.s32 $0x1300;
	s8 =	simm.s32 $0xDC00  }
0x20d: {  	[spmem:s3] =	stream.indirect.scatter.add.f32 [tilespmem:s8], [sflag:$0x2], $0x10, s7, s26, $0xb8;
	[tilespmem:$0x16100] =	vst v63  }
0x20e: {  	s9 =	simm.s32 $0x1380  }
0x20f: {  	[spmem:s3] =	stream.indirect.scatter.add.f32 [tilespmem:s11], [sflag:$0x2], $0x10, s9, s26, $0xb8;
	[tilespmem:$0x16100] =	vst v63  }
0x210: {  	s16 =	simm.s32 $0xEC00;
	s11 =	simm.s32 $0x1400  }
0x211: {  	[spmem:s3] =	stream.indirect.scatter.add.f32 [tilespmem:s16], [sflag:$0x2], $0x10, s11, s26, $0xb8;
	[tilespmem:$0x16100] =	vst v63  }
0x212: {  	s17 =	simm.s32 $0x1480  }
0x213: {  	[spmem:s3] =	stream.indirect.scatter.add.f32 [tilespmem:s2], [sflag:$0x2], $0x10, s17, s26, $0xb8;
	[tilespmem:$0x16100] =	vst v63  }
0x214: {  	s18 =	simm.s32 $0x1500  }
0x215: {  	[spmem:s3] =	stream.indirect.scatter.add.f32 [tilespmem:s12], [sflag:$0x2], $0x10, s18, s26, $0xb8;
	[tilespmem:$0x16100] =	vst v63  }
0x216: {  	s19 =	simm.s32 $0x1580  }
0x217: {  	[spmem:s3] =	stream.indirect.scatter.add.f32 [tilespmem:s5], [sflag:$0x2], $0x10, s19, s26, $0xb8;
	[tilespmem:$0x16100] =	vst v63  }
0x218: {  	s24 =	simm.s32 $0x1600  }
0x219: {  	[spmem:s3] =	stream.indirect.scatter.add.f32 [tilespmem:s6], [sflag:$0x2], $0x10, s24, s26, $0xb8;
	[tilespmem:$0x16100] =	vst v63  }
0x21a: {  	s14 =	simm.s32 $0x11400;
	s25 =	simm.s32 $0x1680  }
0x21b: {  	[spmem:s3] =	stream.indirect.scatter.add.f32 [tilespmem:s14], [sflag:$0x2], $0x10, s25, s26, $0xb8;
	[tilespmem:$0x16100] =	vst v63  }
0x21c: {  	_ =	swait.ge [sflag:s10], $0x800  }
0x21d: {  	[sflag:s10] =	ssyncset.done $0x0  }
0x21e: {  	[sflag:s10] =	ssyncadd.s32 $0xFFFFF800  }
0x21f: {  	_ =	swait.ge [sflag:s10], $0x800  }
0x220: {  	[sflag:s10] =	ssyncset.done $0x0  }
0x221: {  	[sflag:s10] =	ssyncadd.s32 $0xFFFFF800  }
0x222: {  	_ =	swait.ge [sflag:s10], $0x800  }
0x223: {  	[sflag:s10] =	ssyncset.done $0x0  }
0x224: {  	[sflag:s10] =	ssyncadd.s32 $0xFFFFF800  }
0x225: {  	_ =	swait.ge [sflag:s10], $0x800  }
0x226: {  	[sflag:s10] =	ssyncset.done $0x0  }
0x227: {  	[sflag:s10] =	ssyncadd.s32 $0xFFFFF800  }
0x228: {  	_ =	swait.ge [sflag:s10], $0x800  }
0x229: {  	[sflag:s10] =	ssyncset.done $0x0  }
0x22a: {  	[sflag:s10] =	ssyncadd.s32 $0xFFFFF800  }
0x22b: {  	_ =	swait.ge [sflag:s10], $0x800  }
0x22c: {  	[sflag:s10] =	ssyncset.done $0x0  }
0x22d: {  	[sflag:s10] =	ssyncadd.s32 $0xFFFFF800  }
0x22e: {  	_ =	swait.ge [sflag:s10], $0x800  }
0x22f: {  	[sflag:s10] =	ssyncset.done $0x0  }
0x230: {  	[sflag:s10] =	ssyncadd.s32 $0xFFFFF800  }
0x231: {  	_ =	swait.ge [sflag:s10], $0x800  }
0x232: {  	[sflag:s10] =	ssyncset.done $0x0  }
0x233: {  	[sflag:s10] =	ssyncadd.s32 $0xFFFFF800  }
0x234: {  	_ =	swait.ge [sflag:s10], $0x800  }
0x235: {  	[sflag:s10] =	ssyncset.done $0x0  }
0x236: {  	[sflag:s10] =	ssyncadd.s32 $0xFFFFF800  }
0x237: {  	_ =	swait.ge [sflag:s10], $0x800  }
0x238: {  	[sflag:s10] =	ssyncset.done $0x0  }
0x239: {  	[sflag:s10] =	ssyncadd.s32 $0xFFFFF800  }
0x23a: {  	_ =	swait.ge [sflag:s10], $0x800  }
0x23b: {  	[sflag:s10] =	ssyncset.done $0x0  }
0x23c: {  	[sflag:s10] =	ssyncadd.s32 $0xFFFFF800  }
0x23d: {  	_ =	swait.ge [sflag:s10], $0x800  }
0x23e: {  	[sflag:s10] =	ssyncset.done $0x0  }
0x23f: {  	[sflag:s10] =	ssyncadd.s32 $0xFFFFF800  }
0x240: {  	_ =	swait.ge [sflag:s10], $0x800  }
0x241: {  	[sflag:s10] =	ssyncset.done $0x0  }
0x242: {  	[sflag:s10] =	ssyncadd.s32 $0xFFFFF800  }
0x243: {  	_ =	swait.ge [sflag:s10], $0x800  }
0x244: {  	[sflag:s10] =	ssyncset.done $0x0  }
0x245: {  	[sflag:s10] =	ssyncadd.s32 $0xFFFFF800  }
0x246: {  	_ =	swait.ge [sflag:s10], $0x800  }
0x247: {  	[sflag:s10] =	ssyncset.done $0x0  }
0x248: {  	[sflag:s10] =	ssyncadd.s32 $0xFFFFF800  }
0x249: {  	_ =	swait.ge [sflag:s10], $0x800  }
0x24a: {  	[sflag:s10] =	ssyncset.done $0x0  }
0x24b: {  	[sflag:s10] =	ssyncadd.s32 $0xFFFFF800  }
0x24c: {  	_ =	swait.ge [sflag:s10], $0x800  }
0x24d: {  	[sflag:s10] =	ssyncset.done $0x0  }
0x24e: {  	[sflag:s10] =	ssyncadd.s32 $0xFFFFF800  }
0x24f: {  	_ =	swait.ge [sflag:s10], $0x800  }
0x250: {  	[sflag:s10] =	ssyncset.done $0x0  }
0x251: {  	[sflag:s10] =	ssyncadd.s32 $0xFFFFF800  }
0x252: {  	_ =	swait.ge [sflag:s10], $0x800  }
0x253: {  	[sflag:s10] =	ssyncset.done $0x0  }
0x254: {  	[sflag:s10] =	ssyncadd.s32 $0xFFFFF800  }
0x255: {  	_ =	swait.ge [sflag:s10], $0x800  }
0x256: {  	[sflag:s10] =	ssyncset.done $0x0  }
0x257: {  	[sflag:s10] =	ssyncadd.s32 $0xFFFFF800  }
0x258: {  	_ =	swait.ge [sflag:s10], $0x800  }
0x259: {  	[sflag:s10] =	ssyncset.done $0x0  }
0x25a: {  	[sflag:s10] =	ssyncadd.s32 $0xFFFFF800  }
0x25b: {  	_ =	swait.ge [sflag:s10], $0x800  }
0x25c: {  	[sflag:s10] =	ssyncset.done $0x0  }
0x25d: {  	[sflag:s10] =	ssyncadd.s32 $0xFFFFF800  }
0x25e: {  	_ =	swait.ge [sflag:s10], $0x800  }
0x25f: {  	[sflag:s10] =	ssyncset.done $0x0  }
0x260: {  	[sflag:s10] =	ssyncadd.s32 $0xFFFFF800  }
0x261: {  	[bflag:$0x0] =	sbarrier.arrive $0xFFFF  }
0x262: {  	s28 =	rddreg [dreg:$0x12]  }
0x263: {  	s6 =	rddreg [dreg:$0x14]  }
0x264: {  	s29 =	rddreg [dreg:$0x16]  }
0x265: {  	[hbm:s28], [sflag:s6] =	dma.local [spmem:s29], $0x2E0  }
0x266: {  	_ =	swait.ge [sflag:s21], $0x2E0  }
0x267: {  	s30 =	rddreg [dreg:$0x15]  }
0x268: {  	s31 =	rddreg [dreg:$0x10];
	s1 =	sadd.s32 $0x1, s30  }
0x269: {  	p0 =	sne.s32 s1, s31  }
.Ltmp1:
0x26a: {  	_ = 	snop;
	(pc) =	sbr.rel @p0 .LBB2_1-.Ltmp1, $3  }
0x26b: {  	_ =	sdelay $0x1  }
0x26c: {  	[sflag:s21] =	ssyncset.done $0x0  }
0x26d: {  	s5 =	simm.s32 $0x1F00;
	[sflag:s21] =	ssyncadd.s32 $0xFFFFFD20  }
0x26e: {  	_ =	sfence.sel $0x180000  }
0x26f: {  	[bflag:$0x0] =	sbarrier.arrive $0xFFFF  }
0x270: {  	_ =	strace $0x90000047  }
0x271: {  	s0 =	stileid.u32;
	[bflag:$0x2] =	sbarrier.arrive $0xFFFF  }
0x272: {  	p0 =	sne.s32 s0, $0x0;
	s0 =	rddreg [dreg:$0x4]  }
0x273: {  	s0 =	sadd.s32 @!p0 $0x100000, s0  }
0x274: {  	[sflag:s0] =	ssyncadd.tile.s32 @!p0 $0x1;
	_ =	shalt  }
.Lfunc_end2:
_tile_overlayer_lowered:
.L_overlay_start_2:
0x275: {  	(tag) =	ssettag $0x2  }
0x276: {  	s0 =	rddreg [dreg:$0x0];
	s2 =	stileid.u32  }
0x277: {  	s1 =	rddreg [dreg:$0x1];
	p0 =	sne.s32 s2, $0x0  }
0x278: {  	s3 =	rddreg [dreg:$0x2];
	[bflag:$0x3] =	sbarrier.arrive $0xFFFF;
	s2 =	simm.s32 @!p0 $0x1C03  }
0x279: {  	[timem:s3], [sflag:s2] =	dma.local @!p0 [hbm:s0], s1  }
0x27a: {  	s0 =	simm.s32 @!p0 $0x3  }
0x27b: {  	_ =	swait.ge @!p0 [sflag:s0], s1  }
0x27c: {  	s1 =	ssub.s32 @!p0 $0x0, s1;
	[sflag:s0] =	ssyncset.done @!p0 $0x0  }
0x27d: {  	[sflag:s0] =	ssyncadd.s32 @!p0 s1  }
0x27e: {  	[bflag:$0x3] =	sbarrier.arrive $0xFFFF  }
0x27f: {  	_ =	shalt  }

</sc_bundles>
